<compile_context>
chip_gen: v7x
topology: tpu7x:2x2x1
jax: 0.10.2.dev20260603
libtpu: 0.0.44.dev20260713+nightly
codegen_flags: <defaults>
</compile_context>

<pallas_src>
import functools

import jax
import jax.numpy as jnp
from jax import lax
from jax.experimental import pallas as pl
from jax.experimental.pallas import tpu as pltpu
from jax.experimental.pallas import tpu_sc as plsc

E = 320000
N = 10000
DF = 128
DE = 16
MAXN = 10000
NW = 32
EPT = E // NW
BLK = 2048
NBLK = (E + BLK - 1) // BLK
EPAD = NBLK * BLK
CH0 = 1000
GB0 = 40
CS = 80
GBE = 80
SCRPAD = 8192


def _wid():
    return lax.axis_index("s") * 2 + lax.axis_index("c")


def _mesh():
    return plsc.VectorSubcoreMesh(
        core_axis_name="c", subcore_axis_name="s", num_cores=2)


def _gather_body(nodes_ref, idx_hbm, out_hbm, idx_v, rows_v, sem):
    base = _wid() * EPT

    def chunk(k, _):
        off = base + k * CH0
        pltpu.sync_copy(idx_hbm.at[pl.ds(off, CH0)], idx_v)
        descs = [
            pltpu.async_copy(
                nodes_ref.at[idx_v.at[pl.ds(b * GB0, GB0)]],
                rows_v.at[pl.ds(b * GB0, GB0), :],
                sem,
            )
            for b in range(CH0 // GB0)
        ]
        for d in descs:
            d.wait()
        pltpu.sync_copy(rows_v, out_hbm.at[pl.ds(off, CH0), :])
        return 0

    lax.fori_loop(0, EPT // CH0, chunk, 0)


@functools.partial(
    pl.kernel,
    out_type=[
        jax.ShapeDtypeStruct((EPAD, DF), jnp.float32),
        jax.ShapeDtypeStruct((EPAD, DF), jnp.float32),
    ],
    mesh=_mesh(),
    compiler_params=pltpu.CompilerParams(needs_layout_passes=False),
    scratch_types=[
        pltpu.VMEM((CH0,), jnp.int32),
        pltpu.VMEM((CH0, DF), jnp.float32),
        pltpu.SemaphoreType.DMA,
    ],
)
def _k0(nodes_f, rec_hbm, snd_hbm, frec_hbm, fsnd_hbm, idx_v, rows_v, sem):
    _gather_body(nodes_f, rec_hbm, frec_hbm, idx_v, rows_v, sem)
    _gather_body(nodes_f, snd_hbm, fsnd_hbm, idx_v, rows_v, sem)


def _k1_body(frec_ref, fsnd_ref, w_ref, b_ref, noise_ref, ae_ref, out_ref):
    f = jnp.concatenate(
        [frec_ref[...].astype(jnp.float32), fsnd_ref[...].astype(jnp.float32)],
        axis=1,
    )
    logits = jnp.dot(f, w_ref[...], preferred_element_type=jnp.float32) + b_ref[0, 0]
    probs = jax.nn.sigmoid(logits) * ae_ref[...]
    degens = (noise_ref[...] < probs).astype(jnp.float32)
    out_ref[...] = ae_ref[...] * (1.0 - degens)


def _k1(frec_bf, fsnd_bf, w, b2d, noise2d, ae2d):
    return pl.pallas_call(
        _k1_body,
        grid=(NBLK,),
        in_specs=[
            pl.BlockSpec((BLK, DF), lambda i: (i, 0)),
            pl.BlockSpec((BLK, DF), lambda i: (i, 0)),
            pl.BlockSpec((2 * DF, 1), lambda i: (0, 0)),
            pl.BlockSpec((8, 128), lambda i: (0, 0)),
            pl.BlockSpec((BLK, 1), lambda i: (i, 0)),
            pl.BlockSpec((BLK, 1), lambda i: (i, 0)),
        ],
        out_specs=pl.BlockSpec((BLK, 1), lambda i: (i, 0)),
        out_shape=jax.ShapeDtypeStruct((EPAD, 1), jnp.float32),
    )(frec_bf, fsnd_bf, w, b2d, noise2d, ae2d)


@functools.partial(
    pl.kernel,
    out_type=[
        jax.ShapeDtypeStruct((E + SCRPAD,), jnp.int32),
        jax.ShapeDtypeStruct((E + SCRPAD,), jnp.int32),
        jax.ShapeDtypeStruct((E + SCRPAD,), jnp.int32),
        jax.ShapeDtypeStruct((E + SCRPAD,), jnp.int32),
        jax.ShapeDtypeStruct((NW, 16), jnp.int32),
    ],
    mesh=_mesh(),
    compiler_params=pltpu.CompilerParams(needs_layout_passes=False),
    scratch_types=[
        pltpu.VMEM((EPT,), jnp.float32),
        pltpu.VMEM((EPT,), jnp.int32),
        pltpu.VMEM((EPT,), jnp.int32),
        pltpu.VMEM((EPT + 16,), jnp.int32),
        pltpu.VMEM((EPT + 16,), jnp.int32),
        pltpu.VMEM((EPT + 16,), jnp.int32),
        pltpu.VMEM((EPT + 16,), jnp.int32),
        pltpu.VMEM((16,), jnp.int32),
    ],
)
def _b1(nae_hbm, rec_hbm, snd_hbm, ids_c, rec_c, snd_c, nae_c, counts,
        nae_v, rec_v, snd_v, idsc_v, recc_v, sndc_v, naec_v, cnt_row):
    wid = _wid()
    base = wid * EPT
    pltpu.sync_copy(nae_hbm.at[pl.ds(base, EPT)], nae_v)
    pltpu.sync_copy(rec_hbm.at[pl.ds(base, EPT)], rec_v)
    pltpu.sync_copy(snd_hbm.at[pl.ds(base, EPT)], snd_v)

    lane = lax.iota(jnp.int32, 16)

    def group(g, ptr_v):
        off = g * 16
        v = nae_v[pl.ds(off, 16)]
        m = v > 0.0
        mi = m.astype(jnp.int32)
        inc = plsc.cumsum(mi)
        excl = inc - mi
        dst = ptr_v + excl
        plsc.store_scatter(idsc_v, [dst], base + off + lane, mask=m)
        plsc.store_scatter(recc_v, [dst], rec_v[pl.ds(off, 16)], mask=m)
        plsc.store_scatter(sndc_v, [dst], snd_v[pl.ds(off, 16)], mask=m)
        plsc.store_scatter(naec_v, [dst], plsc.bitcast(v, jnp.int32), mask=m)
        return ptr_v + plsc.all_reduce_population_count(m)

    cnt_v = lax.fori_loop(0, EPT // 16, group, jnp.zeros((16,), jnp.int32))

    pltpu.sync_copy(idsc_v.at[pl.ds(0, EPT)], ids_c.at[pl.ds(base, EPT)])
    pltpu.sync_copy(recc_v.at[pl.ds(0, EPT)], rec_c.at[pl.ds(base, EPT)])
    pltpu.sync_copy(sndc_v.at[pl.ds(0, EPT)], snd_c.at[pl.ds(base, EPT)])
    pltpu.sync_copy(naec_v.at[pl.ds(0, EPT)], nae_c.at[pl.ds(base, EPT)])
    cnt_row[pl.ds(0, 16)] = jnp.where(lane == 0, cnt_v, 0)
    pltpu.sync_copy(cnt_row, counts.at[wid])


STG = 4096
WIN = 4080


@functools.partial(
    pl.kernel,
    out_type=[
        jax.ShapeDtypeStruct((E,), jnp.int32),
        jax.ShapeDtypeStruct((E,), jnp.int32),
        jax.ShapeDtypeStruct((E,), jnp.int32),
        jax.ShapeDtypeStruct((E,), jnp.int32),
    ],
    mesh=_mesh(),
    compiler_params=pltpu.CompilerParams(needs_layout_passes=False),
    scratch_types=[
        pltpu.VMEM((512,), jnp.int32),
        pltpu.VMEM((EPT + 16,), jnp.int32),
        pltpu.VMEM((EPT + 16,), jnp.int32),
        pltpu.VMEM((EPT + 16,), jnp.int32),
        pltpu.VMEM((EPT + 16,), jnp.int32),
        pltpu.VMEM((STG,), jnp.int32),
    ],
)
def _b2(counts_flat, ids_c, rec_c, snd_c, nae_c,
        naedges_o, nsend_o, nrec_o, ids_sorted_o,
        cvm, seg_nae, seg_rec, seg_snd, seg_ids, stg):
    wid = _wid()
    lo = wid * EPT
    lane = lax.iota(jnp.int32, 16)

    pltpu.sync_copy(counts_flat, cvm)

    def addc(j, a):
        return a + cvm[pl.ds(j * 16, 16)][0]

    ktot = lax.fori_loop(0, NW, addc, jnp.int32(0))
    sur_hi = jnp.minimum(lo + EPT, ktot)

    zero_bits = jnp.int32(0)
    sentinel = jnp.int32(MAXN - 1)

    def init(g, _):
        off = g * 16
        seg_nae[pl.ds(off, 16)] = jnp.full((16,), zero_bits, jnp.int32)
        seg_rec[pl.ds(off, 16)] = jnp.full((16,), sentinel, jnp.int32)
        seg_snd[pl.ds(off, 16)] = jnp.full((16,), sentinel, jnp.int32)
        seg_ids[pl.ds(off, 16)] = jnp.full((16,), jnp.int32(E), jnp.int32)
        return 0

    lax.fori_loop(0, (EPT + 16) // 16, init, 0)

    def fill_from(src_hbm, seg_ref, p, s, length):
        def window(w, _):
            p2 = p + w * WIN
            l2 = jnp.minimum(length - w * WIN, WIN)
            p2_al = (p2 // 8) * 8
            shift = p2 - p2_al

            def dma_chunk(k, _):
                pltpu.sync_copy(src_hbm.at[pl.ds(p2_al + k * 1024, 1024)],
                                stg.at[pl.ds(k * 1024, 1024)])
                return 0

            lax.fori_loop(0, STG // 1024, dma_chunk, 0)
            dbase = (s - lo) + w * WIN

            def fgroup(g, _):
                o = g * 16
                sv = plsc.load_gather(stg, [shift + o + lane])
                di = dbase + o + lane
                msk = (o + lane) < l2
                plsc.store_scatter(seg_ref, [di], sv, mask=msk)
                return 0

            lax.fori_loop(0, (l2 + 15) // 16, fgroup, 0)
            return 0

        lax.fori_loop(0, (length + WIN - 1) // WIN, window, 0)

    def run_j(j, cum):
        cj = cvm[pl.ds(j * 16, 16)][0]
        s = jnp.maximum(cum, lo)
        e = jnp.minimum(cum + cj, sur_hi)

        @pl.when(e > s)
        def _():
            p = j * EPT + (s - cum)
            ln = e - s
            fill_from(ids_c, seg_ids, p, s, ln)
            fill_from(rec_c, seg_rec, p, s, ln)
            fill_from(snd_c, seg_snd, p, s, ln)
            fill_from(nae_c, seg_nae, p, s, ln)

        return cum + cj

    lax.fori_loop(0, NW, run_j, jnp.int32(0))

    pltpu.sync_copy(seg_nae.at[pl.ds(0, EPT)], naedges_o.at[pl.ds(lo, EPT)])
    pltpu.sync_copy(seg_snd.at[pl.ds(0, EPT)], nsend_o.at[pl.ds(lo, EPT)])
    pltpu.sync_copy(seg_rec.at[pl.ds(0, EPT)], nrec_o.at[pl.ds(lo, EPT)])

    pltpu.sync_copy(seg_ids.at[pl.ds(0, EPT)], ids_sorted_o.at[pl.ds(lo, EPT)])


CB3 = 400
GB3 = 40


@functools.partial(
    pl.kernel,
    out_type=[jax.ShapeDtypeStruct((E, DE), jnp.float32)],
    mesh=_mesh(),
    compiler_params=pltpu.CompilerParams(needs_layout_passes=False),
    scratch_types=[
        pltpu.VMEM((CB3,), jnp.int32),
        pltpu.VMEM((CB3,), jnp.int32),
        pltpu.VMEM((CB3, 8 * DE), jnp.float32),
        pltpu.VMEM((CB3, DE), jnp.float32),
        pltpu.SemaphoreType.DMA,
    ],
)
def _b3(ids_sorted, edges_sr, edges_o, idxv, supv, rows_v, out_v, sem):
    lo = _wid() * EPT
    lane = lax.iota(jnp.int32, 16)

    def chunk(k, _):
        off = lo + k * CB3
        pltpu.sync_copy(ids_sorted.at[pl.ds(off, CB3)], idxv)

        def mk_sup(g, _):
            ids16 = idxv[pl.ds(g * 16, 16)]
            supv[pl.ds(g * 16, 16)] = lax.shift_right_logical(ids16, 3)
            return 0

        lax.fori_loop(0, CB3 // 16, mk_sup, 0)
        descs = [
            pltpu.async_copy(
                edges_sr.at[supv.at[pl.ds(b * GB3, GB3)]],
                rows_v.at[pl.ds(b * GB3, GB3), :],
                sem,
            )
            for b in range(CB3 // GB3)
        ]
        for d in descs:
            d.wait()

        def extract(g, _):
            r_v = g * 16 + lane
            ids16 = idxv[pl.ds(g * 16, 16)]
            colbase = (ids16 & 7) * DE
            for c in range(DE):
                vals = plsc.load_gather(rows_v, [r_v, colbase + c])
                plsc.store_scatter(out_v, [r_v, jnp.full((16,), c, jnp.int32)], vals)
            return 0

        lax.fori_loop(0, CB3 // 16, extract, 0)
        pltpu.sync_copy(out_v, edges_o.at[pl.ds(off, CB3), :])
        return 0

    lax.fori_loop(0, EPT // CB3, chunk, 0)


def kernel(nodes, edges, receivers, senders, active_nodes, active_edges,
           uniform_noise, W_prob, b_prob):
    frec_f, fsnd_f = _k0(nodes, receivers, senders)

    pad = EPAD - E
    noise2d = jnp.pad(uniform_noise, (0, pad)).reshape(EPAD, 1)
    ae2d = jnp.pad(active_edges, (0, pad)).reshape(EPAD, 1)
    b2d = jnp.full((8, 128), b_prob[0], jnp.float32)

    nae_pre = _k1(frec_f, fsnd_f, W_prob, b2d, noise2d, ae2d)[:E, 0]

    ids_c, rec_c, snd_c, nae_c, counts = _b1(nae_pre, receivers, senders)

    edges_sr = jnp.concatenate(
        [edges, jnp.zeros((8, DE), jnp.float32)], axis=0).reshape((E + 8) // 8, 8 * DE)
    counts_flat = counts.reshape(NW * 16)

    nae_bits, nsend, nrec, ids_sorted = _b2(
        counts_flat, ids_c, rec_c, snd_c, nae_c)
    new_edges, = _b3(ids_sorted, edges_sr)
    naedges = lax.bitcast_convert_type(nae_bits, jnp.float32)
    return naedges, nsend, nrec, new_edges

# --- scband reference (transcript-rebuilt; emitter-appended) ---
"""Pipeline reference for scband-synaptic-degeneracy-12704513261981 (READ-ONLY COPY).

The authoritative reference and input builder live on the scoring server;
editing this copy changes nothing except your own understanding.
"""

import jax, jax.numpy as jnp
import numpy as np

N_NODES = 10000
N_EDGES = 320000
D_FEAT = 128
D_EDGE = 16
MAX_NODES = 10000
MAX_EDGES = 320000


def setup_inputs(seed: int = 0) -> dict:
    key = jax.random.key(seed)
    k1, k2, k3, k4, k5, k6 = jax.random.split(key, 6)
    nodes = jax.random.normal(k1, (N_NODES, D_FEAT), dtype=jnp.float32)
    edges = jax.random.normal(k2, (N_EDGES, D_EDGE), dtype=jnp.float32)
    receivers = jax.random.randint(k3, (N_EDGES,), 0, N_NODES, dtype=jnp.int32)
    senders = jax.random.randint(k4, (N_EDGES,), 0, N_NODES, dtype=jnp.int32)
    active_nodes = jnp.ones((N_NODES,), dtype=jnp.float32)
    active_edges = jnp.ones((N_EDGES,), dtype=jnp.float32)
    uniform_noise = jax.random.uniform(k5, (N_EDGES,), dtype=jnp.float32)
    W_prob = jax.random.normal(k6, (2 * D_FEAT, 1), dtype=jnp.float32) * 0.05
    b_prob = jnp.zeros((1,), dtype=jnp.float32)
    return {
        "nodes": nodes,
        "edges": edges,
        "receivers": receivers,
        "senders": senders,
        "active_nodes": active_nodes,
        "active_edges": active_edges,
        "uniform_noise": uniform_noise,
        "W_prob": W_prob,
        "b_prob": b_prob,
    }


def reference(nodes, edges, receivers, senders, active_nodes, active_edges, uniform_noise, W_prob, b_prob):
    # prob_fn(eij) = sigmoid(Linear(concat(node_rec, node_send)))
    node_rec = jnp.take(nodes, receivers, axis=0)
    node_send = jnp.take(nodes, senders, axis=0)
    feats = jnp.concatenate([node_rec, node_send], axis=-1)  # [E, 2*D_FEAT]
    probs = jax.nn.sigmoid(feats @ W_prob + b_prob)[:, 0] * active_edges
    # stochastic pruning: precomputed uniform noise replaces jr.uniform(key_prob, ...)
    degens = (uniform_noise < probs).astype(jnp.float32)
    naedges = active_edges * (1.0 - degens)
    # compact surviving edges to the front via stable argsort
    idxs = jnp.argsort(1.0 - naedges)
    naedges = naedges[idxs]
    nrec = receivers[idxs]
    nrec = jnp.where(naedges > 0, nrec, MAX_NODES - 1)
    nsend = senders[idxs]
    nsend = jnp.where(naedges > 0, nsend, MAX_NODES - 1)
    new_edges = jnp.where(naedges[:, None] > 0, edges[idxs], 0.0)
    return naedges, nsend, nrec, new_edges

if __name__ == "__main__":
    import jax
    _d = setup_inputs()
    print(jax.jit(kernel)(*tuple(_d.values())))

</pallas_src>

<mosaic_0001>
#map = affine_map<(d0, d1) -> (0)>
module attributes {stable_mosaic.version = 14 : i64} {
  func.func @_b2(%arg0: i32, %arg1: i32, %arg2: memref<512xi32, #tpu.memory_space<hbm>>, %arg3: memref<328192xi32, #tpu.memory_space<hbm>>, %arg4: memref<328192xi32, #tpu.memory_space<hbm>>, %arg5: memref<328192xi32, #tpu.memory_space<hbm>>, %arg6: memref<328192xi32, #tpu.memory_space<hbm>>, %arg7: memref<320000xi32, #tpu.memory_space<hbm>>, %arg8: memref<320000xi32, #tpu.memory_space<hbm>>, %arg9: memref<320000xi32, #tpu.memory_space<hbm>>, %arg10: memref<320000xi32, #tpu.memory_space<hbm>>, %arg11: memref<512xi32, #tpu.memory_space<vmem>>, %arg12: memref<10016xi32, #tpu.memory_space<vmem>>, %arg13: memref<10016xi32, #tpu.memory_space<vmem>>, %arg14: memref<10016xi32, #tpu.memory_space<vmem>>, %arg15: memref<10016xi32, #tpu.memory_space<vmem>>, %arg16: memref<4096xi32, #tpu.memory_space<vmem>>) attributes {dimension_semantics = [#tpu.dimension_semantics<core_parallel>, #tpu.dimension_semantics<subcore_parallel>], iteration_bounds = array<i64: 2, 16>, scalar_prefetch = 0 : i64, scratch_operands = 6 : i64, tpu.core_type = #tpu.core_type<sc_vector_subcore>, window_params = [{transform_indices = #map}, {transform_indices = #map}, {transform_indices = #map}, {transform_indices = #map}, {transform_indices = #map}, {transform_indices = #map}, {transform_indices = #map}, {transform_indices = #map}, {transform_indices = #map}]} {
    %mul3A = arith.constant 2 : i32
    %mul3A_0 = arith.muli %arg1, %mul3A : i32
    %add3A = arith.addi %mul3A_0, %arg0 : i32
    %mul3A_1 = arith.constant 10000 : i32
    %mul3A_2 = arith.muli %add3A, %mul3A_1 : i32
    %iota3A = tpu.iota {dimensions = array<i32: 0>} : vector<16xi32>
    "tpu.region"() ({
      %run_scoped3A = tpu.sem_alloc : memref<!tpu.dma_semaphore, #tpu.memory_space<semaphore_mem>>
      tpu.enqueue_dma source(%arg2 : memref<512xi32, #tpu.memory_space<hbm>>) target(%arg11 : memref<512xi32, #tpu.memory_space<vmem>>) target_semaphore(%run_scoped3A : memref<!tpu.dma_semaphore, #tpu.memory_space<semaphore_mem>>)
      tpu.wait_dma2 semaphore(%run_scoped3A : memref<!tpu.dma_semaphore, #tpu.memory_space<semaphore_mem>>) src(%arg2 : memref<512xi32, #tpu.memory_space<hbm>>) dst(%arg11 : memref<512xi32, #tpu.memory_space<vmem>>)
      tpu.yield
    }) : () -> ()
    %scan3A = arith.constant 0 : i32
    %scan3A_3 = arith.constant 0 : i32
    %scan3A_4 = arith.constant 32 : i32
    %scan3A_5 = arith.addi %scan3A_3, %scan3A_4 : i32
    %scan3A_6 = arith.constant 1 : i32
    %scan3A_7 = scf.for %scan3A_27 = %scan3A_3 to %scan3A_5 step %scan3A_6 iter_args(%scan3A_28 = %scan3A) -> (i32)  : i32 {
      %mul3A_29 = arith.constant 16 : i32
      %mul3A_30 = arith.muli %scan3A_27, %mul3A_29 : i32
      %get3A = arith.index_cast %mul3A_30 : i32 to index
      %get3A_31 = tpu.vector_load %arg11[%get3A] {strides = array<i32>} : memref<512xi32, #tpu.memory_space<vmem>>, vector<16xi32>,
      %slice3A = vector.extract_strided_slice %get3A_31 {offsets = [0], sizes = [1], strides = [1]} : vector<16xi32> to vector<1xi32>
      %squeeze3A = vector.extract %slice3A[0] : i32 from vector<1xi32>
      %add3A_32 = arith.addi %scan3A_28, %squeeze3A : i32
      scf.yield %add3A_32 : i32
    }
    %scan3A_8 = arith.constant 32 : i32
    %add3A_9 = arith.constant 10000 : i32
    %add3A_10 = arith.addi %mul3A_2, %add3A_9 : i32
    %min3A = arith.minsi %add3A_10, %scan3A_7 : i32
    %scan3A_11 = arith.constant 0 : i32
    %scan3A_12 = arith.constant 9999 : i32
    %scan3A_13 = arith.constant 0 : i32
    %scan3A_14 = arith.constant 0 : i32
    %scan3A_15 = arith.constant 626 : i32
    %scan3A_16 = arith.addi %scan3A_14, %scan3A_15 : i32
    %scan3A_17 = arith.constant 1 : i32
    %scan3A_18 = scf.for %scan3A_27 = %scan3A_14 to %scan3A_16 step %scan3A_17 iter_args(%scan3A_28 = %scan3A_13) -> (i32)  : i32 {
      %mul3A_29 = arith.constant 16 : i32
      %mul3A_30 = arith.muli %scan3A_27, %mul3A_29 : i32
      %broadcast_in_dim3A = vector.broadcast %scan3A_11 : i32 to vector<16xi32>
      %swap3A = arith.index_cast %mul3A_30 : i32 to index
      %swap3A_31 = tpu.vector_load %arg12[%swap3A] {strides = array<i32>} : memref<10016xi32, #tpu.memory_space<vmem>>, vector<16xi32>,
      tpu.vector_store %arg12[%swap3A], %broadcast_in_dim3A {strides = array<i32>} : memref<10016xi32, #tpu.memory_space<vmem>>, vector<16xi32>,
      %broadcast_in_dim3A_32 = vector.broadcast %scan3A_12 : i32 to vector<16xi32>
      %swap3A_33 = arith.index_cast %mul3A_30 : i32 to index
      %swap3A_34 = tpu.vector_load %arg13[%swap3A_33] {strides = array<i32>} : memref<10016xi32, #tpu.memory_space<vmem>>, vector<16xi32>,
      tpu.vector_store %arg13[%swap3A_33], %broadcast_in_dim3A_32 {strides = array<i32>} : memref<10016xi32, #tpu.memory_space<vmem>>, vector<16xi32>,
      %broadcast_in_dim3A_35 = vector.broadcast %scan3A_12 : i32 to vector<16xi32>
      %swap3A_36 = arith.index_cast %mul3A_30 : i32 to index
      %swap3A_37 = tpu.vector_load %arg14[%swap3A_36] {strides = array<i32>} : memref<10016xi32, #tpu.memory_space<vmem>>, vector<16xi32>,
      tpu.vector_store %arg14[%swap3A_36], %broadcast_in_dim3A_35 {strides = array<i32>} : memref<10016xi32, #tpu.memory_space<vmem>>, vector<16xi32>,
      %broadcast_in_dim3A_38 = arith.constant 320000 : i32
      %broadcast_in_dim3A_39 = vector.broadcast %broadcast_in_dim3A_38 : i32 to vector<16xi32>
      %swap3A_40 = arith.index_cast %mul3A_30 : i32 to index
      %swap3A_41 = tpu.vector_load %arg15[%swap3A_40] {strides = array<i32>} : memref<10016xi32, #tpu.memory_space<vmem>>, vector<16xi32>,
      tpu.vector_store %arg15[%swap3A_40], %broadcast_in_dim3A_39 {strides = array<i32>} : memref<10016xi32, #tpu.memory_space<vmem>>, vector<16xi32>,
      %scan3A_42 = arith.constant 0 : i32
      scf.yield %scan3A_42 : i32
    }
    %scan3A_19 = arith.constant 626 : i32
    %scan3A_20 = arith.constant 0 : i32
    %scan3A_21 = arith.constant 0 : i32
    %scan3A_22 = arith.constant 32 : i32
    %scan3A_23 = arith.addi %scan3A_21, %scan3A_22 : i32
    %scan3A_24 = arith.constant 1 : i32
    %scan3A_25 = scf.for %scan3A_27 = %scan3A_21 to %scan3A_23 step %scan3A_24 iter_args(%scan3A_28 = %scan3A_20) -> (i32)  : i32 {
      %mul3A_29 = arith.constant 16 : i32
      %mul3A_30 = arith.muli %scan3A_27, %mul3A_29 : i32
      %get3A = arith.index_cast %mul3A_30 : i32 to index
      %get3A_31 = tpu.vector_load %arg11[%get3A] {strides = array<i32>} : memref<512xi32, #tpu.memory_space<vmem>>, vector<16xi32>,
      %slice3A = vector.extract_strided_slice %get3A_31 {offsets = [0], sizes = [1], strides = [1]} : vector<16xi32> to vector<1xi32>
      %squeeze3A = vector.extract %slice3A[0] : i32 from vector<1xi32>
      %max3A = arith.maxsi %scan3A_28, %mul3A_2 : i32
      %add3A_32 = arith.addi %scan3A_28, %squeeze3A : i32
      %min3A_33 = arith.minsi %add3A_32, %min3A : i32
      %gt3A = arith.cmpi sgt, %min3A_33, %max3A : i32
      %convert_element_type3A = arith.extui %gt3A : i1 to i32
      %cond3A = arith.constant 0 : i32
      %cond3A_34 = arith.cmpi ne, %convert_element_type3A, %cond3A : i32
      scf.if %cond3A_34 {
        %mul3A_36 = arith.constant 10000 : i32
        %mul3A_37 = arith.muli %scan3A_27, %mul3A_36 : i32
        %sub3A = arith.subi %max3A, %scan3A_28 : i32
        %add3A_38 = arith.addi %mul3A_37, %sub3A : i32
        %sub3A_39 = arith.subi %min3A_33, %max3A : i32
        %add3A_40 = arith.constant 4080 : i32
        %add3A_41 = arith.addi %sub3A_39, %add3A_40 : i32
        %sub3A_42 = arith.constant 1 : i32
        %sub3A_43 = arith.subi %add3A_41, %sub3A_42 : i32
        %jit3A = arith.constant 4080 : i32
        %div3A = arith.divsi %sub3A_43, %jit3A : i32
        %sign3A = arith.constant 0 : i32
        %sign3A_44 = arith.cmpi sgt, %sub3A_43, %sign3A : i32
        %sign3A_45 = arith.extui %sign3A_44 : i1 to i32
        %sign3A_46 = arith.constant 0 : i32
        %sign3A_47 = arith.cmpi slt, %sub3A_43, %sign3A_46 : i32
        %sign3A_48 = arith.extui %sign3A_47 : i1 to i32
        %sign3A_49 = arith.subi %sign3A_45, %sign3A_48 : i32
        %sign3A_50 = arith.constant 0 : i32
        %sign3A_51 = arith.cmpi sgt, %jit3A, %sign3A_50 : i32
        %sign3A_52 = arith.extui %sign3A_51 : i1 to i32
        %sign3A_53 = arith.constant 0 : i32
        %sign3A_54 = arith.cmpi slt, %jit3A, %sign3A_53 : i32
        %sign3A_55 = arith.extui %sign3A_54 : i1 to i32
        %sign3A_56 = arith.subi %sign3A_52, %sign3A_55 : i32
        %ne3A = arith.cmpi ne, %sign3A_49, %sign3A_56 : i32
        %rem3A = arith.remsi %sub3A_43, %jit3A : i32
        %ne3A_57 = arith.constant 0 : i32
        %ne3A_58 = arith.cmpi ne, %rem3A, %ne3A_57 : i32
        %and3A = arith.andi %ne3A, %ne3A_58 : i1
        %sub3A_59 = arith.constant 1 : i32
        %sub3A_60 = arith.subi %div3A, %sub3A_59 : i32
        %select_n3A = arith.select %and3A, %sub3A_60, %div3A : i32
        %while3A = arith.constant 0 : i32
        %while3A_61 = arith.constant 0 : i32
        %while3A_62 = arith.subi %select_n3A, %while3A : i32
        %while3A_63 = arith.addi %while3A, %while3A_62 : i32
        %while3A_64 = arith.constant 1 : i32
        %while3A_65 = arith.divsi %while3A_62, %while3A_64 : i32
        %while3A_66 = arith.muli %while3A_65, %while3A_64 : i32
        %while3A_67 = arith.addi %while3A, %while3A_66 : i32
        %while3A_68 = arith.constant 1 : i32
        %while3A_69 = scf.for %while3A_192 = %while3A to %while3A_67 step %while3A_68 iter_args(%while3A_193 = %while3A_61) -> (i32)  : i32 {
          %mul3A_194 = arith.constant 4080 : i32
          %mul3A_195 = arith.muli %while3A_192, %mul3A_194 : i32
          %add3A_196 = arith.addi %add3A_38, %mul3A_195 : i32
          %mul3A_197 = arith.constant 4080 : i32
          %mul3A_198 = arith.muli %while3A_192, %mul3A_197 : i32
          %sub3A_199 = arith.subi %sub3A_39, %mul3A_198 : i32
          %min3A_200 = arith.constant 4080 : i32
          %min3A_201 = arith.minsi %sub3A_199, %min3A_200 : i32
          %jit3A_202 = arith.constant 8 : i32
          %div3A_203 = arith.divsi %add3A_196, %jit3A_202 : i32
          %sign3A_204 = arith.constant 0 : i32
          %sign3A_205 = arith.cmpi sgt, %add3A_196, %sign3A_204 : i32
          %sign3A_206 = arith.extui %sign3A_205 : i1 to i32
          %sign3A_207 = arith.constant 0 : i32
          %sign3A_208 = arith.cmpi slt, %add3A_196, %sign3A_207 : i32
          %sign3A_209 = arith.extui %sign3A_208 : i1 to i32
          %sign3A_210 = arith.subi %sign3A_206, %sign3A_209 : i32
          %sign3A_211 = arith.constant 0 : i32
          %sign3A_212 = arith.cmpi sgt, %jit3A_202, %sign3A_211 : i32
          %sign3A_213 = arith.extui %sign3A_212 : i1 to i32
          %sign3A_214 = arith.constant 0 : i32
          %sign3A_215 = arith.cmpi slt, %jit3A_202, %sign3A_214 : i32
          %sign3A_216 = arith.extui %sign3A_215 : i1 to i32
          %sign3A_217 = arith.subi %sign3A_213, %sign3A_216 : i32
          %ne3A_218 = arith.cmpi ne, %sign3A_210, %sign3A_217 : i32
          %rem3A_219 = arith.remsi %add3A_196, %jit3A_202 : i32
          %ne3A_220 = arith.constant 0 : i32
          %ne3A_221 = arith.cmpi ne, %rem3A_219, %ne3A_220 : i32
          %and3A_222 = arith.andi %ne3A_218, %ne3A_221 : i1
          %sub3A_223 = arith.constant 1 : i32
          %sub3A_224 = arith.subi %div3A_203, %sub3A_223 : i32
          %select_n3A_225 = arith.select %and3A_222, %sub3A_224, %div3A_203 : i32
          %mul3A_226 = arith.constant 8 : i32
          %mul3A_227 = arith.muli %select_n3A_225, %mul3A_226 : i32
          %sub3A_228 = arith.subi %add3A_196, %mul3A_227 : i32
          %scan3A_229 = arith.constant 0 : i32
          %scan3A_230 = arith.constant 0 : i32
          %scan3A_231 = arith.constant 4 : i32
          %scan3A_232 = arith.addi %scan3A_230, %scan3A_231 : i32
          %scan3A_233 = arith.constant 1 : i32
          %scan3A_234 = scf.for %scan3A_279 = %scan3A_230 to %scan3A_232 step %scan3A_233 iter_args(%scan3A_280 = %scan3A_229) -> (i32)  : i32 {
            %mul3A_281 = arith.constant 1024 : i32
            %mul3A_282 = arith.muli %scan3A_279, %mul3A_281 : i32
            %add3A_283 = arith.addi %mul3A_227, %mul3A_282 : i32
            %mul3A_284 = arith.constant 1024 : i32
            %mul3A_285 = arith.muli %scan3A_279, %mul3A_284 : i32
            "tpu.region"() ({
              %run_scoped3A = tpu.sem_alloc : memref<!tpu.dma_semaphore, #tpu.memory_space<semaphore_mem>>
              %dma_start3A = tpu.memref_slice %arg16[%mul3A_285] : memref<4096xi32, #tpu.memory_space<vmem>> -> memref<1024xi32, #tpu.memory_space<vmem>>
              %dma_start3A_287 = tpu.memref_slice %arg3[%add3A_283] : memref<328192xi32, #tpu.memory_space<hbm>> -> memref<1024xi32, #tpu.memory_space<hbm>>
              %dma_start3A_288 = tpu.memref_slice %arg16[%mul3A_285] : memref<4096xi32, #tpu.memory_space<vmem>> -> memref<1024xi32, #tpu.memory_space<vmem>>
              %dma_start3A_289 = tpu.memref_slice %arg3[%add3A_283] : memref<328192xi32, #tpu.memory_space<hbm>> -> memref<1024xi32, #tpu.memory_space<hbm>>
              tpu.enqueue_dma source(%dma_start3A_289 : memref<1024xi32, #tpu.memory_space<hbm>>) target(%dma_start3A_288 : memref<1024xi32, #tpu.memory_space<vmem>>) target_semaphore(%run_scoped3A : memref<!tpu.dma_semaphore, #tpu.memory_space<semaphore_mem>>)
              %dma_wait3A = tpu.memref_slice %arg16[%mul3A_285] : memref<4096xi32, #tpu.memory_space<vmem>> -> memref<1024xi32, #tpu.memory_space<vmem>>
              %dma_wait3A_290 = tpu.memref_slice %arg3[%add3A_283] : memref<328192xi32, #tpu.memory_space<hbm>> -> memref<1024xi32, #tpu.memory_space<hbm>>
              %dma_wait3A_291 = tpu.memref_slice %arg16[%mul3A_285] : memref<4096xi32, #tpu.memory_space<vmem>> -> memref<1024xi32, #tpu.memory_space<vmem>>
              %dma_wait3A_292 = tpu.memref_slice %arg3[%add3A_283] : memref<328192xi32, #tpu.memory_space<hbm>> -> memref<1024xi32, #tpu.memory_space<hbm>>
              tpu.wait_dma2 semaphore(%run_scoped3A : memref<!tpu.dma_semaphore, #tpu.memory_space<semaphore_mem>>) src(%dma_wait3A_292 : memref<1024xi32, #tpu.memory_space<hbm>>) dst(%dma_wait3A_291 : memref<1024xi32, #tpu.memory_space<vmem>>)
              tpu.yield
            }) : () -> ()
            %scan3A_286 = arith.constant 0 : i32
            scf.yield %scan3A_286 : i32
          }
          %scan3A_235 = arith.constant 4 : i32
          %sub3A_236 = arith.subi %max3A, %mul3A_2 : i32
          %mul3A_237 = arith.constant 4080 : i32
          %mul3A_238 = arith.muli %while3A_192, %mul3A_237 : i32
          %add3A_239 = arith.addi %sub3A_236, %mul3A_238 : i32
          %add3A_240 = arith.constant 15 : i32
          %add3A_241 = arith.addi %min3A_201, %add3A_240 : i32
          %jit3A_242 = arith.constant 16 : i32
          %div3A_243 = arith.divsi %add3A_241, %jit3A_242 : i32
          %sign3A_244 = arith.constant 0 : i32
          %sign3A_245 = arith.cmpi sgt, %add3A_241, %sign3A_244 : i32
          %sign3A_246 = arith.extui %sign3A_245 : i1 to i32
          %sign3A_247 = arith.constant 0 : i32
          %sign3A_248 = arith.cmpi slt, %add3A_241, %sign3A_247 : i32
          %sign3A_249 = arith.extui %sign3A_248 : i1 to i32
          %sign3A_250 = arith.subi %sign3A_246, %sign3A_249 : i32
          %sign3A_251 = arith.constant 0 : i32
          %sign3A_252 = arith.cmpi sgt, %jit3A_242, %sign3A_251 : i32
          %sign3A_253 = arith.extui %sign3A_252 : i1 to i32
          %sign3A_254 = arith.constant 0 : i32
          %sign3A_255 = arith.cmpi slt, %jit3A_242, %sign3A_254 : i32
          %sign3A_256 = arith.extui %sign3A_255 : i1 to i32
          %sign3A_257 = arith.subi %sign3A_253, %sign3A_256 : i32
          %ne3A_258 = arith.cmpi ne, %sign3A_250, %sign3A_257 : i32
          %rem3A_259 = arith.remsi %add3A_241, %jit3A_242 : i32
          %ne3A_260 = arith.constant 0 : i32
          %ne3A_261 = arith.cmpi ne, %rem3A_259, %ne3A_260 : i32
          %and3A_262 = arith.andi %ne3A_258, %ne3A_261 : i1
          %sub3A_263 = arith.constant 1 : i32
          %sub3A_264 = arith.subi %div3A_243, %sub3A_263 : i32
          %select_n3A_265 = arith.select %and3A_262, %sub3A_264, %div3A_243 : i32
          %while3A_266 = arith.constant 0 : i32
          %while3A_267 = arith.constant 0 : i32
          %while3A_268 = arith.subi %select_n3A_265, %while3A_266 : i32
          %while3A_269 = arith.addi %while3A_266, %while3A_268 : i32
          %while3A_270 = arith.constant 1 : i32
          %while3A_271 = arith.divsi %while3A_268, %while3A_270 : i32
          %while3A_272 = arith.muli %while3A_271, %while3A_270 : i32
          %while3A_273 = arith.addi %while3A_266, %while3A_272 : i32
          %while3A_274 = arith.constant 1 : i32
          %while3A_275 = scf.for %while3A_279 = %while3A_266 to %while3A_273 step %while3A_274 iter_args(%while3A_280 = %while3A_267) -> (i32)  : i32 {
            %mul3A_281 = arith.constant 16 : i32
            %mul3A_282 = arith.muli %while3A_279, %mul3A_281 : i32
            %add3A_283 = arith.addi %sub3A_228, %mul3A_282 : i32
            %add3A_284 = vector.broadcast %add3A_283 : i32 to vector<16xi32>
            %add3A_285 = arith.addi %add3A_284, %iota3A : vector<16xi32>
            %gather3A = tpu.vector_load_idx %arg16[%add3A_285] : memref<4096xi32, #tpu.memory_space<vmem>>[vector<16xi32>], vector<16xi32>,
            %add3A_286 = arith.addi %add3A_239, %mul3A_282 : i32
            %add3A_287 = vector.broadcast %add3A_286 : i32 to vector<16xi32>
            %add3A_288 = arith.addi %add3A_287, %iota3A : vector<16xi32>
            %add3A_289 = vector.broadcast %mul3A_282 : i32 to vector<16xi32>
            %add3A_290 = arith.addi %add3A_289, %iota3A : vector<16xi32>
            %lt3A = vector.broadcast %min3A_201 : i32 to vector<16xi32>
            %lt3A_291 = arith.cmpi slt, %add3A_290, %lt3A : vector<16xi32>
            tpu.vector_store_idx %arg15[%add3A_288], %gather3A masked %lt3A_291 : memref<10016xi32, #tpu.memory_space<vmem>>[vector<16xi32>], vector<16xi32>, vector<16xi1>
            %while3A_292 = arith.constant 0 : i32
            scf.yield %while3A_292 : i32
          }
          %while3A_276 = arith.constant 1 : i32
          %while3A_277 = scf.for %while3A_279 = %while3A_273 to %while3A_269 step %while3A_276 iter_args(%while3A_280 = %while3A_275) -> (i32)  : i32 {
            %mul3A_281 = arith.constant 16 : i32
            %mul3A_282 = arith.muli %while3A_279, %mul3A_281 : i32
            %add3A_283 = arith.addi %sub3A_228, %mul3A_282 : i32
            %add3A_284 = vector.broadcast %add3A_283 : i32 to vector<16xi32>
            %add3A_285 = arith.addi %add3A_284, %iota3A : vector<16xi32>
            %gather3A = tpu.vector_load_idx %arg16[%add3A_285] : memref<4096xi32, #tpu.memory_space<vmem>>[vector<16xi32>], vector<16xi32>,
            %add3A_286 = arith.addi %add3A_239, %mul3A_282 : i32
            %add3A_287 = vector.broadcast %add3A_286 : i32 to vector<16xi32>
            %add3A_288 = arith.addi %add3A_287, %iota3A : vector<16xi32>
            %add3A_289 = vector.broadcast %mul3A_282 : i32 to vector<16xi32>
            %add3A_290 = arith.addi %add3A_289, %iota3A : vector<16xi32>
            %lt3A = vector.broadcast %min3A_201 : i32 to vector<16xi32>
            %lt3A_291 = arith.cmpi slt, %add3A_290, %lt3A : vector<16xi32>
            tpu.vector_store_idx %arg15[%add3A_288], %gather3A masked %lt3A_291 : memref<10016xi32, #tpu.memory_space<vmem>>[vector<16xi32>], vector<16xi32>, vector<16xi1>
            %while3A_292 = arith.constant 0 : i32
            scf.yield %while3A_292 : i32
          }
          %while3A_278 = arith.constant 0 : i32
          scf.yield %while3A_278 : i32
        }
        %while3A_70 = arith.constant 1 : i32
        %while3A_71 = scf.for %while3A_192 = %while3A_67 to %while3A_63 step %while3A_70 iter_args(%while3A_193 = %while3A_69) -> (i32)  : i32 {
          %mul3A_194 = arith.constant 4080 : i32
          %mul3A_195 = arith.muli %while3A_192, %mul3A_194 : i32
          %add3A_196 = arith.addi %add3A_38, %mul3A_195 : i32
          %mul3A_197 = arith.constant 4080 : i32
          %mul3A_198 = arith.muli %while3A_192, %mul3A_197 : i32
          %sub3A_199 = arith.subi %sub3A_39, %mul3A_198 : i32
          %min3A_200 = arith.constant 4080 : i32
          %min3A_201 = arith.minsi %sub3A_199, %min3A_200 : i32
          %jit3A_202 = arith.constant 8 : i32
          %div3A_203 = arith.divsi %add3A_196, %jit3A_202 : i32
          %sign3A_204 = arith.constant 0 : i32
          %sign3A_205 = arith.cmpi sgt, %add3A_196, %sign3A_204 : i32
          %sign3A_206 = arith.extui %sign3A_205 : i1 to i32
          %sign3A_207 = arith.constant 0 : i32
          %sign3A_208 = arith.cmpi slt, %add3A_196, %sign3A_207 : i32
          %sign3A_209 = arith.extui %sign3A_208 : i1 to i32
          %sign3A_210 = arith.subi %sign3A_206, %sign3A_209 : i32
          %sign3A_211 = arith.constant 0 : i32
          %sign3A_212 = arith.cmpi sgt, %jit3A_202, %sign3A_211 : i32
          %sign3A_213 = arith.extui %sign3A_212 : i1 to i32
          %sign3A_214 = arith.constant 0 : i32
          %sign3A_215 = arith.cmpi slt, %jit3A_202, %sign3A_214 : i32
          %sign3A_216 = arith.extui %sign3A_215 : i1 to i32
          %sign3A_217 = arith.subi %sign3A_213, %sign3A_216 : i32
          %ne3A_218 = arith.cmpi ne, %sign3A_210, %sign3A_217 : i32
          %rem3A_219 = arith.remsi %add3A_196, %jit3A_202 : i32
          %ne3A_220 = arith.constant 0 : i32
          %ne3A_221 = arith.cmpi ne, %rem3A_219, %ne3A_220 : i32
          %and3A_222 = arith.andi %ne3A_218, %ne3A_221 : i1
          %sub3A_223 = arith.constant 1 : i32
          %sub3A_224 = arith.subi %div3A_203, %sub3A_223 : i32
          %select_n3A_225 = arith.select %and3A_222, %sub3A_224, %div3A_203 : i32
          %mul3A_226 = arith.constant 8 : i32
          %mul3A_227 = arith.muli %select_n3A_225, %mul3A_226 : i32
          %sub3A_228 = arith.subi %add3A_196, %mul3A_227 : i32
          %scan3A_229 = arith.constant 0 : i32
          %scan3A_230 = arith.constant 0 : i32
          %scan3A_231 = arith.constant 4 : i32
          %scan3A_232 = arith.addi %scan3A_230, %scan3A_231 : i32
          %scan3A_233 = arith.constant 1 : i32
          %scan3A_234 = scf.for %scan3A_279 = %scan3A_230 to %scan3A_232 step %scan3A_233 iter_args(%scan3A_280 = %scan3A_229) -> (i32)  : i32 {
            %mul3A_281 = arith.constant 1024 : i32
            %mul3A_282 = arith.muli %scan3A_279, %mul3A_281 : i32
            %add3A_283 = arith.addi %mul3A_227, %mul3A_282 : i32
            %mul3A_284 = arith.constant 1024 : i32
            %mul3A_285 = arith.muli %scan3A_279, %mul3A_284 : i32
            "tpu.region"() ({
              %run_scoped3A = tpu.sem_alloc : memref<!tpu.dma_semaphore, #tpu.memory_space<semaphore_mem>>
              %dma_start3A = tpu.memref_slice %arg16[%mul3A_285] : memref<4096xi32, #tpu.memory_space<vmem>> -> memref<1024xi32, #tpu.memory_space<vmem>>
              %dma_start3A_287 = tpu.memref_slice %arg3[%add3A_283] : memref<328192xi32, #tpu.memory_space<hbm>> -> memref<1024xi32, #tpu.memory_space<hbm>>
              %dma_start3A_288 = tpu.memref_slice %arg16[%mul3A_285] : memref<4096xi32, #tpu.memory_space<vmem>> -> memref<1024xi32, #tpu.memory_space<vmem>>
              %dma_start3A_289 = tpu.memref_slice %arg3[%add3A_283] : memref<328192xi32, #tpu.memory_space<hbm>> -> memref<1024xi32, #tpu.memory_space<hbm>>
              tpu.enqueue_dma source(%dma_start3A_289 : memref<1024xi32, #tpu.memory_space<hbm>>) target(%dma_start3A_288 : memref<1024xi32, #tpu.memory_space<vmem>>) target_semaphore(%run_scoped3A : memref<!tpu.dma_semaphore, #tpu.memory_space<semaphore_mem>>)
              %dma_wait3A = tpu.memref_slice %arg16[%mul3A_285] : memref<4096xi32, #tpu.memory_space<vmem>> -> memref<1024xi32, #tpu.memory_space<vmem>>
              %dma_wait3A_290 = tpu.memref_slice %arg3[%add3A_283] : memref<328192xi32, #tpu.memory_space<hbm>> -> memref<1024xi32, #tpu.memory_space<hbm>>
              %dma_wait3A_291 = tpu.memref_slice %arg16[%mul3A_285] : memref<4096xi32, #tpu.memory_space<vmem>> -> memref<1024xi32, #tpu.memory_space<vmem>>
              %dma_wait3A_292 = tpu.memref_slice %arg3[%add3A_283] : memref<328192xi32, #tpu.memory_space<hbm>> -> memref<1024xi32, #tpu.memory_space<hbm>>
              tpu.wait_dma2 semaphore(%run_scoped3A : memref<!tpu.dma_semaphore, #tpu.memory_space<semaphore_mem>>) src(%dma_wait3A_292 : memref<1024xi32, #tpu.memory_space<hbm>>) dst(%dma_wait3A_291 : memref<1024xi32, #tpu.memory_space<vmem>>)
              tpu.yield
            }) : () -> ()
            %scan3A_286 = arith.constant 0 : i32
            scf.yield %scan3A_286 : i32
          }
          %scan3A_235 = arith.constant 4 : i32
          %sub3A_236 = arith.subi %max3A, %mul3A_2 : i32
          %mul3A_237 = arith.constant 4080 : i32
          %mul3A_238 = arith.muli %while3A_192, %mul3A_237 : i32
          %add3A_239 = arith.addi %sub3A_236, %mul3A_238 : i32
          %add3A_240 = arith.constant 15 : i32
          %add3A_241 = arith.addi %min3A_201, %add3A_240 : i32
          %jit3A_242 = arith.constant 16 : i32
          %div3A_243 = arith.divsi %add3A_241, %jit3A_242 : i32
          %sign3A_244 = arith.constant 0 : i32
          %sign3A_245 = arith.cmpi sgt, %add3A_241, %sign3A_244 : i32
          %sign3A_246 = arith.extui %sign3A_245 : i1 to i32
          %sign3A_247 = arith.constant 0 : i32
          %sign3A_248 = arith.cmpi slt, %add3A_241, %sign3A_247 : i32
          %sign3A_249 = arith.extui %sign3A_248 : i1 to i32
          %sign3A_250 = arith.subi %sign3A_246, %sign3A_249 : i32
          %sign3A_251 = arith.constant 0 : i32
          %sign3A_252 = arith.cmpi sgt, %jit3A_242, %sign3A_251 : i32
          %sign3A_253 = arith.extui %sign3A_252 : i1 to i32
          %sign3A_254 = arith.constant 0 : i32
          %sign3A_255 = arith.cmpi slt, %jit3A_242, %sign3A_254 : i32
          %sign3A_256 = arith.extui %sign3A_255 : i1 to i32
          %sign3A_257 = arith.subi %sign3A_253, %sign3A_256 : i32
          %ne3A_258 = arith.cmpi ne, %sign3A_250, %sign3A_257 : i32
          %rem3A_259 = arith.remsi %add3A_241, %jit3A_242 : i32
          %ne3A_260 = arith.constant 0 : i32
          %ne3A_261 = arith.cmpi ne, %rem3A_259, %ne3A_260 : i32
          %and3A_262 = arith.andi %ne3A_258, %ne3A_261 : i1
          %sub3A_263 = arith.constant 1 : i32
          %sub3A_264 = arith.subi %div3A_243, %sub3A_263 : i32
          %select_n3A_265 = arith.select %and3A_262, %sub3A_264, %div3A_243 : i32
          %while3A_266 = arith.constant 0 : i32
          %while3A_267 = arith.constant 0 : i32
          %while3A_268 = arith.subi %select_n3A_265, %while3A_266 : i32
          %while3A_269 = arith.addi %while3A_266, %while3A_268 : i32
          %while3A_270 = arith.constant 1 : i32
          %while3A_271 = arith.divsi %while3A_268, %while3A_270 : i32
          %while3A_272 = arith.muli %while3A_271, %while3A_270 : i32
          %while3A_273 = arith.addi %while3A_266, %while3A_272 : i32
          %while3A_274 = arith.constant 1 : i32
          %while3A_275 = scf.for %while3A_279 = %while3A_266 to %while3A_273 step %while3A_274 iter_args(%while3A_280 = %while3A_267) -> (i32)  : i32 {
            %mul3A_281 = arith.constant 16 : i32
            %mul3A_282 = arith.muli %while3A_279, %mul3A_281 : i32
            %add3A_283 = arith.addi %sub3A_228, %mul3A_282 : i32
            %add3A_284 = vector.broadcast %add3A_283 : i32 to vector<16xi32>
            %add3A_285 = arith.addi %add3A_284, %iota3A : vector<16xi32>
            %gather3A = tpu.vector_load_idx %arg16[%add3A_285] : memref<4096xi32, #tpu.memory_space<vmem>>[vector<16xi32>], vector<16xi32>,
            %add3A_286 = arith.addi %add3A_239, %mul3A_282 : i32
            %add3A_287 = vector.broadcast %add3A_286 : i32 to vector<16xi32>
            %add3A_288 = arith.addi %add3A_287, %iota3A : vector<16xi32>
            %add3A_289 = vector.broadcast %mul3A_282 : i32 to vector<16xi32>
            %add3A_290 = arith.addi %add3A_289, %iota3A : vector<16xi32>
            %lt3A = vector.broadcast %min3A_201 : i32 to vector<16xi32>
            %lt3A_291 = arith.cmpi slt, %add3A_290, %lt3A : vector<16xi32>
            tpu.vector_store_idx %arg15[%add3A_288], %gather3A masked %lt3A_291 : memref<10016xi32, #tpu.memory_space<vmem>>[vector<16xi32>], vector<16xi32>, vector<16xi1>
            %while3A_292 = arith.constant 0 : i32
            scf.yield %while3A_292 : i32
          }
          %while3A_276 = arith.constant 1 : i32
          %while3A_277 = scf.for %while3A_279 = %while3A_273 to %while3A_269 step %while3A_276 iter_args(%while3A_280 = %while3A_275) -> (i32)  : i32 {
            %mul3A_281 = arith.constant 16 : i32
            %mul3A_282 = arith.muli %while3A_279, %mul3A_281 : i32
            %add3A_283 = arith.addi %sub3A_228, %mul3A_282 : i32
            %add3A_284 = vector.broadcast %add3A_283 : i32 to vector<16xi32>
            %add3A_285 = arith.addi %add3A_284, %iota3A : vector<16xi32>
            %gather3A = tpu.vector_load_idx %arg16[%add3A_285] : memref<4096xi32, #tpu.memory_space<vmem>>[vector<16xi32>], vector<16xi32>,
            %add3A_286 = arith.addi %add3A_239, %mul3A_282 : i32
            %add3A_287 = vector.broadcast %add3A_286 : i32 to vector<16xi32>
            %add3A_288 = arith.addi %add3A_287, %iota3A : vector<16xi32>
            %add3A_289 = vector.broadcast %mul3A_282 : i32 to vector<16xi32>
            %add3A_290 = arith.addi %add3A_289, %iota3A : vector<16xi32>
            %lt3A = vector.broadcast %min3A_201 : i32 to vector<16xi32>
            %lt3A_291 = arith.cmpi slt, %add3A_290, %lt3A : vector<16xi32>
            tpu.vector_store_idx %arg15[%add3A_288], %gather3A masked %lt3A_291 : memref<10016xi32, #tpu.memory_space<vmem>>[vector<16xi32>], vector<16xi32>, vector<16xi1>
            %while3A_292 = arith.constant 0 : i32
            scf.yield %while3A_292 : i32
          }
          %while3A_278 = arith.constant 0 : i32
          scf.yield %while3A_278 : i32
        }
        %add3A_72 = arith.constant 4080 : i32
        %add3A_73 = arith.addi %sub3A_39, %add3A_72 : i32
        %sub3A_74 = arith.constant 1 : i32
        %sub3A_75 = arith.subi %add3A_73, %sub3A_74 : i32
        %jit3A_76 = arith.constant 4080 : i32
        %div3A_77 = arith.divsi %sub3A_75, %jit3A_76 : i32
        %sign3A_78 = arith.constant 0 : i32
        %sign3A_79 = arith.cmpi sgt, %sub3A_75, %sign3A_78 : i32
        %sign3A_80 = arith.extui %sign3A_79 : i1 to i32
        %sign3A_81 = arith.constant 0 : i32
        %sign3A_82 = arith.cmpi slt, %sub3A_75, %sign3A_81 : i32
        %sign3A_83 = arith.extui %sign3A_82 : i1 to i32
        %sign3A_84 = arith.subi %sign3A_80, %sign3A_83 : i32
        %sign3A_85 = arith.constant 0 : i32
        %sign3A_86 = arith.cmpi sgt, %jit3A_76, %sign3A_85 : i32
        %sign3A_87 = arith.extui %sign3A_86 : i1 to i32
        %sign3A_88 = arith.constant 0 : i32
        %sign3A_89 = arith.cmpi slt, %jit3A_76, %sign3A_88 : i32
        %sign3A_90 = arith.extui %sign3A_89 : i1 to i32
        %sign3A_91 = arith.subi %sign3A_87, %sign3A_90 : i32
        %ne3A_92 = arith.cmpi ne, %sign3A_84, %sign3A_91 : i32
        %rem3A_93 = arith.remsi %sub3A_75, %jit3A_76 : i32
        %ne3A_94 = arith.constant 0 : i32
        %ne3A_95 = arith.cmpi ne, %rem3A_93, %ne3A_94 : i32
        %and3A_96 = arith.andi %ne3A_92, %ne3A_95 : i1
        %sub3A_97 = arith.constant 1 : i32
        %sub3A_98 = arith.subi %div3A_77, %sub3A_97 : i32
        %select_n3A_99 = arith.select %and3A_96, %sub3A_98, %div3A_77 : i32
        %while3A_100 = arith.constant 0 : i32
        %while3A_101 = arith.constant 0 : i32
        %while3A_102 = arith.subi %select_n3A_99, %while3A_100 : i32
        %while3A_103 = arith.addi %while3A_100, %while3A_102 : i32
        %while3A_104 = arith.constant 1 : i32
        %while3A_105 = arith.divsi %while3A_102, %while3A_104 : i32
        %while3A_106 = arith.muli %while3A_105, %while3A_104 : i32
        %while3A_107 = arith.addi %while3A_100, %while3A_106 : i32
        %while3A_108 = arith.constant 1 : i32
        %while3A_109 = scf.for %while3A_192 = %while3A_100 to %while3A_107 step %while3A_108 iter_args(%while3A_193 = %while3A_101) -> (i32)  : i32 {
          %mul3A_194 = arith.constant 4080 : i32
          %mul3A_195 = arith.muli %while3A_192, %mul3A_194 : i32
          %add3A_196 = arith.addi %add3A_38, %mul3A_195 : i32
          %mul3A_197 = arith.constant 4080 : i32
          %mul3A_198 = arith.muli %while3A_192, %mul3A_197 : i32
          %sub3A_199 = arith.subi %sub3A_39, %mul3A_198 : i32
          %min3A_200 = arith.constant 4080 : i32
          %min3A_201 = arith.minsi %sub3A_199, %min3A_200 : i32
          %jit3A_202 = arith.constant 8 : i32
          %div3A_203 = arith.divsi %add3A_196, %jit3A_202 : i32
          %sign3A_204 = arith.constant 0 : i32
          %sign3A_205 = arith.cmpi sgt, %add3A_196, %sign3A_204 : i32
          %sign3A_206 = arith.extui %sign3A_205 : i1 to i32
          %sign3A_207 = arith.constant 0 : i32
          %sign3A_208 = arith.cmpi slt, %add3A_196, %sign3A_207 : i32
          %sign3A_209 = arith.extui %sign3A_208 : i1 to i32
          %sign3A_210 = arith.subi %sign3A_206, %sign3A_209 : i32
          %sign3A_211 = arith.constant 0 : i32
          %sign3A_212 = arith.cmpi sgt, %jit3A_202, %sign3A_211 : i32
          %sign3A_213 = arith.extui %sign3A_212 : i1 to i32
          %sign3A_214 = arith.constant 0 : i32
          %sign3A_215 = arith.cmpi slt, %jit3A_202, %sign3A_214 : i32
          %sign3A_216 = arith.extui %sign3A_215 : i1 to i32
          %sign3A_217 = arith.subi %sign3A_213, %sign3A_216 : i32
          %ne3A_218 = arith.cmpi ne, %sign3A_210, %sign3A_217 : i32
          %rem3A_219 = arith.remsi %add3A_196, %jit3A_202 : i32
          %ne3A_220 = arith.constant 0 : i32
          %ne3A_221 = arith.cmpi ne, %rem3A_219, %ne3A_220 : i32
          %and3A_222 = arith.andi %ne3A_218, %ne3A_221 : i1
          %sub3A_223 = arith.constant 1 : i32
          %sub3A_224 = arith.subi %div3A_203, %sub3A_223 : i32
          %select_n3A_225 = arith.select %and3A_222, %sub3A_224, %div3A_203 : i32
          %mul3A_226 = arith.constant 8 : i32
          %mul3A_227 = arith.muli %select_n3A_225, %mul3A_226 : i32
          %sub3A_228 = arith.subi %add3A_196, %mul3A_227 : i32
          %scan3A_229 = arith.constant 0 : i32
          %scan3A_230 = arith.constant 0 : i32
          %scan3A_231 = arith.constant 4 : i32
          %scan3A_232 = arith.addi %scan3A_230, %scan3A_231 : i32
          %scan3A_233 = arith.constant 1 : i32
          %scan3A_234 = scf.for %scan3A_279 = %scan3A_230 to %scan3A_232 step %scan3A_233 iter_args(%scan3A_280 = %scan3A_229) -> (i32)  : i32 {
            %mul3A_281 = arith.constant 1024 : i32
            %mul3A_282 = arith.muli %scan3A_279, %mul3A_281 : i32
            %add3A_283 = arith.addi %mul3A_227, %mul3A_282 : i32
            %mul3A_284 = arith.constant 1024 : i32
            %mul3A_285 = arith.muli %scan3A_279, %mul3A_284 : i32
            "tpu.region"() ({
              %run_scoped3A = tpu.sem_alloc : memref<!tpu.dma_semaphore, #tpu.memory_space<semaphore_mem>>
              %dma_start3A = tpu.memref_slice %arg16[%mul3A_285] : memref<4096xi32, #tpu.memory_space<vmem>> -> memref<1024xi32, #tpu.memory_space<vmem>>
              %dma_start3A_287 = tpu.memref_slice %arg4[%add3A_283] : memref<328192xi32, #tpu.memory_space<hbm>> -> memref<1024xi32, #tpu.memory_space<hbm>>
              %dma_start3A_288 = tpu.memref_slice %arg16[%mul3A_285] : memref<4096xi32, #tpu.memory_space<vmem>> -> memref<1024xi32, #tpu.memory_space<vmem>>
              %dma_start3A_289 = tpu.memref_slice %arg4[%add3A_283] : memref<328192xi32, #tpu.memory_space<hbm>> -> memref<1024xi32, #tpu.memory_space<hbm>>
              tpu.enqueue_dma source(%dma_start3A_289 : memref<1024xi32, #tpu.memory_space<hbm>>) target(%dma_start3A_288 : memref<1024xi32, #tpu.memory_space<vmem>>) target_semaphore(%run_scoped3A : memref<!tpu.dma_semaphore, #tpu.memory_space<semaphore_mem>>)
              %dma_wait3A = tpu.memref_slice %arg16[%mul3A_285] : memref<4096xi32, #tpu.memory_space<vmem>> -> memref<1024xi32, #tpu.memory_space<vmem>>
              %dma_wait3A_290 = tpu.memref_slice %arg4[%add3A_283] : memref<328192xi32, #tpu.memory_space<hbm>> -> memref<1024xi32, #tpu.memory_space<hbm>>
              %dma_wait3A_291 = tpu.memref_slice %arg16[%mul3A_285] : memref<4096xi32, #tpu.memory_space<vmem>> -> memref<1024xi32, #tpu.memory_space<vmem>>
              %dma_wait3A_292 = tpu.memref_slice %arg4[%add3A_283] : memref<328192xi32, #tpu.memory_space<hbm>> -> memref<1024xi32, #tpu.memory_space<hbm>>
              tpu.wait_dma2 semaphore(%run_scoped3A : memref<!tpu.dma_semaphore, #tpu.memory_space<semaphore_mem>>) src(%dma_wait3A_292 : memref<1024xi32, #tpu.memory_space<hbm>>) dst(%dma_wait3A_291 : memref<1024xi32, #tpu.memory_space<vmem>>)
              tpu.yield
            }) : () -> ()
            %scan3A_286 = arith.constant 0 : i32
            scf.yield %scan3A_286 : i32
          }
          %scan3A_235 = arith.constant 4 : i32
          %sub3A_236 = arith.subi %max3A, %mul3A_2 : i32
          %mul3A_237 = arith.constant 4080 : i32
          %mul3A_238 = arith.muli %while3A_192, %mul3A_237 : i32
          %add3A_239 = arith.addi %sub3A_236, %mul3A_238 : i32
          %add3A_240 = arith.constant 15 : i32
          %add3A_241 = arith.addi %min3A_201, %add3A_240 : i32
          %jit3A_242 = arith.constant 16 : i32
          %div3A_243 = arith.divsi %add3A_241, %jit3A_242 : i32
          %sign3A_244 = arith.constant 0 : i32
          %sign3A_245 = arith.cmpi sgt, %add3A_241, %sign3A_244 : i32
          %sign3A_246 = arith.extui %sign3A_245 : i1 to i32
          %sign3A_247 = arith.constant 0 : i32
          %sign3A_248 = arith.cmpi slt, %add3A_241, %sign3A_247 : i32
          %sign3A_249 = arith.extui %sign3A_248 : i1 to i32
          %sign3A_250 = arith.subi %sign3A_246, %sign3A_249 : i32
          %sign3A_251 = arith.constant 0 : i32
          %sign3A_252 = arith.cmpi sgt, %jit3A_242, %sign3A_251 : i32
          %sign3A_253 = arith.extui %sign3A_252 : i1 to i32
          %sign3A_254 = arith.constant 0 : i32
          %sign3A_255 = arith.cmpi slt, %jit3A_242, %sign3A_254 : i32
          %sign3A_256 = arith.extui %sign3A_255 : i1 to i32
          %sign3A_257 = arith.subi %sign3A_253, %sign3A_256 : i32
          %ne3A_258 = arith.cmpi ne, %sign3A_250, %sign3A_257 : i32
          %rem3A_259 = arith.remsi %add3A_241, %jit3A_242 : i32
          %ne3A_260 = arith.constant 0 : i32
          %ne3A_261 = arith.cmpi ne, %rem3A_259, %ne3A_260 : i32
          %and3A_262 = arith.andi %ne3A_258, %ne3A_261 : i1
          %sub3A_263 = arith.constant 1 : i32
          %sub3A_264 = arith.subi %div3A_243, %sub3A_263 : i32
          %select_n3A_265 = arith.select %and3A_262, %sub3A_264, %div3A_243 : i32
          %while3A_266 = arith.constant 0 : i32
          %while3A_267 = arith.constant 0 : i32
          %while3A_268 = arith.subi %select_n3A_265, %while3A_266 : i32
          %while3A_269 = arith.addi %while3A_266, %while3A_268 : i32
          %while3A_270 = arith.constant 1 : i32
          %while3A_271 = arith.divsi %while3A_268, %while3A_270 : i32
          %while3A_272 = arith.muli %while3A_271, %while3A_270 : i32
          %while3A_273 = arith.addi %while3A_266, %while3A_272 : i32
          %while3A_274 = arith.constant 1 : i32
          %while3A_275 = scf.for %while3A_279 = %while3A_266 to %while3A_273 step %while3A_274 iter_args(%while3A_280 = %while3A_267) -> (i32)  : i32 {
            %mul3A_281 = arith.constant 16 : i32
            %mul3A_282 = arith.muli %while3A_279, %mul3A_281 : i32
            %add3A_283 = arith.addi %sub3A_228, %mul3A_282 : i32
            %add3A_284 = vector.broadcast %add3A_283 : i32 to vector<16xi32>
            %add3A_285 = arith.addi %add3A_284, %iota3A : vector<16xi32>
            %gather3A = tpu.vector_load_idx %arg16[%add3A_285] : memref<4096xi32, #tpu.memory_space<vmem>>[vector<16xi32>], vector<16xi32>,
            %add3A_286 = arith.addi %add3A_239, %mul3A_282 : i32
            %add3A_287 = vector.broadcast %add3A_286 : i32 to vector<16xi32>
            %add3A_288 = arith.addi %add3A_287, %iota3A : vector<16xi32>
            %add3A_289 = vector.broadcast %mul3A_282 : i32 to vector<16xi32>
            %add3A_290 = arith.addi %add3A_289, %iota3A : vector<16xi32>
            %lt3A = vector.broadcast %min3A_201 : i32 to vector<16xi32>
            %lt3A_291 = arith.cmpi slt, %add3A_290, %lt3A : vector<16xi32>
            tpu.vector_store_idx %arg13[%add3A_288], %gather3A masked %lt3A_291 : memref<10016xi32, #tpu.memory_space<vmem>>[vector<16xi32>], vector<16xi32>, vector<16xi1>
            %while3A_292 = arith.constant 0 : i32
            scf.yield %while3A_292 : i32
          }
          %while3A_276 = arith.constant 1 : i32
          %while3A_277 = scf.for %while3A_279 = %while3A_273 to %while3A_269 step %while3A_276 iter_args(%while3A_280 = %while3A_275) -> (i32)  : i32 {
            %mul3A_281 = arith.constant 16 : i32
            %mul3A_282 = arith.muli %while3A_279, %mul3A_281 : i32
            %add3A_283 = arith.addi %sub3A_228, %mul3A_282 : i32
            %add3A_284 = vector.broadcast %add3A_283 : i32 to vector<16xi32>
            %add3A_285 = arith.addi %add3A_284, %iota3A : vector<16xi32>
            %gather3A = tpu.vector_load_idx %arg16[%add3A_285] : memref<4096xi32, #tpu.memory_space<vmem>>[vector<16xi32>], vector<16xi32>,
            %add3A_286 = arith.addi %add3A_239, %mul3A_282 : i32
            %add3A_287 = vector.broadcast %add3A_286 : i32 to vector<16xi32>
            %add3A_288 = arith.addi %add3A_287, %iota3A : vector<16xi32>
            %add3A_289 = vector.broadcast %mul3A_282 : i32 to vector<16xi32>
            %add3A_290 = arith.addi %add3A_289, %iota3A : vector<16xi32>
            %lt3A = vector.broadcast %min3A_201 : i32 to vector<16xi32>
            %lt3A_291 = arith.cmpi slt, %add3A_290, %lt3A : vector<16xi32>
            tpu.vector_store_idx %arg13[%add3A_288], %gather3A masked %lt3A_291 : memref<10016xi32, #tpu.memory_space<vmem>>[vector<16xi32>], vector<16xi32>, vector<16xi1>
            %while3A_292 = arith.constant 0 : i32
            scf.yield %while3A_292 : i32
          }
          %while3A_278 = arith.constant 0 : i32
          scf.yield %while3A_278 : i32
        }
        %while3A_110 = arith.constant 1 : i32
        %while3A_111 = scf.for %while3A_192 = %while3A_107 to %while3A_103 step %while3A_110 iter_args(%while3A_193 = %while3A_109) -> (i32)  : i32 {
          %mul3A_194 = arith.constant 4080 : i32
          %mul3A_195 = arith.muli %while3A_192, %mul3A_194 : i32
          %add3A_196 = arith.addi %add3A_38, %mul3A_195 : i32
          %mul3A_197 = arith.constant 4080 : i32
          %mul3A_198 = arith.muli %while3A_192, %mul3A_197 : i32
          %sub3A_199 = arith.subi %sub3A_39, %mul3A_198 : i32
          %min3A_200 = arith.constant 4080 : i32
          %min3A_201 = arith.minsi %sub3A_199, %min3A_200 : i32
          %jit3A_202 = arith.constant 8 : i32
          %div3A_203 = arith.divsi %add3A_196, %jit3A_202 : i32
          %sign3A_204 = arith.constant 0 : i32
          %sign3A_205 = arith.cmpi sgt, %add3A_196, %sign3A_204 : i32
          %sign3A_206 = arith.extui %sign3A_205 : i1 to i32
          %sign3A_207 = arith.constant 0 : i32
          %sign3A_208 = arith.cmpi slt, %add3A_196, %sign3A_207 : i32
          %sign3A_209 = arith.extui %sign3A_208 : i1 to i32
          %sign3A_210 = arith.subi %sign3A_206, %sign3A_209 : i32
          %sign3A_211 = arith.constant 0 : i32
          %sign3A_212 = arith.cmpi sgt, %jit3A_202, %sign3A_211 : i32
          %sign3A_213 = arith.extui %sign3A_212 : i1 to i32
          %sign3A_214 = arith.constant 0 : i32
          %sign3A_215 = arith.cmpi slt, %jit3A_202, %sign3A_214 : i32
          %sign3A_216 = arith.extui %sign3A_215 : i1 to i32
          %sign3A_217 = arith.subi %sign3A_213, %sign3A_216 : i32
          %ne3A_218 = arith.cmpi ne, %sign3A_210, %sign3A_217 : i32
          %rem3A_219 = arith.remsi %add3A_196, %jit3A_202 : i32
          %ne3A_220 = arith.constant 0 : i32
          %ne3A_221 = arith.cmpi ne, %rem3A_219, %ne3A_220 : i32
          %and3A_222 = arith.andi %ne3A_218, %ne3A_221 : i1
          %sub3A_223 = arith.constant 1 : i32
          %sub3A_224 = arith.subi %div3A_203, %sub3A_223 : i32
          %select_n3A_225 = arith.select %and3A_222, %sub3A_224, %div3A_203 : i32
          %mul3A_226 = arith.constant 8 : i32
          %mul3A_227 = arith.muli %select_n3A_225, %mul3A_226 : i32
          %sub3A_228 = arith.subi %add3A_196, %mul3A_227 : i32
          %scan3A_229 = arith.constant 0 : i32
          %scan3A_230 = arith.constant 0 : i32
          %scan3A_231 = arith.constant 4 : i32
          %scan3A_232 = arith.addi %scan3A_230, %scan3A_231 : i32
          %scan3A_233 = arith.constant 1 : i32
          %scan3A_234 = scf.for %scan3A_279 = %scan3A_230 to %scan3A_232 step %scan3A_233 iter_args(%scan3A_280 = %scan3A_229) -> (i32)  : i32 {
            %mul3A_281 = arith.constant 1024 : i32
            %mul3A_282 = arith.muli %scan3A_279, %mul3A_281 : i32
            %add3A_283 = arith.addi %mul3A_227, %mul3A_282 : i32
            %mul3A_284 = arith.constant 1024 : i32
            %mul3A_285 = arith.muli %scan3A_279, %mul3A_284 : i32
            "tpu.region"() ({
              %run_scoped3A = tpu.sem_alloc : memref<!tpu.dma_semaphore, #tpu.memory_space<semaphore_mem>>
              %dma_start3A = tpu.memref_slice %arg16[%mul3A_285] : memref<4096xi32, #tpu.memory_space<vmem>> -> memref<1024xi32, #tpu.memory_space<vmem>>
              %dma_start3A_287 = tpu.memref_slice %arg4[%add3A_283] : memref<328192xi32, #tpu.memory_space<hbm>> -> memref<1024xi32, #tpu.memory_space<hbm>>
              %dma_start3A_288 = tpu.memref_slice %arg16[%mul3A_285] : memref<4096xi32, #tpu.memory_space<vmem>> -> memref<1024xi32, #tpu.memory_space<vmem>>
              %dma_start3A_289 = tpu.memref_slice %arg4[%add3A_283] : memref<328192xi32, #tpu.memory_space<hbm>> -> memref<1024xi32, #tpu.memory_space<hbm>>
              tpu.enqueue_dma source(%dma_start3A_289 : memref<1024xi32, #tpu.memory_space<hbm>>) target(%dma_start3A_288 : memref<1024xi32, #tpu.memory_space<vmem>>) target_semaphore(%run_scoped3A : memref<!tpu.dma_semaphore, #tpu.memory_space<semaphore_mem>>)
              %dma_wait3A = tpu.memref_slice %arg16[%mul3A_285] : memref<4096xi32, #tpu.memory_space<vmem>> -> memref<1024xi32, #tpu.memory_space<vmem>>
              %dma_wait3A_290 = tpu.memref_slice %arg4[%add3A_283] : memref<328192xi32, #tpu.memory_space<hbm>> -> memref<1024xi32, #tpu.memory_space<hbm>>
              %dma_wait3A_291 = tpu.memref_slice %arg16[%mul3A_285] : memref<4096xi32, #tpu.memory_space<vmem>> -> memref<1024xi32, #tpu.memory_space<vmem>>
              %dma_wait3A_292 = tpu.memref_slice %arg4[%add3A_283] : memref<328192xi32, #tpu.memory_space<hbm>> -> memref<1024xi32, #tpu.memory_space<hbm>>
              tpu.wait_dma2 semaphore(%run_scoped3A : memref<!tpu.dma_semaphore, #tpu.memory_space<semaphore_mem>>) src(%dma_wait3A_292 : memref<1024xi32, #tpu.memory_space<hbm>>) dst(%dma_wait3A_291 : memref<1024xi32, #tpu.memory_space<vmem>>)
              tpu.yield
            }) : () -> ()
            %scan3A_286 = arith.constant 0 : i32
            scf.yield %scan3A_286 : i32
          }
          %scan3A_235 = arith.constant 4 : i32
          %sub3A_236 = arith.subi %max3A, %mul3A_2 : i32
          %mul3A_237 = arith.constant 4080 : i32
          %mul3A_238 = arith.muli %while3A_192, %mul3A_237 : i32
          %add3A_239 = arith.addi %sub3A_236, %mul3A_238 : i32
          %add3A_240 = arith.constant 15 : i32
          %add3A_241 = arith.addi %min3A_201, %add3A_240 : i32
          %jit3A_242 = arith.constant 16 : i32
          %div3A_243 = arith.divsi %add3A_241, %jit3A_242 : i32
          %sign3A_244 = arith.constant 0 : i32
          %sign3A_245 = arith.cmpi sgt, %add3A_241, %sign3A_244 : i32
          %sign3A_246 = arith.extui %sign3A_245 : i1 to i32
          %sign3A_247 = arith.constant 0 : i32
          %sign3A_248 = arith.cmpi slt, %add3A_241, %sign3A_247 : i32
          %sign3A_249 = arith.extui %sign3A_248 : i1 to i32
          %sign3A_250 = arith.subi %sign3A_246, %sign3A_249 : i32
          %sign3A_251 = arith.constant 0 : i32
          %sign3A_252 = arith.cmpi sgt, %jit3A_242, %sign3A_251 : i32
          %sign3A_253 = arith.extui %sign3A_252 : i1 to i32
          %sign3A_254 = arith.constant 0 : i32
          %sign3A_255 = arith.cmpi slt, %jit3A_242, %sign3A_254 : i32
          %sign3A_256 = arith.extui %sign3A_255 : i1 to i32
          %sign3A_257 = arith.subi %sign3A_253, %sign3A_256 : i32
          %ne3A_258 = arith.cmpi ne, %sign3A_250, %sign3A_257 : i32
          %rem3A_259 = arith.remsi %add3A_241, %jit3A_242 : i32
          %ne3A_260 = arith.constant 0 : i32
          %ne3A_261 = arith.cmpi ne, %rem3A_259, %ne3A_260 : i32
          %and3A_262 = arith.andi %ne3A_258, %ne3A_261 : i1
          %sub3A_263 = arith.constant 1 : i32
          %sub3A_264 = arith.subi %div3A_243, %sub3A_263 : i32
          %select_n3A_265 = arith.select %and3A_262, %sub3A_264, %div3A_243 : i32
          %while3A_266 = arith.constant 0 : i32
          %while3A_267 = arith.constant 0 : i32
          %while3A_268 = arith.subi %select_n3A_265, %while3A_266 : i32
          %while3A_269 = arith.addi %while3A_266, %while3A_268 : i32
          %while3A_270 = arith.constant 1 : i32
          %while3A_271 = arith.divsi %while3A_268, %while3A_270 : i32
          %while3A_272 = arith.muli %while3A_271, %while3A_270 : i32
          %while3A_273 = arith.addi %while3A_266, %while3A_272 : i32
          %while3A_274 = arith.constant 1 : i32
          %while3A_275 = scf.for %while3A_279 = %while3A_266 to %while3A_273 step %while3A_274 iter_args(%while3A_280 = %while3A_267) -> (i32)  : i32 {
            %mul3A_281 = arith.constant 16 : i32
            %mul3A_282 = arith.muli %while3A_279, %mul3A_281 : i32
            %add3A_283 = arith.addi %sub3A_228, %mul3A_282 : i32
            %add3A_284 = vector.broadcast %add3A_283 : i32 to vector<16xi32>
            %add3A_285 = arith.addi %add3A_284, %iota3A : vector<16xi32>
            %gather3A = tpu.vector_load_idx %arg16[%add3A_285] : memref<4096xi32, #tpu.memory_space<vmem>>[vector<16xi32>], vector<16xi32>,
            %add3A_286 = arith.addi %add3A_239, %mul3A_282 : i32
            %add3A_287 = vector.broadcast %add3A_286 : i32 to vector<16xi32>
            %add3A_288 = arith.addi %add3A_287, %iota3A : vector<16xi32>
            %add3A_289 = vector.broadcast %mul3A_282 : i32 to vector<16xi32>
            %add3A_290 = arith.addi %add3A_289, %iota3A : vector<16xi32>
            %lt3A = vector.broadcast %min3A_201 : i32 to vector<16xi32>
            %lt3A_291 = arith.cmpi slt, %add3A_290, %lt3A : vector<16xi32>
            tpu.vector_store_idx %arg13[%add3A_288], %gather3A masked %lt3A_291 : memref<10016xi32, #tpu.memory_space<vmem>>[vector<16xi32>], vector<16xi32>, vector<16xi1>
            %while3A_292 = arith.constant 0 : i32
            scf.yield %while3A_292 : i32
          }
          %while3A_276 = arith.constant 1 : i32
          %while3A_277 = scf.for %while3A_279 = %while3A_273 to %while3A_269 step %while3A_276 iter_args(%while3A_280 = %while3A_275) -> (i32)  : i32 {
            %mul3A_281 = arith.constant 16 : i32
            %mul3A_282 = arith.muli %while3A_279, %mul3A_281 : i32
            %add3A_283 = arith.addi %sub3A_228, %mul3A_282 : i32
            %add3A_284 = vector.broadcast %add3A_283 : i32 to vector<16xi32>
            %add3A_285 = arith.addi %add3A_284, %iota3A : vector<16xi32>
            %gather3A = tpu.vector_load_idx %arg16[%add3A_285] : memref<4096xi32, #tpu.memory_space<vmem>>[vector<16xi32>], vector<16xi32>,
            %add3A_286 = arith.addi %add3A_239, %mul3A_282 : i32
            %add3A_287 = vector.broadcast %add3A_286 : i32 to vector<16xi32>
            %add3A_288 = arith.addi %add3A_287, %iota3A : vector<16xi32>
            %add3A_289 = vector.broadcast %mul3A_282 : i32 to vector<16xi32>
            %add3A_290 = arith.addi %add3A_289, %iota3A : vector<16xi32>
            %lt3A = vector.broadcast %min3A_201 : i32 to vector<16xi32>
            %lt3A_291 = arith.cmpi slt, %add3A_290, %lt3A : vector<16xi32>
            tpu.vector_store_idx %arg13[%add3A_288], %gather3A masked %lt3A_291 : memref<10016xi32, #tpu.memory_space<vmem>>[vector<16xi32>], vector<16xi32>, vector<16xi1>
            %while3A_292 = arith.constant 0 : i32
            scf.yield %while3A_292 : i32
          }
          %while3A_278 = arith.constant 0 : i32
          scf.yield %while3A_278 : i32
        }
        %add3A_112 = arith.constant 4080 : i32
        %add3A_113 = arith.addi %sub3A_39, %add3A_112 : i32
        %sub3A_114 = arith.constant 1 : i32
        %sub3A_115 = arith.subi %add3A_113, %sub3A_114 : i32
        %jit3A_116 = arith.constant 4080 : i32
        %div3A_117 = arith.divsi %sub3A_115, %jit3A_116 : i32
        %sign3A_118 = arith.constant 0 : i32
        %sign3A_119 = arith.cmpi sgt, %sub3A_115, %sign3A_118 : i32
        %sign3A_120 = arith.extui %sign3A_119 : i1 to i32
        %sign3A_121 = arith.constant 0 : i32
        %sign3A_122 = arith.cmpi slt, %sub3A_115, %sign3A_121 : i32
        %sign3A_123 = arith.extui %sign3A_122 : i1 to i32
        %sign3A_124 = arith.subi %sign3A_120, %sign3A_123 : i32
        %sign3A_125 = arith.constant 0 : i32
        %sign3A_126 = arith.cmpi sgt, %jit3A_116, %sign3A_125 : i32
        %sign3A_127 = arith.extui %sign3A_126 : i1 to i32
        %sign3A_128 = arith.constant 0 : i32
        %sign3A_129 = arith.cmpi slt, %jit3A_116, %sign3A_128 : i32
        %sign3A_130 = arith.extui %sign3A_129 : i1 to i32
        %sign3A_131 = arith.subi %sign3A_127, %sign3A_130 : i32
        %ne3A_132 = arith.cmpi ne, %sign3A_124, %sign3A_131 : i32
        %rem3A_133 = arith.remsi %sub3A_115, %jit3A_116 : i32
        %ne3A_134 = arith.constant 0 : i32
        %ne3A_135 = arith.cmpi ne, %rem3A_133, %ne3A_134 : i32
        %and3A_136 = arith.andi %ne3A_132, %ne3A_135 : i1
        %sub3A_137 = arith.constant 1 : i32
        %sub3A_138 = arith.subi %div3A_117, %sub3A_137 : i32
        %select_n3A_139 = arith.select %and3A_136, %sub3A_138, %div3A_117 : i32
        %while3A_140 = arith.constant 0 : i32
        %while3A_141 = arith.constant 0 : i32
        %while3A_142 = arith.subi %select_n3A_139, %while3A_140 : i32
        %while3A_143 = arith.addi %while3A_140, %while3A_142 : i32
        %while3A_144 = arith.constant 1 : i32
        %while3A_145 = arith.divsi %while3A_142, %while3A_144 : i32
        %while3A_146 = arith.muli %while3A_145, %while3A_144 : i32
        %while3A_147 = arith.addi %while3A_140, %while3A_146 : i32
        %while3A_148 = arith.constant 1 : i32
        %while3A_149 = scf.for %while3A_192 = %while3A_140 to %while3A_147 step %while3A_148 iter_args(%while3A_193 = %while3A_141) -> (i32)  : i32 {
          %mul3A_194 = arith.constant 4080 : i32
          %mul3A_195 = arith.muli %while3A_192, %mul3A_194 : i32
          %add3A_196 = arith.addi %add3A_38, %mul3A_195 : i32
          %mul3A_197 = arith.constant 4080 : i32
          %mul3A_198 = arith.muli %while3A_192, %mul3A_197 : i32
          %sub3A_199 = arith.subi %sub3A_39, %mul3A_198 : i32
          %min3A_200 = arith.constant 4080 : i32
          %min3A_201 = arith.minsi %sub3A_199, %min3A_200 : i32
          %jit3A_202 = arith.constant 8 : i32
          %div3A_203 = arith.divsi %add3A_196, %jit3A_202 : i32
          %sign3A_204 = arith.constant 0 : i32
          %sign3A_205 = arith.cmpi sgt, %add3A_196, %sign3A_204 : i32
          %sign3A_206 = arith.extui %sign3A_205 : i1 to i32
          %sign3A_207 = arith.constant 0 : i32
          %sign3A_208 = arith.cmpi slt, %add3A_196, %sign3A_207 : i32
          %sign3A_209 = arith.extui %sign3A_208 : i1 to i32
          %sign3A_210 = arith.subi %sign3A_206, %sign3A_209 : i32
          %sign3A_211 = arith.constant 0 : i32
          %sign3A_212 = arith.cmpi sgt, %jit3A_202, %sign3A_211 : i32
          %sign3A_213 = arith.extui %sign3A_212 : i1 to i32
          %sign3A_214 = arith.constant 0 : i32
          %sign3A_215 = arith.cmpi slt, %jit3A_202, %sign3A_214 : i32
          %sign3A_216 = arith.extui %sign3A_215 : i1 to i32
          %sign3A_217 = arith.subi %sign3A_213, %sign3A_216 : i32
          %ne3A_218 = arith.cmpi ne, %sign3A_210, %sign3A_217 : i32
          %rem3A_219 = arith.remsi %add3A_196, %jit3A_202 : i32
          %ne3A_220 = arith.constant 0 : i32
          %ne3A_221 = arith.cmpi ne, %rem3A_219, %ne3A_220 : i32
          %and3A_222 = arith.andi %ne3A_218, %ne3A_221 : i1
          %sub3A_223 = arith.constant 1 : i32
          %sub3A_224 = arith.subi %div3A_203, %sub3A_223 : i32
          %select_n3A_225 = arith.select %and3A_222, %sub3A_224, %div3A_203 : i32
          %mul3A_226 = arith.constant 8 : i32
          %mul3A_227 = arith.muli %select_n3A_225, %mul3A_226 : i32
          %sub3A_228 = arith.subi %add3A_196, %mul3A_227 : i32
          %scan3A_229 = arith.constant 0 : i32
          %scan3A_230 = arith.constant 0 : i32
          %scan3A_231 = arith.constant 4 : i32
          %scan3A_232 = arith.addi %scan3A_230, %scan3A_231 : i32
          %scan3A_233 = arith.constant 1 : i32
          %scan3A_234 = scf.for %scan3A_279 = %scan3A_230 to %scan3A_232 step %scan3A_233 iter_args(%scan3A_280 = %scan3A_229) -> (i32)  : i32 {
            %mul3A_281 = arith.constant 1024 : i32
            %mul3A_282 = arith.muli %scan3A_279, %mul3A_281 : i32
            %add3A_283 = arith.addi %mul3A_227, %mul3A_282 : i32
            %mul3A_284 = arith.constant 1024 : i32
            %mul3A_285 = arith.muli %scan3A_279, %mul3A_284 : i32
            "tpu.region"() ({
              %run_scoped3A = tpu.sem_alloc : memref<!tpu.dma_semaphore, #tpu.memory_space<semaphore_mem>>
              %dma_start3A = tpu.memref_slice %arg16[%mul3A_285] : memref<4096xi32, #tpu.memory_space<vmem>> -> memref<1024xi32, #tpu.memory_space<vmem>>
              %dma_start3A_287 = tpu.memref_slice %arg5[%add3A_283] : memref<328192xi32, #tpu.memory_space<hbm>> -> memref<1024xi32, #tpu.memory_space<hbm>>
              %dma_start3A_288 = tpu.memref_slice %arg16[%mul3A_285] : memref<4096xi32, #tpu.memory_space<vmem>> -> memref<1024xi32, #tpu.memory_space<vmem>>
              %dma_start3A_289 = tpu.memref_slice %arg5[%add3A_283] : memref<328192xi32, #tpu.memory_space<hbm>> -> memref<1024xi32, #tpu.memory_space<hbm>>
              tpu.enqueue_dma source(%dma_start3A_289 : memref<1024xi32, #tpu.memory_space<hbm>>) target(%dma_start3A_288 : memref<1024xi32, #tpu.memory_space<vmem>>) target_semaphore(%run_scoped3A : memref<!tpu.dma_semaphore, #tpu.memory_space<semaphore_mem>>)
              %dma_wait3A = tpu.memref_slice %arg16[%mul3A_285] : memref<4096xi32, #tpu.memory_space<vmem>> -> memref<1024xi32, #tpu.memory_space<vmem>>
              %dma_wait3A_290 = tpu.memref_slice %arg5[%add3A_283] : memref<328192xi32, #tpu.memory_space<hbm>> -> memref<1024xi32, #tpu.memory_space<hbm>>
              %dma_wait3A_291 = tpu.memref_slice %arg16[%mul3A_285] : memref<4096xi32, #tpu.memory_space<vmem>> -> memref<1024xi32, #tpu.memory_space<vmem>>
              %dma_wait3A_292 = tpu.memref_slice %arg5[%add3A_283] : memref<328192xi32, #tpu.memory_space<hbm>> -> memref<1024xi32, #tpu.memory_space<hbm>>
              tpu.wait_dma2 semaphore(%run_scoped3A : memref<!tpu.dma_semaphore, #tpu.memory_space<semaphore_mem>>) src(%dma_wait3A_292 : memref<1024xi32, #tpu.memory_space<hbm>>) dst(%dma_wait3A_291 : memref<1024xi32, #tpu.memory_space<vmem>>)
              tpu.yield
            }) : () -> ()
            %scan3A_286 = arith.constant 0 : i32
            scf.yield %scan3A_286 : i32
          }
          %scan3A_235 = arith.constant 4 : i32
          %sub3A_236 = arith.subi %max3A, %mul3A_2 : i32
          %mul3A_237 = arith.constant 4080 : i32
          %mul3A_238 = arith.muli %while3A_192, %mul3A_237 : i32
          %add3A_239 = arith.addi %sub3A_236, %mul3A_238 : i32
          %add3A_240 = arith.constant 15 : i32
          %add3A_241 = arith.addi %min3A_201, %add3A_240 : i32
          %jit3A_242 = arith.constant 16 : i32
          %div3A_243 = arith.divsi %add3A_241, %jit3A_242 : i32
          %sign3A_244 = arith.constant 0 : i32
          %sign3A_245 = arith.cmpi sgt, %add3A_241, %sign3A_244 : i32
          %sign3A_246 = arith.extui %sign3A_245 : i1 to i32
          %sign3A_247 = arith.constant 0 : i32
          %sign3A_248 = arith.cmpi slt, %add3A_241, %sign3A_247 : i32
          %sign3A_249 = arith.extui %sign3A_248 : i1 to i32
          %sign3A_250 = arith.subi %sign3A_246, %sign3A_249 : i32
          %sign3A_251 = arith.constant 0 : i32
          %sign3A_252 = arith.cmpi sgt, %jit3A_242, %sign3A_251 : i32
          %sign3A_253 = arith.extui %sign3A_252 : i1 to i32
          %sign3A_254 = arith.constant 0 : i32
          %sign3A_255 = arith.cmpi slt, %jit3A_242, %sign3A_254 : i32
          %sign3A_256 = arith.extui %sign3A_255 : i1 to i32
          %sign3A_257 = arith.subi %sign3A_253, %sign3A_256 : i32
          %ne3A_258 = arith.cmpi ne, %sign3A_250, %sign3A_257 : i32
          %rem3A_259 = arith.remsi %add3A_241, %jit3A_242 : i32
          %ne3A_260 = arith.constant 0 : i32
          %ne3A_261 = arith.cmpi ne, %rem3A_259, %ne3A_260 : i32
          %and3A_262 = arith.andi %ne3A_258, %ne3A_261 : i1
          %sub3A_263 = arith.constant 1 : i32
          %sub3A_264 = arith.subi %div3A_243, %sub3A_263 : i32
          %select_n3A_265 = arith.select %and3A_262, %sub3A_264, %div3A_243 : i32
          %while3A_266 = arith.constant 0 : i32
          %while3A_267 = arith.constant 0 : i32
          %while3A_268 = arith.subi %select_n3A_265, %while3A_266 : i32
          %while3A_269 = arith.addi %while3A_266, %while3A_268 : i32
          %while3A_270 = arith.constant 1 : i32
          %while3A_271 = arith.divsi %while3A_268, %while3A_270 : i32
          %while3A_272 = arith.muli %while3A_271, %while3A_270 : i32
          %while3A_273 = arith.addi %while3A_266, %while3A_272 : i32
          %while3A_274 = arith.constant 1 : i32
          %while3A_275 = scf.for %while3A_279 = %while3A_266 to %while3A_273 step %while3A_274 iter_args(%while3A_280 = %while3A_267) -> (i32)  : i32 {
            %mul3A_281 = arith.constant 16 : i32
            %mul3A_282 = arith.muli %while3A_279, %mul3A_281 : i32
            %add3A_283 = arith.addi %sub3A_228, %mul3A_282 : i32
            %add3A_284 = vector.broadcast %add3A_283 : i32 to vector<16xi32>
            %add3A_285 = arith.addi %add3A_284, %iota3A : vector<16xi32>
            %gather3A = tpu.vector_load_idx %arg16[%add3A_285] : memref<4096xi32, #tpu.memory_space<vmem>>[vector<16xi32>], vector<16xi32>,
            %add3A_286 = arith.addi %add3A_239, %mul3A_282 : i32
            %add3A_287 = vector.broadcast %add3A_286 : i32 to vector<16xi32>
            %add3A_288 = arith.addi %add3A_287, %iota3A : vector<16xi32>
            %add3A_289 = vector.broadcast %mul3A_282 : i32 to vector<16xi32>
            %add3A_290 = arith.addi %add3A_289, %iota3A : vector<16xi32>
            %lt3A = vector.broadcast %min3A_201 : i32 to vector<16xi32>
            %lt3A_291 = arith.cmpi slt, %add3A_290, %lt3A : vector<16xi32>
            tpu.vector_store_idx %arg14[%add3A_288], %gather3A masked %lt3A_291 : memref<10016xi32, #tpu.memory_space<vmem>>[vector<16xi32>], vector<16xi32>, vector<16xi1>
            %while3A_292 = arith.constant 0 : i32
            scf.yield %while3A_292 : i32
          }
          %while3A_276 = arith.constant 1 : i32
          %while3A_277 = scf.for %while3A_279 = %while3A_273 to %while3A_269 step %while3A_276 iter_args(%while3A_280 = %while3A_275) -> (i32)  : i32 {
            %mul3A_281 = arith.constant 16 : i32
            %mul3A_282 = arith.muli %while3A_279, %mul3A_281 : i32
            %add3A_283 = arith.addi %sub3A_228, %mul3A_282 : i32
            %add3A_284 = vector.broadcast %add3A_283 : i32 to vector<16xi32>
            %add3A_285 = arith.addi %add3A_284, %iota3A : vector<16xi32>
            %gather3A = tpu.vector_load_idx %arg16[%add3A_285] : memref<4096xi32, #tpu.memory_space<vmem>>[vector<16xi32>], vector<16xi32>,
            %add3A_286 = arith.addi %add3A_239, %mul3A_282 : i32
            %add3A_287 = vector.broadcast %add3A_286 : i32 to vector<16xi32>
            %add3A_288 = arith.addi %add3A_287, %iota3A : vector<16xi32>
            %add3A_289 = vector.broadcast %mul3A_282 : i32 to vector<16xi32>
            %add3A_290 = arith.addi %add3A_289, %iota3A : vector<16xi32>
            %lt3A = vector.broadcast %min3A_201 : i32 to vector<16xi32>
            %lt3A_291 = arith.cmpi slt, %add3A_290, %lt3A : vector<16xi32>
            tpu.vector_store_idx %arg14[%add3A_288], %gather3A masked %lt3A_291 : memref<10016xi32, #tpu.memory_space<vmem>>[vector<16xi32>], vector<16xi32>, vector<16xi1>
            %while3A_292 = arith.constant 0 : i32
            scf.yield %while3A_292 : i32
          }
          %while3A_278 = arith.constant 0 : i32
          scf.yield %while3A_278 : i32
        }
        %while3A_150 = arith.constant 1 : i32
        %while3A_151 = scf.for %while3A_192 = %while3A_147 to %while3A_143 step %while3A_150 iter_args(%while3A_193 = %while3A_149) -> (i32)  : i32 {
          %mul3A_194 = arith.constant 4080 : i32
          %mul3A_195 = arith.muli %while3A_192, %mul3A_194 : i32
          %add3A_196 = arith.addi %add3A_38, %mul3A_195 : i32
          %mul3A_197 = arith.constant 4080 : i32
          %mul3A_198 = arith.muli %while3A_192, %mul3A_197 : i32
          %sub3A_199 = arith.subi %sub3A_39, %mul3A_198 : i32
          %min3A_200 = arith.constant 4080 : i32
          %min3A_201 = arith.minsi %sub3A_199, %min3A_200 : i32
          %jit3A_202 = arith.constant 8 : i32
          %div3A_203 = arith.divsi %add3A_196, %jit3A_202 : i32
          %sign3A_204 = arith.constant 0 : i32
          %sign3A_205 = arith.cmpi sgt, %add3A_196, %sign3A_204 : i32
          %sign3A_206 = arith.extui %sign3A_205 : i1 to i32
          %sign3A_207 = arith.constant 0 : i32
          %sign3A_208 = arith.cmpi slt, %add3A_196, %sign3A_207 : i32
          %sign3A_209 = arith.extui %sign3A_208 : i1 to i32
          %sign3A_210 = arith.subi %sign3A_206, %sign3A_209 : i32
          %sign3A_211 = arith.constant 0 : i32
          %sign3A_212 = arith.cmpi sgt, %jit3A_202, %sign3A_211 : i32
          %sign3A_213 = arith.extui %sign3A_212 : i1 to i32
          %sign3A_214 = arith.constant 0 : i32
          %sign3A_215 = arith.cmpi slt, %jit3A_202, %sign3A_214 : i32
          %sign3A_216 = arith.extui %sign3A_215 : i1 to i32
          %sign3A_217 = arith.subi %sign3A_213, %sign3A_216 : i32
          %ne3A_218 = arith.cmpi ne, %sign3A_210, %sign3A_217 : i32
          %rem3A_219 = arith.remsi %add3A_196, %jit3A_202 : i32
          %ne3A_220 = arith.constant 0 : i32
          %ne3A_221 = arith.cmpi ne, %rem3A_219, %ne3A_220 : i32
          %and3A_222 = arith.andi %ne3A_218, %ne3A_221 : i1
          %sub3A_223 = arith.constant 1 : i32
          %sub3A_224 = arith.subi %div3A_203, %sub3A_223 : i32
          %select_n3A_225 = arith.select %and3A_222, %sub3A_224, %div3A_203 : i32
          %mul3A_226 = arith.constant 8 : i32
          %mul3A_227 = arith.muli %select_n3A_225, %mul3A_226 : i32
          %sub3A_228 = arith.subi %add3A_196, %mul3A_227 : i32
          %scan3A_229 = arith.constant 0 : i32
          %scan3A_230 = arith.constant 0 : i32
          %scan3A_231 = arith.constant 4 : i32
          %scan3A_232 = arith.addi %scan3A_230, %scan3A_231 : i32
          %scan3A_233 = arith.constant 1 : i32
          %scan3A_234 = scf.for %scan3A_279 = %scan3A_230 to %scan3A_232 step %scan3A_233 iter_args(%scan3A_280 = %scan3A_229) -> (i32)  : i32 {
            %mul3A_281 = arith.constant 1024 : i32
            %mul3A_282 = arith.muli %scan3A_279, %mul3A_281 : i32
            %add3A_283 = arith.addi %mul3A_227, %mul3A_282 : i32
            %mul3A_284 = arith.constant 1024 : i32
            %mul3A_285 = arith.muli %scan3A_279, %mul3A_284 : i32
            "tpu.region"() ({
              %run_scoped3A = tpu.sem_alloc : memref<!tpu.dma_semaphore, #tpu.memory_space<semaphore_mem>>
              %dma_start3A = tpu.memref_slice %arg16[%mul3A_285] : memref<4096xi32, #tpu.memory_space<vmem>> -> memref<1024xi32, #tpu.memory_space<vmem>>
              %dma_start3A_287 = tpu.memref_slice %arg5[%add3A_283] : memref<328192xi32, #tpu.memory_space<hbm>> -> memref<1024xi32, #tpu.memory_space<hbm>>
              %dma_start3A_288 = tpu.memref_slice %arg16[%mul3A_285] : memref<4096xi32, #tpu.memory_space<vmem>> -> memref<1024xi32, #tpu.memory_space<vmem>>
              %dma_start3A_289 = tpu.memref_slice %arg5[%add3A_283] : memref<328192xi32, #tpu.memory_space<hbm>> -> memref<1024xi32, #tpu.memory_space<hbm>>
              tpu.enqueue_dma source(%dma_start3A_289 : memref<1024xi32, #tpu.memory_space<hbm>>) target(%dma_start3A_288 : memref<1024xi32, #tpu.memory_space<vmem>>) target_semaphore(%run_scoped3A : memref<!tpu.dma_semaphore, #tpu.memory_space<semaphore_mem>>)
              %dma_wait3A = tpu.memref_slice %arg16[%mul3A_285] : memref<4096xi32, #tpu.memory_space<vmem>> -> memref<1024xi32, #tpu.memory_space<vmem>>
              %dma_wait3A_290 = tpu.memref_slice %arg5[%add3A_283] : memref<328192xi32, #tpu.memory_space<hbm>> -> memref<1024xi32, #tpu.memory_space<hbm>>
              %dma_wait3A_291 = tpu.memref_slice %arg16[%mul3A_285] : memref<4096xi32, #tpu.memory_space<vmem>> -> memref<1024xi32, #tpu.memory_space<vmem>>
              %dma_wait3A_292 = tpu.memref_slice %arg5[%add3A_283] : memref<328192xi32, #tpu.memory_space<hbm>> -> memref<1024xi32, #tpu.memory_space<hbm>>
              tpu.wait_dma2 semaphore(%run_scoped3A : memref<!tpu.dma_semaphore, #tpu.memory_space<semaphore_mem>>) src(%dma_wait3A_292 : memref<1024xi32, #tpu.memory_space<hbm>>) dst(%dma_wait3A_291 : memref<1024xi32, #tpu.memory_space<vmem>>)
              tpu.yield
            }) : () -> ()
            %scan3A_286 = arith.constant 0 : i32
            scf.yield %scan3A_286 : i32
          }
          %scan3A_235 = arith.constant 4 : i32
          %sub3A_236 = arith.subi %max3A, %mul3A_2 : i32
          %mul3A_237 = arith.constant 4080 : i32
          %mul3A_238 = arith.muli %while3A_192, %mul3A_237 : i32
          %add3A_239 = arith.addi %sub3A_236, %mul3A_238 : i32
          %add3A_240 = arith.constant 15 : i32
          %add3A_241 = arith.addi %min3A_201, %add3A_240 : i32
          %jit3A_242 = arith.constant 16 : i32
          %div3A_243 = arith.divsi %add3A_241, %jit3A_242 : i32
          %sign3A_244 = arith.constant 0 : i32
          %sign3A_245 = arith.cmpi sgt, %add3A_241, %sign3A_244 : i32
          %sign3A_246 = arith.extui %sign3A_245 : i1 to i32
          %sign3A_247 = arith.constant 0 : i32
          %sign3A_248 = arith.cmpi slt, %add3A_241, %sign3A_247 : i32
          %sign3A_249 = arith.extui %sign3A_248 : i1 to i32
          %sign3A_250 = arith.subi %sign3A_246, %sign3A_249 : i32
          %sign3A_251 = arith.constant 0 : i32
          %sign3A_252 = arith.cmpi sgt, %jit3A_242, %sign3A_251 : i32
          %sign3A_253 = arith.extui %sign3A_252 : i1 to i32
          %sign3A_254 = arith.constant 0 : i32
          %sign3A_255 = arith.cmpi slt, %jit3A_242, %sign3A_254 : i32
          %sign3A_256 = arith.extui %sign3A_255 : i1 to i32
          %sign3A_257 = arith.subi %sign3A_253, %sign3A_256 : i32
          %ne3A_258 = arith.cmpi ne, %sign3A_250, %sign3A_257 : i32
          %rem3A_259 = arith.remsi %add3A_241, %jit3A_242 : i32
          %ne3A_260 = arith.constant 0 : i32
          %ne3A_261 = arith.cmpi ne, %rem3A_259, %ne3A_260 : i32
          %and3A_262 = arith.andi %ne3A_258, %ne3A_261 : i1
          %sub3A_263 = arith.constant 1 : i32
          %sub3A_264 = arith.subi %div3A_243, %sub3A_263 : i32
          %select_n3A_265 = arith.select %and3A_262, %sub3A_264, %div3A_243 : i32
          %while3A_266 = arith.constant 0 : i32
          %while3A_267 = arith.constant 0 : i32
          %while3A_268 = arith.subi %select_n3A_265, %while3A_266 : i32
          %while3A_269 = arith.addi %while3A_266, %while3A_268 : i32
          %while3A_270 = arith.constant 1 : i32
          %while3A_271 = arith.divsi %while3A_268, %while3A_270 : i32
          %while3A_272 = arith.muli %while3A_271, %while3A_270 : i32
          %while3A_273 = arith.addi %while3A_266, %while3A_272 : i32
          %while3A_274 = arith.constant 1 : i32
          %while3A_275 = scf.for %while3A_279 = %while3A_266 to %while3A_273 step %while3A_274 iter_args(%while3A_280 = %while3A_267) -> (i32)  : i32 {
            %mul3A_281 = arith.constant 16 : i32
            %mul3A_282 = arith.muli %while3A_279, %mul3A_281 : i32
            %add3A_283 = arith.addi %sub3A_228, %mul3A_282 : i32
            %add3A_284 = vector.broadcast %add3A_283 : i32 to vector<16xi32>
            %add3A_285 = arith.addi %add3A_284, %iota3A : vector<16xi32>
            %gather3A = tpu.vector_load_idx %arg16[%add3A_285] : memref<4096xi32, #tpu.memory_space<vmem>>[vector<16xi32>], vector<16xi32>,
            %add3A_286 = arith.addi %add3A_239, %mul3A_282 : i32
            %add3A_287 = vector.broadcast %add3A_286 : i32 to vector<16xi32>
            %add3A_288 = arith.addi %add3A_287, %iota3A : vector<16xi32>
            %add3A_289 = vector.broadcast %mul3A_282 : i32 to vector<16xi32>
            %add3A_290 = arith.addi %add3A_289, %iota3A : vector<16xi32>
            %lt3A = vector.broadcast %min3A_201 : i32 to vector<16xi32>
            %lt3A_291 = arith.cmpi slt, %add3A_290, %lt3A : vector<16xi32>
            tpu.vector_store_idx %arg14[%add3A_288], %gather3A masked %lt3A_291 : memref<10016xi32, #tpu.memory_space<vmem>>[vector<16xi32>], vector<16xi32>, vector<16xi1>
            %while3A_292 = arith.constant 0 : i32
            scf.yield %while3A_292 : i32
          }
          %while3A_276 = arith.constant 1 : i32
          %while3A_277 = scf.for %while3A_279 = %while3A_273 to %while3A_269 step %while3A_276 iter_args(%while3A_280 = %while3A_275) -> (i32)  : i32 {
            %mul3A_281 = arith.constant 16 : i32
            %mul3A_282 = arith.muli %while3A_279, %mul3A_281 : i32
            %add3A_283 = arith.addi %sub3A_228, %mul3A_282 : i32
            %add3A_284 = vector.broadcast %add3A_283 : i32 to vector<16xi32>
            %add3A_285 = arith.addi %add3A_284, %iota3A : vector<16xi32>
            %gather3A = tpu.vector_load_idx %arg16[%add3A_285] : memref<4096xi32, #tpu.memory_space<vmem>>[vector<16xi32>], vector<16xi32>,
            %add3A_286 = arith.addi %add3A_239, %mul3A_282 : i32
            %add3A_287 = vector.broadcast %add3A_286 : i32 to vector<16xi32>
            %add3A_288 = arith.addi %add3A_287, %iota3A : vector<16xi32>
            %add3A_289 = vector.broadcast %mul3A_282 : i32 to vector<16xi32>
            %add3A_290 = arith.addi %add3A_289, %iota3A : vector<16xi32>
            %lt3A = vector.broadcast %min3A_201 : i32 to vector<16xi32>
            %lt3A_291 = arith.cmpi slt, %add3A_290, %lt3A : vector<16xi32>
            tpu.vector_store_idx %arg14[%add3A_288], %gather3A masked %lt3A_291 : memref<10016xi32, #tpu.memory_space<vmem>>[vector<16xi32>], vector<16xi32>, vector<16xi1>
            %while3A_292 = arith.constant 0 : i32
            scf.yield %while3A_292 : i32
          }
          %while3A_278 = arith.constant 0 : i32
          scf.yield %while3A_278 : i32
        }
        %add3A_152 = arith.constant 4080 : i32
        %add3A_153 = arith.addi %sub3A_39, %add3A_152 : i32
        %sub3A_154 = arith.constant 1 : i32
        %sub3A_155 = arith.subi %add3A_153, %sub3A_154 : i32
        %jit3A_156 = arith.constant 4080 : i32
        %div3A_157 = arith.divsi %sub3A_155, %jit3A_156 : i32
        %sign3A_158 = arith.constant 0 : i32
        %sign3A_159 = arith.cmpi sgt, %sub3A_155, %sign3A_158 : i32
        %sign3A_160 = arith.extui %sign3A_159 : i1 to i32
        %sign3A_161 = arith.constant 0 : i32
        %sign3A_162 = arith.cmpi slt, %sub3A_155, %sign3A_161 : i32
        %sign3A_163 = arith.extui %sign3A_162 : i1 to i32
        %sign3A_164 = arith.subi %sign3A_160, %sign3A_163 : i32
        %sign3A_165 = arith.constant 0 : i32
        %sign3A_166 = arith.cmpi sgt, %jit3A_156, %sign3A_165 : i32
        %sign3A_167 = arith.extui %sign3A_166 : i1 to i32
        %sign3A_168 = arith.constant 0 : i32
        %sign3A_169 = arith.cmpi slt, %jit3A_156, %sign3A_168 : i32
        %sign3A_170 = arith.extui %sign3A_169 : i1 to i32
        %sign3A_171 = arith.subi %sign3A_167, %sign3A_170 : i32
        %ne3A_172 = arith.cmpi ne, %sign3A_164, %sign3A_171 : i32
        %rem3A_173 = arith.remsi %sub3A_155, %jit3A_156 : i32
        %ne3A_174 = arith.constant 0 : i32
        %ne3A_175 = arith.cmpi ne, %rem3A_173, %ne3A_174 : i32
        %and3A_176 = arith.andi %ne3A_172, %ne3A_175 : i1
        %sub3A_177 = arith.constant 1 : i32
        %sub3A_178 = arith.subi %div3A_157, %sub3A_177 : i32
        %select_n3A_179 = arith.select %and3A_176, %sub3A_178, %div3A_157 : i32
        %while3A_180 = arith.constant 0 : i32
        %while3A_181 = arith.constant 0 : i32
        %while3A_182 = arith.subi %select_n3A_179, %while3A_180 : i32
        %while3A_183 = arith.addi %while3A_180, %while3A_182 : i32
        %while3A_184 = arith.constant 1 : i32
        %while3A_185 = arith.divsi %while3A_182, %while3A_184 : i32
        %while3A_186 = arith.muli %while3A_185, %while3A_184 : i32
        %while3A_187 = arith.addi %while3A_180, %while3A_186 : i32
        %while3A_188 = arith.constant 1 : i32
        %while3A_189 = scf.for %while3A_192 = %while3A_180 to %while3A_187 step %while3A_188 iter_args(%while3A_193 = %while3A_181) -> (i32)  : i32 {
          %mul3A_194 = arith.constant 4080 : i32
          %mul3A_195 = arith.muli %while3A_192, %mul3A_194 : i32
          %add3A_196 = arith.addi %add3A_38, %mul3A_195 : i32
          %mul3A_197 = arith.constant 4080 : i32
          %mul3A_198 = arith.muli %while3A_192, %mul3A_197 : i32
          %sub3A_199 = arith.subi %sub3A_39, %mul3A_198 : i32
          %min3A_200 = arith.constant 4080 : i32
          %min3A_201 = arith.minsi %sub3A_199, %min3A_200 : i32
          %jit3A_202 = arith.constant 8 : i32
          %div3A_203 = arith.divsi %add3A_196, %jit3A_202 : i32
          %sign3A_204 = arith.constant 0 : i32
          %sign3A_205 = arith.cmpi sgt, %add3A_196, %sign3A_204 : i32
          %sign3A_206 = arith.extui %sign3A_205 : i1 to i32
          %sign3A_207 = arith.constant 0 : i32
          %sign3A_208 = arith.cmpi slt, %add3A_196, %sign3A_207 : i32
          %sign3A_209 = arith.extui %sign3A_208 : i1 to i32
          %sign3A_210 = arith.subi %sign3A_206, %sign3A_209 : i32
          %sign3A_211 = arith.constant 0 : i32
          %sign3A_212 = arith.cmpi sgt, %jit3A_202, %sign3A_211 : i32
          %sign3A_213 = arith.extui %sign3A_212 : i1 to i32
          %sign3A_214 = arith.constant 0 : i32
          %sign3A_215 = arith.cmpi slt, %jit3A_202, %sign3A_214 : i32
          %sign3A_216 = arith.extui %sign3A_215 : i1 to i32
          %sign3A_217 = arith.subi %sign3A_213, %sign3A_216 : i32
          %ne3A_218 = arith.cmpi ne, %sign3A_210, %sign3A_217 : i32
          %rem3A_219 = arith.remsi %add3A_196, %jit3A_202 : i32
          %ne3A_220 = arith.constant 0 : i32
          %ne3A_221 = arith.cmpi ne, %rem3A_219, %ne3A_220 : i32
          %and3A_222 = arith.andi %ne3A_218, %ne3A_221 : i1
          %sub3A_223 = arith.constant 1 : i32
          %sub3A_224 = arith.subi %div3A_203, %sub3A_223 : i32
          %select_n3A_225 = arith.select %and3A_222, %sub3A_224, %div3A_203 : i32
          %mul3A_226 = arith.constant 8 : i32
          %mul3A_227 = arith.muli %select_n3A_225, %mul3A_226 : i32
          %sub3A_228 = arith.subi %add3A_196, %mul3A_227 : i32
          %scan3A_229 = arith.constant 0 : i32
          %scan3A_230 = arith.constant 0 : i32
          %scan3A_231 = arith.constant 4 : i32
          %scan3A_232 = arith.addi %scan3A_230, %scan3A_231 : i32
          %scan3A_233 = arith.constant 1 : i32
          %scan3A_234 = scf.for %scan3A_279 = %scan3A_230 to %scan3A_232 step %scan3A_233 iter_args(%scan3A_280 = %scan3A_229) -> (i32)  : i32 {
            %mul3A_281 = arith.constant 1024 : i32
            %mul3A_282 = arith.muli %scan3A_279, %mul3A_281 : i32
            %add3A_283 = arith.addi %mul3A_227, %mul3A_282 : i32
            %mul3A_284 = arith.constant 1024 : i32
            %mul3A_285 = arith.muli %scan3A_279, %mul3A_284 : i32
            "tpu.region"() ({
              %run_scoped3A = tpu.sem_alloc : memref<!tpu.dma_semaphore, #tpu.memory_space<semaphore_mem>>
              %dma_start3A = tpu.memref_slice %arg16[%mul3A_285] : memref<4096xi32, #tpu.memory_space<vmem>> -> memref<1024xi32, #tpu.memory_space<vmem>>
              %dma_start3A_287 = tpu.memref_slice %arg6[%add3A_283] : memref<328192xi32, #tpu.memory_space<hbm>> -> memref<1024xi32, #tpu.memory_space<hbm>>
              %dma_start3A_288 = tpu.memref_slice %arg16[%mul3A_285] : memref<4096xi32, #tpu.memory_space<vmem>> -> memref<1024xi32, #tpu.memory_space<vmem>>
              %dma_start3A_289 = tpu.memref_slice %arg6[%add3A_283] : memref<328192xi32, #tpu.memory_space<hbm>> -> memref<1024xi32, #tpu.memory_space<hbm>>
              tpu.enqueue_dma source(%dma_start3A_289 : memref<1024xi32, #tpu.memory_space<hbm>>) target(%dma_start3A_288 : memref<1024xi32, #tpu.memory_space<vmem>>) target_semaphore(%run_scoped3A : memref<!tpu.dma_semaphore, #tpu.memory_space<semaphore_mem>>)
              %dma_wait3A = tpu.memref_slice %arg16[%mul3A_285] : memref<4096xi32, #tpu.memory_space<vmem>> -> memref<1024xi32, #tpu.memory_space<vmem>>
              %dma_wait3A_290 = tpu.memref_slice %arg6[%add3A_283] : memref<328192xi32, #tpu.memory_space<hbm>> -> memref<1024xi32, #tpu.memory_space<hbm>>
              %dma_wait3A_291 = tpu.memref_slice %arg16[%mul3A_285] : memref<4096xi32, #tpu.memory_space<vmem>> -> memref<1024xi32, #tpu.memory_space<vmem>>
              %dma_wait3A_292 = tpu.memref_slice %arg6[%add3A_283] : memref<328192xi32, #tpu.memory_space<hbm>> -> memref<1024xi32, #tpu.memory_space<hbm>>
              tpu.wait_dma2 semaphore(%run_scoped3A : memref<!tpu.dma_semaphore, #tpu.memory_space<semaphore_mem>>) src(%dma_wait3A_292 : memref<1024xi32, #tpu.memory_space<hbm>>) dst(%dma_wait3A_291 : memref<1024xi32, #tpu.memory_space<vmem>>)
              tpu.yield
            }) : () -> ()
            %scan3A_286 = arith.constant 0 : i32
            scf.yield %scan3A_286 : i32
          }
          %scan3A_235 = arith.constant 4 : i32
          %sub3A_236 = arith.subi %max3A, %mul3A_2 : i32
          %mul3A_237 = arith.constant 4080 : i32
          %mul3A_238 = arith.muli %while3A_192, %mul3A_237 : i32
          %add3A_239 = arith.addi %sub3A_236, %mul3A_238 : i32
          %add3A_240 = arith.constant 15 : i32
          %add3A_241 = arith.addi %min3A_201, %add3A_240 : i32
          %jit3A_242 = arith.constant 16 : i32
          %div3A_243 = arith.divsi %add3A_241, %jit3A_242 : i32
          %sign3A_244 = arith.constant 0 : i32
          %sign3A_245 = arith.cmpi sgt, %add3A_241, %sign3A_244 : i32
          %sign3A_246 = arith.extui %sign3A_245 : i1 to i32
          %sign3A_247 = arith.constant 0 : i32
          %sign3A_248 = arith.cmpi slt, %add3A_241, %sign3A_247 : i32
          %sign3A_249 = arith.extui %sign3A_248 : i1 to i32
          %sign3A_250 = arith.subi %sign3A_246, %sign3A_249 : i32
          %sign3A_251 = arith.constant 0 : i32
          %sign3A_252 = arith.cmpi sgt, %jit3A_242, %sign3A_251 : i32
          %sign3A_253 = arith.extui %sign3A_252 : i1 to i32
          %sign3A_254 = arith.constant 0 : i32
          %sign3A_255 = arith.cmpi slt, %jit3A_242, %sign3A_254 : i32
          %sign3A_256 = arith.extui %sign3A_255 : i1 to i32
          %sign3A_257 = arith.subi %sign3A_253, %sign3A_256 : i32
          %ne3A_258 = arith.cmpi ne, %sign3A_250, %sign3A_257 : i32
          %rem3A_259 = arith.remsi %add3A_241, %jit3A_242 : i32
          %ne3A_260 = arith.constant 0 : i32
          %ne3A_261 = arith.cmpi ne, %rem3A_259, %ne3A_260 : i32
          %and3A_262 = arith.andi %ne3A_258, %ne3A_261 : i1
          %sub3A_263 = arith.constant 1 : i32
          %sub3A_264 = arith.subi %div3A_243, %sub3A_263 : i32
          %select_n3A_265 = arith.select %and3A_262, %sub3A_264, %div3A_243 : i32
          %while3A_266 = arith.constant 0 : i32
          %while3A_267 = arith.constant 0 : i32
          %while3A_268 = arith.subi %select_n3A_265, %while3A_266 : i32
          %while3A_269 = arith.addi %while3A_266, %while3A_268 : i32
          %while3A_270 = arith.constant 1 : i32
          %while3A_271 = arith.divsi %while3A_268, %while3A_270 : i32
          %while3A_272 = arith.muli %while3A_271, %while3A_270 : i32
          %while3A_273 = arith.addi %while3A_266, %while3A_272 : i32
          %while3A_274 = arith.constant 1 : i32
          %while3A_275 = scf.for %while3A_279 = %while3A_266 to %while3A_273 step %while3A_274 iter_args(%while3A_280 = %while3A_267) -> (i32)  : i32 {
            %mul3A_281 = arith.constant 16 : i32
            %mul3A_282 = arith.muli %while3A_279, %mul3A_281 : i32
            %add3A_283 = arith.addi %sub3A_228, %mul3A_282 : i32
            %add3A_284 = vector.broadcast %add3A_283 : i32 to vector<16xi32>
            %add3A_285 = arith.addi %add3A_284, %iota3A : vector<16xi32>
            %gather3A = tpu.vector_load_idx %arg16[%add3A_285] : memref<4096xi32, #tpu.memory_space<vmem>>[vector<16xi32>], vector<16xi32>,
            %add3A_286 = arith.addi %add3A_239, %mul3A_282 : i32
            %add3A_287 = vector.broadcast %add3A_286 : i32 to vector<16xi32>
            %add3A_288 = arith.addi %add3A_287, %iota3A : vector<16xi32>
            %add3A_289 = vector.broadcast %mul3A_282 : i32 to vector<16xi32>
            %add3A_290 = arith.addi %add3A_289, %iota3A : vector<16xi32>
            %lt3A = vector.broadcast %min3A_201 : i32 to vector<16xi32>
            %lt3A_291 = arith.cmpi slt, %add3A_290, %lt3A : vector<16xi32>
            tpu.vector_store_idx %arg12[%add3A_288], %gather3A masked %lt3A_291 : memref<10016xi32, #tpu.memory_space<vmem>>[vector<16xi32>], vector<16xi32>, vector<16xi1>
            %while3A_292 = arith.constant 0 : i32
            scf.yield %while3A_292 : i32
          }
          %while3A_276 = arith.constant 1 : i32
          %while3A_277 = scf.for %while3A_279 = %while3A_273 to %while3A_269 step %while3A_276 iter_args(%while3A_280 = %while3A_275) -> (i32)  : i32 {
            %mul3A_281 = arith.constant 16 : i32
            %mul3A_282 = arith.muli %while3A_279, %mul3A_281 : i32
            %add3A_283 = arith.addi %sub3A_228, %mul3A_282 : i32
            %add3A_284 = vector.broadcast %add3A_283 : i32 to vector<16xi32>
            %add3A_285 = arith.addi %add3A_284, %iota3A : vector<16xi32>
            %gather3A = tpu.vector_load_idx %arg16[%add3A_285] : memref<4096xi32, #tpu.memory_space<vmem>>[vector<16xi32>], vector<16xi32>,
            %add3A_286 = arith.addi %add3A_239, %mul3A_282 : i32
            %add3A_287 = vector.broadcast %add3A_286 : i32 to vector<16xi32>
            %add3A_288 = arith.addi %add3A_287, %iota3A : vector<16xi32>
            %add3A_289 = vector.broadcast %mul3A_282 : i32 to vector<16xi32>
            %add3A_290 = arith.addi %add3A_289, %iota3A : vector<16xi32>
            %lt3A = vector.broadcast %min3A_201 : i32 to vector<16xi32>
            %lt3A_291 = arith.cmpi slt, %add3A_290, %lt3A : vector<16xi32>
            tpu.vector_store_idx %arg12[%add3A_288], %gather3A masked %lt3A_291 : memref<10016xi32, #tpu.memory_space<vmem>>[vector<16xi32>], vector<16xi32>, vector<16xi1>
            %while3A_292 = arith.constant 0 : i32
            scf.yield %while3A_292 : i32
          }
          %while3A_278 = arith.constant 0 : i32
          scf.yield %while3A_278 : i32
        }
        %while3A_190 = arith.constant 1 : i32
        %while3A_191 = scf.for %while3A_192 = %while3A_187 to %while3A_183 step %while3A_190 iter_args(%while3A_193 = %while3A_189) -> (i32)  : i32 {
          %mul3A_194 = arith.constant 4080 : i32
          %mul3A_195 = arith.muli %while3A_192, %mul3A_194 : i32
          %add3A_196 = arith.addi %add3A_38, %mul3A_195 : i32
          %mul3A_197 = arith.constant 4080 : i32
          %mul3A_198 = arith.muli %while3A_192, %mul3A_197 : i32
          %sub3A_199 = arith.subi %sub3A_39, %mul3A_198 : i32
          %min3A_200 = arith.constant 4080 : i32
          %min3A_201 = arith.minsi %sub3A_199, %min3A_200 : i32
          %jit3A_202 = arith.constant 8 : i32
          %div3A_203 = arith.divsi %add3A_196, %jit3A_202 : i32
          %sign3A_204 = arith.constant 0 : i32
          %sign3A_205 = arith.cmpi sgt, %add3A_196, %sign3A_204 : i32
          %sign3A_206 = arith.extui %sign3A_205 : i1 to i32
          %sign3A_207 = arith.constant 0 : i32
          %sign3A_208 = arith.cmpi slt, %add3A_196, %sign3A_207 : i32
          %sign3A_209 = arith.extui %sign3A_208 : i1 to i32
          %sign3A_210 = arith.subi %sign3A_206, %sign3A_209 : i32
          %sign3A_211 = arith.constant 0 : i32
          %sign3A_212 = arith.cmpi sgt, %jit3A_202, %sign3A_211 : i32
          %sign3A_213 = arith.extui %sign3A_212 : i1 to i32
          %sign3A_214 = arith.constant 0 : i32
          %sign3A_215 = arith.cmpi slt, %jit3A_202, %sign3A_214 : i32
          %sign3A_216 = arith.extui %sign3A_215 : i1 to i32
          %sign3A_217 = arith.subi %sign3A_213, %sign3A_216 : i32
          %ne3A_218 = arith.cmpi ne, %sign3A_210, %sign3A_217 : i32
          %rem3A_219 = arith.remsi %add3A_196, %jit3A_202 : i32
          %ne3A_220 = arith.constant 0 : i32
          %ne3A_221 = arith.cmpi ne, %rem3A_219, %ne3A_220 : i32
          %and3A_222 = arith.andi %ne3A_218, %ne3A_221 : i1
          %sub3A_223 = arith.constant 1 : i32
          %sub3A_224 = arith.subi %div3A_203, %sub3A_223 : i32
          %select_n3A_225 = arith.select %and3A_222, %sub3A_224, %div3A_203 : i32
          %mul3A_226 = arith.constant 8 : i32
          %mul3A_227 = arith.muli %select_n3A_225, %mul3A_226 : i32
          %sub3A_228 = arith.subi %add3A_196, %mul3A_227 : i32
          %scan3A_229 = arith.constant 0 : i32
          %scan3A_230 = arith.constant 0 : i32
          %scan3A_231 = arith.constant 4 : i32
          %scan3A_232 = arith.addi %scan3A_230, %scan3A_231 : i32
          %scan3A_233 = arith.constant 1 : i32
          %scan3A_234 = scf.for %scan3A_279 = %scan3A_230 to %scan3A_232 step %scan3A_233 iter_args(%scan3A_280 = %scan3A_229) -> (i32)  : i32 {
            %mul3A_281 = arith.constant 1024 : i32
            %mul3A_282 = arith.muli %scan3A_279, %mul3A_281 : i32
            %add3A_283 = arith.addi %mul3A_227, %mul3A_282 : i32
            %mul3A_284 = arith.constant 1024 : i32
            %mul3A_285 = arith.muli %scan3A_279, %mul3A_284 : i32
            "tpu.region"() ({
              %run_scoped3A = tpu.sem_alloc : memref<!tpu.dma_semaphore, #tpu.memory_space<semaphore_mem>>
              %dma_start3A = tpu.memref_slice %arg16[%mul3A_285] : memref<4096xi32, #tpu.memory_space<vmem>> -> memref<1024xi32, #tpu.memory_space<vmem>>
              %dma_start3A_287 = tpu.memref_slice %arg6[%add3A_283] : memref<328192xi32, #tpu.memory_space<hbm>> -> memref<1024xi32, #tpu.memory_space<hbm>>
              %dma_start3A_288 = tpu.memref_slice %arg16[%mul3A_285] : memref<4096xi32, #tpu.memory_space<vmem>> -> memref<1024xi32, #tpu.memory_space<vmem>>
              %dma_start3A_289 = tpu.memref_slice %arg6[%add3A_283] : memref<328192xi32, #tpu.memory_space<hbm>> -> memref<1024xi32, #tpu.memory_space<hbm>>
              tpu.enqueue_dma source(%dma_start3A_289 : memref<1024xi32, #tpu.memory_space<hbm>>) target(%dma_start3A_288 : memref<1024xi32, #tpu.memory_space<vmem>>) target_semaphore(%run_scoped3A : memref<!tpu.dma_semaphore, #tpu.memory_space<semaphore_mem>>)
              %dma_wait3A = tpu.memref_slice %arg16[%mul3A_285] : memref<4096xi32, #tpu.memory_space<vmem>> -> memref<1024xi32, #tpu.memory_space<vmem>>
              %dma_wait3A_290 = tpu.memref_slice %arg6[%add3A_283] : memref<328192xi32, #tpu.memory_space<hbm>> -> memref<1024xi32, #tpu.memory_space<hbm>>
              %dma_wait3A_291 = tpu.memref_slice %arg16[%mul3A_285] : memref<4096xi32, #tpu.memory_space<vmem>> -> memref<1024xi32, #tpu.memory_space<vmem>>
              %dma_wait3A_292 = tpu.memref_slice %arg6[%add3A_283] : memref<328192xi32, #tpu.memory_space<hbm>> -> memref<1024xi32, #tpu.memory_space<hbm>>
              tpu.wait_dma2 semaphore(%run_scoped3A : memref<!tpu.dma_semaphore, #tpu.memory_space<semaphore_mem>>) src(%dma_wait3A_292 : memref<1024xi32, #tpu.memory_space<hbm>>) dst(%dma_wait3A_291 : memref<1024xi32, #tpu.memory_space<vmem>>)
              tpu.yield
            }) : () -> ()
            %scan3A_286 = arith.constant 0 : i32
            scf.yield %scan3A_286 : i32
          }
          %scan3A_235 = arith.constant 4 : i32
          %sub3A_236 = arith.subi %max3A, %mul3A_2 : i32
          %mul3A_237 = arith.constant 4080 : i32
          %mul3A_238 = arith.muli %while3A_192, %mul3A_237 : i32
          %add3A_239 = arith.addi %sub3A_236, %mul3A_238 : i32
          %add3A_240 = arith.constant 15 : i32
          %add3A_241 = arith.addi %min3A_201, %add3A_240 : i32
          %jit3A_242 = arith.constant 16 : i32
          %div3A_243 = arith.divsi %add3A_241, %jit3A_242 : i32
          %sign3A_244 = arith.constant 0 : i32
          %sign3A_245 = arith.cmpi sgt, %add3A_241, %sign3A_244 : i32
          %sign3A_246 = arith.extui %sign3A_245 : i1 to i32
          %sign3A_247 = arith.constant 0 : i32
          %sign3A_248 = arith.cmpi slt, %add3A_241, %sign3A_247 : i32
          %sign3A_249 = arith.extui %sign3A_248 : i1 to i32
          %sign3A_250 = arith.subi %sign3A_246, %sign3A_249 : i32
          %sign3A_251 = arith.constant 0 : i32
          %sign3A_252 = arith.cmpi sgt, %jit3A_242, %sign3A_251 : i32
          %sign3A_253 = arith.extui %sign3A_252 : i1 to i32
          %sign3A_254 = arith.constant 0 : i32
          %sign3A_255 = arith.cmpi slt, %jit3A_242, %sign3A_254 : i32
          %sign3A_256 = arith.extui %sign3A_255 : i1 to i32
          %sign3A_257 = arith.subi %sign3A_253, %sign3A_256 : i32
          %ne3A_258 = arith.cmpi ne, %sign3A_250, %sign3A_257 : i32
          %rem3A_259 = arith.remsi %add3A_241, %jit3A_242 : i32
          %ne3A_260 = arith.constant 0 : i32
          %ne3A_261 = arith.cmpi ne, %rem3A_259, %ne3A_260 : i32
          %and3A_262 = arith.andi %ne3A_258, %ne3A_261 : i1
          %sub3A_263 = arith.constant 1 : i32
          %sub3A_264 = arith.subi %div3A_243, %sub3A_263 : i32
          %select_n3A_265 = arith.select %and3A_262, %sub3A_264, %div3A_243 : i32
          %while3A_266 = arith.constant 0 : i32
          %while3A_267 = arith.constant 0 : i32
          %while3A_268 = arith.subi %select_n3A_265, %while3A_266 : i32
          %while3A_269 = arith.addi %while3A_266, %while3A_268 : i32
          %while3A_270 = arith.constant 1 : i32
          %while3A_271 = arith.divsi %while3A_268, %while3A_270 : i32
          %while3A_272 = arith.muli %while3A_271, %while3A_270 : i32
          %while3A_273 = arith.addi %while3A_266, %while3A_272 : i32
          %while3A_274 = arith.constant 1 : i32
          %while3A_275 = scf.for %while3A_279 = %while3A_266 to %while3A_273 step %while3A_274 iter_args(%while3A_280 = %while3A_267) -> (i32)  : i32 {
            %mul3A_281 = arith.constant 16 : i32
            %mul3A_282 = arith.muli %while3A_279, %mul3A_281 : i32
            %add3A_283 = arith.addi %sub3A_228, %mul3A_282 : i32
            %add3A_284 = vector.broadcast %add3A_283 : i32 to vector<16xi32>
            %add3A_285 = arith.addi %add3A_284, %iota3A : vector<16xi32>
            %gather3A = tpu.vector_load_idx %arg16[%add3A_285] : memref<4096xi32, #tpu.memory_space<vmem>>[vector<16xi32>], vector<16xi32>,
            %add3A_286 = arith.addi %add3A_239, %mul3A_282 : i32
            %add3A_287 = vector.broadcast %add3A_286 : i32 to vector<16xi32>
            %add3A_288 = arith.addi %add3A_287, %iota3A : vector<16xi32>
            %add3A_289 = vector.broadcast %mul3A_282 : i32 to vector<16xi32>
            %add3A_290 = arith.addi %add3A_289, %iota3A : vector<16xi32>
            %lt3A = vector.broadcast %min3A_201 : i32 to vector<16xi32>
            %lt3A_291 = arith.cmpi slt, %add3A_290, %lt3A : vector<16xi32>
            tpu.vector_store_idx %arg12[%add3A_288], %gather3A masked %lt3A_291 : memref<10016xi32, #tpu.memory_space<vmem>>[vector<16xi32>], vector<16xi32>, vector<16xi1>
            %while3A_292 = arith.constant 0 : i32
            scf.yield %while3A_292 : i32
          }
          %while3A_276 = arith.constant 1 : i32
          %while3A_277 = scf.for %while3A_279 = %while3A_273 to %while3A_269 step %while3A_276 iter_args(%while3A_280 = %while3A_275) -> (i32)  : i32 {
            %mul3A_281 = arith.constant 16 : i32
            %mul3A_282 = arith.muli %while3A_279, %mul3A_281 : i32
            %add3A_283 = arith.addi %sub3A_228, %mul3A_282 : i32
            %add3A_284 = vector.broadcast %add3A_283 : i32 to vector<16xi32>
            %add3A_285 = arith.addi %add3A_284, %iota3A : vector<16xi32>
            %gather3A = tpu.vector_load_idx %arg16[%add3A_285] : memref<4096xi32, #tpu.memory_space<vmem>>[vector<16xi32>], vector<16xi32>,
            %add3A_286 = arith.addi %add3A_239, %mul3A_282 : i32
            %add3A_287 = vector.broadcast %add3A_286 : i32 to vector<16xi32>
            %add3A_288 = arith.addi %add3A_287, %iota3A : vector<16xi32>
            %add3A_289 = vector.broadcast %mul3A_282 : i32 to vector<16xi32>
            %add3A_290 = arith.addi %add3A_289, %iota3A : vector<16xi32>
            %lt3A = vector.broadcast %min3A_201 : i32 to vector<16xi32>
            %lt3A_291 = arith.cmpi slt, %add3A_290, %lt3A : vector<16xi32>
            tpu.vector_store_idx %arg12[%add3A_288], %gather3A masked %lt3A_291 : memref<10016xi32, #tpu.memory_space<vmem>>[vector<16xi32>], vector<16xi32>, vector<16xi1>
            %while3A_292 = arith.constant 0 : i32
            scf.yield %while3A_292 : i32
          }
          %while3A_278 = arith.constant 0 : i32
          scf.yield %while3A_278 : i32
        }
      } else {
      }
      %add3A_35 = arith.addi %scan3A_28, %squeeze3A : i32
      scf.yield %add3A_35 : i32
    }
    %scan3A_26 = arith.constant 32 : i32
    "tpu.region"() ({
      %run_scoped3A = tpu.sem_alloc : memref<!tpu.dma_semaphore, #tpu.memory_space<semaphore_mem>>
      %dma_start3A = arith.constant 0 : i32
      %dma_start3A_27 = tpu.memref_slice %arg12[%dma_start3A] : memref<10016xi32, #tpu.memory_space<vmem>> -> memref<10000xi32, #tpu.memory_space<vmem>>
      %dma_start3A_28 = tpu.memref_slice %arg7[%mul3A_2] : memref<320000xi32, #tpu.memory_space<hbm>> -> memref<10000xi32, #tpu.memory_space<hbm>>
      %dma_start3A_29 = tpu.memref_slice %arg7[%mul3A_2] : memref<320000xi32, #tpu.memory_space<hbm>> -> memref<10000xi32, #tpu.memory_space<hbm>>
      %dma_start3A_30 = arith.constant 0 : i32
      %dma_start3A_31 = tpu.memref_slice %arg12[%dma_start3A_30] : memref<10016xi32, #tpu.memory_space<vmem>> -> memref<10000xi32, #tpu.memory_space<vmem>>
      tpu.enqueue_dma source(%dma_start3A_31 : memref<10000xi32, #tpu.memory_space<vmem>>) target(%dma_start3A_29 : memref<10000xi32, #tpu.memory_space<hbm>>) target_semaphore(%run_scoped3A : memref<!tpu.dma_semaphore, #tpu.memory_space<semaphore_mem>>)
      %dma_wait3A = arith.constant 0 : i32
      %dma_wait3A_32 = tpu.memref_slice %arg12[%dma_wait3A] : memref<10016xi32, #tpu.memory_space<vmem>> -> memref<10000xi32, #tpu.memory_space<vmem>>
      %dma_wait3A_33 = tpu.memref_slice %arg7[%mul3A_2] : memref<320000xi32, #tpu.memory_space<hbm>> -> memref<10000xi32, #tpu.memory_space<hbm>>
      %dma_wait3A_34 = tpu.memref_slice %arg7[%mul3A_2] : memref<320000xi32, #tpu.memory_space<hbm>> -> memref<10000xi32, #tpu.memory_space<hbm>>
      %dma_wait3A_35 = arith.constant 0 : i32
      %dma_wait3A_36 = tpu.memref_slice %arg12[%dma_wait3A_35] : memref<10016xi32, #tpu.memory_space<vmem>> -> memref<10000xi32, #tpu.memory_space<vmem>>
      tpu.wait_dma2 semaphore(%run_scoped3A : memref<!tpu.dma_semaphore, #tpu.memory_space<semaphore_mem>>) src(%dma_wait3A_36 : memref<10000xi32, #tpu.memory_space<vmem>>) dst(%dma_wait3A_34 : memref<10000xi32, #tpu.memory_space<hbm>>)
      tpu.yield
    }) : () -> ()
    "tpu.region"() ({
      %run_scoped3A = tpu.sem_alloc : memref<!tpu.dma_semaphore, #tpu.memory_space<semaphore_mem>>
      %dma_start3A = arith.constant 0 : i32
      %dma_start3A_27 = tpu.memref_slice %arg14[%dma_start3A] : memref<10016xi32, #tpu.memory_space<vmem>> -> memref<10000xi32, #tpu.memory_space<vmem>>
      %dma_start3A_28 = tpu.memref_slice %arg8[%mul3A_2] : memref<320000xi32, #tpu.memory_space<hbm>> -> memref<10000xi32, #tpu.memory_space<hbm>>
      %dma_start3A_29 = tpu.memref_slice %arg8[%mul3A_2] : memref<320000xi32, #tpu.memory_space<hbm>> -> memref<10000xi32, #tpu.memory_space<hbm>>
      %dma_start3A_30 = arith.constant 0 : i32
      %dma_start3A_31 = tpu.memref_slice %arg14[%dma_start3A_30] : memref<10016xi32, #tpu.memory_space<vmem>> -> memref<10000xi32, #tpu.memory_space<vmem>>
      tpu.enqueue_dma source(%dma_start3A_31 : memref<10000xi32, #tpu.memory_space<vmem>>) target(%dma_start3A_29 : memref<10000xi32, #tpu.memory_space<hbm>>) target_semaphore(%run_scoped3A : memref<!tpu.dma_semaphore, #tpu.memory_space<semaphore_mem>>)
      %dma_wait3A = arith.constant 0 : i32
      %dma_wait3A_32 = tpu.memref_slice %arg14[%dma_wait3A] : memref<10016xi32, #tpu.memory_space<vmem>> -> memref<10000xi32, #tpu.memory_space<vmem>>
      %dma_wait3A_33 = tpu.memref_slice %arg8[%mul3A_2] : memref<320000xi32, #tpu.memory_space<hbm>> -> memref<10000xi32, #tpu.memory_space<hbm>>
      %dma_wait3A_34 = tpu.memref_slice %arg8[%mul3A_2] : memref<320000xi32, #tpu.memory_space<hbm>> -> memref<10000xi32, #tpu.memory_space<hbm>>
      %dma_wait3A_35 = arith.constant 0 : i32
      %dma_wait3A_36 = tpu.memref_slice %arg14[%dma_wait3A_35] : memref<10016xi32, #tpu.memory_space<vmem>> -> memref<10000xi32, #tpu.memory_space<vmem>>
      tpu.wait_dma2 semaphore(%run_scoped3A : memref<!tpu.dma_semaphore, #tpu.memory_space<semaphore_mem>>) src(%dma_wait3A_36 : memref<10000xi32, #tpu.memory_space<vmem>>) dst(%dma_wait3A_34 : memref<10000xi32, #tpu.memory_space<hbm>>)
      tpu.yield
    }) : () -> ()
    "tpu.region"() ({
      %run_scoped3A = tpu.sem_alloc : memref<!tpu.dma_semaphore, #tpu.memory_space<semaphore_mem>>
      %dma_start3A = arith.constant 0 : i32
      %dma_start3A_27 = tpu.memref_slice %arg13[%dma_start3A] : memref<10016xi32, #tpu.memory_space<vmem>> -> memref<10000xi32, #tpu.memory_space<vmem>>
      %dma_start3A_28 = tpu.memref_slice %arg9[%mul3A_2] : memref<320000xi32, #tpu.memory_space<hbm>> -> memref<10000xi32, #tpu.memory_space<hbm>>
      %dma_start3A_29 = tpu.memref_slice %arg9[%mul3A_2] : memref<320000xi32, #tpu.memory_space<hbm>> -> memref<10000xi32, #tpu.memory_space<hbm>>
      %dma_start3A_30 = arith.constant 0 : i32
      %dma_start3A_31 = tpu.memref_slice %arg13[%dma_start3A_30] : memref<10016xi32, #tpu.memory_space<vmem>> -> memref<10000xi32, #tpu.memory_space<vmem>>
      tpu.enqueue_dma source(%dma_start3A_31 : memref<10000xi32, #tpu.memory_space<vmem>>) target(%dma_start3A_29 : memref<10000xi32, #tpu.memory_space<hbm>>) target_semaphore(%run_scoped3A : memref<!tpu.dma_semaphore, #tpu.memory_space<semaphore_mem>>)
      %dma_wait3A = arith.constant 0 : i32
      %dma_wait3A_32 = tpu.memref_slice %arg13[%dma_wait3A] : memref<10016xi32, #tpu.memory_space<vmem>> -> memref<10000xi32, #tpu.memory_space<vmem>>
      %dma_wait3A_33 = tpu.memref_slice %arg9[%mul3A_2] : memref<320000xi32, #tpu.memory_space<hbm>> -> memref<10000xi32, #tpu.memory_space<hbm>>
      %dma_wait3A_34 = tpu.memref_slice %arg9[%mul3A_2] : memref<320000xi32, #tpu.memory_space<hbm>> -> memref<10000xi32, #tpu.memory_space<hbm>>
      %dma_wait3A_35 = arith.constant 0 : i32
      %dma_wait3A_36 = tpu.memref_slice %arg13[%dma_wait3A_35] : memref<10016xi32, #tpu.memory_space<vmem>> -> memref<10000xi32, #tpu.memory_space<vmem>>
      tpu.wait_dma2 semaphore(%run_scoped3A : memref<!tpu.dma_semaphore, #tpu.memory_space<semaphore_mem>>) src(%dma_wait3A_36 : memref<10000xi32, #tpu.memory_space<vmem>>) dst(%dma_wait3A_34 : memref<10000xi32, #tpu.memory_space<hbm>>)
      tpu.yield
    }) : () -> ()
    "tpu.region"() ({
      %run_scoped3A = tpu.sem_alloc : memref<!tpu.dma_semaphore, #tpu.memory_space<semaphore_mem>>
      %dma_start3A = arith.constant 0 : i32
      %dma_start3A_27 = tpu.memref_slice %arg15[%dma_start3A] : memref<10016xi32, #tpu.memory_space<vmem>> -> memref<10000xi32, #tpu.memory_space<vmem>>
      %dma_start3A_28 = tpu.memref_slice %arg10[%mul3A_2] : memref<320000xi32, #tpu.memory_space<hbm>> -> memref<10000xi32, #tpu.memory_space<hbm>>
      %dma_start3A_29 = tpu.memref_slice %arg10[%mul3A_2] : memref<320000xi32, #tpu.memory_space<hbm>> -> memref<10000xi32, #tpu.memory_space<hbm>>
      %dma_start3A_30 = arith.constant 0 : i32
      %dma_start3A_31 = tpu.memref_slice %arg15[%dma_start3A_30] : memref<10016xi32, #tpu.memory_space<vmem>> -> memref<10000xi32, #tpu.memory_space<vmem>>
      tpu.enqueue_dma source(%dma_start3A_31 : memref<10000xi32, #tpu.memory_space<vmem>>) target(%dma_start3A_29 : memref<10000xi32, #tpu.memory_space<hbm>>) target_semaphore(%run_scoped3A : memref<!tpu.dma_semaphore, #tpu.memory_space<semaphore_mem>>)
      %dma_wait3A = arith.constant 0 : i32
      %dma_wait3A_32 = tpu.memref_slice %arg15[%dma_wait3A] : memref<10016xi32, #tpu.memory_space<vmem>> -> memref<10000xi32, #tpu.memory_space<vmem>>
      %dma_wait3A_33 = tpu.memref_slice %arg10[%mul3A_2] : memref<320000xi32, #tpu.memory_space<hbm>> -> memref<10000xi32, #tpu.memory_space<hbm>>
      %dma_wait3A_34 = tpu.memref_slice %arg10[%mul3A_2] : memref<320000xi32, #tpu.memory_space<hbm>> -> memref<10000xi32, #tpu.memory_space<hbm>>
      %dma_wait3A_35 = arith.constant 0 : i32
      %dma_wait3A_36 = tpu.memref_slice %arg15[%dma_wait3A_35] : memref<10016xi32, #tpu.memory_space<vmem>> -> memref<10000xi32, #tpu.memory_space<vmem>>
      tpu.wait_dma2 semaphore(%run_scoped3A : memref<!tpu.dma_semaphore, #tpu.memory_space<semaphore_mem>>) src(%dma_wait3A_36 : memref<10000xi32, #tpu.memory_space<vmem>>) dst(%dma_wait3A_34 : memref<10000xi32, #tpu.memory_space<hbm>>)
      tpu.yield
    }) : () -> ()
    return
  }
}

#map = affine_map<(d0, d1) -> (0)>
#map1 = affine_map<(d0, d1) -> (0, 0)>
module attributes {stable_mosaic.version = 14 : i64} {
  func.func @_b1(%arg0: i32, %arg1: i32, %arg2: memref<320000xf32, #tpu.memory_space<hbm>>, %arg3: memref<320000xi32, #tpu.memory_space<hbm>>, %arg4: memref<320000xi32, #tpu.memory_space<hbm>>, %arg5: memref<328192xi32, #tpu.memory_space<hbm>>, %arg6: memref<328192xi32, #tpu.memory_space<hbm>>, %arg7: memref<328192xi32, #tpu.memory_space<hbm>>, %arg8: memref<328192xi32, #tpu.memory_space<hbm>>, %arg9: memref<32x16xi32, #tpu.memory_space<hbm>>, %arg10: memref<10000xf32, #tpu.memory_space<vmem>>, %arg11: memref<10000xi32, #tpu.memory_space<vmem>>, %arg12: memref<10000xi32, #tpu.memory_space<vmem>>, %arg13: memref<10016xi32, #tpu.memory_space<vmem>>, %arg14: memref<10016xi32, #tpu.memory_space<vmem>>, %arg15: memref<10016xi32, #tpu.memory_space<vmem>>, %arg16: memref<10016xi32, #tpu.memory_space<vmem>>, %arg17: memref<16xi32, #tpu.memory_space<vmem>>) attributes {dimension_semantics = [#tpu.dimension_semantics<core_parallel>, #tpu.dimension_semantics<subcore_parallel>], iteration_bounds = array<i64: 2, 16>, scalar_prefetch = 0 : i64, scratch_operands = 8 : i64, tpu.core_type = #tpu.core_type<sc_vector_subcore>, window_params = [{transform_indices = #map}, {transform_indices = #map}, {transform_indices = #map}, {transform_indices = #map}, {transform_indices = #map}, {transform_indices = #map}, {transform_indices = #map}, {transform_indices = #map1}]} {
    %mul3A = arith.constant 2 : i32
    %mul3A_0 = arith.muli %arg1, %mul3A : i32
    %add3A = arith.addi %mul3A_0, %arg0 : i32
    %mul3A_1 = arith.constant 10000 : i32
    %mul3A_2 = arith.muli %add3A, %mul3A_1 : i32
    "tpu.region"() ({
      %run_scoped3A = tpu.sem_alloc : memref<!tpu.dma_semaphore, #tpu.memory_space<semaphore_mem>>
      %dma_start3A = tpu.memref_slice %arg2[%mul3A_2] : memref<320000xf32, #tpu.memory_space<hbm>> -> memref<10000xf32, #tpu.memory_space<hbm>>
      %dma_start3A_13 = tpu.memref_slice %arg2[%mul3A_2] : memref<320000xf32, #tpu.memory_space<hbm>> -> memref<10000xf32, #tpu.memory_space<hbm>>
      tpu.enqueue_dma source(%dma_start3A_13 : memref<10000xf32, #tpu.memory_space<hbm>>) target(%arg10 : memref<10000xf32, #tpu.memory_space<vmem>>) target_semaphore(%run_scoped3A : memref<!tpu.dma_semaphore, #tpu.memory_space<semaphore_mem>>)
      %dma_wait3A = tpu.memref_slice %arg2[%mul3A_2] : memref<320000xf32, #tpu.memory_space<hbm>> -> memref<10000xf32, #tpu.memory_space<hbm>>
      %dma_wait3A_14 = tpu.memref_slice %arg2[%mul3A_2] : memref<320000xf32, #tpu.memory_space<hbm>> -> memref<10000xf32, #tpu.memory_space<hbm>>
      tpu.wait_dma2 semaphore(%run_scoped3A : memref<!tpu.dma_semaphore, #tpu.memory_space<semaphore_mem>>) src(%dma_wait3A_14 : memref<10000xf32, #tpu.memory_space<hbm>>) dst(%arg10 : memref<10000xf32, #tpu.memory_space<vmem>>)
      tpu.yield
    }) : () -> ()
    "tpu.region"() ({
      %run_scoped3A = tpu.sem_alloc : memref<!tpu.dma_semaphore, #tpu.memory_space<semaphore_mem>>
      %dma_start3A = tpu.memref_slice %arg3[%mul3A_2] : memref<320000xi32, #tpu.memory_space<hbm>> -> memref<10000xi32, #tpu.memory_space<hbm>>
      %dma_start3A_13 = tpu.memref_slice %arg3[%mul3A_2] : memref<320000xi32, #tpu.memory_space<hbm>> -> memref<10000xi32, #tpu.memory_space<hbm>>
      tpu.enqueue_dma source(%dma_start3A_13 : memref<10000xi32, #tpu.memory_space<hbm>>) target(%arg11 : memref<10000xi32, #tpu.memory_space<vmem>>) target_semaphore(%run_scoped3A : memref<!tpu.dma_semaphore, #tpu.memory_space<semaphore_mem>>)
      %dma_wait3A = tpu.memref_slice %arg3[%mul3A_2] : memref<320000xi32, #tpu.memory_space<hbm>> -> memref<10000xi32, #tpu.memory_space<hbm>>
      %dma_wait3A_14 = tpu.memref_slice %arg3[%mul3A_2] : memref<320000xi32, #tpu.memory_space<hbm>> -> memref<10000xi32, #tpu.memory_space<hbm>>
      tpu.wait_dma2 semaphore(%run_scoped3A : memref<!tpu.dma_semaphore, #tpu.memory_space<semaphore_mem>>) src(%dma_wait3A_14 : memref<10000xi32, #tpu.memory_space<hbm>>) dst(%arg11 : memref<10000xi32, #tpu.memory_space<vmem>>)
      tpu.yield
    }) : () -> ()
    "tpu.region"() ({
      %run_scoped3A = tpu.sem_alloc : memref<!tpu.dma_semaphore, #tpu.memory_space<semaphore_mem>>
      %dma_start3A = tpu.memref_slice %arg4[%mul3A_2] : memref<320000xi32, #tpu.memory_space<hbm>> -> memref<10000xi32, #tpu.memory_space<hbm>>
      %dma_start3A_13 = tpu.memref_slice %arg4[%mul3A_2] : memref<320000xi32, #tpu.memory_space<hbm>> -> memref<10000xi32, #tpu.memory_space<hbm>>
      tpu.enqueue_dma source(%dma_start3A_13 : memref<10000xi32, #tpu.memory_space<hbm>>) target(%arg12 : memref<10000xi32, #tpu.memory_space<vmem>>) target_semaphore(%run_scoped3A : memref<!tpu.dma_semaphore, #tpu.memory_space<semaphore_mem>>)
      %dma_wait3A = tpu.memref_slice %arg4[%mul3A_2] : memref<320000xi32, #tpu.memory_space<hbm>> -> memref<10000xi32, #tpu.memory_space<hbm>>
      %dma_wait3A_14 = tpu.memref_slice %arg4[%mul3A_2] : memref<320000xi32, #tpu.memory_space<hbm>> -> memref<10000xi32, #tpu.memory_space<hbm>>
      tpu.wait_dma2 semaphore(%run_scoped3A : memref<!tpu.dma_semaphore, #tpu.memory_space<semaphore_mem>>) src(%dma_wait3A_14 : memref<10000xi32, #tpu.memory_space<hbm>>) dst(%arg12 : memref<10000xi32, #tpu.memory_space<vmem>>)
      tpu.yield
    }) : () -> ()
    %iota3A = tpu.iota {dimensions = array<i32: 0>} : vector<16xi32>
    %broadcast_in_dim3A = arith.constant 0 : i32
    %broadcast_in_dim3A_3 = vector.broadcast %broadcast_in_dim3A : i32 to vector<16xi32>
    %scan3A = arith.constant 0 : i32
    %scan3A_4 = arith.constant 625 : i32
    %scan3A_5 = arith.addi %scan3A, %scan3A_4 : i32
    %scan3A_6 = arith.constant 1 : i32
    %scan3A_7 = scf.for %scan3A_13 = %scan3A to %scan3A_5 step %scan3A_6 iter_args(%scan3A_14 = %broadcast_in_dim3A_3) -> (vector<16xi32>)  : i32 {
      %mul3A_15 = arith.constant 16 : i32
      %mul3A_16 = arith.muli %scan3A_13, %mul3A_15 : i32
      %get3A = arith.index_cast %mul3A_16 : i32 to index
      %get3A_17 = tpu.vector_load %arg10[%get3A] {strides = array<i32>} : memref<10000xf32, #tpu.memory_space<vmem>>, vector<16xf32>,
      %gt3A = arith.constant 0.000000e+00 : f32
      %gt3A_18 = vector.broadcast %gt3A : f32 to vector<16xf32>
      %gt3A_19 = arith.cmpf ogt, %get3A_17, %gt3A_18 : vector<16xf32>
      %convert_element_type3A = arith.extui %gt3A_19 : vector<16xi1> to vector<16xi32>
      %broadcast_in_dim3A_20 = arith.constant true
      %broadcast_in_dim3A_21 = vector.broadcast %broadcast_in_dim3A_20 : i1 to vector<16xi1>
      %masked_cumsum3A = tpu.scan <sum>, %convert_element_type3A masked %broadcast_in_dim3A_21 : vector<16xi32>, vector<16xi1> -> vector<16xi32>
      %sub3A = arith.subi %masked_cumsum3A, %convert_element_type3A : vector<16xi32>
      %add3A_22 = arith.addi %scan3A_14, %sub3A : vector<16xi32>
      %add3A_23 = arith.addi %mul3A_2, %mul3A_16 : i32
      %add3A_24 = vector.broadcast %add3A_23 : i32 to vector<16xi32>
      %add3A_25 = arith.addi %add3A_24, %iota3A : vector<16xi32>
      tpu.vector_store_idx %arg13[%add3A_22], %add3A_25 masked %gt3A_19 : memref<10016xi32, #tpu.memory_space<vmem>>[vector<16xi32>], vector<16xi32>, vector<16xi1>
      %get3A_26 = arith.index_cast %mul3A_16 : i32 to index
      %get3A_27 = tpu.vector_load %arg11[%get3A_26] {strides = array<i32>} : memref<10000xi32, #tpu.memory_space<vmem>>, vector<16xi32>,
      tpu.vector_store_idx %arg14[%add3A_22], %get3A_27 masked %gt3A_19 : memref<10016xi32, #tpu.memory_space<vmem>>[vector<16xi32>], vector<16xi32>, vector<16xi1>
      %get3A_28 = arith.index_cast %mul3A_16 : i32 to index
      %get3A_29 = tpu.vector_load %arg12[%get3A_28] {strides = array<i32>} : memref<10000xi32, #tpu.memory_space<vmem>>, vector<16xi32>,
      tpu.vector_store_idx %arg15[%add3A_22], %get3A_29 masked %gt3A_19 : memref<10016xi32, #tpu.memory_space<vmem>>[vector<16xi32>], vector<16xi32>, vector<16xi1>
      %bitcast3A = vector.bitcast %get3A_17 : vector<16xf32> to vector<16xi32>
      tpu.vector_store_idx %arg16[%add3A_22], %bitcast3A masked %gt3A_19 : memref<10016xi32, #tpu.memory_space<vmem>>[vector<16xi32>], vector<16xi32>, vector<16xi1>
      %all_reduce_population_count3A = tpu.all_reduce %gt3A_19 {dim = 0 : i64, kind = #tpu.reduction_kind<sum>} : vector<16xi1> -> vector<16xi32>
      %add3A_30 = arith.addi %scan3A_14, %all_reduce_population_count3A : vector<16xi32>
      scf.yield %add3A_30 : vector<16xi32>
    }
    %scan3A_8 = arith.constant 625 : i32
    "tpu.region"() ({
      %run_scoped3A = tpu.sem_alloc : memref<!tpu.dma_semaphore, #tpu.memory_space<semaphore_mem>>
      %dma_start3A = arith.constant 0 : i32
      %dma_start3A_13 = tpu.memref_slice %arg13[%dma_start3A] : memref<10016xi32, #tpu.memory_space<vmem>> -> memref<10000xi32, #tpu.memory_space<vmem>>
      %dma_start3A_14 = tpu.memref_slice %arg5[%mul3A_2] : memref<328192xi32, #tpu.memory_space<hbm>> -> memref<10000xi32, #tpu.memory_space<hbm>>
      %dma_start3A_15 = tpu.memref_slice %arg5[%mul3A_2] : memref<328192xi32, #tpu.memory_space<hbm>> -> memref<10000xi32, #tpu.memory_space<hbm>>
      %dma_start3A_16 = arith.constant 0 : i32
      %dma_start3A_17 = tpu.memref_slice %arg13[%dma_start3A_16] : memref<10016xi32, #tpu.memory_space<vmem>> -> memref<10000xi32, #tpu.memory_space<vmem>>
      tpu.enqueue_dma source(%dma_start3A_17 : memref<10000xi32, #tpu.memory_space<vmem>>) target(%dma_start3A_15 : memref<10000xi32, #tpu.memory_space<hbm>>) target_semaphore(%run_scoped3A : memref<!tpu.dma_semaphore, #tpu.memory_space<semaphore_mem>>)
      %dma_wait3A = arith.constant 0 : i32
      %dma_wait3A_18 = tpu.memref_slice %arg13[%dma_wait3A] : memref<10016xi32, #tpu.memory_space<vmem>> -> memref<10000xi32, #tpu.memory_space<vmem>>
      %dma_wait3A_19 = tpu.memref_slice %arg5[%mul3A_2] : memref<328192xi32, #tpu.memory_space<hbm>> -> memref<10000xi32, #tpu.memory_space<hbm>>
      %dma_wait3A_20 = tpu.memref_slice %arg5[%mul3A_2] : memref<328192xi32, #tpu.memory_space<hbm>> -> memref<10000xi32, #tpu.memory_space<hbm>>
      %dma_wait3A_21 = arith.constant 0 : i32
      %dma_wait3A_22 = tpu.memref_slice %arg13[%dma_wait3A_21] : memref<10016xi32, #tpu.memory_space<vmem>> -> memref<10000xi32, #tpu.memory_space<vmem>>
      tpu.wait_dma2 semaphore(%run_scoped3A : memref<!tpu.dma_semaphore, #tpu.memory_space<semaphore_mem>>) src(%dma_wait3A_22 : memref<10000xi32, #tpu.memory_space<vmem>>) dst(%dma_wait3A_20 : memref<10000xi32, #tpu.memory_space<hbm>>)
      tpu.yield
    }) : () -> ()
    "tpu.region"() ({
      %run_scoped3A = tpu.sem_alloc : memref<!tpu.dma_semaphore, #tpu.memory_space<semaphore_mem>>
      %dma_start3A = arith.constant 0 : i32
      %dma_start3A_13 = tpu.memref_slice %arg14[%dma_start3A] : memref<10016xi32, #tpu.memory_space<vmem>> -> memref<10000xi32, #tpu.memory_space<vmem>>
      %dma_start3A_14 = tpu.memref_slice %arg6[%mul3A_2] : memref<328192xi32, #tpu.memory_space<hbm>> -> memref<10000xi32, #tpu.memory_space<hbm>>
      %dma_start3A_15 = tpu.memref_slice %arg6[%mul3A_2] : memref<328192xi32, #tpu.memory_space<hbm>> -> memref<10000xi32, #tpu.memory_space<hbm>>
      %dma_start3A_16 = arith.constant 0 : i32
      %dma_start3A_17 = tpu.memref_slice %arg14[%dma_start3A_16] : memref<10016xi32, #tpu.memory_space<vmem>> -> memref<10000xi32, #tpu.memory_space<vmem>>
      tpu.enqueue_dma source(%dma_start3A_17 : memref<10000xi32, #tpu.memory_space<vmem>>) target(%dma_start3A_15 : memref<10000xi32, #tpu.memory_space<hbm>>) target_semaphore(%run_scoped3A : memref<!tpu.dma_semaphore, #tpu.memory_space<semaphore_mem>>)
      %dma_wait3A = arith.constant 0 : i32
      %dma_wait3A_18 = tpu.memref_slice %arg14[%dma_wait3A] : memref<10016xi32, #tpu.memory_space<vmem>> -> memref<10000xi32, #tpu.memory_space<vmem>>
      %dma_wait3A_19 = tpu.memref_slice %arg6[%mul3A_2] : memref<328192xi32, #tpu.memory_space<hbm>> -> memref<10000xi32, #tpu.memory_space<hbm>>
      %dma_wait3A_20 = tpu.memref_slice %arg6[%mul3A_2] : memref<328192xi32, #tpu.memory_space<hbm>> -> memref<10000xi32, #tpu.memory_space<hbm>>
      %dma_wait3A_21 = arith.constant 0 : i32
      %dma_wait3A_22 = tpu.memref_slice %arg14[%dma_wait3A_21] : memref<10016xi32, #tpu.memory_space<vmem>> -> memref<10000xi32, #tpu.memory_space<vmem>>
      tpu.wait_dma2 semaphore(%run_scoped3A : memref<!tpu.dma_semaphore, #tpu.memory_space<semaphore_mem>>) src(%dma_wait3A_22 : memref<10000xi32, #tpu.memory_space<vmem>>) dst(%dma_wait3A_20 : memref<10000xi32, #tpu.memory_space<hbm>>)
      tpu.yield
    }) : () -> ()
    "tpu.region"() ({
      %run_scoped3A = tpu.sem_alloc : memref<!tpu.dma_semaphore, #tpu.memory_space<semaphore_mem>>
      %dma_start3A = arith.constant 0 : i32
      %dma_start3A_13 = tpu.memref_slice %arg15[%dma_start3A] : memref<10016xi32, #tpu.memory_space<vmem>> -> memref<10000xi32, #tpu.memory_space<vmem>>
      %dma_start3A_14 = tpu.memref_slice %arg7[%mul3A_2] : memref<328192xi32, #tpu.memory_space<hbm>> -> memref<10000xi32, #tpu.memory_space<hbm>>
      %dma_start3A_15 = tpu.memref_slice %arg7[%mul3A_2] : memref<328192xi32, #tpu.memory_space<hbm>> -> memref<10000xi32, #tpu.memory_space<hbm>>
      %dma_start3A_16 = arith.constant 0 : i32
      %dma_start3A_17 = tpu.memref_slice %arg15[%dma_start3A_16] : memref<10016xi32, #tpu.memory_space<vmem>> -> memref<10000xi32, #tpu.memory_space<vmem>>
      tpu.enqueue_dma source(%dma_start3A_17 : memref<10000xi32, #tpu.memory_space<vmem>>) target(%dma_start3A_15 : memref<10000xi32, #tpu.memory_space<hbm>>) target_semaphore(%run_scoped3A : memref<!tpu.dma_semaphore, #tpu.memory_space<semaphore_mem>>)
      %dma_wait3A = arith.constant 0 : i32
      %dma_wait3A_18 = tpu.memref_slice %arg15[%dma_wait3A] : memref<10016xi32, #tpu.memory_space<vmem>> -> memref<10000xi32, #tpu.memory_space<vmem>>
      %dma_wait3A_19 = tpu.memref_slice %arg7[%mul3A_2] : memref<328192xi32, #tpu.memory_space<hbm>> -> memref<10000xi32, #tpu.memory_space<hbm>>
      %dma_wait3A_20 = tpu.memref_slice %arg7[%mul3A_2] : memref<328192xi32, #tpu.memory_space<hbm>> -> memref<10000xi32, #tpu.memory_space<hbm>>
      %dma_wait3A_21 = arith.constant 0 : i32
      %dma_wait3A_22 = tpu.memref_slice %arg15[%dma_wait3A_21] : memref<10016xi32, #tpu.memory_space<vmem>> -> memref<10000xi32, #tpu.memory_space<vmem>>
      tpu.wait_dma2 semaphore(%run_scoped3A : memref<!tpu.dma_semaphore, #tpu.memory_space<semaphore_mem>>) src(%dma_wait3A_22 : memref<10000xi32, #tpu.memory_space<vmem>>) dst(%dma_wait3A_20 : memref<10000xi32, #tpu.memory_space<hbm>>)
      tpu.yield
    }) : () -> ()
    "tpu.region"() ({
      %run_scoped3A = tpu.sem_alloc : memref<!tpu.dma_semaphore, #tpu.memory_space<semaphore_mem>>
      %dma_start3A = arith.constant 0 : i32
      %dma_start3A_13 = tpu.memref_slice %arg16[%dma_start3A] : memref<10016xi32, #tpu.memory_space<vmem>> -> memref<10000xi32, #tpu.memory_space<vmem>>
      %dma_start3A_14 = tpu.memref_slice %arg8[%mul3A_2] : memref<328192xi32, #tpu.memory_space<hbm>> -> memref<10000xi32, #tpu.memory_space<hbm>>
      %dma_start3A_15 = tpu.memref_slice %arg8[%mul3A_2] : memref<328192xi32, #tpu.memory_space<hbm>> -> memref<10000xi32, #tpu.memory_space<hbm>>
      %dma_start3A_16 = arith.constant 0 : i32
      %dma_start3A_17 = tpu.memref_slice %arg16[%dma_start3A_16] : memref<10016xi32, #tpu.memory_space<vmem>> -> memref<10000xi32, #tpu.memory_space<vmem>>
      tpu.enqueue_dma source(%dma_start3A_17 : memref<10000xi32, #tpu.memory_space<vmem>>) target(%dma_start3A_15 : memref<10000xi32, #tpu.memory_space<hbm>>) target_semaphore(%run_scoped3A : memref<!tpu.dma_semaphore, #tpu.memory_space<semaphore_mem>>)
      %dma_wait3A = arith.constant 0 : i32
      %dma_wait3A_18 = tpu.memref_slice %arg16[%dma_wait3A] : memref<10016xi32, #tpu.memory_space<vmem>> -> memref<10000xi32, #tpu.memory_space<vmem>>
      %dma_wait3A_19 = tpu.memref_slice %arg8[%mul3A_2] : memref<328192xi32, #tpu.memory_space<hbm>> -> memref<10000xi32, #tpu.memory_space<hbm>>
      %dma_wait3A_20 = tpu.memref_slice %arg8[%mul3A_2] : memref<328192xi32, #tpu.memory_space<hbm>> -> memref<10000xi32, #tpu.memory_space<hbm>>
      %dma_wait3A_21 = arith.constant 0 : i32
      %dma_wait3A_22 = tpu.memref_slice %arg16[%dma_wait3A_21] : memref<10016xi32, #tpu.memory_space<vmem>> -> memref<10000xi32, #tpu.memory_space<vmem>>
      tpu.wait_dma2 semaphore(%run_scoped3A : memref<!tpu.dma_semaphore, #tpu.memory_space<semaphore_mem>>) src(%dma_wait3A_22 : memref<10000xi32, #tpu.memory_space<vmem>>) dst(%dma_wait3A_20 : memref<10000xi32, #tpu.memory_space<hbm>>)
      tpu.yield
    }) : () -> ()
    %eq3A = arith.constant 0 : i32
    %eq3A_9 = vector.broadcast %eq3A : i32 to vector<16xi32>
    %eq3A_10 = arith.cmpi eq, %iota3A, %eq3A_9 : vector<16xi32>
    %jit3A = arith.constant 0 : i32
    %broadcast_in_dim3A_11 = vector.broadcast %jit3A : i32 to vector<16xi32>
    %select_n3A = arith.select %eq3A_10, %scan3A_7, %broadcast_in_dim3A_11 : vector<16xi1>, vector<16xi32>
    %swap3A = arith.constant 0 : index
    %swap3A_12 = tpu.vector_load %arg17[%swap3A] {strides = array<i32>} : memref<16xi32, #tpu.memory_space<vmem>>, vector<16xi32>,
    tpu.vector_store %arg17[%swap3A], %select_n3A {strides = array<i32>} : memref<16xi32, #tpu.memory_space<vmem>>, vector<16xi32>,
    "tpu.region"() ({
      %run_scoped3A = tpu.sem_alloc : memref<!tpu.dma_semaphore, #tpu.memory_space<semaphore_mem>>
      %dma_start3A = arith.constant 0 : i32
      %dma_start3A_13 = tpu.memref_slice %arg9[%add3A, %dma_start3A] : memref<32x16xi32, #tpu.memory_space<hbm>> -> memref<1x16xi32, #tpu.memory_space<hbm>>
      %dma_start3A_14 = tpu.memref_squeeze %dma_start3A_13 : memref<1x16xi32, #tpu.memory_space<hbm>> -> memref<16xi32, #tpu.memory_space<hbm>>
      %dma_start3A_15 = arith.constant 0 : i32
      %dma_start3A_16 = tpu.memref_slice %arg9[%add3A, %dma_start3A_15] : memref<32x16xi32, #tpu.memory_space<hbm>> -> memref<1x16xi32, #tpu.memory_space<hbm>>
      %dma_start3A_17 = tpu.memref_squeeze %dma_start3A_16 : memref<1x16xi32, #tpu.memory_space<hbm>> -> memref<16xi32, #tpu.memory_space<hbm>>
      tpu.enqueue_dma source(%arg17 : memref<16xi32, #tpu.memory_space<vmem>>) target(%dma_start3A_17 : memref<16xi32, #tpu.memory_space<hbm>>) target_semaphore(%run_scoped3A : memref<!tpu.dma_semaphore, #tpu.memory_space<semaphore_mem>>)
      %dma_wait3A = arith.constant 0 : i32
      %dma_wait3A_18 = tpu.memref_slice %arg9[%add3A, %dma_wait3A] : memref<32x16xi32, #tpu.memory_space<hbm>> -> memref<1x16xi32, #tpu.memory_space<hbm>>
      %dma_wait3A_19 = tpu.memref_squeeze %dma_wait3A_18 : memref<1x16xi32, #tpu.memory_space<hbm>> -> memref<16xi32, #tpu.memory_space<hbm>>
      %dma_wait3A_20 = arith.constant 0 : i32
      %dma_wait3A_21 = tpu.memref_slice %arg9[%add3A, %dma_wait3A_20] : memref<32x16xi32, #tpu.memory_space<hbm>> -> memref<1x16xi32, #tpu.memory_space<hbm>>
      %dma_wait3A_22 = tpu.memref_squeeze %dma_wait3A_21 : memref<1x16xi32, #tpu.memory_space<hbm>> -> memref<16xi32, #tpu.memory_space<hbm>>
      tpu.wait_dma2 semaphore(%run_scoped3A : memref<!tpu.dma_semaphore, #tpu.memory_space<semaphore_mem>>) src(%arg17 : memref<16xi32, #tpu.memory_space<vmem>>) dst(%dma_wait3A_22 : memref<16xi32, #tpu.memory_space<hbm>>)
      tpu.yield
    }) : () -> ()
    return
  }
}

#map = affine_map<(d0, d1) -> (0, 0)>
#map1 = affine_map<(d0, d1) -> (0)>
module attributes {stable_mosaic.version = 14 : i64} {
  func.func @_k0(%arg0: i32, %arg1: i32, %arg2: memref<10000x128xf32, #tpu.memory_space<hbm>>, %arg3: memref<320000xi32, #tpu.memory_space<hbm>>, %arg4: memref<320000xi32, #tpu.memory_space<hbm>>, %arg5: memref<321536x128xf32, #tpu.memory_space<hbm>>, %arg6: memref<321536x128xf32, #tpu.memory_space<hbm>>, %arg7: memref<1000xi32, #tpu.memory_space<vmem>>, %arg8: memref<1000x128xf32, #tpu.memory_space<vmem>>, %arg9: memref<!tpu.dma_semaphore, #tpu.memory_space<semaphore_mem>>) attributes {dimension_semantics = [#tpu.dimension_semantics<core_parallel>, #tpu.dimension_semantics<subcore_parallel>], iteration_bounds = array<i64: 2, 16>, scalar_prefetch = 0 : i64, scratch_operands = 3 : i64, tpu.core_type = #tpu.core_type<sc_vector_subcore>, window_params = [{transform_indices = #map}, {transform_indices = #map1}, {transform_indices = #map1}, {transform_indices = #map}, {transform_indices = #map}]} {
    %mul3A = arith.constant 2 : i32
    %mul3A_0 = arith.muli %arg1, %mul3A : i32
    %add3A = arith.addi %mul3A_0, %arg0 : i32
    %mul3A_1 = arith.constant 10000 : i32
    %mul3A_2 = arith.muli %add3A, %mul3A_1 : i32
    %scan3A = arith.constant 0 : i32
    %scan3A_3 = arith.constant 0 : i32
    %scan3A_4 = arith.constant 10 : i32
    %scan3A_5 = arith.addi %scan3A_3, %scan3A_4 : i32
    %scan3A_6 = arith.constant 1 : i32
    %scan3A_7 = scf.for %scan3A_21 = %scan3A_3 to %scan3A_5 step %scan3A_6 iter_args(%scan3A_22 = %scan3A) -> (i32)  : i32 {
      %mul3A_23 = arith.constant 1000 : i32
      %mul3A_24 = arith.muli %scan3A_21, %mul3A_23 : i32
      %add3A_25 = arith.addi %mul3A_2, %mul3A_24 : i32
      "tpu.region"() ({
        %run_scoped3A = tpu.sem_alloc : memref<!tpu.dma_semaphore, #tpu.memory_space<semaphore_mem>>
        %dma_start3A_425 = tpu.memref_slice %arg3[%add3A_25] : memref<320000xi32, #tpu.memory_space<hbm>> -> memref<1000xi32, #tpu.memory_space<hbm>>
        %dma_start3A_426 = tpu.memref_slice %arg3[%add3A_25] : memref<320000xi32, #tpu.memory_space<hbm>> -> memref<1000xi32, #tpu.memory_space<hbm>>
        tpu.enqueue_dma source(%dma_start3A_426 : memref<1000xi32, #tpu.memory_space<hbm>>) target(%arg7 : memref<1000xi32, #tpu.memory_space<vmem>>) target_semaphore(%run_scoped3A : memref<!tpu.dma_semaphore, #tpu.memory_space<semaphore_mem>>)
        %dma_wait3A_427 = tpu.memref_slice %arg3[%add3A_25] : memref<320000xi32, #tpu.memory_space<hbm>> -> memref<1000xi32, #tpu.memory_space<hbm>>
        %dma_wait3A_428 = tpu.memref_slice %arg3[%add3A_25] : memref<320000xi32, #tpu.memory_space<hbm>> -> memref<1000xi32, #tpu.memory_space<hbm>>
        tpu.wait_dma2 semaphore(%run_scoped3A : memref<!tpu.dma_semaphore, #tpu.memory_space<semaphore_mem>>) src(%dma_wait3A_428 : memref<1000xi32, #tpu.memory_space<hbm>>) dst(%arg7 : memref<1000xi32, #tpu.memory_space<vmem>>)
        tpu.yield
      }) : () -> ()
      %dma_start3A = arith.constant 0 : i32
      %dma_start3A_26 = arith.constant 0 : i32
      %dma_start3A_27 = tpu.memref_slice %arg8[%dma_start3A, %dma_start3A_26] : memref<1000x128xf32, #tpu.memory_space<vmem>> -> memref<40x128xf32, #tpu.memory_space<vmem>>
      %dma_start3A_28 = arith.constant 0 : i32
      %dma_start3A_29 = tpu.memref_slice %arg7[%dma_start3A_28] : memref<1000xi32, #tpu.memory_space<vmem>> -> memref<40xi32, #tpu.memory_space<vmem>>
      %dma_start3A_30 = arith.constant 0 : i32
      %dma_start3A_31 = arith.constant 0 : i32
      %dma_start3A_32 = tpu.memref_slice %arg2[%dma_start3A_30, %dma_start3A_31] : memref<10000x128xf32, #tpu.memory_space<hbm>> -> memref<10000x128xf32, #tpu.memory_space<hbm>>
      tpu.enqueue_indirect_dma source(%dma_start3A_32 : memref<10000x128xf32, #tpu.memory_space<hbm>>) target(%dma_start3A_27 : memref<40x128xf32, #tpu.memory_space<vmem>>) offsets(%dma_start3A_29 : memref<40xi32, #tpu.memory_space<vmem>>) semaphore(%arg9 : memref<!tpu.dma_semaphore, #tpu.memory_space<semaphore_mem>>)
      %dma_start3A_33 = arith.constant 40 : i32
      %dma_start3A_34 = arith.constant 0 : i32
      %dma_start3A_35 = tpu.memref_slice %arg8[%dma_start3A_33, %dma_start3A_34] : memref<1000x128xf32, #tpu.memory_space<vmem>> -> memref<40x128xf32, #tpu.memory_space<vmem>>
      %dma_start3A_36 = arith.constant 40 : i32
      %dma_start3A_37 = tpu.memref_slice %arg7[%dma_start3A_36] : memref<1000xi32, #tpu.memory_space<vmem>> -> memref<40xi32, #tpu.memory_space<vmem>>
      %dma_start3A_38 = arith.constant 0 : i32
      %dma_start3A_39 = arith.constant 0 : i32
      %dma_start3A_40 = tpu.memref_slice %arg2[%dma_start3A_38, %dma_start3A_39] : memref<10000x128xf32, #tpu.memory_space<hbm>> -> memref<10000x128xf32, #tpu.memory_space<hbm>>
      tpu.enqueue_indirect_dma source(%dma_start3A_40 : memref<10000x128xf32, #tpu.memory_space<hbm>>) target(%dma_start3A_35 : memref<40x128xf32, #tpu.memory_space<vmem>>) offsets(%dma_start3A_37 : memref<40xi32, #tpu.memory_space<vmem>>) semaphore(%arg9 : memref<!tpu.dma_semaphore, #tpu.memory_space<semaphore_mem>>)
      %dma_start3A_41 = arith.constant 80 : i32
      %dma_start3A_42 = arith.constant 0 : i32
      %dma_start3A_43 = tpu.memref_slice %arg8[%dma_start3A_41, %dma_start3A_42] : memref<1000x128xf32, #tpu.memory_space<vmem>> -> memref<40x128xf32, #tpu.memory_space<vmem>>
      %dma_start3A_44 = arith.constant 80 : i32
      %dma_start3A_45 = tpu.memref_slice %arg7[%dma_start3A_44] : memref<1000xi32, #tpu.memory_space<vmem>> -> memref<40xi32, #tpu.memory_space<vmem>>
      %dma_start3A_46 = arith.constant 0 : i32
      %dma_start3A_47 = arith.constant 0 : i32
      %dma_start3A_48 = tpu.memref_slice %arg2[%dma_start3A_46, %dma_start3A_47] : memref<10000x128xf32, #tpu.memory_space<hbm>> -> memref<10000x128xf32, #tpu.memory_space<hbm>>
      tpu.enqueue_indirect_dma source(%dma_start3A_48 : memref<10000x128xf32, #tpu.memory_space<hbm>>) target(%dma_start3A_43 : memref<40x128xf32, #tpu.memory_space<vmem>>) offsets(%dma_start3A_45 : memref<40xi32, #tpu.memory_space<vmem>>) semaphore(%arg9 : memref<!tpu.dma_semaphore, #tpu.memory_space<semaphore_mem>>)
      %dma_start3A_49 = arith.constant 120 : i32
      %dma_start3A_50 = arith.constant 0 : i32
      %dma_start3A_51 = tpu.memref_slice %arg8[%dma_start3A_49, %dma_start3A_50] : memref<1000x128xf32, #tpu.memory_space<vmem>> -> memref<40x128xf32, #tpu.memory_space<vmem>>
      %dma_start3A_52 = arith.constant 120 : i32
      %dma_start3A_53 = tpu.memref_slice %arg7[%dma_start3A_52] : memref<1000xi32, #tpu.memory_space<vmem>> -> memref<40xi32, #tpu.memory_space<vmem>>
      %dma_start3A_54 = arith.constant 0 : i32
      %dma_start3A_55 = arith.constant 0 : i32
      %dma_start3A_56 = tpu.memref_slice %arg2[%dma_start3A_54, %dma_start3A_55] : memref<10000x128xf32, #tpu.memory_space<hbm>> -> memref<10000x128xf32, #tpu.memory_space<hbm>>
      tpu.enqueue_indirect_dma source(%dma_start3A_56 : memref<10000x128xf32, #tpu.memory_space<hbm>>) target(%dma_start3A_51 : memref<40x128xf32, #tpu.memory_space<vmem>>) offsets(%dma_start3A_53 : memref<40xi32, #tpu.memory_space<vmem>>) semaphore(%arg9 : memref<!tpu.dma_semaphore, #tpu.memory_space<semaphore_mem>>)
      %dma_start3A_57 = arith.constant 160 : i32
      %dma_start3A_58 = arith.constant 0 : i32
      %dma_start3A_59 = tpu.memref_slice %arg8[%dma_start3A_57, %dma_start3A_58] : memref<1000x128xf32, #tpu.memory_space<vmem>> -> memref<40x128xf32, #tpu.memory_space<vmem>>
      %dma_start3A_60 = arith.constant 160 : i32
      %dma_start3A_61 = tpu.memref_slice %arg7[%dma_start3A_60] : memref<1000xi32, #tpu.memory_space<vmem>> -> memref<40xi32, #tpu.memory_space<vmem>>
      %dma_start3A_62 = arith.constant 0 : i32
      %dma_start3A_63 = arith.constant 0 : i32
      %dma_start3A_64 = tpu.memref_slice %arg2[%dma_start3A_62, %dma_start3A_63] : memref<10000x128xf32, #tpu.memory_space<hbm>> -> memref<10000x128xf32, #tpu.memory_space<hbm>>
      tpu.enqueue_indirect_dma source(%dma_start3A_64 : memref<10000x128xf32, #tpu.memory_space<hbm>>) target(%dma_start3A_59 : memref<40x128xf32, #tpu.memory_space<vmem>>) offsets(%dma_start3A_61 : memref<40xi32, #tpu.memory_space<vmem>>) semaphore(%arg9 : memref<!tpu.dma_semaphore, #tpu.memory_space<semaphore_mem>>)
      %dma_start3A_65 = arith.constant 200 : i32
      %dma_start3A_66 = arith.constant 0 : i32
      %dma_start3A_67 = tpu.memref_slice %arg8[%dma_start3A_65, %dma_start3A_66] : memref<1000x128xf32, #tpu.memory_space<vmem>> -> memref<40x128xf32, #tpu.memory_space<vmem>>
      %dma_start3A_68 = arith.constant 200 : i32
      %dma_start3A_69 = tpu.memref_slice %arg7[%dma_start3A_68] : memref<1000xi32, #tpu.memory_space<vmem>> -> memref<40xi32, #tpu.memory_space<vmem>>
      %dma_start3A_70 = arith.constant 0 : i32
      %dma_start3A_71 = arith.constant 0 : i32
      %dma_start3A_72 = tpu.memref_slice %arg2[%dma_start3A_70, %dma_start3A_71] : memref<10000x128xf32, #tpu.memory_space<hbm>> -> memref<10000x128xf32, #tpu.memory_space<hbm>>
      tpu.enqueue_indirect_dma source(%dma_start3A_72 : memref<10000x128xf32, #tpu.memory_space<hbm>>) target(%dma_start3A_67 : memref<40x128xf32, #tpu.memory_space<vmem>>) offsets(%dma_start3A_69 : memref<40xi32, #tpu.memory_space<vmem>>) semaphore(%arg9 : memref<!tpu.dma_semaphore, #tpu.memory_space<semaphore_mem>>)
      %dma_start3A_73 = arith.constant 240 : i32
      %dma_start3A_74 = arith.constant 0 : i32
      %dma_start3A_75 = tpu.memref_slice %arg8[%dma_start3A_73, %dma_start3A_74] : memref<1000x128xf32, #tpu.memory_space<vmem>> -> memref<40x128xf32, #tpu.memory_space<vmem>>
      %dma_start3A_76 = arith.constant 240 : i32
      %dma_start3A_77 = tpu.memref_slice %arg7[%dma_start3A_76] : memref<1000xi32, #tpu.memory_space<vmem>> -> memref<40xi32, #tpu.memory_space<vmem>>
      %dma_start3A_78 = arith.constant 0 : i32
      %dma_start3A_79 = arith.constant 0 : i32
      %dma_start3A_80 = tpu.memref_slice %arg2[%dma_start3A_78, %dma_start3A_79] : memref<10000x128xf32, #tpu.memory_space<hbm>> -> memref<10000x128xf32, #tpu.memory_space<hbm>>
      tpu.enqueue_indirect_dma source(%dma_start3A_80 : memref<10000x128xf32, #tpu.memory_space<hbm>>) target(%dma_start3A_75 : memref<40x128xf32, #tpu.memory_space<vmem>>) offsets(%dma_start3A_77 : memref<40xi32, #tpu.memory_space<vmem>>) semaphore(%arg9 : memref<!tpu.dma_semaphore, #tpu.memory_space<semaphore_mem>>)
      %dma_start3A_81 = arith.constant 280 : i32
      %dma_start3A_82 = arith.constant 0 : i32
      %dma_start3A_83 = tpu.memref_slice %arg8[%dma_start3A_81, %dma_start3A_82] : memref<1000x128xf32, #tpu.memory_space<vmem>> -> memref<40x128xf32, #tpu.memory_space<vmem>>
      %dma_start3A_84 = arith.constant 280 : i32
      %dma_start3A_85 = tpu.memref_slice %arg7[%dma_start3A_84] : memref<1000xi32, #tpu.memory_space<vmem>> -> memref<40xi32, #tpu.memory_space<vmem>>
      %dma_start3A_86 = arith.constant 0 : i32
      %dma_start3A_87 = arith.constant 0 : i32
      %dma_start3A_88 = tpu.memref_slice %arg2[%dma_start3A_86, %dma_start3A_87] : memref<10000x128xf32, #tpu.memory_space<hbm>> -> memref<10000x128xf32, #tpu.memory_space<hbm>>
      tpu.enqueue_indirect_dma source(%dma_start3A_88 : memref<10000x128xf32, #tpu.memory_space<hbm>>) target(%dma_start3A_83 : memref<40x128xf32, #tpu.memory_space<vmem>>) offsets(%dma_start3A_85 : memref<40xi32, #tpu.memory_space<vmem>>) semaphore(%arg9 : memref<!tpu.dma_semaphore, #tpu.memory_space<semaphore_mem>>)
      %dma_start3A_89 = arith.constant 320 : i32
      %dma_start3A_90 = arith.constant 0 : i32
      %dma_start3A_91 = tpu.memref_slice %arg8[%dma_start3A_89, %dma_start3A_90] : memref<1000x128xf32, #tpu.memory_space<vmem>> -> memref<40x128xf32, #tpu.memory_space<vmem>>
      %dma_start3A_92 = arith.constant 320 : i32
      %dma_start3A_93 = tpu.memref_slice %arg7[%dma_start3A_92] : memref<1000xi32, #tpu.memory_space<vmem>> -> memref<40xi32, #tpu.memory_space<vmem>>
      %dma_start3A_94 = arith.constant 0 : i32
      %dma_start3A_95 = arith.constant 0 : i32
      %dma_start3A_96 = tpu.memref_slice %arg2[%dma_start3A_94, %dma_start3A_95] : memref<10000x128xf32, #tpu.memory_space<hbm>> -> memref<10000x128xf32, #tpu.memory_space<hbm>>
      tpu.enqueue_indirect_dma source(%dma_start3A_96 : memref<10000x128xf32, #tpu.memory_space<hbm>>) target(%dma_start3A_91 : memref<40x128xf32, #tpu.memory_space<vmem>>) offsets(%dma_start3A_93 : memref<40xi32, #tpu.memory_space<vmem>>) semaphore(%arg9 : memref<!tpu.dma_semaphore, #tpu.memory_space<semaphore_mem>>)
      %dma_start3A_97 = arith.constant 360 : i32
      %dma_start3A_98 = arith.constant 0 : i32
      %dma_start3A_99 = tpu.memref_slice %arg8[%dma_start3A_97, %dma_start3A_98] : memref<1000x128xf32, #tpu.memory_space<vmem>> -> memref<40x128xf32, #tpu.memory_space<vmem>>
      %dma_start3A_100 = arith.constant 360 : i32
      %dma_start3A_101 = tpu.memref_slice %arg7[%dma_start3A_100] : memref<1000xi32, #tpu.memory_space<vmem>> -> memref<40xi32, #tpu.memory_space<vmem>>
      %dma_start3A_102 = arith.constant 0 : i32
      %dma_start3A_103 = arith.constant 0 : i32
      %dma_start3A_104 = tpu.memref_slice %arg2[%dma_start3A_102, %dma_start3A_103] : memref<10000x128xf32, #tpu.memory_space<hbm>> -> memref<10000x128xf32, #tpu.memory_space<hbm>>
      tpu.enqueue_indirect_dma source(%dma_start3A_104 : memref<10000x128xf32, #tpu.memory_space<hbm>>) target(%dma_start3A_99 : memref<40x128xf32, #tpu.memory_space<vmem>>) offsets(%dma_start3A_101 : memref<40xi32, #tpu.memory_space<vmem>>) semaphore(%arg9 : memref<!tpu.dma_semaphore, #tpu.memory_space<semaphore_mem>>)
      %dma_start3A_105 = arith.constant 400 : i32
      %dma_start3A_106 = arith.constant 0 : i32
      %dma_start3A_107 = tpu.memref_slice %arg8[%dma_start3A_105, %dma_start3A_106] : memref<1000x128xf32, #tpu.memory_space<vmem>> -> memref<40x128xf32, #tpu.memory_space<vmem>>
      %dma_start3A_108 = arith.constant 400 : i32
      %dma_start3A_109 = tpu.memref_slice %arg7[%dma_start3A_108] : memref<1000xi32, #tpu.memory_space<vmem>> -> memref<40xi32, #tpu.memory_space<vmem>>
      %dma_start3A_110 = arith.constant 0 : i32
      %dma_start3A_111 = arith.constant 0 : i32
      %dma_start3A_112 = tpu.memref_slice %arg2[%dma_start3A_110, %dma_start3A_111] : memref<10000x128xf32, #tpu.memory_space<hbm>> -> memref<10000x128xf32, #tpu.memory_space<hbm>>
      tpu.enqueue_indirect_dma source(%dma_start3A_112 : memref<10000x128xf32, #tpu.memory_space<hbm>>) target(%dma_start3A_107 : memref<40x128xf32, #tpu.memory_space<vmem>>) offsets(%dma_start3A_109 : memref<40xi32, #tpu.memory_space<vmem>>) semaphore(%arg9 : memref<!tpu.dma_semaphore, #tpu.memory_space<semaphore_mem>>)
      %dma_start3A_113 = arith.constant 440 : i32
      %dma_start3A_114 = arith.constant 0 : i32
      %dma_start3A_115 = tpu.memref_slice %arg8[%dma_start3A_113, %dma_start3A_114] : memref<1000x128xf32, #tpu.memory_space<vmem>> -> memref<40x128xf32, #tpu.memory_space<vmem>>
      %dma_start3A_116 = arith.constant 440 : i32
      %dma_start3A_117 = tpu.memref_slice %arg7[%dma_start3A_116] : memref<1000xi32, #tpu.memory_space<vmem>> -> memref<40xi32, #tpu.memory_space<vmem>>
      %dma_start3A_118 = arith.constant 0 : i32
      %dma_start3A_119 = arith.constant 0 : i32
      %dma_start3A_120 = tpu.memref_slice %arg2[%dma_start3A_118, %dma_start3A_119] : memref<10000x128xf32, #tpu.memory_space<hbm>> -> memref<10000x128xf32, #tpu.memory_space<hbm>>
      tpu.enqueue_indirect_dma source(%dma_start3A_120 : memref<10000x128xf32, #tpu.memory_space<hbm>>) target(%dma_start3A_115 : memref<40x128xf32, #tpu.memory_space<vmem>>) offsets(%dma_start3A_117 : memref<40xi32, #tpu.memory_space<vmem>>) semaphore(%arg9 : memref<!tpu.dma_semaphore, #tpu.memory_space<semaphore_mem>>)
      %dma_start3A_121 = arith.constant 480 : i32
      %dma_start3A_122 = arith.constant 0 : i32
      %dma_start3A_123 = tpu.memref_slice %arg8[%dma_start3A_121, %dma_start3A_122] : memref<1000x128xf32, #tpu.memory_space<vmem>> -> memref<40x128xf32, #tpu.memory_space<vmem>>
      %dma_start3A_124 = arith.constant 480 : i32
      %dma_start3A_125 = tpu.memref_slice %arg7[%dma_start3A_124] : memref<1000xi32, #tpu.memory_space<vmem>> -> memref<40xi32, #tpu.memory_space<vmem>>
      %dma_start3A_126 = arith.constant 0 : i32
      %dma_start3A_127 = arith.constant 0 : i32
      %dma_start3A_128 = tpu.memref_slice %arg2[%dma_start3A_126, %dma_start3A_127] : memref<10000x128xf32, #tpu.memory_space<hbm>> -> memref<10000x128xf32, #tpu.memory_space<hbm>>
      tpu.enqueue_indirect_dma source(%dma_start3A_128 : memref<10000x128xf32, #tpu.memory_space<hbm>>) target(%dma_start3A_123 : memref<40x128xf32, #tpu.memory_space<vmem>>) offsets(%dma_start3A_125 : memref<40xi32, #tpu.memory_space<vmem>>) semaphore(%arg9 : memref<!tpu.dma_semaphore, #tpu.memory_space<semaphore_mem>>)
      %dma_start3A_129 = arith.constant 520 : i32
      %dma_start3A_130 = arith.constant 0 : i32
      %dma_start3A_131 = tpu.memref_slice %arg8[%dma_start3A_129, %dma_start3A_130] : memref<1000x128xf32, #tpu.memory_space<vmem>> -> memref<40x128xf32, #tpu.memory_space<vmem>>
      %dma_start3A_132 = arith.constant 520 : i32
      %dma_start3A_133 = tpu.memref_slice %arg7[%dma_start3A_132] : memref<1000xi32, #tpu.memory_space<vmem>> -> memref<40xi32, #tpu.memory_space<vmem>>
      %dma_start3A_134 = arith.constant 0 : i32
      %dma_start3A_135 = arith.constant 0 : i32
      %dma_start3A_136 = tpu.memref_slice %arg2[%dma_start3A_134, %dma_start3A_135] : memref<10000x128xf32, #tpu.memory_space<hbm>> -> memref<10000x128xf32, #tpu.memory_space<hbm>>
      tpu.enqueue_indirect_dma source(%dma_start3A_136 : memref<10000x128xf32, #tpu.memory_space<hbm>>) target(%dma_start3A_131 : memref<40x128xf32, #tpu.memory_space<vmem>>) offsets(%dma_start3A_133 : memref<40xi32, #tpu.memory_space<vmem>>) semaphore(%arg9 : memref<!tpu.dma_semaphore, #tpu.memory_space<semaphore_mem>>)
      %dma_start3A_137 = arith.constant 560 : i32
      %dma_start3A_138 = arith.constant 0 : i32
      %dma_start3A_139 = tpu.memref_slice %arg8[%dma_start3A_137, %dma_start3A_138] : memref<1000x128xf32, #tpu.memory_space<vmem>> -> memref<40x128xf32, #tpu.memory_space<vmem>>
      %dma_start3A_140 = arith.constant 560 : i32
      %dma_start3A_141 = tpu.memref_slice %arg7[%dma_start3A_140] : memref<1000xi32, #tpu.memory_space<vmem>> -> memref<40xi32, #tpu.memory_space<vmem>>
      %dma_start3A_142 = arith.constant 0 : i32
      %dma_start3A_143 = arith.constant 0 : i32
      %dma_start3A_144 = tpu.memref_slice %arg2[%dma_start3A_142, %dma_start3A_143] : memref<10000x128xf32, #tpu.memory_space<hbm>> -> memref<10000x128xf32, #tpu.memory_space<hbm>>
      tpu.enqueue_indirect_dma source(%dma_start3A_144 : memref<10000x128xf32, #tpu.memory_space<hbm>>) target(%dma_start3A_139 : memref<40x128xf32, #tpu.memory_space<vmem>>) offsets(%dma_start3A_141 : memref<40xi32, #tpu.memory_space<vmem>>) semaphore(%arg9 : memref<!tpu.dma_semaphore, #tpu.memory_space<semaphore_mem>>)
      %dma_start3A_145 = arith.constant 600 : i32
      %dma_start3A_146 = arith.constant 0 : i32
      %dma_start3A_147 = tpu.memref_slice %arg8[%dma_start3A_145, %dma_start3A_146] : memref<1000x128xf32, #tpu.memory_space<vmem>> -> memref<40x128xf32, #tpu.memory_space<vmem>>
      %dma_start3A_148 = arith.constant 600 : i32
      %dma_start3A_149 = tpu.memref_slice %arg7[%dma_start3A_148] : memref<1000xi32, #tpu.memory_space<vmem>> -> memref<40xi32, #tpu.memory_space<vmem>>
      %dma_start3A_150 = arith.constant 0 : i32
      %dma_start3A_151 = arith.constant 0 : i32
      %dma_start3A_152 = tpu.memref_slice %arg2[%dma_start3A_150, %dma_start3A_151] : memref<10000x128xf32, #tpu.memory_space<hbm>> -> memref<10000x128xf32, #tpu.memory_space<hbm>>
      tpu.enqueue_indirect_dma source(%dma_start3A_152 : memref<10000x128xf32, #tpu.memory_space<hbm>>) target(%dma_start3A_147 : memref<40x128xf32, #tpu.memory_space<vmem>>) offsets(%dma_start3A_149 : memref<40xi32, #tpu.memory_space<vmem>>) semaphore(%arg9 : memref<!tpu.dma_semaphore, #tpu.memory_space<semaphore_mem>>)
      %dma_start3A_153 = arith.constant 640 : i32
      %dma_start3A_154 = arith.constant 0 : i32
      %dma_start3A_155 = tpu.memref_slice %arg8[%dma_start3A_153, %dma_start3A_154] : memref<1000x128xf32, #tpu.memory_space<vmem>> -> memref<40x128xf32, #tpu.memory_space<vmem>>
      %dma_start3A_156 = arith.constant 640 : i32
      %dma_start3A_157 = tpu.memref_slice %arg7[%dma_start3A_156] : memref<1000xi32, #tpu.memory_space<vmem>> -> memref<40xi32, #tpu.memory_space<vmem>>
      %dma_start3A_158 = arith.constant 0 : i32
      %dma_start3A_159 = arith.constant 0 : i32
      %dma_start3A_160 = tpu.memref_slice %arg2[%dma_start3A_158, %dma_start3A_159] : memref<10000x128xf32, #tpu.memory_space<hbm>> -> memref<10000x128xf32, #tpu.memory_space<hbm>>
      tpu.enqueue_indirect_dma source(%dma_start3A_160 : memref<10000x128xf32, #tpu.memory_space<hbm>>) target(%dma_start3A_155 : memref<40x128xf32, #tpu.memory_space<vmem>>) offsets(%dma_start3A_157 : memref<40xi32, #tpu.memory_space<vmem>>) semaphore(%arg9 : memref<!tpu.dma_semaphore, #tpu.memory_space<semaphore_mem>>)
      %dma_start3A_161 = arith.constant 680 : i32
      %dma_start3A_162 = arith.constant 0 : i32
      %dma_start3A_163 = tpu.memref_slice %arg8[%dma_start3A_161, %dma_start3A_162] : memref<1000x128xf32, #tpu.memory_space<vmem>> -> memref<40x128xf32, #tpu.memory_space<vmem>>
      %dma_start3A_164 = arith.constant 680 : i32
      %dma_start3A_165 = tpu.memref_slice %arg7[%dma_start3A_164] : memref<1000xi32, #tpu.memory_space<vmem>> -> memref<40xi32, #tpu.memory_space<vmem>>
      %dma_start3A_166 = arith.constant 0 : i32
      %dma_start3A_167 = arith.constant 0 : i32
      %dma_start3A_168 = tpu.memref_slice %arg2[%dma_start3A_166, %dma_start3A_167] : memref<10000x128xf32, #tpu.memory_space<hbm>> -> memref<10000x128xf32, #tpu.memory_space<hbm>>
      tpu.enqueue_indirect_dma source(%dma_start3A_168 : memref<10000x128xf32, #tpu.memory_space<hbm>>) target(%dma_start3A_163 : memref<40x128xf32, #tpu.memory_space<vmem>>) offsets(%dma_start3A_165 : memref<40xi32, #tpu.memory_space<vmem>>) semaphore(%arg9 : memref<!tpu.dma_semaphore, #tpu.memory_space<semaphore_mem>>)
      %dma_start3A_169 = arith.constant 720 : i32
      %dma_start3A_170 = arith.constant 0 : i32
      %dma_start3A_171 = tpu.memref_slice %arg8[%dma_start3A_169, %dma_start3A_170] : memref<1000x128xf32, #tpu.memory_space<vmem>> -> memref<40x128xf32, #tpu.memory_space<vmem>>
      %dma_start3A_172 = arith.constant 720 : i32
      %dma_start3A_173 = tpu.memref_slice %arg7[%dma_start3A_172] : memref<1000xi32, #tpu.memory_space<vmem>> -> memref<40xi32, #tpu.memory_space<vmem>>
      %dma_start3A_174 = arith.constant 0 : i32
      %dma_start3A_175 = arith.constant 0 : i32
      %dma_start3A_176 = tpu.memref_slice %arg2[%dma_start3A_174, %dma_start3A_175] : memref<10000x128xf32, #tpu.memory_space<hbm>> -> memref<10000x128xf32, #tpu.memory_space<hbm>>
      tpu.enqueue_indirect_dma source(%dma_start3A_176 : memref<10000x128xf32, #tpu.memory_space<hbm>>) target(%dma_start3A_171 : memref<40x128xf32, #tpu.memory_space<vmem>>) offsets(%dma_start3A_173 : memref<40xi32, #tpu.memory_space<vmem>>) semaphore(%arg9 : memref<!tpu.dma_semaphore, #tpu.memory_space<semaphore_mem>>)
      %dma_start3A_177 = arith.constant 760 : i32
      %dma_start3A_178 = arith.constant 0 : i32
      %dma_start3A_179 = tpu.memref_slice %arg8[%dma_start3A_177, %dma_start3A_178] : memref<1000x128xf32, #tpu.memory_space<vmem>> -> memref<40x128xf32, #tpu.memory_space<vmem>>
      %dma_start3A_180 = arith.constant 760 : i32
      %dma_start3A_181 = tpu.memref_slice %arg7[%dma_start3A_180] : memref<1000xi32, #tpu.memory_space<vmem>> -> memref<40xi32, #tpu.memory_space<vmem>>
      %dma_start3A_182 = arith.constant 0 : i32
      %dma_start3A_183 = arith.constant 0 : i32
      %dma_start3A_184 = tpu.memref_slice %arg2[%dma_start3A_182, %dma_start3A_183] : memref<10000x128xf32, #tpu.memory_space<hbm>> -> memref<10000x128xf32, #tpu.memory_space<hbm>>
      tpu.enqueue_indirect_dma source(%dma_start3A_184 : memref<10000x128xf32, #tpu.memory_space<hbm>>) target(%dma_start3A_179 : memref<40x128xf32, #tpu.memory_space<vmem>>) offsets(%dma_start3A_181 : memref<40xi32, #tpu.memory_space<vmem>>) semaphore(%arg9 : memref<!tpu.dma_semaphore, #tpu.memory_space<semaphore_mem>>)
      %dma_start3A_185 = arith.constant 800 : i32
      %dma_start3A_186 = arith.constant 0 : i32
      %dma_start3A_187 = tpu.memref_slice %arg8[%dma_start3A_185, %dma_start3A_186] : memref<1000x128xf32, #tpu.memory_space<vmem>> -> memref<40x128xf32, #tpu.memory_space<vmem>>
      %dma_start3A_188 = arith.constant 800 : i32
      %dma_start3A_189 = tpu.memref_slice %arg7[%dma_start3A_188] : memref<1000xi32, #tpu.memory_space<vmem>> -> memref<40xi32, #tpu.memory_space<vmem>>
      %dma_start3A_190 = arith.constant 0 : i32
      %dma_start3A_191 = arith.constant 0 : i32
      %dma_start3A_192 = tpu.memref_slice %arg2[%dma_start3A_190, %dma_start3A_191] : memref<10000x128xf32, #tpu.memory_space<hbm>> -> memref<10000x128xf32, #tpu.memory_space<hbm>>
      tpu.enqueue_indirect_dma source(%dma_start3A_192 : memref<10000x128xf32, #tpu.memory_space<hbm>>) target(%dma_start3A_187 : memref<40x128xf32, #tpu.memory_space<vmem>>) offsets(%dma_start3A_189 : memref<40xi32, #tpu.memory_space<vmem>>) semaphore(%arg9 : memref<!tpu.dma_semaphore, #tpu.memory_space<semaphore_mem>>)
      %dma_start3A_193 = arith.constant 840 : i32
      %dma_start3A_194 = arith.constant 0 : i32
      %dma_start3A_195 = tpu.memref_slice %arg8[%dma_start3A_193, %dma_start3A_194] : memref<1000x128xf32, #tpu.memory_space<vmem>> -> memref<40x128xf32, #tpu.memory_space<vmem>>
      %dma_start3A_196 = arith.constant 840 : i32
      %dma_start3A_197 = tpu.memref_slice %arg7[%dma_start3A_196] : memref<1000xi32, #tpu.memory_space<vmem>> -> memref<40xi32, #tpu.memory_space<vmem>>
      %dma_start3A_198 = arith.constant 0 : i32
      %dma_start3A_199 = arith.constant 0 : i32
      %dma_start3A_200 = tpu.memref_slice %arg2[%dma_start3A_198, %dma_start3A_199] : memref<10000x128xf32, #tpu.memory_space<hbm>> -> memref<10000x128xf32, #tpu.memory_space<hbm>>
      tpu.enqueue_indirect_dma source(%dma_start3A_200 : memref<10000x128xf32, #tpu.memory_space<hbm>>) target(%dma_start3A_195 : memref<40x128xf32, #tpu.memory_space<vmem>>) offsets(%dma_start3A_197 : memref<40xi32, #tpu.memory_space<vmem>>) semaphore(%arg9 : memref<!tpu.dma_semaphore, #tpu.memory_space<semaphore_mem>>)
      %dma_start3A_201 = arith.constant 880 : i32
      %dma_start3A_202 = arith.constant 0 : i32
      %dma_start3A_203 = tpu.memref_slice %arg8[%dma_start3A_201, %dma_start3A_202] : memref<1000x128xf32, #tpu.memory_space<vmem>> -> memref<40x128xf32, #tpu.memory_space<vmem>>
      %dma_start3A_204 = arith.constant 880 : i32
      %dma_start3A_205 = tpu.memref_slice %arg7[%dma_start3A_204] : memref<1000xi32, #tpu.memory_space<vmem>> -> memref<40xi32, #tpu.memory_space<vmem>>
      %dma_start3A_206 = arith.constant 0 : i32
      %dma_start3A_207 = arith.constant 0 : i32
      %dma_start3A_208 = tpu.memref_slice %arg2[%dma_start3A_206, %dma_start3A_207] : memref<10000x128xf32, #tpu.memory_space<hbm>> -> memref<10000x128xf32, #tpu.memory_space<hbm>>
      tpu.enqueue_indirect_dma source(%dma_start3A_208 : memref<10000x128xf32, #tpu.memory_space<hbm>>) target(%dma_start3A_203 : memref<40x128xf32, #tpu.memory_space<vmem>>) offsets(%dma_start3A_205 : memref<40xi32, #tpu.memory_space<vmem>>) semaphore(%arg9 : memref<!tpu.dma_semaphore, #tpu.memory_space<semaphore_mem>>)
      %dma_start3A_209 = arith.constant 920 : i32
      %dma_start3A_210 = arith.constant 0 : i32
      %dma_start3A_211 = tpu.memref_slice %arg8[%dma_start3A_209, %dma_start3A_210] : memref<1000x128xf32, #tpu.memory_space<vmem>> -> memref<40x128xf32, #tpu.memory_space<vmem>>
      %dma_start3A_212 = arith.constant 920 : i32
      %dma_start3A_213 = tpu.memref_slice %arg7[%dma_start3A_212] : memref<1000xi32, #tpu.memory_space<vmem>> -> memref<40xi32, #tpu.memory_space<vmem>>
      %dma_start3A_214 = arith.constant 0 : i32
      %dma_start3A_215 = arith.constant 0 : i32
      %dma_start3A_216 = tpu.memref_slice %arg2[%dma_start3A_214, %dma_start3A_215] : memref<10000x128xf32, #tpu.memory_space<hbm>> -> memref<10000x128xf32, #tpu.memory_space<hbm>>
      tpu.enqueue_indirect_dma source(%dma_start3A_216 : memref<10000x128xf32, #tpu.memory_space<hbm>>) target(%dma_start3A_211 : memref<40x128xf32, #tpu.memory_space<vmem>>) offsets(%dma_start3A_213 : memref<40xi32, #tpu.memory_space<vmem>>) semaphore(%arg9 : memref<!tpu.dma_semaphore, #tpu.memory_space<semaphore_mem>>)
      %dma_start3A_217 = arith.constant 960 : i32
      %dma_start3A_218 = arith.constant 0 : i32
      %dma_start3A_219 = tpu.memref_slice %arg8[%dma_start3A_217, %dma_start3A_218] : memref<1000x128xf32, #tpu.memory_space<vmem>> -> memref<40x128xf32, #tpu.memory_space<vmem>>
      %dma_start3A_220 = arith.constant 960 : i32
      %dma_start3A_221 = tpu.memref_slice %arg7[%dma_start3A_220] : memref<1000xi32, #tpu.memory_space<vmem>> -> memref<40xi32, #tpu.memory_space<vmem>>
      %dma_start3A_222 = arith.constant 0 : i32
      %dma_start3A_223 = arith.constant 0 : i32
      %dma_start3A_224 = tpu.memref_slice %arg2[%dma_start3A_222, %dma_start3A_223] : memref<10000x128xf32, #tpu.memory_space<hbm>> -> memref<10000x128xf32, #tpu.memory_space<hbm>>
      tpu.enqueue_indirect_dma source(%dma_start3A_224 : memref<10000x128xf32, #tpu.memory_space<hbm>>) target(%dma_start3A_219 : memref<40x128xf32, #tpu.memory_space<vmem>>) offsets(%dma_start3A_221 : memref<40xi32, #tpu.memory_space<vmem>>) semaphore(%arg9 : memref<!tpu.dma_semaphore, #tpu.memory_space<semaphore_mem>>)
      %dma_wait3A = arith.constant 0 : i32
      %dma_wait3A_225 = arith.constant 0 : i32
      %dma_wait3A_226 = tpu.memref_slice %arg8[%dma_wait3A, %dma_wait3A_225] : memref<1000x128xf32, #tpu.memory_space<vmem>> -> memref<40x128xf32, #tpu.memory_space<vmem>>
      %dma_wait3A_227 = arith.constant 0 : i32
      %dma_wait3A_228 = tpu.memref_slice %arg7[%dma_wait3A_227] : memref<1000xi32, #tpu.memory_space<vmem>> -> memref<40xi32, #tpu.memory_space<vmem>>
      %dma_wait3A_229 = arith.constant 0 : i32
      %dma_wait3A_230 = arith.constant 0 : i32
      %dma_wait3A_231 = tpu.memref_slice %arg2[%dma_wait3A_229, %dma_wait3A_230] : memref<10000x128xf32, #tpu.memory_space<hbm>> -> memref<10000x128xf32, #tpu.memory_space<hbm>>
      tpu.wait_indirect_dma semaphore(%arg9 : memref<!tpu.dma_semaphore, #tpu.memory_space<semaphore_mem>>) src(%dma_wait3A_231 : memref<10000x128xf32, #tpu.memory_space<hbm>>) dst(%dma_wait3A_226 : memref<40x128xf32, #tpu.memory_space<vmem>>)
      %dma_wait3A_232 = arith.constant 40 : i32
      %dma_wait3A_233 = arith.constant 0 : i32
      %dma_wait3A_234 = tpu.memref_slice %arg8[%dma_wait3A_232, %dma_wait3A_233] : memref<1000x128xf32, #tpu.memory_space<vmem>> -> memref<40x128xf32, #tpu.memory_space<vmem>>
      %dma_wait3A_235 = arith.constant 40 : i32
      %dma_wait3A_236 = tpu.memref_slice %arg7[%dma_wait3A_235] : memref<1000xi32, #tpu.memory_space<vmem>> -> memref<40xi32, #tpu.memory_space<vmem>>
      %dma_wait3A_237 = arith.constant 0 : i32
      %dma_wait3A_238 = arith.constant 0 : i32
      %dma_wait3A_239 = tpu.memref_slice %arg2[%dma_wait3A_237, %dma_wait3A_238] : memref<10000x128xf32, #tpu.memory_space<hbm>> -> memref<10000x128xf32, #tpu.memory_space<hbm>>
      tpu.wait_indirect_dma semaphore(%arg9 : memref<!tpu.dma_semaphore, #tpu.memory_space<semaphore_mem>>) src(%dma_wait3A_239 : memref<10000x128xf32, #tpu.memory_space<hbm>>) dst(%dma_wait3A_234 : memref<40x128xf32, #tpu.memory_space<vmem>>)
      %dma_wait3A_240 = arith.constant 80 : i32
      %dma_wait3A_241 = arith.constant 0 : i32
      %dma_wait3A_242 = tpu.memref_slice %arg8[%dma_wait3A_240, %dma_wait3A_241] : memref<1000x128xf32, #tpu.memory_space<vmem>> -> memref<40x128xf32, #tpu.memory_space<vmem>>
      %dma_wait3A_243 = arith.constant 80 : i32
      %dma_wait3A_244 = tpu.memref_slice %arg7[%dma_wait3A_243] : memref<1000xi32, #tpu.memory_space<vmem>> -> memref<40xi32, #tpu.memory_space<vmem>>
      %dma_wait3A_245 = arith.constant 0 : i32
      %dma_wait3A_246 = arith.constant 0 : i32
      %dma_wait3A_247 = tpu.memref_slice %arg2[%dma_wait3A_245, %dma_wait3A_246] : memref<10000x128xf32, #tpu.memory_space<hbm>> -> memref<10000x128xf32, #tpu.memory_space<hbm>>
      tpu.wait_indirect_dma semaphore(%arg9 : memref<!tpu.dma_semaphore, #tpu.memory_space<semaphore_mem>>) src(%dma_wait3A_247 : memref<10000x128xf32, #tpu.memory_space<hbm>>) dst(%dma_wait3A_242 : memref<40x128xf32, #tpu.memory_space<vmem>>)
      %dma_wait3A_248 = arith.constant 120 : i32
      %dma_wait3A_249 = arith.constant 0 : i32
      %dma_wait3A_250 = tpu.memref_slice %arg8[%dma_wait3A_248, %dma_wait3A_249] : memref<1000x128xf32, #tpu.memory_space<vmem>> -> memref<40x128xf32, #tpu.memory_space<vmem>>
      %dma_wait3A_251 = arith.constant 120 : i32
      %dma_wait3A_252 = tpu.memref_slice %arg7[%dma_wait3A_251] : memref<1000xi32, #tpu.memory_space<vmem>> -> memref<40xi32, #tpu.memory_space<vmem>>
      %dma_wait3A_253 = arith.constant 0 : i32
      %dma_wait3A_254 = arith.constant 0 : i32
      %dma_wait3A_255 = tpu.memref_slice %arg2[%dma_wait3A_253, %dma_wait3A_254] : memref<10000x128xf32, #tpu.memory_space<hbm>> -> memref<10000x128xf32, #tpu.memory_space<hbm>>
      tpu.wait_indirect_dma semaphore(%arg9 : memref<!tpu.dma_semaphore, #tpu.memory_space<semaphore_mem>>) src(%dma_wait3A_255 : memref<10000x128xf32, #tpu.memory_space<hbm>>) dst(%dma_wait3A_250 : memref<40x128xf32, #tpu.memory_space<vmem>>)
      %dma_wait3A_256 = arith.constant 160 : i32
      %dma_wait3A_257 = arith.constant 0 : i32
      %dma_wait3A_258 = tpu.memref_slice %arg8[%dma_wait3A_256, %dma_wait3A_257] : memref<1000x128xf32, #tpu.memory_space<vmem>> -> memref<40x128xf32, #tpu.memory_space<vmem>>
      %dma_wait3A_259 = arith.constant 160 : i32
      %dma_wait3A_260 = tpu.memref_slice %arg7[%dma_wait3A_259] : memref<1000xi32, #tpu.memory_space<vmem>> -> memref<40xi32, #tpu.memory_space<vmem>>
      %dma_wait3A_261 = arith.constant 0 : i32
      %dma_wait3A_262 = arith.constant 0 : i32
      %dma_wait3A_263 = tpu.memref_slice %arg2[%dma_wait3A_261, %dma_wait3A_262] : memref<10000x128xf32, #tpu.memory_space<hbm>> -> memref<10000x128xf32, #tpu.memory_space<hbm>>
      tpu.wait_indirect_dma semaphore(%arg9 : memref<!tpu.dma_semaphore, #tpu.memory_space<semaphore_mem>>) src(%dma_wait3A_263 : memref<10000x128xf32, #tpu.memory_space<hbm>>) dst(%dma_wait3A_258 : memref<40x128xf32, #tpu.memory_space<vmem>>)
      %dma_wait3A_264 = arith.constant 200 : i32
      %dma_wait3A_265 = arith.constant 0 : i32
      %dma_wait3A_266 = tpu.memref_slice %arg8[%dma_wait3A_264, %dma_wait3A_265] : memref<1000x128xf32, #tpu.memory_space<vmem>> -> memref<40x128xf32, #tpu.memory_space<vmem>>
      %dma_wait3A_267 = arith.constant 200 : i32
      %dma_wait3A_268 = tpu.memref_slice %arg7[%dma_wait3A_267] : memref<1000xi32, #tpu.memory_space<vmem>> -> memref<40xi32, #tpu.memory_space<vmem>>
      %dma_wait3A_269 = arith.constant 0 : i32
      %dma_wait3A_270 = arith.constant 0 : i32
      %dma_wait3A_271 = tpu.memref_slice %arg2[%dma_wait3A_269, %dma_wait3A_270] : memref<10000x128xf32, #tpu.memory_space<hbm>> -> memref<10000x128xf32, #tpu.memory_space<hbm>>
      tpu.wait_indirect_dma semaphore(%arg9 : memref<!tpu.dma_semaphore, #tpu.memory_space<semaphore_mem>>) src(%dma_wait3A_271 : memref<10000x128xf32, #tpu.memory_space<hbm>>) dst(%dma_wait3A_266 : memref<40x128xf32, #tpu.memory_space<vmem>>)
      %dma_wait3A_272 = arith.constant 240 : i32
      %dma_wait3A_273 = arith.constant 0 : i32
      %dma_wait3A_274 = tpu.memref_slice %arg8[%dma_wait3A_272, %dma_wait3A_273] : memref<1000x128xf32, #tpu.memory_space<vmem>> -> memref<40x128xf32, #tpu.memory_space<vmem>>
      %dma_wait3A_275 = arith.constant 240 : i32
      %dma_wait3A_276 = tpu.memref_slice %arg7[%dma_wait3A_275] : memref<1000xi32, #tpu.memory_space<vmem>> -> memref<40xi32, #tpu.memory_space<vmem>>
      %dma_wait3A_277 = arith.constant 0 : i32
      %dma_wait3A_278 = arith.constant 0 : i32
      %dma_wait3A_279 = tpu.memref_slice %arg2[%dma_wait3A_277, %dma_wait3A_278] : memref<10000x128xf32, #tpu.memory_space<hbm>> -> memref<10000x128xf32, #tpu.memory_space<hbm>>
      tpu.wait_indirect_dma semaphore(%arg9 : memref<!tpu.dma_semaphore, #tpu.memory_space<semaphore_mem>>) src(%dma_wait3A_279 : memref<10000x128xf32, #tpu.memory_space<hbm>>) dst(%dma_wait3A_274 : memref<40x128xf32, #tpu.memory_space<vmem>>)
      %dma_wait3A_280 = arith.constant 280 : i32
      %dma_wait3A_281 = arith.constant 0 : i32
      %dma_wait3A_282 = tpu.memref_slice %arg8[%dma_wait3A_280, %dma_wait3A_281] : memref<1000x128xf32, #tpu.memory_space<vmem>> -> memref<40x128xf32, #tpu.memory_space<vmem>>
      %dma_wait3A_283 = arith.constant 280 : i32
      %dma_wait3A_284 = tpu.memref_slice %arg7[%dma_wait3A_283] : memref<1000xi32, #tpu.memory_space<vmem>> -> memref<40xi32, #tpu.memory_space<vmem>>
      %dma_wait3A_285 = arith.constant 0 : i32
      %dma_wait3A_286 = arith.constant 0 : i32
      %dma_wait3A_287 = tpu.memref_slice %arg2[%dma_wait3A_285, %dma_wait3A_286] : memref<10000x128xf32, #tpu.memory_space<hbm>> -> memref<10000x128xf32, #tpu.memory_space<hbm>>
      tpu.wait_indirect_dma semaphore(%arg9 : memref<!tpu.dma_semaphore, #tpu.memory_space<semaphore_mem>>) src(%dma_wait3A_287 : memref<10000x128xf32, #tpu.memory_space<hbm>>) dst(%dma_wait3A_282 : memref<40x128xf32, #tpu.memory_space<vmem>>)
      %dma_wait3A_288 = arith.constant 320 : i32
      %dma_wait3A_289 = arith.constant 0 : i32
      %dma_wait3A_290 = tpu.memref_slice %arg8[%dma_wait3A_288, %dma_wait3A_289] : memref<1000x128xf32, #tpu.memory_space<vmem>> -> memref<40x128xf32, #tpu.memory_space<vmem>>
      %dma_wait3A_291 = arith.constant 320 : i32
      %dma_wait3A_292 = tpu.memref_slice %arg7[%dma_wait3A_291] : memref<1000xi32, #tpu.memory_space<vmem>> -> memref<40xi32, #tpu.memory_space<vmem>>
      %dma_wait3A_293 = arith.constant 0 : i32
      %dma_wait3A_294 = arith.constant 0 : i32
      %dma_wait3A_295 = tpu.memref_slice %arg2[%dma_wait3A_293, %dma_wait3A_294] : memref<10000x128xf32, #tpu.memory_space<hbm>> -> memref<10000x128xf32, #tpu.memory_space<hbm>>
      tpu.wait_indirect_dma semaphore(%arg9 : memref<!tpu.dma_semaphore, #tpu.memory_space<semaphore_mem>>) src(%dma_wait3A_295 : memref<10000x128xf32, #tpu.memory_space<hbm>>) dst(%dma_wait3A_290 : memref<40x128xf32, #tpu.memory_space<vmem>>)
      %dma_wait3A_296 = arith.constant 360 : i32
      %dma_wait3A_297 = arith.constant 0 : i32
      %dma_wait3A_298 = tpu.memref_slice %arg8[%dma_wait3A_296, %dma_wait3A_297] : memref<1000x128xf32, #tpu.memory_space<vmem>> -> memref<40x128xf32, #tpu.memory_space<vmem>>
      %dma_wait3A_299 = arith.constant 360 : i32
      %dma_wait3A_300 = tpu.memref_slice %arg7[%dma_wait3A_299] : memref<1000xi32, #tpu.memory_space<vmem>> -> memref<40xi32, #tpu.memory_space<vmem>>
      %dma_wait3A_301 = arith.constant 0 : i32
      %dma_wait3A_302 = arith.constant 0 : i32
      %dma_wait3A_303 = tpu.memref_slice %arg2[%dma_wait3A_301, %dma_wait3A_302] : memref<10000x128xf32, #tpu.memory_space<hbm>> -> memref<10000x128xf32, #tpu.memory_space<hbm>>
      tpu.wait_indirect_dma semaphore(%arg9 : memref<!tpu.dma_semaphore, #tpu.memory_space<semaphore_mem>>) src(%dma_wait3A_303 : memref<10000x128xf32, #tpu.memory_space<hbm>>) dst(%dma_wait3A_298 : memref<40x128xf32, #tpu.memory_space<vmem>>)
      %dma_wait3A_304 = arith.constant 400 : i32
      %dma_wait3A_305 = arith.constant 0 : i32
      %dma_wait3A_306 = tpu.memref_slice %arg8[%dma_wait3A_304, %dma_wait3A_305] : memref<1000x128xf32, #tpu.memory_space<vmem>> -> memref<40x128xf32, #tpu.memory_space<vmem>>
      %dma_wait3A_307 = arith.constant 400 : i32
      %dma_wait3A_308 = tpu.memref_slice %arg7[%dma_wait3A_307] : memref<1000xi32, #tpu.memory_space<vmem>> -> memref<40xi32, #tpu.memory_space<vmem>>
      %dma_wait3A_309 = arith.constant 0 : i32
      %dma_wait3A_310 = arith.constant 0 : i32
      %dma_wait3A_311 = tpu.memref_slice %arg2[%dma_wait3A_309, %dma_wait3A_310] : memref<10000x128xf32, #tpu.memory_space<hbm>> -> memref<10000x128xf32, #tpu.memory_space<hbm>>
      tpu.wait_indirect_dma semaphore(%arg9 : memref<!tpu.dma_semaphore, #tpu.memory_space<semaphore_mem>>) src(%dma_wait3A_311 : memref<10000x128xf32, #tpu.memory_space<hbm>>) dst(%dma_wait3A_306 : memref<40x128xf32, #tpu.memory_space<vmem>>)
      %dma_wait3A_312 = arith.constant 440 : i32
      %dma_wait3A_313 = arith.constant 0 : i32
      %dma_wait3A_314 = tpu.memref_slice %arg8[%dma_wait3A_312, %dma_wait3A_313] : memref<1000x128xf32, #tpu.memory_space<vmem>> -> memref<40x128xf32, #tpu.memory_space<vmem>>
      %dma_wait3A_315 = arith.constant 440 : i32
      %dma_wait3A_316 = tpu.memref_slice %arg7[%dma_wait3A_315] : memref<1000xi32, #tpu.memory_space<vmem>> -> memref<40xi32, #tpu.memory_space<vmem>>
      %dma_wait3A_317 = arith.constant 0 : i32
      %dma_wait3A_318 = arith.constant 0 : i32
      %dma_wait3A_319 = tpu.memref_slice %arg2[%dma_wait3A_317, %dma_wait3A_318] : memref<10000x128xf32, #tpu.memory_space<hbm>> -> memref<10000x128xf32, #tpu.memory_space<hbm>>
      tpu.wait_indirect_dma semaphore(%arg9 : memref<!tpu.dma_semaphore, #tpu.memory_space<semaphore_mem>>) src(%dma_wait3A_319 : memref<10000x128xf32, #tpu.memory_space<hbm>>) dst(%dma_wait3A_314 : memref<40x128xf32, #tpu.memory_space<vmem>>)
      %dma_wait3A_320 = arith.constant 480 : i32
      %dma_wait3A_321 = arith.constant 0 : i32
      %dma_wait3A_322 = tpu.memref_slice %arg8[%dma_wait3A_320, %dma_wait3A_321] : memref<1000x128xf32, #tpu.memory_space<vmem>> -> memref<40x128xf32, #tpu.memory_space<vmem>>
      %dma_wait3A_323 = arith.constant 480 : i32
      %dma_wait3A_324 = tpu.memref_slice %arg7[%dma_wait3A_323] : memref<1000xi32, #tpu.memory_space<vmem>> -> memref<40xi32, #tpu.memory_space<vmem>>
      %dma_wait3A_325 = arith.constant 0 : i32
      %dma_wait3A_326 = arith.constant 0 : i32
      %dma_wait3A_327 = tpu.memref_slice %arg2[%dma_wait3A_325, %dma_wait3A_326] : memref<10000x128xf32, #tpu.memory_space<hbm>> -> memref<10000x128xf32, #tpu.memory_space<hbm>>
      tpu.wait_indirect_dma semaphore(%arg9 : memref<!tpu.dma_semaphore, #tpu.memory_space<semaphore_mem>>) src(%dma_wait3A_327 : memref<10000x128xf32, #tpu.memory_space<hbm>>) dst(%dma_wait3A_322 : memref<40x128xf32, #tpu.memory_space<vmem>>)
      %dma_wait3A_328 = arith.constant 520 : i32
      %dma_wait3A_329 = arith.constant 0 : i32
      %dma_wait3A_330 = tpu.memref_slice %arg8[%dma_wait3A_328, %dma_wait3A_329] : memref<1000x128xf32, #tpu.memory_space<vmem>> -> memref<40x128xf32, #tpu.memory_space<vmem>>
      %dma_wait3A_331 = arith.constant 520 : i32
      %dma_wait3A_332 = tpu.memref_slice %arg7[%dma_wait3A_331] : memref<1000xi32, #tpu.memory_space<vmem>> -> memref<40xi32, #tpu.memory_space<vmem>>
      %dma_wait3A_333 = arith.constant 0 : i32
      %dma_wait3A_334 = arith.constant 0 : i32
      %dma_wait3A_335 = tpu.memref_slice %arg2[%dma_wait3A_333, %dma_wait3A_334] : memref<10000x128xf32, #tpu.memory_space<hbm>> -> memref<10000x128xf32, #tpu.memory_space<hbm>>
      tpu.wait_indirect_dma semaphore(%arg9 : memref<!tpu.dma_semaphore, #tpu.memory_space<semaphore_mem>>) src(%dma_wait3A_335 : memref<10000x128xf32, #tpu.memory_space<hbm>>) dst(%dma_wait3A_330 : memref<40x128xf32, #tpu.memory_space<vmem>>)
      %dma_wait3A_336 = arith.constant 560 : i32
      %dma_wait3A_337 = arith.constant 0 : i32
      %dma_wait3A_338 = tpu.memref_slice %arg8[%dma_wait3A_336, %dma_wait3A_337] : memref<1000x128xf32, #tpu.memory_space<vmem>> -> memref<40x128xf32, #tpu.memory_space<vmem>>
      %dma_wait3A_339 = arith.constant 560 : i32
      %dma_wait3A_340 = tpu.memref_slice %arg7[%dma_wait3A_339] : memref<1000xi32, #tpu.memory_space<vmem>> -> memref<40xi32, #tpu.memory_space<vmem>>
      %dma_wait3A_341 = arith.constant 0 : i32
      %dma_wait3A_342 = arith.constant 0 : i32
      %dma_wait3A_343 = tpu.memref_slice %arg2[%dma_wait3A_341, %dma_wait3A_342] : memref<10000x128xf32, #tpu.memory_space<hbm>> -> memref<10000x128xf32, #tpu.memory_space<hbm>>
      tpu.wait_indirect_dma semaphore(%arg9 : memref<!tpu.dma_semaphore, #tpu.memory_space<semaphore_mem>>) src(%dma_wait3A_343 : memref<10000x128xf32, #tpu.memory_space<hbm>>) dst(%dma_wait3A_338 : memref<40x128xf32, #tpu.memory_space<vmem>>)
      %dma_wait3A_344 = arith.constant 600 : i32
      %dma_wait3A_345 = arith.constant 0 : i32
      %dma_wait3A_346 = tpu.memref_slice %arg8[%dma_wait3A_344, %dma_wait3A_345] : memref<1000x128xf32, #tpu.memory_space<vmem>> -> memref<40x128xf32, #tpu.memory_space<vmem>>
      %dma_wait3A_347 = arith.constant 600 : i32
      %dma_wait3A_348 = tpu.memref_slice %arg7[%dma_wait3A_347] : memref<1000xi32, #tpu.memory_space<vmem>> -> memref<40xi32, #tpu.memory_space<vmem>>
      %dma_wait3A_349 = arith.constant 0 : i32
      %dma_wait3A_350 = arith.constant 0 : i32
      %dma_wait3A_351 = tpu.memref_slice %arg2[%dma_wait3A_349, %dma_wait3A_350] : memref<10000x128xf32, #tpu.memory_space<hbm>> -> memref<10000x128xf32, #tpu.memory_space<hbm>>
      tpu.wait_indirect_dma semaphore(%arg9 : memref<!tpu.dma_semaphore, #tpu.memory_space<semaphore_mem>>) src(%dma_wait3A_351 : memref<10000x128xf32, #tpu.memory_space<hbm>>) dst(%dma_wait3A_346 : memref<40x128xf32, #tpu.memory_space<vmem>>)
      %dma_wait3A_352 = arith.constant 640 : i32
      %dma_wait3A_353 = arith.constant 0 : i32
      %dma_wait3A_354 = tpu.memref_slice %arg8[%dma_wait3A_352, %dma_wait3A_353] : memref<1000x128xf32, #tpu.memory_space<vmem>> -> memref<40x128xf32, #tpu.memory_space<vmem>>
      %dma_wait3A_355 = arith.constant 640 : i32
      %dma_wait3A_356 = tpu.memref_slice %arg7[%dma_wait3A_355] : memref<1000xi32, #tpu.memory_space<vmem>> -> memref<40xi32, #tpu.memory_space<vmem>>
      %dma_wait3A_357 = arith.constant 0 : i32
      %dma_wait3A_358 = arith.constant 0 : i32
      %dma_wait3A_359 = tpu.memref_slice %arg2[%dma_wait3A_357, %dma_wait3A_358] : memref<10000x128xf32, #tpu.memory_space<hbm>> -> memref<10000x128xf32, #tpu.memory_space<hbm>>
      tpu.wait_indirect_dma semaphore(%arg9 : memref<!tpu.dma_semaphore, #tpu.memory_space<semaphore_mem>>) src(%dma_wait3A_359 : memref<10000x128xf32, #tpu.memory_space<hbm>>) dst(%dma_wait3A_354 : memref<40x128xf32, #tpu.memory_space<vmem>>)
      %dma_wait3A_360 = arith.constant 680 : i32
      %dma_wait3A_361 = arith.constant 0 : i32
      %dma_wait3A_362 = tpu.memref_slice %arg8[%dma_wait3A_360, %dma_wait3A_361] : memref<1000x128xf32, #tpu.memory_space<vmem>> -> memref<40x128xf32, #tpu.memory_space<vmem>>
      %dma_wait3A_363 = arith.constant 680 : i32
      %dma_wait3A_364 = tpu.memref_slice %arg7[%dma_wait3A_363] : memref<1000xi32, #tpu.memory_space<vmem>> -> memref<40xi32, #tpu.memory_space<vmem>>
      %dma_wait3A_365 = arith.constant 0 : i32
      %dma_wait3A_366 = arith.constant 0 : i32
      %dma_wait3A_367 = tpu.memref_slice %arg2[%dma_wait3A_365, %dma_wait3A_366] : memref<10000x128xf32, #tpu.memory_space<hbm>> -> memref<10000x128xf32, #tpu.memory_space<hbm>>
      tpu.wait_indirect_dma semaphore(%arg9 : memref<!tpu.dma_semaphore, #tpu.memory_space<semaphore_mem>>) src(%dma_wait3A_367 : memref<10000x128xf32, #tpu.memory_space<hbm>>) dst(%dma_wait3A_362 : memref<40x128xf32, #tpu.memory_space<vmem>>)
      %dma_wait3A_368 = arith.constant 720 : i32
      %dma_wait3A_369 = arith.constant 0 : i32
      %dma_wait3A_370 = tpu.memref_slice %arg8[%dma_wait3A_368, %dma_wait3A_369] : memref<1000x128xf32, #tpu.memory_space<vmem>> -> memref<40x128xf32, #tpu.memory_space<vmem>>
      %dma_wait3A_371 = arith.constant 720 : i32
      %dma_wait3A_372 = tpu.memref_slice %arg7[%dma_wait3A_371] : memref<1000xi32, #tpu.memory_space<vmem>> -> memref<40xi32, #tpu.memory_space<vmem>>
      %dma_wait3A_373 = arith.constant 0 : i32
      %dma_wait3A_374 = arith.constant 0 : i32
      %dma_wait3A_375 = tpu.memref_slice %arg2[%dma_wait3A_373, %dma_wait3A_374] : memref<10000x128xf32, #tpu.memory_space<hbm>> -> memref<10000x128xf32, #tpu.memory_space<hbm>>
      tpu.wait_indirect_dma semaphore(%arg9 : memref<!tpu.dma_semaphore, #tpu.memory_space<semaphore_mem>>) src(%dma_wait3A_375 : memref<10000x128xf32, #tpu.memory_space<hbm>>) dst(%dma_wait3A_370 : memref<40x128xf32, #tpu.memory_space<vmem>>)
      %dma_wait3A_376 = arith.constant 760 : i32
      %dma_wait3A_377 = arith.constant 0 : i32
      %dma_wait3A_378 = tpu.memref_slice %arg8[%dma_wait3A_376, %dma_wait3A_377] : memref<1000x128xf32, #tpu.memory_space<vmem>> -> memref<40x128xf32, #tpu.memory_space<vmem>>
      %dma_wait3A_379 = arith.constant 760 : i32
      %dma_wait3A_380 = tpu.memref_slice %arg7[%dma_wait3A_379] : memref<1000xi32, #tpu.memory_space<vmem>> -> memref<40xi32, #tpu.memory_space<vmem>>
      %dma_wait3A_381 = arith.constant 0 : i32
      %dma_wait3A_382 = arith.constant 0 : i32
      %dma_wait3A_383 = tpu.memref_slice %arg2[%dma_wait3A_381, %dma_wait3A_382] : memref<10000x128xf32, #tpu.memory_space<hbm>> -> memref<10000x128xf32, #tpu.memory_space<hbm>>
      tpu.wait_indirect_dma semaphore(%arg9 : memref<!tpu.dma_semaphore, #tpu.memory_space<semaphore_mem>>) src(%dma_wait3A_383 : memref<10000x128xf32, #tpu.memory_space<hbm>>) dst(%dma_wait3A_378 : memref<40x128xf32, #tpu.memory_space<vmem>>)
      %dma_wait3A_384 = arith.constant 800 : i32
      %dma_wait3A_385 = arith.constant 0 : i32
      %dma_wait3A_386 = tpu.memref_slice %arg8[%dma_wait3A_384, %dma_wait3A_385] : memref<1000x128xf32, #tpu.memory_space<vmem>> -> memref<40x128xf32, #tpu.memory_space<vmem>>
      %dma_wait3A_387 = arith.constant 800 : i32
      %dma_wait3A_388 = tpu.memref_slice %arg7[%dma_wait3A_387] : memref<1000xi32, #tpu.memory_space<vmem>> -> memref<40xi32, #tpu.memory_space<vmem>>
      %dma_wait3A_389 = arith.constant 0 : i32
      %dma_wait3A_390 = arith.constant 0 : i32
      %dma_wait3A_391 = tpu.memref_slice %arg2[%dma_wait3A_389, %dma_wait3A_390] : memref<10000x128xf32, #tpu.memory_space<hbm>> -> memref<10000x128xf32, #tpu.memory_space<hbm>>
      tpu.wait_indirect_dma semaphore(%arg9 : memref<!tpu.dma_semaphore, #tpu.memory_space<semaphore_mem>>) src(%dma_wait3A_391 : memref<10000x128xf32, #tpu.memory_space<hbm>>) dst(%dma_wait3A_386 : memref<40x128xf32, #tpu.memory_space<vmem>>)
      %dma_wait3A_392 = arith.constant 840 : i32
      %dma_wait3A_393 = arith.constant 0 : i32
      %dma_wait3A_394 = tpu.memref_slice %arg8[%dma_wait3A_392, %dma_wait3A_393] : memref<1000x128xf32, #tpu.memory_space<vmem>> -> memref<40x128xf32, #tpu.memory_space<vmem>>
      %dma_wait3A_395 = arith.constant 840 : i32
      %dma_wait3A_396 = tpu.memref_slice %arg7[%dma_wait3A_395] : memref<1000xi32, #tpu.memory_space<vmem>> -> memref<40xi32, #tpu.memory_space<vmem>>
      %dma_wait3A_397 = arith.constant 0 : i32
      %dma_wait3A_398 = arith.constant 0 : i32
      %dma_wait3A_399 = tpu.memref_slice %arg2[%dma_wait3A_397, %dma_wait3A_398] : memref<10000x128xf32, #tpu.memory_space<hbm>> -> memref<10000x128xf32, #tpu.memory_space<hbm>>
      tpu.wait_indirect_dma semaphore(%arg9 : memref<!tpu.dma_semaphore, #tpu.memory_space<semaphore_mem>>) src(%dma_wait3A_399 : memref<10000x128xf32, #tpu.memory_space<hbm>>) dst(%dma_wait3A_394 : memref<40x128xf32, #tpu.memory_space<vmem>>)
      %dma_wait3A_400 = arith.constant 880 : i32
      %dma_wait3A_401 = arith.constant 0 : i32
      %dma_wait3A_402 = tpu.memref_slice %arg8[%dma_wait3A_400, %dma_wait3A_401] : memref<1000x128xf32, #tpu.memory_space<vmem>> -> memref<40x128xf32, #tpu.memory_space<vmem>>
      %dma_wait3A_403 = arith.constant 880 : i32
      %dma_wait3A_404 = tpu.memref_slice %arg7[%dma_wait3A_403] : memref<1000xi32, #tpu.memory_space<vmem>> -> memref<40xi32, #tpu.memory_space<vmem>>
      %dma_wait3A_405 = arith.constant 0 : i32
      %dma_wait3A_406 = arith.constant 0 : i32
      %dma_wait3A_407 = tpu.memref_slice %arg2[%dma_wait3A_405, %dma_wait3A_406] : memref<10000x128xf32, #tpu.memory_space<hbm>> -> memref<10000x128xf32, #tpu.memory_space<hbm>>
      tpu.wait_indirect_dma semaphore(%arg9 : memref<!tpu.dma_semaphore, #tpu.memory_space<semaphore_mem>>) src(%dma_wait3A_407 : memref<10000x128xf32, #tpu.memory_space<hbm>>) dst(%dma_wait3A_402 : memref<40x128xf32, #tpu.memory_space<vmem>>)
      %dma_wait3A_408 = arith.constant 920 : i32
      %dma_wait3A_409 = arith.constant 0 : i32
      %dma_wait3A_410 = tpu.memref_slice %arg8[%dma_wait3A_408, %dma_wait3A_409] : memref<1000x128xf32, #tpu.memory_space<vmem>> -> memref<40x128xf32, #tpu.memory_space<vmem>>
      %dma_wait3A_411 = arith.constant 920 : i32
      %dma_wait3A_412 = tpu.memref_slice %arg7[%dma_wait3A_411] : memref<1000xi32, #tpu.memory_space<vmem>> -> memref<40xi32, #tpu.memory_space<vmem>>
      %dma_wait3A_413 = arith.constant 0 : i32
      %dma_wait3A_414 = arith.constant 0 : i32
      %dma_wait3A_415 = tpu.memref_slice %arg2[%dma_wait3A_413, %dma_wait3A_414] : memref<10000x128xf32, #tpu.memory_space<hbm>> -> memref<10000x128xf32, #tpu.memory_space<hbm>>
      tpu.wait_indirect_dma semaphore(%arg9 : memref<!tpu.dma_semaphore, #tpu.memory_space<semaphore_mem>>) src(%dma_wait3A_415 : memref<10000x128xf32, #tpu.memory_space<hbm>>) dst(%dma_wait3A_410 : memref<40x128xf32, #tpu.memory_space<vmem>>)
      %dma_wait3A_416 = arith.constant 960 : i32
      %dma_wait3A_417 = arith.constant 0 : i32
      %dma_wait3A_418 = tpu.memref_slice %arg8[%dma_wait3A_416, %dma_wait3A_417] : memref<1000x128xf32, #tpu.memory_space<vmem>> -> memref<40x128xf32, #tpu.memory_space<vmem>>
      %dma_wait3A_419 = arith.constant 960 : i32
      %dma_wait3A_420 = tpu.memref_slice %arg7[%dma_wait3A_419] : memref<1000xi32, #tpu.memory_space<vmem>> -> memref<40xi32, #tpu.memory_space<vmem>>
      %dma_wait3A_421 = arith.constant 0 : i32
      %dma_wait3A_422 = arith.constant 0 : i32
      %dma_wait3A_423 = tpu.memref_slice %arg2[%dma_wait3A_421, %dma_wait3A_422] : memref<10000x128xf32, #tpu.memory_space<hbm>> -> memref<10000x128xf32, #tpu.memory_space<hbm>>
      tpu.wait_indirect_dma semaphore(%arg9 : memref<!tpu.dma_semaphore, #tpu.memory_space<semaphore_mem>>) src(%dma_wait3A_423 : memref<10000x128xf32, #tpu.memory_space<hbm>>) dst(%dma_wait3A_418 : memref<40x128xf32, #tpu.memory_space<vmem>>)
      "tpu.region"() ({
        %run_scoped3A = tpu.sem_alloc : memref<!tpu.dma_semaphore, #tpu.memory_space<semaphore_mem>>
        %dma_start3A_425 = arith.constant 0 : i32
        %dma_start3A_426 = tpu.memref_slice %arg5[%add3A_25, %dma_start3A_425] : memref<321536x128xf32, #tpu.memory_space<hbm>> -> memref<1000x128xf32, #tpu.memory_space<hbm>>
        %dma_start3A_427 = arith.constant 0 : i32
        %dma_start3A_428 = tpu.memref_slice %arg5[%add3A_25, %dma_start3A_427] : memref<321536x128xf32, #tpu.memory_space<hbm>> -> memref<1000x128xf32, #tpu.memory_space<hbm>>
        tpu.enqueue_dma source(%arg8 : memref<1000x128xf32, #tpu.memory_space<vmem>>) target(%dma_start3A_428 : memref<1000x128xf32, #tpu.memory_space<hbm>>) target_semaphore(%run_scoped3A : memref<!tpu.dma_semaphore, #tpu.memory_space<semaphore_mem>>)
        %dma_wait3A_429 = arith.constant 0 : i32
        %dma_wait3A_430 = tpu.memref_slice %arg5[%add3A_25, %dma_wait3A_429] : memref<321536x128xf32, #tpu.memory_space<hbm>> -> memref<1000x128xf32, #tpu.memory_space<hbm>>
        %dma_wait3A_431 = arith.constant 0 : i32
        %dma_wait3A_432 = tpu.memref_slice %arg5[%add3A_25, %dma_wait3A_431] : memref<321536x128xf32, #tpu.memory_space<hbm>> -> memref<1000x128xf32, #tpu.memory_space<hbm>>
        tpu.wait_dma2 semaphore(%run_scoped3A : memref<!tpu.dma_semaphore, #tpu.memory_space<semaphore_mem>>) src(%arg8 : memref<1000x128xf32, #tpu.memory_space<vmem>>) dst(%dma_wait3A_432 : memref<1000x128xf32, #tpu.memory_space<hbm>>)
        tpu.yield
      }) : () -> ()
      %scan3A_424 = arith.constant 0 : i32
      scf.yield %scan3A_424 : i32
    }
    %scan3A_8 = arith.constant 10 : i32
    %mul3A_9 = arith.constant 2 : i32
    %mul3A_10 = arith.muli %arg1, %mul3A_9 : i32
    %add3A_11 = arith.addi %mul3A_10, %arg0 : i32
    %mul3A_12 = arith.constant 10000 : i32
    %mul3A_13 = arith.muli %add3A_11, %mul3A_12 : i32
    %scan3A_14 = arith.constant 0 : i32
    %scan3A_15 = arith.constant 0 : i32
    %scan3A_16 = arith.constant 10 : i32
    %scan3A_17 = arith.addi %scan3A_15, %scan3A_16 : i32
    %scan3A_18 = arith.constant 1 : i32
    %scan3A_19 = scf.for %scan3A_21 = %scan3A_15 to %scan3A_17 step %scan3A_18 iter_args(%scan3A_22 = %scan3A_14) -> (i32)  : i32 {
      %mul3A_23 = arith.constant 1000 : i32
      %mul3A_24 = arith.muli %scan3A_21, %mul3A_23 : i32
      %add3A_25 = arith.addi %mul3A_13, %mul3A_24 : i32
      "tpu.region"() ({
        %run_scoped3A = tpu.sem_alloc : memref<!tpu.dma_semaphore, #tpu.memory_space<semaphore_mem>>
        %dma_start3A_425 = tpu.memref_slice %arg4[%add3A_25] : memref<320000xi32, #tpu.memory_space<hbm>> -> memref<1000xi32, #tpu.memory_space<hbm>>
        %dma_start3A_426 = tpu.memref_slice %arg4[%add3A_25] : memref<320000xi32, #tpu.memory_space<hbm>> -> memref<1000xi32, #tpu.memory_space<hbm>>
        tpu.enqueue_dma source(%dma_start3A_426 : memref<1000xi32, #tpu.memory_space<hbm>>) target(%arg7 : memref<1000xi32, #tpu.memory_space<vmem>>) target_semaphore(%run_scoped3A : memref<!tpu.dma_semaphore, #tpu.memory_space<semaphore_mem>>)
        %dma_wait3A_427 = tpu.memref_slice %arg4[%add3A_25] : memref<320000xi32, #tpu.memory_space<hbm>> -> memref<1000xi32, #tpu.memory_space<hbm>>
        %dma_wait3A_428 = tpu.memref_slice %arg4[%add3A_25] : memref<320000xi32, #tpu.memory_space<hbm>> -> memref<1000xi32, #tpu.memory_space<hbm>>
        tpu.wait_dma2 semaphore(%run_scoped3A : memref<!tpu.dma_semaphore, #tpu.memory_space<semaphore_mem>>) src(%dma_wait3A_428 : memref<1000xi32, #tpu.memory_space<hbm>>) dst(%arg7 : memref<1000xi32, #tpu.memory_space<vmem>>)
        tpu.yield
      }) : () -> ()
      %dma_start3A = arith.constant 0 : i32
      %dma_start3A_26 = arith.constant 0 : i32
      %dma_start3A_27 = tpu.memref_slice %arg8[%dma_start3A, %dma_start3A_26] : memref<1000x128xf32, #tpu.memory_space<vmem>> -> memref<40x128xf32, #tpu.memory_space<vmem>>
      %dma_start3A_28 = arith.constant 0 : i32
      %dma_start3A_29 = tpu.memref_slice %arg7[%dma_start3A_28] : memref<1000xi32, #tpu.memory_space<vmem>> -> memref<40xi32, #tpu.memory_space<vmem>>
      %dma_start3A_30 = arith.constant 0 : i32
      %dma_start3A_31 = arith.constant 0 : i32
      %dma_start3A_32 = tpu.memref_slice %arg2[%dma_start3A_30, %dma_start3A_31] : memref<10000x128xf32, #tpu.memory_space<hbm>> -> memref<10000x128xf32, #tpu.memory_space<hbm>>
      tpu.enqueue_indirect_dma source(%dma_start3A_32 : memref<10000x128xf32, #tpu.memory_space<hbm>>) target(%dma_start3A_27 : memref<40x128xf32, #tpu.memory_space<vmem>>) offsets(%dma_start3A_29 : memref<40xi32, #tpu.memory_space<vmem>>) semaphore(%arg9 : memref<!tpu.dma_semaphore, #tpu.memory_space<semaphore_mem>>)
      %dma_start3A_33 = arith.constant 40 : i32
      %dma_start3A_34 = arith.constant 0 : i32
      %dma_start3A_35 = tpu.memref_slice %arg8[%dma_start3A_33, %dma_start3A_34] : memref<1000x128xf32, #tpu.memory_space<vmem>> -> memref<40x128xf32, #tpu.memory_space<vmem>>
      %dma_start3A_36 = arith.constant 40 : i32
      %dma_start3A_37 = tpu.memref_slice %arg7[%dma_start3A_36] : memref<1000xi32, #tpu.memory_space<vmem>> -> memref<40xi32, #tpu.memory_space<vmem>>
      %dma_start3A_38 = arith.constant 0 : i32
      %dma_start3A_39 = arith.constant 0 : i32
      %dma_start3A_40 = tpu.memref_slice %arg2[%dma_start3A_38, %dma_start3A_39] : memref<10000x128xf32, #tpu.memory_space<hbm>> -> memref<10000x128xf32, #tpu.memory_space<hbm>>
      tpu.enqueue_indirect_dma source(%dma_start3A_40 : memref<10000x128xf32, #tpu.memory_space<hbm>>) target(%dma_start3A_35 : memref<40x128xf32, #tpu.memory_space<vmem>>) offsets(%dma_start3A_37 : memref<40xi32, #tpu.memory_space<vmem>>) semaphore(%arg9 : memref<!tpu.dma_semaphore, #tpu.memory_space<semaphore_mem>>)
      %dma_start3A_41 = arith.constant 80 : i32
      %dma_start3A_42 = arith.constant 0 : i32
      %dma_start3A_43 = tpu.memref_slice %arg8[%dma_start3A_41, %dma_start3A_42] : memref<1000x128xf32, #tpu.memory_space<vmem>> -> memref<40x128xf32, #tpu.memory_space<vmem>>
      %dma_start3A_44 = arith.constant 80 : i32
      %dma_start3A_45 = tpu.memref_slice %arg7[%dma_start3A_44] : memref<1000xi32, #tpu.memory_space<vmem>> -> memref<40xi32, #tpu.memory_space<vmem>>
      %dma_start3A_46 = arith.constant 0 : i32
      %dma_start3A_47 = arith.constant 0 : i32
      %dma_start3A_48 = tpu.memref_slice %arg2[%dma_start3A_46, %dma_start3A_47] : memref<10000x128xf32, #tpu.memory_space<hbm>> -> memref<10000x128xf32, #tpu.memory_space<hbm>>
      tpu.enqueue_indirect_dma source(%dma_start3A_48 : memref<10000x128xf32, #tpu.memory_space<hbm>>) target(%dma_start3A_43 : memref<40x128xf32, #tpu.memory_space<vmem>>) offsets(%dma_start3A_45 : memref<40xi32, #tpu.memory_space<vmem>>) semaphore(%arg9 : memref<!tpu.dma_semaphore, #tpu.memory_space<semaphore_mem>>)
      %dma_start3A_49 = arith.constant 120 : i32
      %dma_start3A_50 = arith.constant 0 : i32
      %dma_start3A_51 = tpu.memref_slice %arg8[%dma_start3A_49, %dma_start3A_50] : memref<1000x128xf32, #tpu.memory_space<vmem>> -> memref<40x128xf32, #tpu.memory_space<vmem>>
      %dma_start3A_52 = arith.constant 120 : i32
      %dma_start3A_53 = tpu.memref_slice %arg7[%dma_start3A_52] : memref<1000xi32, #tpu.memory_space<vmem>> -> memref<40xi32, #tpu.memory_space<vmem>>
      %dma_start3A_54 = arith.constant 0 : i32
      %dma_start3A_55 = arith.constant 0 : i32
      %dma_start3A_56 = tpu.memref_slice %arg2[%dma_start3A_54, %dma_start3A_55] : memref<10000x128xf32, #tpu.memory_space<hbm>> -> memref<10000x128xf32, #tpu.memory_space<hbm>>
      tpu.enqueue_indirect_dma source(%dma_start3A_56 : memref<10000x128xf32, #tpu.memory_space<hbm>>) target(%dma_start3A_51 : memref<40x128xf32, #tpu.memory_space<vmem>>) offsets(%dma_start3A_53 : memref<40xi32, #tpu.memory_space<vmem>>) semaphore(%arg9 : memref<!tpu.dma_semaphore, #tpu.memory_space<semaphore_mem>>)
      %dma_start3A_57 = arith.constant 160 : i32
      %dma_start3A_58 = arith.constant 0 : i32
      %dma_start3A_59 = tpu.memref_slice %arg8[%dma_start3A_57, %dma_start3A_58] : memref<1000x128xf32, #tpu.memory_space<vmem>> -> memref<40x128xf32, #tpu.memory_space<vmem>>
      %dma_start3A_60 = arith.constant 160 : i32
      %dma_start3A_61 = tpu.memref_slice %arg7[%dma_start3A_60] : memref<1000xi32, #tpu.memory_space<vmem>> -> memref<40xi32, #tpu.memory_space<vmem>>
      %dma_start3A_62 = arith.constant 0 : i32
      %dma_start3A_63 = arith.constant 0 : i32
      %dma_start3A_64 = tpu.memref_slice %arg2[%dma_start3A_62, %dma_start3A_63] : memref<10000x128xf32, #tpu.memory_space<hbm>> -> memref<10000x128xf32, #tpu.memory_space<hbm>>
      tpu.enqueue_indirect_dma source(%dma_start3A_64 : memref<10000x128xf32, #tpu.memory_space<hbm>>) target(%dma_start3A_59 : memref<40x128xf32, #tpu.memory_space<vmem>>) offsets(%dma_start3A_61 : memref<40xi32, #tpu.memory_space<vmem>>) semaphore(%arg9 : memref<!tpu.dma_semaphore, #tpu.memory_space<semaphore_mem>>)
      %dma_start3A_65 = arith.constant 200 : i32
      %dma_start3A_66 = arith.constant 0 : i32
      %dma_start3A_67 = tpu.memref_slice %arg8[%dma_start3A_65, %dma_start3A_66] : memref<1000x128xf32, #tpu.memory_space<vmem>> -> memref<40x128xf32, #tpu.memory_space<vmem>>
      %dma_start3A_68 = arith.constant 200 : i32
      %dma_start3A_69 = tpu.memref_slice %arg7[%dma_start3A_68] : memref<1000xi32, #tpu.memory_space<vmem>> -> memref<40xi32, #tpu.memory_space<vmem>>
      %dma_start3A_70 = arith.constant 0 : i32
      %dma_start3A_71 = arith.constant 0 : i32
      %dma_start3A_72 = tpu.memref_slice %arg2[%dma_start3A_70, %dma_start3A_71] : memref<10000x128xf32, #tpu.memory_space<hbm>> -> memref<10000x128xf32, #tpu.memory_space<hbm>>
      tpu.enqueue_indirect_dma source(%dma_start3A_72 : memref<10000x128xf32, #tpu.memory_space<hbm>>) target(%dma_start3A_67 : memref<40x128xf32, #tpu.memory_space<vmem>>) offsets(%dma_start3A_69 : memref<40xi32, #tpu.memory_space<vmem>>) semaphore(%arg9 : memref<!tpu.dma_semaphore, #tpu.memory_space<semaphore_mem>>)
      %dma_start3A_73 = arith.constant 240 : i32
      %dma_start3A_74 = arith.constant 0 : i32
      %dma_start3A_75 = tpu.memref_slice %arg8[%dma_start3A_73, %dma_start3A_74] : memref<1000x128xf32, #tpu.memory_space<vmem>> -> memref<40x128xf32, #tpu.memory_space<vmem>>
      %dma_start3A_76 = arith.constant 240 : i32
      %dma_start3A_77 = tpu.memref_slice %arg7[%dma_start3A_76] : memref<1000xi32, #tpu.memory_space<vmem>> -> memref<40xi32, #tpu.memory_space<vmem>>
      %dma_start3A_78 = arith.constant 0 : i32
      %dma_start3A_79 = arith.constant 0 : i32
      %dma_start3A_80 = tpu.memref_slice %arg2[%dma_start3A_78, %dma_start3A_79] : memref<10000x128xf32, #tpu.memory_space<hbm>> -> memref<10000x128xf32, #tpu.memory_space<hbm>>
      tpu.enqueue_indirect_dma source(%dma_start3A_80 : memref<10000x128xf32, #tpu.memory_space<hbm>>) target(%dma_start3A_75 : memref<40x128xf32, #tpu.memory_space<vmem>>) offsets(%dma_start3A_77 : memref<40xi32, #tpu.memory_space<vmem>>) semaphore(%arg9 : memref<!tpu.dma_semaphore, #tpu.memory_space<semaphore_mem>>)
      %dma_start3A_81 = arith.constant 280 : i32
      %dma_start3A_82 = arith.constant 0 : i32
      %dma_start3A_83 = tpu.memref_slice %arg8[%dma_start3A_81, %dma_start3A_82] : memref<1000x128xf32, #tpu.memory_space<vmem>> -> memref<40x128xf32, #tpu.memory_space<vmem>>
      %dma_start3A_84 = arith.constant 280 : i32
      %dma_start3A_85 = tpu.memref_slice %arg7[%dma_start3A_84] : memref<1000xi32, #tpu.memory_space<vmem>> -> memref<40xi32, #tpu.memory_space<vmem>>
      %dma_start3A_86 = arith.constant 0 : i32
      %dma_start3A_87 = arith.constant 0 : i32
      %dma_start3A_88 = tpu.memref_slice %arg2[%dma_start3A_86, %dma_start3A_87] : memref<10000x128xf32, #tpu.memory_space<hbm>> -> memref<10000x128xf32, #tpu.memory_space<hbm>>
      tpu.enqueue_indirect_dma source(%dma_start3A_88 : memref<10000x128xf32, #tpu.memory_space<hbm>>) target(%dma_start3A_83 : memref<40x128xf32, #tpu.memory_space<vmem>>) offsets(%dma_start3A_85 : memref<40xi32, #tpu.memory_space<vmem>>) semaphore(%arg9 : memref<!tpu.dma_semaphore, #tpu.memory_space<semaphore_mem>>)
      %dma_start3A_89 = arith.constant 320 : i32
      %dma_start3A_90 = arith.constant 0 : i32
      %dma_start3A_91 = tpu.memref_slice %arg8[%dma_start3A_89, %dma_start3A_90] : memref<1000x128xf32, #tpu.memory_space<vmem>> -> memref<40x128xf32, #tpu.memory_space<vmem>>
      %dma_start3A_92 = arith.constant 320 : i32
      %dma_start3A_93 = tpu.memref_slice %arg7[%dma_start3A_92] : memref<1000xi32, #tpu.memory_space<vmem>> -> memref<40xi32, #tpu.memory_space<vmem>>
      %dma_start3A_94 = arith.constant 0 : i32
      %dma_start3A_95 = arith.constant 0 : i32
      %dma_start3A_96 = tpu.memref_slice %arg2[%dma_start3A_94, %dma_start3A_95] : memref<10000x128xf32, #tpu.memory_space<hbm>> -> memref<10000x128xf32, #tpu.memory_space<hbm>>
      tpu.enqueue_indirect_dma source(%dma_start3A_96 : memref<10000x128xf32, #tpu.memory_space<hbm>>) target(%dma_start3A_91 : memref<40x128xf32, #tpu.memory_space<vmem>>) offsets(%dma_start3A_93 : memref<40xi32, #tpu.memory_space<vmem>>) semaphore(%arg9 : memref<!tpu.dma_semaphore, #tpu.memory_space<semaphore_mem>>)
      %dma_start3A_97 = arith.constant 360 : i32
      %dma_start3A_98 = arith.constant 0 : i32
      %dma_start3A_99 = tpu.memref_slice %arg8[%dma_start3A_97, %dma_start3A_98] : memref<1000x128xf32, #tpu.memory_space<vmem>> -> memref<40x128xf32, #tpu.memory_space<vmem>>
      %dma_start3A_100 = arith.constant 360 : i32
      %dma_start3A_101 = tpu.memref_slice %arg7[%dma_start3A_100] : memref<1000xi32, #tpu.memory_space<vmem>> -> memref<40xi32, #tpu.memory_space<vmem>>
      %dma_start3A_102 = arith.constant 0 : i32
      %dma_start3A_103 = arith.constant 0 : i32
      %dma_start3A_104 = tpu.memref_slice %arg2[%dma_start3A_102, %dma_start3A_103] : memref<10000x128xf32, #tpu.memory_space<hbm>> -> memref<10000x128xf32, #tpu.memory_space<hbm>>
      tpu.enqueue_indirect_dma source(%dma_start3A_104 : memref<10000x128xf32, #tpu.memory_space<hbm>>) target(%dma_start3A_99 : memref<40x128xf32, #tpu.memory_space<vmem>>) offsets(%dma_start3A_101 : memref<40xi32, #tpu.memory_space<vmem>>) semaphore(%arg9 : memref<!tpu.dma_semaphore, #tpu.memory_space<semaphore_mem>>)
      %dma_start3A_105 = arith.constant 400 : i32
      %dma_start3A_106 = arith.constant 0 : i32
      %dma_start3A_107 = tpu.memref_slice %arg8[%dma_start3A_105, %dma_start3A_106] : memref<1000x128xf32, #tpu.memory_space<vmem>> -> memref<40x128xf32, #tpu.memory_space<vmem>>
      %dma_start3A_108 = arith.constant 400 : i32
      %dma_start3A_109 = tpu.memref_slice %arg7[%dma_start3A_108] : memref<1000xi32, #tpu.memory_space<vmem>> -> memref<40xi32, #tpu.memory_space<vmem>>
      %dma_start3A_110 = arith.constant 0 : i32
      %dma_start3A_111 = arith.constant 0 : i32
      %dma_start3A_112 = tpu.memref_slice %arg2[%dma_start3A_110, %dma_start3A_111] : memref<10000x128xf32, #tpu.memory_space<hbm>> -> memref<10000x128xf32, #tpu.memory_space<hbm>>
      tpu.enqueue_indirect_dma source(%dma_start3A_112 : memref<10000x128xf32, #tpu.memory_space<hbm>>) target(%dma_start3A_107 : memref<40x128xf32, #tpu.memory_space<vmem>>) offsets(%dma_start3A_109 : memref<40xi32, #tpu.memory_space<vmem>>) semaphore(%arg9 : memref<!tpu.dma_semaphore, #tpu.memory_space<semaphore_mem>>)
      %dma_start3A_113 = arith.constant 440 : i32
      %dma_start3A_114 = arith.constant 0 : i32
      %dma_start3A_115 = tpu.memref_slice %arg8[%dma_start3A_113, %dma_start3A_114] : memref<1000x128xf32, #tpu.memory_space<vmem>> -> memref<40x128xf32, #tpu.memory_space<vmem>>
      %dma_start3A_116 = arith.constant 440 : i32
      %dma_start3A_117 = tpu.memref_slice %arg7[%dma_start3A_116] : memref<1000xi32, #tpu.memory_space<vmem>> -> memref<40xi32, #tpu.memory_space<vmem>>
      %dma_start3A_118 = arith.constant 0 : i32
      %dma_start3A_119 = arith.constant 0 : i32
      %dma_start3A_120 = tpu.memref_slice %arg2[%dma_start3A_118, %dma_start3A_119] : memref<10000x128xf32, #tpu.memory_space<hbm>> -> memref<10000x128xf32, #tpu.memory_space<hbm>>
      tpu.enqueue_indirect_dma source(%dma_start3A_120 : memref<10000x128xf32, #tpu.memory_space<hbm>>) target(%dma_start3A_115 : memref<40x128xf32, #tpu.memory_space<vmem>>) offsets(%dma_start3A_117 : memref<40xi32, #tpu.memory_space<vmem>>) semaphore(%arg9 : memref<!tpu.dma_semaphore, #tpu.memory_space<semaphore_mem>>)
      %dma_start3A_121 = arith.constant 480 : i32
      %dma_start3A_122 = arith.constant 0 : i32
      %dma_start3A_123 = tpu.memref_slice %arg8[%dma_start3A_121, %dma_start3A_122] : memref<1000x128xf32, #tpu.memory_space<vmem>> -> memref<40x128xf32, #tpu.memory_space<vmem>>
      %dma_start3A_124 = arith.constant 480 : i32
      %dma_start3A_125 = tpu.memref_slice %arg7[%dma_start3A_124] : memref<1000xi32, #tpu.memory_space<vmem>> -> memref<40xi32, #tpu.memory_space<vmem>>
      %dma_start3A_126 = arith.constant 0 : i32
      %dma_start3A_127 = arith.constant 0 : i32
      %dma_start3A_128 = tpu.memref_slice %arg2[%dma_start3A_126, %dma_start3A_127] : memref<10000x128xf32, #tpu.memory_space<hbm>> -> memref<10000x128xf32, #tpu.memory_space<hbm>>
      tpu.enqueue_indirect_dma source(%dma_start3A_128 : memref<10000x128xf32, #tpu.memory_space<hbm>>) target(%dma_start3A_123 : memref<40x128xf32, #tpu.memory_space<vmem>>) offsets(%dma_start3A_125 : memref<40xi32, #tpu.memory_space<vmem>>) semaphore(%arg9 : memref<!tpu.dma_semaphore, #tpu.memory_space<semaphore_mem>>)
      %dma_start3A_129 = arith.constant 520 : i32
      %dma_start3A_130 = arith.constant 0 : i32
      %dma_start3A_131 = tpu.memref_slice %arg8[%dma_start3A_129, %dma_start3A_130] : memref<1000x128xf32, #tpu.memory_space<vmem>> -> memref<40x128xf32, #tpu.memory_space<vmem>>
      %dma_start3A_132 = arith.constant 520 : i32
      %dma_start3A_133 = tpu.memref_slice %arg7[%dma_start3A_132] : memref<1000xi32, #tpu.memory_space<vmem>> -> memref<40xi32, #tpu.memory_space<vmem>>
      %dma_start3A_134 = arith.constant 0 : i32
      %dma_start3A_135 = arith.constant 0 : i32
      %dma_start3A_136 = tpu.memref_slice %arg2[%dma_start3A_134, %dma_start3A_135] : memref<10000x128xf32, #tpu.memory_space<hbm>> -> memref<10000x128xf32, #tpu.memory_space<hbm>>
      tpu.enqueue_indirect_dma source(%dma_start3A_136 : memref<10000x128xf32, #tpu.memory_space<hbm>>) target(%dma_start3A_131 : memref<40x128xf32, #tpu.memory_space<vmem>>) offsets(%dma_start3A_133 : memref<40xi32, #tpu.memory_space<vmem>>) semaphore(%arg9 : memref<!tpu.dma_semaphore, #tpu.memory_space<semaphore_mem>>)
      %dma_start3A_137 = arith.constant 560 : i32
      %dma_start3A_138 = arith.constant 0 : i32
      %dma_start3A_139 = tpu.memref_slice %arg8[%dma_start3A_137, %dma_start3A_138] : memref<1000x128xf32, #tpu.memory_space<vmem>> -> memref<40x128xf32, #tpu.memory_space<vmem>>
      %dma_start3A_140 = arith.constant 560 : i32
      %dma_start3A_141 = tpu.memref_slice %arg7[%dma_start3A_140] : memref<1000xi32, #tpu.memory_space<vmem>> -> memref<40xi32, #tpu.memory_space<vmem>>
      %dma_start3A_142 = arith.constant 0 : i32
      %dma_start3A_143 = arith.constant 0 : i32
      %dma_start3A_144 = tpu.memref_slice %arg2[%dma_start3A_142, %dma_start3A_143] : memref<10000x128xf32, #tpu.memory_space<hbm>> -> memref<10000x128xf32, #tpu.memory_space<hbm>>
      tpu.enqueue_indirect_dma source(%dma_start3A_144 : memref<10000x128xf32, #tpu.memory_space<hbm>>) target(%dma_start3A_139 : memref<40x128xf32, #tpu.memory_space<vmem>>) offsets(%dma_start3A_141 : memref<40xi32, #tpu.memory_space<vmem>>) semaphore(%arg9 : memref<!tpu.dma_semaphore, #tpu.memory_space<semaphore_mem>>)
      %dma_start3A_145 = arith.constant 600 : i32
      %dma_start3A_146 = arith.constant 0 : i32
      %dma_start3A_147 = tpu.memref_slice %arg8[%dma_start3A_145, %dma_start3A_146] : memref<1000x128xf32, #tpu.memory_space<vmem>> -> memref<40x128xf32, #tpu.memory_space<vmem>>
      %dma_start3A_148 = arith.constant 600 : i32
      %dma_start3A_149 = tpu.memref_slice %arg7[%dma_start3A_148] : memref<1000xi32, #tpu.memory_space<vmem>> -> memref<40xi32, #tpu.memory_space<vmem>>
      %dma_start3A_150 = arith.constant 0 : i32
      %dma_start3A_151 = arith.constant 0 : i32
      %dma_start3A_152 = tpu.memref_slice %arg2[%dma_start3A_150, %dma_start3A_151] : memref<10000x128xf32, #tpu.memory_space<hbm>> -> memref<10000x128xf32, #tpu.memory_space<hbm>>
      tpu.enqueue_indirect_dma source(%dma_start3A_152 : memref<10000x128xf32, #tpu.memory_space<hbm>>) target(%dma_start3A_147 : memref<40x128xf32, #tpu.memory_space<vmem>>) offsets(%dma_start3A_149 : memref<40xi32, #tpu.memory_space<vmem>>) semaphore(%arg9 : memref<!tpu.dma_semaphore, #tpu.memory_space<semaphore_mem>>)
      %dma_start3A_153 = arith.constant 640 : i32
      %dma_start3A_154 = arith.constant 0 : i32
      %dma_start3A_155 = tpu.memref_slice %arg8[%dma_start3A_153, %dma_start3A_154] : memref<1000x128xf32, #tpu.memory_space<vmem>> -> memref<40x128xf32, #tpu.memory_space<vmem>>
      %dma_start3A_156 = arith.constant 640 : i32
      %dma_start3A_157 = tpu.memref_slice %arg7[%dma_start3A_156] : memref<1000xi32, #tpu.memory_space<vmem>> -> memref<40xi32, #tpu.memory_space<vmem>>
      %dma_start3A_158 = arith.constant 0 : i32
      %dma_start3A_159 = arith.constant 0 : i32
      %dma_start3A_160 = tpu.memref_slice %arg2[%dma_start3A_158, %dma_start3A_159] : memref<10000x128xf32, #tpu.memory_space<hbm>> -> memref<10000x128xf32, #tpu.memory_space<hbm>>
      tpu.enqueue_indirect_dma source(%dma_start3A_160 : memref<10000x128xf32, #tpu.memory_space<hbm>>) target(%dma_start3A_155 : memref<40x128xf32, #tpu.memory_space<vmem>>) offsets(%dma_start3A_157 : memref<40xi32, #tpu.memory_space<vmem>>) semaphore(%arg9 : memref<!tpu.dma_semaphore, #tpu.memory_space<semaphore_mem>>)
      %dma_start3A_161 = arith.constant 680 : i32
      %dma_start3A_162 = arith.constant 0 : i32
      %dma_start3A_163 = tpu.memref_slice %arg8[%dma_start3A_161, %dma_start3A_162] : memref<1000x128xf32, #tpu.memory_space<vmem>> -> memref<40x128xf32, #tpu.memory_space<vmem>>
      %dma_start3A_164 = arith.constant 680 : i32
      %dma_start3A_165 = tpu.memref_slice %arg7[%dma_start3A_164] : memref<1000xi32, #tpu.memory_space<vmem>> -> memref<40xi32, #tpu.memory_space<vmem>>
      %dma_start3A_166 = arith.constant 0 : i32
      %dma_start3A_167 = arith.constant 0 : i32
      %dma_start3A_168 = tpu.memref_slice %arg2[%dma_start3A_166, %dma_start3A_167] : memref<10000x128xf32, #tpu.memory_space<hbm>> -> memref<10000x128xf32, #tpu.memory_space<hbm>>
      tpu.enqueue_indirect_dma source(%dma_start3A_168 : memref<10000x128xf32, #tpu.memory_space<hbm>>) target(%dma_start3A_163 : memref<40x128xf32, #tpu.memory_space<vmem>>) offsets(%dma_start3A_165 : memref<40xi32, #tpu.memory_space<vmem>>) semaphore(%arg9 : memref<!tpu.dma_semaphore, #tpu.memory_space<semaphore_mem>>)
      %dma_start3A_169 = arith.constant 720 : i32
      %dma_start3A_170 = arith.constant 0 : i32
      %dma_start3A_171 = tpu.memref_slice %arg8[%dma_start3A_169, %dma_start3A_170] : memref<1000x128xf32, #tpu.memory_space<vmem>> -> memref<40x128xf32, #tpu.memory_space<vmem>>
      %dma_start3A_172 = arith.constant 720 : i32
      %dma_start3A_173 = tpu.memref_slice %arg7[%dma_start3A_172] : memref<1000xi32, #tpu.memory_space<vmem>> -> memref<40xi32, #tpu.memory_space<vmem>>
      %dma_start3A_174 = arith.constant 0 : i32
      %dma_start3A_175 = arith.constant 0 : i32
      %dma_start3A_176 = tpu.memref_slice %arg2[%dma_start3A_174, %dma_start3A_175] : memref<10000x128xf32, #tpu.memory_space<hbm>> -> memref<10000x128xf32, #tpu.memory_space<hbm>>
      tpu.enqueue_indirect_dma source(%dma_start3A_176 : memref<10000x128xf32, #tpu.memory_space<hbm>>) target(%dma_start3A_171 : memref<40x128xf32, #tpu.memory_space<vmem>>) offsets(%dma_start3A_173 : memref<40xi32, #tpu.memory_space<vmem>>) semaphore(%arg9 : memref<!tpu.dma_semaphore, #tpu.memory_space<semaphore_mem>>)
      %dma_start3A_177 = arith.constant 760 : i32
      %dma_start3A_178 = arith.constant 0 : i32
      %dma_start3A_179 = tpu.memref_slice %arg8[%dma_start3A_177, %dma_start3A_178] : memref<1000x128xf32, #tpu.memory_space<vmem>> -> memref<40x128xf32, #tpu.memory_space<vmem>>
      %dma_start3A_180 = arith.constant 760 : i32
      %dma_start3A_181 = tpu.memref_slice %arg7[%dma_start3A_180] : memref<1000xi32, #tpu.memory_space<vmem>> -> memref<40xi32, #tpu.memory_space<vmem>>
      %dma_start3A_182 = arith.constant 0 : i32
      %dma_start3A_183 = arith.constant 0 : i32
      %dma_start3A_184 = tpu.memref_slice %arg2[%dma_start3A_182, %dma_start3A_183] : memref<10000x128xf32, #tpu.memory_space<hbm>> -> memref<10000x128xf32, #tpu.memory_space<hbm>>
      tpu.enqueue_indirect_dma source(%dma_start3A_184 : memref<10000x128xf32, #tpu.memory_space<hbm>>) target(%dma_start3A_179 : memref<40x128xf32, #tpu.memory_space<vmem>>) offsets(%dma_start3A_181 : memref<40xi32, #tpu.memory_space<vmem>>) semaphore(%arg9 : memref<!tpu.dma_semaphore, #tpu.memory_space<semaphore_mem>>)
      %dma_start3A_185 = arith.constant 800 : i32
      %dma_start3A_186 = arith.constant 0 : i32
      %dma_start3A_187 = tpu.memref_slice %arg8[%dma_start3A_185, %dma_start3A_186] : memref<1000x128xf32, #tpu.memory_space<vmem>> -> memref<40x128xf32, #tpu.memory_space<vmem>>
      %dma_start3A_188 = arith.constant 800 : i32
      %dma_start3A_189 = tpu.memref_slice %arg7[%dma_start3A_188] : memref<1000xi32, #tpu.memory_space<vmem>> -> memref<40xi32, #tpu.memory_space<vmem>>
      %dma_start3A_190 = arith.constant 0 : i32
      %dma_start3A_191 = arith.constant 0 : i32
      %dma_start3A_192 = tpu.memref_slice %arg2[%dma_start3A_190, %dma_start3A_191] : memref<10000x128xf32, #tpu.memory_space<hbm>> -> memref<10000x128xf32, #tpu.memory_space<hbm>>
      tpu.enqueue_indirect_dma source(%dma_start3A_192 : memref<10000x128xf32, #tpu.memory_space<hbm>>) target(%dma_start3A_187 : memref<40x128xf32, #tpu.memory_space<vmem>>) offsets(%dma_start3A_189 : memref<40xi32, #tpu.memory_space<vmem>>) semaphore(%arg9 : memref<!tpu.dma_semaphore, #tpu.memory_space<semaphore_mem>>)
      %dma_start3A_193 = arith.constant 840 : i32
      %dma_start3A_194 = arith.constant 0 : i32
      %dma_start3A_195 = tpu.memref_slice %arg8[%dma_start3A_193, %dma_start3A_194] : memref<1000x128xf32, #tpu.memory_space<vmem>> -> memref<40x128xf32, #tpu.memory_space<vmem>>
      %dma_start3A_196 = arith.constant 840 : i32
      %dma_start3A_197 = tpu.memref_slice %arg7[%dma_start3A_196] : memref<1000xi32, #tpu.memory_space<vmem>> -> memref<40xi32, #tpu.memory_space<vmem>>
      %dma_start3A_198 = arith.constant 0 : i32
      %dma_start3A_199 = arith.constant 0 : i32
      %dma_start3A_200 = tpu.memref_slice %arg2[%dma_start3A_198, %dma_start3A_199] : memref<10000x128xf32, #tpu.memory_space<hbm>> -> memref<10000x128xf32, #tpu.memory_space<hbm>>
      tpu.enqueue_indirect_dma source(%dma_start3A_200 : memref<10000x128xf32, #tpu.memory_space<hbm>>) target(%dma_start3A_195 : memref<40x128xf32, #tpu.memory_space<vmem>>) offsets(%dma_start3A_197 : memref<40xi32, #tpu.memory_space<vmem>>) semaphore(%arg9 : memref<!tpu.dma_semaphore, #tpu.memory_space<semaphore_mem>>)
      %dma_start3A_201 = arith.constant 880 : i32
      %dma_start3A_202 = arith.constant 0 : i32
      %dma_start3A_203 = tpu.memref_slice %arg8[%dma_start3A_201, %dma_start3A_202] : memref<1000x128xf32, #tpu.memory_space<vmem>> -> memref<40x128xf32, #tpu.memory_space<vmem>>
      %dma_start3A_204 = arith.constant 880 : i32
      %dma_start3A_205 = tpu.memref_slice %arg7[%dma_start3A_204] : memref<1000xi32, #tpu.memory_space<vmem>> -> memref<40xi32, #tpu.memory_space<vmem>>
      %dma_start3A_206 = arith.constant 0 : i32
      %dma_start3A_207 = arith.constant 0 : i32
      %dma_start3A_208 = tpu.memref_slice %arg2[%dma_start3A_206, %dma_start3A_207] : memref<10000x128xf32, #tpu.memory_space<hbm>> -> memref<10000x128xf32, #tpu.memory_space<hbm>>
      tpu.enqueue_indirect_dma source(%dma_start3A_208 : memref<10000x128xf32, #tpu.memory_space<hbm>>) target(%dma_start3A_203 : memref<40x128xf32, #tpu.memory_space<vmem>>) offsets(%dma_start3A_205 : memref<40xi32, #tpu.memory_space<vmem>>) semaphore(%arg9 : memref<!tpu.dma_semaphore, #tpu.memory_space<semaphore_mem>>)
      %dma_start3A_209 = arith.constant 920 : i32
      %dma_start3A_210 = arith.constant 0 : i32
      %dma_start3A_211 = tpu.memref_slice %arg8[%dma_start3A_209, %dma_start3A_210] : memref<1000x128xf32, #tpu.memory_space<vmem>> -> memref<40x128xf32, #tpu.memory_space<vmem>>
      %dma_start3A_212 = arith.constant 920 : i32
      %dma_start3A_213 = tpu.memref_slice %arg7[%dma_start3A_212] : memref<1000xi32, #tpu.memory_space<vmem>> -> memref<40xi32, #tpu.memory_space<vmem>>
      %dma_start3A_214 = arith.constant 0 : i32
      %dma_start3A_215 = arith.constant 0 : i32
      %dma_start3A_216 = tpu.memref_slice %arg2[%dma_start3A_214, %dma_start3A_215] : memref<10000x128xf32, #tpu.memory_space<hbm>> -> memref<10000x128xf32, #tpu.memory_space<hbm>>
      tpu.enqueue_indirect_dma source(%dma_start3A_216 : memref<10000x128xf32, #tpu.memory_space<hbm>>) target(%dma_start3A_211 : memref<40x128xf32, #tpu.memory_space<vmem>>) offsets(%dma_start3A_213 : memref<40xi32, #tpu.memory_space<vmem>>) semaphore(%arg9 : memref<!tpu.dma_semaphore, #tpu.memory_space<semaphore_mem>>)
      %dma_start3A_217 = arith.constant 960 : i32
      %dma_start3A_218 = arith.constant 0 : i32
      %dma_start3A_219 = tpu.memref_slice %arg8[%dma_start3A_217, %dma_start3A_218] : memref<1000x128xf32, #tpu.memory_space<vmem>> -> memref<40x128xf32, #tpu.memory_space<vmem>>
      %dma_start3A_220 = arith.constant 960 : i32
      %dma_start3A_221 = tpu.memref_slice %arg7[%dma_start3A_220] : memref<1000xi32, #tpu.memory_space<vmem>> -> memref<40xi32, #tpu.memory_space<vmem>>
      %dma_start3A_222 = arith.constant 0 : i32
      %dma_start3A_223 = arith.constant 0 : i32
      %dma_start3A_224 = tpu.memref_slice %arg2[%dma_start3A_222, %dma_start3A_223] : memref<10000x128xf32, #tpu.memory_space<hbm>> -> memref<10000x128xf32, #tpu.memory_space<hbm>>
      tpu.enqueue_indirect_dma source(%dma_start3A_224 : memref<10000x128xf32, #tpu.memory_space<hbm>>) target(%dma_start3A_219 : memref<40x128xf32, #tpu.memory_space<vmem>>) offsets(%dma_start3A_221 : memref<40xi32, #tpu.memory_space<vmem>>) semaphore(%arg9 : memref<!tpu.dma_semaphore, #tpu.memory_space<semaphore_mem>>)
      %dma_wait3A = arith.constant 0 : i32
      %dma_wait3A_225 = arith.constant 0 : i32
      %dma_wait3A_226 = tpu.memref_slice %arg8[%dma_wait3A, %dma_wait3A_225] : memref<1000x128xf32, #tpu.memory_space<vmem>> -> memref<40x128xf32, #tpu.memory_space<vmem>>
      %dma_wait3A_227 = arith.constant 0 : i32
      %dma_wait3A_228 = tpu.memref_slice %arg7[%dma_wait3A_227] : memref<1000xi32, #tpu.memory_space<vmem>> -> memref<40xi32, #tpu.memory_space<vmem>>
      %dma_wait3A_229 = arith.constant 0 : i32
      %dma_wait3A_230 = arith.constant 0 : i32
      %dma_wait3A_231 = tpu.memref_slice %arg2[%dma_wait3A_229, %dma_wait3A_230] : memref<10000x128xf32, #tpu.memory_space<hbm>> -> memref<10000x128xf32, #tpu.memory_space<hbm>>
      tpu.wait_indirect_dma semaphore(%arg9 : memref<!tpu.dma_semaphore, #tpu.memory_space<semaphore_mem>>) src(%dma_wait3A_231 : memref<10000x128xf32, #tpu.memory_space<hbm>>) dst(%dma_wait3A_226 : memref<40x128xf32, #tpu.memory_space<vmem>>)
      %dma_wait3A_232 = arith.constant 40 : i32
      %dma_wait3A_233 = arith.constant 0 : i32
      %dma_wait3A_234 = tpu.memref_slice %arg8[%dma_wait3A_232, %dma_wait3A_233] : memref<1000x128xf32, #tpu.memory_space<vmem>> -> memref<40x128xf32, #tpu.memory_space<vmem>>
      %dma_wait3A_235 = arith.constant 40 : i32
      %dma_wait3A_236 = tpu.memref_slice %arg7[%dma_wait3A_235] : memref<1000xi32, #tpu.memory_space<vmem>> -> memref<40xi32, #tpu.memory_space<vmem>>
      %dma_wait3A_237 = arith.constant 0 : i32
      %dma_wait3A_238 = arith.constant 0 : i32
      %dma_wait3A_239 = tpu.memref_slice %arg2[%dma_wait3A_237, %dma_wait3A_238] : memref<10000x128xf32, #tpu.memory_space<hbm>> -> memref<10000x128xf32, #tpu.memory_space<hbm>>
      tpu.wait_indirect_dma semaphore(%arg9 : memref<!tpu.dma_semaphore, #tpu.memory_space<semaphore_mem>>) src(%dma_wait3A_239 : memref<10000x128xf32, #tpu.memory_space<hbm>>) dst(%dma_wait3A_234 : memref<40x128xf32, #tpu.memory_space<vmem>>)
      %dma_wait3A_240 = arith.constant 80 : i32
      %dma_wait3A_241 = arith.constant 0 : i32
      %dma_wait3A_242 = tpu.memref_slice %arg8[%dma_wait3A_240, %dma_wait3A_241] : memref<1000x128xf32, #tpu.memory_space<vmem>> -> memref<40x128xf32, #tpu.memory_space<vmem>>
      %dma_wait3A_243 = arith.constant 80 : i32
      %dma_wait3A_244 = tpu.memref_slice %arg7[%dma_wait3A_243] : memref<1000xi32, #tpu.memory_space<vmem>> -> memref<40xi32, #tpu.memory_space<vmem>>
      %dma_wait3A_245 = arith.constant 0 : i32
      %dma_wait3A_246 = arith.constant 0 : i32
      %dma_wait3A_247 = tpu.memref_slice %arg2[%dma_wait3A_245, %dma_wait3A_246] : memref<10000x128xf32, #tpu.memory_space<hbm>> -> memref<10000x128xf32, #tpu.memory_space<hbm>>
      tpu.wait_indirect_dma semaphore(%arg9 : memref<!tpu.dma_semaphore, #tpu.memory_space<semaphore_mem>>) src(%dma_wait3A_247 : memref<10000x128xf32, #tpu.memory_space<hbm>>) dst(%dma_wait3A_242 : memref<40x128xf32, #tpu.memory_space<vmem>>)
      %dma_wait3A_248 = arith.constant 120 : i32
      %dma_wait3A_249 = arith.constant 0 : i32
      %dma_wait3A_250 = tpu.memref_slice %arg8[%dma_wait3A_248, %dma_wait3A_249] : memref<1000x128xf32, #tpu.memory_space<vmem>> -> memref<40x128xf32, #tpu.memory_space<vmem>>
      %dma_wait3A_251 = arith.constant 120 : i32
      %dma_wait3A_252 = tpu.memref_slice %arg7[%dma_wait3A_251] : memref<1000xi32, #tpu.memory_space<vmem>> -> memref<40xi32, #tpu.memory_space<vmem>>
      %dma_wait3A_253 = arith.constant 0 : i32
      %dma_wait3A_254 = arith.constant 0 : i32
      %dma_wait3A_255 = tpu.memref_slice %arg2[%dma_wait3A_253, %dma_wait3A_254] : memref<10000x128xf32, #tpu.memory_space<hbm>> -> memref<10000x128xf32, #tpu.memory_space<hbm>>
      tpu.wait_indirect_dma semaphore(%arg9 : memref<!tpu.dma_semaphore, #tpu.memory_space<semaphore_mem>>) src(%dma_wait3A_255 : memref<10000x128xf32, #tpu.memory_space<hbm>>) dst(%dma_wait3A_250 : memref<40x128xf32, #tpu.memory_space<vmem>>)
      %dma_wait3A_256 = arith.constant 160 : i32
      %dma_wait3A_257 = arith.constant 0 : i32
      %dma_wait3A_258 = tpu.memref_slice %arg8[%dma_wait3A_256, %dma_wait3A_257] : memref<1000x128xf32, #tpu.memory_space<vmem>> -> memref<40x128xf32, #tpu.memory_space<vmem>>
      %dma_wait3A_259 = arith.constant 160 : i32
      %dma_wait3A_260 = tpu.memref_slice %arg7[%dma_wait3A_259] : memref<1000xi32, #tpu.memory_space<vmem>> -> memref<40xi32, #tpu.memory_space<vmem>>
      %dma_wait3A_261 = arith.constant 0 : i32
      %dma_wait3A_262 = arith.constant 0 : i32
      %dma_wait3A_263 = tpu.memref_slice %arg2[%dma_wait3A_261, %dma_wait3A_262] : memref<10000x128xf32, #tpu.memory_space<hbm>> -> memref<10000x128xf32, #tpu.memory_space<hbm>>
      tpu.wait_indirect_dma semaphore(%arg9 : memref<!tpu.dma_semaphore, #tpu.memory_space<semaphore_mem>>) src(%dma_wait3A_263 : memref<10000x128xf32, #tpu.memory_space<hbm>>) dst(%dma_wait3A_258 : memref<40x128xf32, #tpu.memory_space<vmem>>)
      %dma_wait3A_264 = arith.constant 200 : i32
      %dma_wait3A_265 = arith.constant 0 : i32
      %dma_wait3A_266 = tpu.memref_slice %arg8[%dma_wait3A_264, %dma_wait3A_265] : memref<1000x128xf32, #tpu.memory_space<vmem>> -> memref<40x128xf32, #tpu.memory_space<vmem>>
      %dma_wait3A_267 = arith.constant 200 : i32
      %dma_wait3A_268 = tpu.memref_slice %arg7[%dma_wait3A_267] : memref<1000xi32, #tpu.memory_space<vmem>> -> memref<40xi32, #tpu.memory_space<vmem>>
      %dma_wait3A_269 = arith.constant 0 : i32
      %dma_wait3A_270 = arith.constant 0 : i32
      %dma_wait3A_271 = tpu.memref_slice %arg2[%dma_wait3A_269, %dma_wait3A_270] : memref<10000x128xf32, #tpu.memory_space<hbm>> -> memref<10000x128xf32, #tpu.memory_space<hbm>>
      tpu.wait_indirect_dma semaphore(%arg9 : memref<!tpu.dma_semaphore, #tpu.memory_space<semaphore_mem>>) src(%dma_wait3A_271 : memref<10000x128xf32, #tpu.memory_space<hbm>>) dst(%dma_wait3A_266 : memref<40x128xf32, #tpu.memory_space<vmem>>)
      %dma_wait3A_272 = arith.constant 240 : i32
      %dma_wait3A_273 = arith.constant 0 : i32
      %dma_wait3A_274 = tpu.memref_slice %arg8[%dma_wait3A_272, %dma_wait3A_273] : memref<1000x128xf32, #tpu.memory_space<vmem>> -> memref<40x128xf32, #tpu.memory_space<vmem>>
      %dma_wait3A_275 = arith.constant 240 : i32
      %dma_wait3A_276 = tpu.memref_slice %arg7[%dma_wait3A_275] : memref<1000xi32, #tpu.memory_space<vmem>> -> memref<40xi32, #tpu.memory_space<vmem>>
      %dma_wait3A_277 = arith.constant 0 : i32
      %dma_wait3A_278 = arith.constant 0 : i32
      %dma_wait3A_279 = tpu.memref_slice %arg2[%dma_wait3A_277, %dma_wait3A_278] : memref<10000x128xf32, #tpu.memory_space<hbm>> -> memref<10000x128xf32, #tpu.memory_space<hbm>>
      tpu.wait_indirect_dma semaphore(%arg9 : memref<!tpu.dma_semaphore, #tpu.memory_space<semaphore_mem>>) src(%dma_wait3A_279 : memref<10000x128xf32, #tpu.memory_space<hbm>>) dst(%dma_wait3A_274 : memref<40x128xf32, #tpu.memory_space<vmem>>)
      %dma_wait3A_280 = arith.constant 280 : i32
      %dma_wait3A_281 = arith.constant 0 : i32
      %dma_wait3A_282 = tpu.memref_slice %arg8[%dma_wait3A_280, %dma_wait3A_281] : memref<1000x128xf32, #tpu.memory_space<vmem>> -> memref<40x128xf32, #tpu.memory_space<vmem>>
      %dma_wait3A_283 = arith.constant 280 : i32
      %dma_wait3A_284 = tpu.memref_slice %arg7[%dma_wait3A_283] : memref<1000xi32, #tpu.memory_space<vmem>> -> memref<40xi32, #tpu.memory_space<vmem>>
      %dma_wait3A_285 = arith.constant 0 : i32
      %dma_wait3A_286 = arith.constant 0 : i32
      %dma_wait3A_287 = tpu.memref_slice %arg2[%dma_wait3A_285, %dma_wait3A_286] : memref<10000x128xf32, #tpu.memory_space<hbm>> -> memref<10000x128xf32, #tpu.memory_space<hbm>>
      tpu.wait_indirect_dma semaphore(%arg9 : memref<!tpu.dma_semaphore, #tpu.memory_space<semaphore_mem>>) src(%dma_wait3A_287 : memref<10000x128xf32, #tpu.memory_space<hbm>>) dst(%dma_wait3A_282 : memref<40x128xf32, #tpu.memory_space<vmem>>)
      %dma_wait3A_288 = arith.constant 320 : i32
      %dma_wait3A_289 = arith.constant 0 : i32
      %dma_wait3A_290 = tpu.memref_slice %arg8[%dma_wait3A_288, %dma_wait3A_289] : memref<1000x128xf32, #tpu.memory_space<vmem>> -> memref<40x128xf32, #tpu.memory_space<vmem>>
      %dma_wait3A_291 = arith.constant 320 : i32
      %dma_wait3A_292 = tpu.memref_slice %arg7[%dma_wait3A_291] : memref<1000xi32, #tpu.memory_space<vmem>> -> memref<40xi32, #tpu.memory_space<vmem>>
      %dma_wait3A_293 = arith.constant 0 : i32
      %dma_wait3A_294 = arith.constant 0 : i32
      %dma_wait3A_295 = tpu.memref_slice %arg2[%dma_wait3A_293, %dma_wait3A_294] : memref<10000x128xf32, #tpu.memory_space<hbm>> -> memref<10000x128xf32, #tpu.memory_space<hbm>>
      tpu.wait_indirect_dma semaphore(%arg9 : memref<!tpu.dma_semaphore, #tpu.memory_space<semaphore_mem>>) src(%dma_wait3A_295 : memref<10000x128xf32, #tpu.memory_space<hbm>>) dst(%dma_wait3A_290 : memref<40x128xf32, #tpu.memory_space<vmem>>)
      %dma_wait3A_296 = arith.constant 360 : i32
      %dma_wait3A_297 = arith.constant 0 : i32
      %dma_wait3A_298 = tpu.memref_slice %arg8[%dma_wait3A_296, %dma_wait3A_297] : memref<1000x128xf32, #tpu.memory_space<vmem>> -> memref<40x128xf32, #tpu.memory_space<vmem>>
      %dma_wait3A_299 = arith.constant 360 : i32
      %dma_wait3A_300 = tpu.memref_slice %arg7[%dma_wait3A_299] : memref<1000xi32, #tpu.memory_space<vmem>> -> memref<40xi32, #tpu.memory_space<vmem>>
      %dma_wait3A_301 = arith.constant 0 : i32
      %dma_wait3A_302 = arith.constant 0 : i32
      %dma_wait3A_303 = tpu.memref_slice %arg2[%dma_wait3A_301, %dma_wait3A_302] : memref<10000x128xf32, #tpu.memory_space<hbm>> -> memref<10000x128xf32, #tpu.memory_space<hbm>>
      tpu.wait_indirect_dma semaphore(%arg9 : memref<!tpu.dma_semaphore, #tpu.memory_space<semaphore_mem>>) src(%dma_wait3A_303 : memref<10000x128xf32, #tpu.memory_space<hbm>>) dst(%dma_wait3A_298 : memref<40x128xf32, #tpu.memory_space<vmem>>)
      %dma_wait3A_304 = arith.constant 400 : i32
      %dma_wait3A_305 = arith.constant 0 : i32
      %dma_wait3A_306 = tpu.memref_slice %arg8[%dma_wait3A_304, %dma_wait3A_305] : memref<1000x128xf32, #tpu.memory_space<vmem>> -> memref<40x128xf32, #tpu.memory_space<vmem>>
      %dma_wait3A_307 = arith.constant 400 : i32
      %dma_wait3A_308 = tpu.memref_slice %arg7[%dma_wait3A_307] : memref<1000xi32, #tpu.memory_space<vmem>> -> memref<40xi32, #tpu.memory_space<vmem>>
      %dma_wait3A_309 = arith.constant 0 : i32
      %dma_wait3A_310 = arith.constant 0 : i32
      %dma_wait3A_311 = tpu.memref_slice %arg2[%dma_wait3A_309, %dma_wait3A_310] : memref<10000x128xf32, #tpu.memory_space<hbm>> -> memref<10000x128xf32, #tpu.memory_space<hbm>>
      tpu.wait_indirect_dma semaphore(%arg9 : memref<!tpu.dma_semaphore, #tpu.memory_space<semaphore_mem>>) src(%dma_wait3A_311 : memref<10000x128xf32, #tpu.memory_space<hbm>>) dst(%dma_wait3A_306 : memref<40x128xf32, #tpu.memory_space<vmem>>)
      %dma_wait3A_312 = arith.constant 440 : i32
      %dma_wait3A_313 = arith.constant 0 : i32
      %dma_wait3A_314 = tpu.memref_slice %arg8[%dma_wait3A_312, %dma_wait3A_313] : memref<1000x128xf32, #tpu.memory_space<vmem>> -> memref<40x128xf32, #tpu.memory_space<vmem>>
      %dma_wait3A_315 = arith.constant 440 : i32
      %dma_wait3A_316 = tpu.memref_slice %arg7[%dma_wait3A_315] : memref<1000xi32, #tpu.memory_space<vmem>> -> memref<40xi32, #tpu.memory_space<vmem>>
      %dma_wait3A_317 = arith.constant 0 : i32
      %dma_wait3A_318 = arith.constant 0 : i32
      %dma_wait3A_319 = tpu.memref_slice %arg2[%dma_wait3A_317, %dma_wait3A_318] : memref<10000x128xf32, #tpu.memory_space<hbm>> -> memref<10000x128xf32, #tpu.memory_space<hbm>>
      tpu.wait_indirect_dma semaphore(%arg9 : memref<!tpu.dma_semaphore, #tpu.memory_space<semaphore_mem>>) src(%dma_wait3A_319 : memref<10000x128xf32, #tpu.memory_space<hbm>>) dst(%dma_wait3A_314 : memref<40x128xf32, #tpu.memory_space<vmem>>)
      %dma_wait3A_320 = arith.constant 480 : i32
      %dma_wait3A_321 = arith.constant 0 : i32
      %dma_wait3A_322 = tpu.memref_slice %arg8[%dma_wait3A_320, %dma_wait3A_321] : memref<1000x128xf32, #tpu.memory_space<vmem>> -> memref<40x128xf32, #tpu.memory_space<vmem>>
      %dma_wait3A_323 = arith.constant 480 : i32
      %dma_wait3A_324 = tpu.memref_slice %arg7[%dma_wait3A_323] : memref<1000xi32, #tpu.memory_space<vmem>> -> memref<40xi32, #tpu.memory_space<vmem>>
      %dma_wait3A_325 = arith.constant 0 : i32
      %dma_wait3A_326 = arith.constant 0 : i32
      %dma_wait3A_327 = tpu.memref_slice %arg2[%dma_wait3A_325, %dma_wait3A_326] : memref<10000x128xf32, #tpu.memory_space<hbm>> -> memref<10000x128xf32, #tpu.memory_space<hbm>>
      tpu.wait_indirect_dma semaphore(%arg9 : memref<!tpu.dma_semaphore, #tpu.memory_space<semaphore_mem>>) src(%dma_wait3A_327 : memref<10000x128xf32, #tpu.memory_space<hbm>>) dst(%dma_wait3A_322 : memref<40x128xf32, #tpu.memory_space<vmem>>)
      %dma_wait3A_328 = arith.constant 520 : i32
      %dma_wait3A_329 = arith.constant 0 : i32
      %dma_wait3A_330 = tpu.memref_slice %arg8[%dma_wait3A_328, %dma_wait3A_329] : memref<1000x128xf32, #tpu.memory_space<vmem>> -> memref<40x128xf32, #tpu.memory_space<vmem>>
      %dma_wait3A_331 = arith.constant 520 : i32
      %dma_wait3A_332 = tpu.memref_slice %arg7[%dma_wait3A_331] : memref<1000xi32, #tpu.memory_space<vmem>> -> memref<40xi32, #tpu.memory_space<vmem>>
      %dma_wait3A_333 = arith.constant 0 : i32
      %dma_wait3A_334 = arith.constant 0 : i32
      %dma_wait3A_335 = tpu.memref_slice %arg2[%dma_wait3A_333, %dma_wait3A_334] : memref<10000x128xf32, #tpu.memory_space<hbm>> -> memref<10000x128xf32, #tpu.memory_space<hbm>>
      tpu.wait_indirect_dma semaphore(%arg9 : memref<!tpu.dma_semaphore, #tpu.memory_space<semaphore_mem>>) src(%dma_wait3A_335 : memref<10000x128xf32, #tpu.memory_space<hbm>>) dst(%dma_wait3A_330 : memref<40x128xf32, #tpu.memory_space<vmem>>)
      %dma_wait3A_336 = arith.constant 560 : i32
      %dma_wait3A_337 = arith.constant 0 : i32
      %dma_wait3A_338 = tpu.memref_slice %arg8[%dma_wait3A_336, %dma_wait3A_337] : memref<1000x128xf32, #tpu.memory_space<vmem>> -> memref<40x128xf32, #tpu.memory_space<vmem>>
      %dma_wait3A_339 = arith.constant 560 : i32
      %dma_wait3A_340 = tpu.memref_slice %arg7[%dma_wait3A_339] : memref<1000xi32, #tpu.memory_space<vmem>> -> memref<40xi32, #tpu.memory_space<vmem>>
      %dma_wait3A_341 = arith.constant 0 : i32
      %dma_wait3A_342 = arith.constant 0 : i32
      %dma_wait3A_343 = tpu.memref_slice %arg2[%dma_wait3A_341, %dma_wait3A_342] : memref<10000x128xf32, #tpu.memory_space<hbm>> -> memref<10000x128xf32, #tpu.memory_space<hbm>>
      tpu.wait_indirect_dma semaphore(%arg9 : memref<!tpu.dma_semaphore, #tpu.memory_space<semaphore_mem>>) src(%dma_wait3A_343 : memref<10000x128xf32, #tpu.memory_space<hbm>>) dst(%dma_wait3A_338 : memref<40x128xf32, #tpu.memory_space<vmem>>)
      %dma_wait3A_344 = arith.constant 600 : i32
      %dma_wait3A_345 = arith.constant 0 : i32
      %dma_wait3A_346 = tpu.memref_slice %arg8[%dma_wait3A_344, %dma_wait3A_345] : memref<1000x128xf32, #tpu.memory_space<vmem>> -> memref<40x128xf32, #tpu.memory_space<vmem>>
      %dma_wait3A_347 = arith.constant 600 : i32
      %dma_wait3A_348 = tpu.memref_slice %arg7[%dma_wait3A_347] : memref<1000xi32, #tpu.memory_space<vmem>> -> memref<40xi32, #tpu.memory_space<vmem>>
      %dma_wait3A_349 = arith.constant 0 : i32
      %dma_wait3A_350 = arith.constant 0 : i32
      %dma_wait3A_351 = tpu.memref_slice %arg2[%dma_wait3A_349, %dma_wait3A_350] : memref<10000x128xf32, #tpu.memory_space<hbm>> -> memref<10000x128xf32, #tpu.memory_space<hbm>>
      tpu.wait_indirect_dma semaphore(%arg9 : memref<!tpu.dma_semaphore, #tpu.memory_space<semaphore_mem>>) src(%dma_wait3A_351 : memref<10000x128xf32, #tpu.memory_space<hbm>>) dst(%dma_wait3A_346 : memref<40x128xf32, #tpu.memory_space<vmem>>)
      %dma_wait3A_352 = arith.constant 640 : i32
      %dma_wait3A_353 = arith.constant 0 : i32
      %dma_wait3A_354 = tpu.memref_slice %arg8[%dma_wait3A_352, %dma_wait3A_353] : memref<1000x128xf32, #tpu.memory_space<vmem>> -> memref<40x128xf32, #tpu.memory_space<vmem>>
      %dma_wait3A_355 = arith.constant 640 : i32
      %dma_wait3A_356 = tpu.memref_slice %arg7[%dma_wait3A_355] : memref<1000xi32, #tpu.memory_space<vmem>> -> memref<40xi32, #tpu.memory_space<vmem>>
      %dma_wait3A_357 = arith.constant 0 : i32
      %dma_wait3A_358 = arith.constant 0 : i32
      %dma_wait3A_359 = tpu.memref_slice %arg2[%dma_wait3A_357, %dma_wait3A_358] : memref<10000x128xf32, #tpu.memory_space<hbm>> -> memref<10000x128xf32, #tpu.memory_space<hbm>>
      tpu.wait_indirect_dma semaphore(%arg9 : memref<!tpu.dma_semaphore, #tpu.memory_space<semaphore_mem>>) src(%dma_wait3A_359 : memref<10000x128xf32, #tpu.memory_space<hbm>>) dst(%dma_wait3A_354 : memref<40x128xf32, #tpu.memory_space<vmem>>)
      %dma_wait3A_360 = arith.constant 680 : i32
      %dma_wait3A_361 = arith.constant 0 : i32
      %dma_wait3A_362 = tpu.memref_slice %arg8[%dma_wait3A_360, %dma_wait3A_361] : memref<1000x128xf32, #tpu.memory_space<vmem>> -> memref<40x128xf32, #tpu.memory_space<vmem>>
      %dma_wait3A_363 = arith.constant 680 : i32
      %dma_wait3A_364 = tpu.memref_slice %arg7[%dma_wait3A_363] : memref<1000xi32, #tpu.memory_space<vmem>> -> memref<40xi32, #tpu.memory_space<vmem>>
      %dma_wait3A_365 = arith.constant 0 : i32
      %dma_wait3A_366 = arith.constant 0 : i32
      %dma_wait3A_367 = tpu.memref_slice %arg2[%dma_wait3A_365, %dma_wait3A_366] : memref<10000x128xf32, #tpu.memory_space<hbm>> -> memref<10000x128xf32, #tpu.memory_space<hbm>>
      tpu.wait_indirect_dma semaphore(%arg9 : memref<!tpu.dma_semaphore, #tpu.memory_space<semaphore_mem>>) src(%dma_wait3A_367 : memref<10000x128xf32, #tpu.memory_space<hbm>>) dst(%dma_wait3A_362 : memref<40x128xf32, #tpu.memory_space<vmem>>)
      %dma_wait3A_368 = arith.constant 720 : i32
      %dma_wait3A_369 = arith.constant 0 : i32
      %dma_wait3A_370 = tpu.memref_slice %arg8[%dma_wait3A_368, %dma_wait3A_369] : memref<1000x128xf32, #tpu.memory_space<vmem>> -> memref<40x128xf32, #tpu.memory_space<vmem>>
      %dma_wait3A_371 = arith.constant 720 : i32
      %dma_wait3A_372 = tpu.memref_slice %arg7[%dma_wait3A_371] : memref<1000xi32, #tpu.memory_space<vmem>> -> memref<40xi32, #tpu.memory_space<vmem>>
      %dma_wait3A_373 = arith.constant 0 : i32
      %dma_wait3A_374 = arith.constant 0 : i32
      %dma_wait3A_375 = tpu.memref_slice %arg2[%dma_wait3A_373, %dma_wait3A_374] : memref<10000x128xf32, #tpu.memory_space<hbm>> -> memref<10000x128xf32, #tpu.memory_space<hbm>>
      tpu.wait_indirect_dma semaphore(%arg9 : memref<!tpu.dma_semaphore, #tpu.memory_space<semaphore_mem>>) src(%dma_wait3A_375 : memref<10000x128xf32, #tpu.memory_space<hbm>>) dst(%dma_wait3A_370 : memref<40x128xf32, #tpu.memory_space<vmem>>)
      %dma_wait3A_376 = arith.constant 760 : i32
      %dma_wait3A_377 = arith.constant 0 : i32
      %dma_wait3A_378 = tpu.memref_slice %arg8[%dma_wait3A_376, %dma_wait3A_377] : memref<1000x128xf32, #tpu.memory_space<vmem>> -> memref<40x128xf32, #tpu.memory_space<vmem>>
      %dma_wait3A_379 = arith.constant 760 : i32
      %dma_wait3A_380 = tpu.memref_slice %arg7[%dma_wait3A_379] : memref<1000xi32, #tpu.memory_space<vmem>> -> memref<40xi32, #tpu.memory_space<vmem>>
      %dma_wait3A_381 = arith.constant 0 : i32
      %dma_wait3A_382 = arith.constant 0 : i32
      %dma_wait3A_383 = tpu.memref_slice %arg2[%dma_wait3A_381, %dma_wait3A_382] : memref<10000x128xf32, #tpu.memory_space<hbm>> -> memref<10000x128xf32, #tpu.memory_space<hbm>>
      tpu.wait_indirect_dma semaphore(%arg9 : memref<!tpu.dma_semaphore, #tpu.memory_space<semaphore_mem>>) src(%dma_wait3A_383 : memref<10000x128xf32, #tpu.memory_space<hbm>>) dst(%dma_wait3A_378 : memref<40x128xf32, #tpu.memory_space<vmem>>)
      %dma_wait3A_384 = arith.constant 800 : i32
      %dma_wait3A_385 = arith.constant 0 : i32
      %dma_wait3A_386 = tpu.memref_slice %arg8[%dma_wait3A_384, %dma_wait3A_385] : memref<1000x128xf32, #tpu.memory_space<vmem>> -> memref<40x128xf32, #tpu.memory_space<vmem>>
      %dma_wait3A_387 = arith.constant 800 : i32
      %dma_wait3A_388 = tpu.memref_slice %arg7[%dma_wait3A_387] : memref<1000xi32, #tpu.memory_space<vmem>> -> memref<40xi32, #tpu.memory_space<vmem>>
      %dma_wait3A_389 = arith.constant 0 : i32
      %dma_wait3A_390 = arith.constant 0 : i32
      %dma_wait3A_391 = tpu.memref_slice %arg2[%dma_wait3A_389, %dma_wait3A_390] : memref<10000x128xf32, #tpu.memory_space<hbm>> -> memref<10000x128xf32, #tpu.memory_space<hbm>>
      tpu.wait_indirect_dma semaphore(%arg9 : memref<!tpu.dma_semaphore, #tpu.memory_space<semaphore_mem>>) src(%dma_wait3A_391 : memref<10000x128xf32, #tpu.memory_space<hbm>>) dst(%dma_wait3A_386 : memref<40x128xf32, #tpu.memory_space<vmem>>)
      %dma_wait3A_392 = arith.constant 840 : i32
      %dma_wait3A_393 = arith.constant 0 : i32
      %dma_wait3A_394 = tpu.memref_slice %arg8[%dma_wait3A_392, %dma_wait3A_393] : memref<1000x128xf32, #tpu.memory_space<vmem>> -> memref<40x128xf32, #tpu.memory_space<vmem>>
      %dma_wait3A_395 = arith.constant 840 : i32
      %dma_wait3A_396 = tpu.memref_slice %arg7[%dma_wait3A_395] : memref<1000xi32, #tpu.memory_space<vmem>> -> memref<40xi32, #tpu.memory_space<vmem>>
      %dma_wait3A_397 = arith.constant 0 : i32
      %dma_wait3A_398 = arith.constant 0 : i32
      %dma_wait3A_399 = tpu.memref_slice %arg2[%dma_wait3A_397, %dma_wait3A_398] : memref<10000x128xf32, #tpu.memory_space<hbm>> -> memref<10000x128xf32, #tpu.memory_space<hbm>>
      tpu.wait_indirect_dma semaphore(%arg9 : memref<!tpu.dma_semaphore, #tpu.memory_space<semaphore_mem>>) src(%dma_wait3A_399 : memref<10000x128xf32, #tpu.memory_space<hbm>>) dst(%dma_wait3A_394 : memref<40x128xf32, #tpu.memory_space<vmem>>)
      %dma_wait3A_400 = arith.constant 880 : i32
      %dma_wait3A_401 = arith.constant 0 : i32
      %dma_wait3A_402 = tpu.memref_slice %arg8[%dma_wait3A_400, %dma_wait3A_401] : memref<1000x128xf32, #tpu.memory_space<vmem>> -> memref<40x128xf32, #tpu.memory_space<vmem>>
      %dma_wait3A_403 = arith.constant 880 : i32
      %dma_wait3A_404 = tpu.memref_slice %arg7[%dma_wait3A_403] : memref<1000xi32, #tpu.memory_space<vmem>> -> memref<40xi32, #tpu.memory_space<vmem>>
      %dma_wait3A_405 = arith.constant 0 : i32
      %dma_wait3A_406 = arith.constant 0 : i32
      %dma_wait3A_407 = tpu.memref_slice %arg2[%dma_wait3A_405, %dma_wait3A_406] : memref<10000x128xf32, #tpu.memory_space<hbm>> -> memref<10000x128xf32, #tpu.memory_space<hbm>>
      tpu.wait_indirect_dma semaphore(%arg9 : memref<!tpu.dma_semaphore, #tpu.memory_space<semaphore_mem>>) src(%dma_wait3A_407 : memref<10000x128xf32, #tpu.memory_space<hbm>>) dst(%dma_wait3A_402 : memref<40x128xf32, #tpu.memory_space<vmem>>)
      %dma_wait3A_408 = arith.constant 920 : i32
      %dma_wait3A_409 = arith.constant 0 : i32
      %dma_wait3A_410 = tpu.memref_slice %arg8[%dma_wait3A_408, %dma_wait3A_409] : memref<1000x128xf32, #tpu.memory_space<vmem>> -> memref<40x128xf32, #tpu.memory_space<vmem>>
      %dma_wait3A_411 = arith.constant 920 : i32
      %dma_wait3A_412 = tpu.memref_slice %arg7[%dma_wait3A_411] : memref<1000xi32, #tpu.memory_space<vmem>> -> memref<40xi32, #tpu.memory_space<vmem>>
      %dma_wait3A_413 = arith.constant 0 : i32
      %dma_wait3A_414 = arith.constant 0 : i32
      %dma_wait3A_415 = tpu.memref_slice %arg2[%dma_wait3A_413, %dma_wait3A_414] : memref<10000x128xf32, #tpu.memory_space<hbm>> -> memref<10000x128xf32, #tpu.memory_space<hbm>>
      tpu.wait_indirect_dma semaphore(%arg9 : memref<!tpu.dma_semaphore, #tpu.memory_space<semaphore_mem>>) src(%dma_wait3A_415 : memref<10000x128xf32, #tpu.memory_space<hbm>>) dst(%dma_wait3A_410 : memref<40x128xf32, #tpu.memory_space<vmem>>)
      %dma_wait3A_416 = arith.constant 960 : i32
      %dma_wait3A_417 = arith.constant 0 : i32
      %dma_wait3A_418 = tpu.memref_slice %arg8[%dma_wait3A_416, %dma_wait3A_417] : memref<1000x128xf32, #tpu.memory_space<vmem>> -> memref<40x128xf32, #tpu.memory_space<vmem>>
      %dma_wait3A_419 = arith.constant 960 : i32
      %dma_wait3A_420 = tpu.memref_slice %arg7[%dma_wait3A_419] : memref<1000xi32, #tpu.memory_space<vmem>> -> memref<40xi32, #tpu.memory_space<vmem>>
      %dma_wait3A_421 = arith.constant 0 : i32
      %dma_wait3A_422 = arith.constant 0 : i32
      %dma_wait3A_423 = tpu.memref_slice %arg2[%dma_wait3A_421, %dma_wait3A_422] : memref<10000x128xf32, #tpu.memory_space<hbm>> -> memref<10000x128xf32, #tpu.memory_space<hbm>>
      tpu.wait_indirect_dma semaphore(%arg9 : memref<!tpu.dma_semaphore, #tpu.memory_space<semaphore_mem>>) src(%dma_wait3A_423 : memref<10000x128xf32, #tpu.memory_space<hbm>>) dst(%dma_wait3A_418 : memref<40x128xf32, #tpu.memory_space<vmem>>)
      "tpu.region"() ({
        %run_scoped3A = tpu.sem_alloc : memref<!tpu.dma_semaphore, #tpu.memory_space<semaphore_mem>>
        %dma_start3A_425 = arith.constant 0 : i32
        %dma_start3A_426 = tpu.memref_slice %arg6[%add3A_25, %dma_start3A_425] : memref<321536x128xf32, #tpu.memory_space<hbm>> -> memref<1000x128xf32, #tpu.memory_space<hbm>>
        %dma_start3A_427 = arith.constant 0 : i32
        %dma_start3A_428 = tpu.memref_slice %arg6[%add3A_25, %dma_start3A_427] : memref<321536x128xf32, #tpu.memory_space<hbm>> -> memref<1000x128xf32, #tpu.memory_space<hbm>>
        tpu.enqueue_dma source(%arg8 : memref<1000x128xf32, #tpu.memory_space<vmem>>) target(%dma_start3A_428 : memref<1000x128xf32, #tpu.memory_space<hbm>>) target_semaphore(%run_scoped3A : memref<!tpu.dma_semaphore, #tpu.memory_space<semaphore_mem>>)
        %dma_wait3A_429 = arith.constant 0 : i32
        %dma_wait3A_430 = tpu.memref_slice %arg6[%add3A_25, %dma_wait3A_429] : memref<321536x128xf32, #tpu.memory_space<hbm>> -> memref<1000x128xf32, #tpu.memory_space<hbm>>
        %dma_wait3A_431 = arith.constant 0 : i32
        %dma_wait3A_432 = tpu.memref_slice %arg6[%add3A_25, %dma_wait3A_431] : memref<321536x128xf32, #tpu.memory_space<hbm>> -> memref<1000x128xf32, #tpu.memory_space<hbm>>
        tpu.wait_dma2 semaphore(%run_scoped3A : memref<!tpu.dma_semaphore, #tpu.memory_space<semaphore_mem>>) src(%arg8 : memref<1000x128xf32, #tpu.memory_space<vmem>>) dst(%dma_wait3A_432 : memref<1000x128xf32, #tpu.memory_space<hbm>>)
        tpu.yield
      }) : () -> ()
      %scan3A_424 = arith.constant 0 : i32
      scf.yield %scan3A_424 : i32
    }
    %scan3A_20 = arith.constant 10 : i32
    return
  }
}

#map = affine_map<(d0, d1) -> (0)>
#map1 = affine_map<(d0, d1) -> (0, 0)>
module attributes {stable_mosaic.version = 14 : i64} {
  func.func @_b3(%arg0: i32, %arg1: i32, %arg2: memref<320000xi32, #tpu.memory_space<hbm>>, %arg3: memref<40001x128xf32, #tpu.memory_space<hbm>>, %arg4: memref<320000x16xf32, #tpu.memory_space<hbm>>, %arg5: memref<400xi32, #tpu.memory_space<vmem>>, %arg6: memref<400xi32, #tpu.memory_space<vmem>>, %arg7: memref<400x128xf32, #tpu.memory_space<vmem>>, %arg8: memref<400x16xf32, #tpu.memory_space<vmem>>, %arg9: memref<!tpu.dma_semaphore, #tpu.memory_space<semaphore_mem>>) attributes {dimension_semantics = [#tpu.dimension_semantics<core_parallel>, #tpu.dimension_semantics<subcore_parallel>], iteration_bounds = array<i64: 2, 16>, scalar_prefetch = 0 : i64, scratch_operands = 5 : i64, tpu.core_type = #tpu.core_type<sc_vector_subcore>, window_params = [{transform_indices = #map}, {transform_indices = #map1}, {transform_indices = #map1}]} {
    %mul3A = arith.constant 2 : i32
    %mul3A_0 = arith.muli %arg1, %mul3A : i32
    %add3A = arith.addi %mul3A_0, %arg0 : i32
    %mul3A_1 = arith.constant 10000 : i32
    %mul3A_2 = arith.muli %add3A, %mul3A_1 : i32
    %iota3A = tpu.iota {dimensions = array<i32: 0>} : vector<16xi32>
    %scan3A = arith.constant 0 : i32
    %scan3A_3 = arith.constant 0 : i32
    %scan3A_4 = arith.constant 25 : i32
    %scan3A_5 = arith.addi %scan3A_3, %scan3A_4 : i32
    %scan3A_6 = arith.constant 1 : i32
    %scan3A_7 = scf.for %scan3A_9 = %scan3A_3 to %scan3A_5 step %scan3A_6 iter_args(%scan3A_10 = %scan3A) -> (i32)  : i32 {
      %mul3A_11 = arith.constant 400 : i32
      %mul3A_12 = arith.muli %scan3A_9, %mul3A_11 : i32
      %add3A_13 = arith.addi %mul3A_2, %mul3A_12 : i32
      "tpu.region"() ({
        %run_scoped3A = tpu.sem_alloc : memref<!tpu.dma_semaphore, #tpu.memory_space<semaphore_mem>>
        %dma_start3A_187 = tpu.memref_slice %arg2[%add3A_13] : memref<320000xi32, #tpu.memory_space<hbm>> -> memref<400xi32, #tpu.memory_space<hbm>>
        %dma_start3A_188 = tpu.memref_slice %arg2[%add3A_13] : memref<320000xi32, #tpu.memory_space<hbm>> -> memref<400xi32, #tpu.memory_space<hbm>>
        tpu.enqueue_dma source(%dma_start3A_188 : memref<400xi32, #tpu.memory_space<hbm>>) target(%arg5 : memref<400xi32, #tpu.memory_space<vmem>>) target_semaphore(%run_scoped3A : memref<!tpu.dma_semaphore, #tpu.memory_space<semaphore_mem>>)
        %dma_wait3A_189 = tpu.memref_slice %arg2[%add3A_13] : memref<320000xi32, #tpu.memory_space<hbm>> -> memref<400xi32, #tpu.memory_space<hbm>>
        %dma_wait3A_190 = tpu.memref_slice %arg2[%add3A_13] : memref<320000xi32, #tpu.memory_space<hbm>> -> memref<400xi32, #tpu.memory_space<hbm>>
        tpu.wait_dma2 semaphore(%run_scoped3A : memref<!tpu.dma_semaphore, #tpu.memory_space<semaphore_mem>>) src(%dma_wait3A_190 : memref<400xi32, #tpu.memory_space<hbm>>) dst(%arg5 : memref<400xi32, #tpu.memory_space<vmem>>)
        tpu.yield
      }) : () -> ()
      %scan3A_14 = arith.constant 0 : i32
      %scan3A_15 = arith.constant 0 : i32
      %scan3A_16 = arith.constant 25 : i32
      %scan3A_17 = arith.addi %scan3A_15, %scan3A_16 : i32
      %scan3A_18 = arith.constant 1 : i32
      %scan3A_19 = scf.for %scan3A_187 = %scan3A_15 to %scan3A_17 step %scan3A_18 iter_args(%scan3A_188 = %scan3A_14) -> (i32)  : i32 {
        %mul3A_189 = arith.constant 16 : i32
        %mul3A_190 = arith.muli %scan3A_187, %mul3A_189 : i32
        %get3A = arith.index_cast %mul3A_190 : i32 to index
        %get3A_191 = tpu.vector_load %arg5[%get3A] {strides = array<i32>} : memref<400xi32, #tpu.memory_space<vmem>>, vector<16xi32>,
        %shift_right_logical3A = arith.constant 3 : i32
        %shift_right_logical3A_192 = vector.broadcast %shift_right_logical3A : i32 to vector<16xi32>
        %shift_right_logical3A_193 = arith.shrui %get3A_191, %shift_right_logical3A_192 : vector<16xi32>
        %mul3A_194 = arith.constant 16 : i32
        %mul3A_195 = arith.muli %scan3A_187, %mul3A_194 : i32
        %swap3A = arith.index_cast %mul3A_195 : i32 to index
        %swap3A_196 = tpu.vector_load %arg6[%swap3A] {strides = array<i32>} : memref<400xi32, #tpu.memory_space<vmem>>, vector<16xi32>,
        tpu.vector_store %arg6[%swap3A], %shift_right_logical3A_193 {strides = array<i32>} : memref<400xi32, #tpu.memory_space<vmem>>, vector<16xi32>,
        %scan3A_197 = arith.constant 0 : i32
        scf.yield %scan3A_197 : i32
      }
      %scan3A_20 = arith.constant 25 : i32
      %dma_start3A = arith.constant 0 : i32
      %dma_start3A_21 = arith.constant 0 : i32
      %dma_start3A_22 = tpu.memref_slice %arg7[%dma_start3A, %dma_start3A_21] : memref<400x128xf32, #tpu.memory_space<vmem>> -> memref<40x128xf32, #tpu.memory_space<vmem>>
      %dma_start3A_23 = arith.constant 0 : i32
      %dma_start3A_24 = tpu.memref_slice %arg6[%dma_start3A_23] : memref<400xi32, #tpu.memory_space<vmem>> -> memref<40xi32, #tpu.memory_space<vmem>>
      %dma_start3A_25 = arith.constant 0 : i32
      %dma_start3A_26 = arith.constant 0 : i32
      %dma_start3A_27 = tpu.memref_slice %arg3[%dma_start3A_25, %dma_start3A_26] : memref<40001x128xf32, #tpu.memory_space<hbm>> -> memref<40001x128xf32, #tpu.memory_space<hbm>>
      tpu.enqueue_indirect_dma source(%dma_start3A_27 : memref<40001x128xf32, #tpu.memory_space<hbm>>) target(%dma_start3A_22 : memref<40x128xf32, #tpu.memory_space<vmem>>) offsets(%dma_start3A_24 : memref<40xi32, #tpu.memory_space<vmem>>) semaphore(%arg9 : memref<!tpu.dma_semaphore, #tpu.memory_space<semaphore_mem>>)
      %dma_start3A_28 = arith.constant 40 : i32
      %dma_start3A_29 = arith.constant 0 : i32
      %dma_start3A_30 = tpu.memref_slice %arg7[%dma_start3A_28, %dma_start3A_29] : memref<400x128xf32, #tpu.memory_space<vmem>> -> memref<40x128xf32, #tpu.memory_space<vmem>>
      %dma_start3A_31 = arith.constant 40 : i32
      %dma_start3A_32 = tpu.memref_slice %arg6[%dma_start3A_31] : memref<400xi32, #tpu.memory_space<vmem>> -> memref<40xi32, #tpu.memory_space<vmem>>
      %dma_start3A_33 = arith.constant 0 : i32
      %dma_start3A_34 = arith.constant 0 : i32
      %dma_start3A_35 = tpu.memref_slice %arg3[%dma_start3A_33, %dma_start3A_34] : memref<40001x128xf32, #tpu.memory_space<hbm>> -> memref<40001x128xf32, #tpu.memory_space<hbm>>
      tpu.enqueue_indirect_dma source(%dma_start3A_35 : memref<40001x128xf32, #tpu.memory_space<hbm>>) target(%dma_start3A_30 : memref<40x128xf32, #tpu.memory_space<vmem>>) offsets(%dma_start3A_32 : memref<40xi32, #tpu.memory_space<vmem>>) semaphore(%arg9 : memref<!tpu.dma_semaphore, #tpu.memory_space<semaphore_mem>>)
      %dma_start3A_36 = arith.constant 80 : i32
      %dma_start3A_37 = arith.constant 0 : i32
      %dma_start3A_38 = tpu.memref_slice %arg7[%dma_start3A_36, %dma_start3A_37] : memref<400x128xf32, #tpu.memory_space<vmem>> -> memref<40x128xf32, #tpu.memory_space<vmem>>
      %dma_start3A_39 = arith.constant 80 : i32
      %dma_start3A_40 = tpu.memref_slice %arg6[%dma_start3A_39] : memref<400xi32, #tpu.memory_space<vmem>> -> memref<40xi32, #tpu.memory_space<vmem>>
      %dma_start3A_41 = arith.constant 0 : i32
      %dma_start3A_42 = arith.constant 0 : i32
      %dma_start3A_43 = tpu.memref_slice %arg3[%dma_start3A_41, %dma_start3A_42] : memref<40001x128xf32, #tpu.memory_space<hbm>> -> memref<40001x128xf32, #tpu.memory_space<hbm>>
      tpu.enqueue_indirect_dma source(%dma_start3A_43 : memref<40001x128xf32, #tpu.memory_space<hbm>>) target(%dma_start3A_38 : memref<40x128xf32, #tpu.memory_space<vmem>>) offsets(%dma_start3A_40 : memref<40xi32, #tpu.memory_space<vmem>>) semaphore(%arg9 : memref<!tpu.dma_semaphore, #tpu.memory_space<semaphore_mem>>)
      %dma_start3A_44 = arith.constant 120 : i32
      %dma_start3A_45 = arith.constant 0 : i32
      %dma_start3A_46 = tpu.memref_slice %arg7[%dma_start3A_44, %dma_start3A_45] : memref<400x128xf32, #tpu.memory_space<vmem>> -> memref<40x128xf32, #tpu.memory_space<vmem>>
      %dma_start3A_47 = arith.constant 120 : i32
      %dma_start3A_48 = tpu.memref_slice %arg6[%dma_start3A_47] : memref<400xi32, #tpu.memory_space<vmem>> -> memref<40xi32, #tpu.memory_space<vmem>>
      %dma_start3A_49 = arith.constant 0 : i32
      %dma_start3A_50 = arith.constant 0 : i32
      %dma_start3A_51 = tpu.memref_slice %arg3[%dma_start3A_49, %dma_start3A_50] : memref<40001x128xf32, #tpu.memory_space<hbm>> -> memref<40001x128xf32, #tpu.memory_space<hbm>>
      tpu.enqueue_indirect_dma source(%dma_start3A_51 : memref<40001x128xf32, #tpu.memory_space<hbm>>) target(%dma_start3A_46 : memref<40x128xf32, #tpu.memory_space<vmem>>) offsets(%dma_start3A_48 : memref<40xi32, #tpu.memory_space<vmem>>) semaphore(%arg9 : memref<!tpu.dma_semaphore, #tpu.memory_space<semaphore_mem>>)
      %dma_start3A_52 = arith.constant 160 : i32
      %dma_start3A_53 = arith.constant 0 : i32
      %dma_start3A_54 = tpu.memref_slice %arg7[%dma_start3A_52, %dma_start3A_53] : memref<400x128xf32, #tpu.memory_space<vmem>> -> memref<40x128xf32, #tpu.memory_space<vmem>>
      %dma_start3A_55 = arith.constant 160 : i32
      %dma_start3A_56 = tpu.memref_slice %arg6[%dma_start3A_55] : memref<400xi32, #tpu.memory_space<vmem>> -> memref<40xi32, #tpu.memory_space<vmem>>
      %dma_start3A_57 = arith.constant 0 : i32
      %dma_start3A_58 = arith.constant 0 : i32
      %dma_start3A_59 = tpu.memref_slice %arg3[%dma_start3A_57, %dma_start3A_58] : memref<40001x128xf32, #tpu.memory_space<hbm>> -> memref<40001x128xf32, #tpu.memory_space<hbm>>
      tpu.enqueue_indirect_dma source(%dma_start3A_59 : memref<40001x128xf32, #tpu.memory_space<hbm>>) target(%dma_start3A_54 : memref<40x128xf32, #tpu.memory_space<vmem>>) offsets(%dma_start3A_56 : memref<40xi32, #tpu.memory_space<vmem>>) semaphore(%arg9 : memref<!tpu.dma_semaphore, #tpu.memory_space<semaphore_mem>>)
      %dma_start3A_60 = arith.constant 200 : i32
      %dma_start3A_61 = arith.constant 0 : i32
      %dma_start3A_62 = tpu.memref_slice %arg7[%dma_start3A_60, %dma_start3A_61] : memref<400x128xf32, #tpu.memory_space<vmem>> -> memref<40x128xf32, #tpu.memory_space<vmem>>
      %dma_start3A_63 = arith.constant 200 : i32
      %dma_start3A_64 = tpu.memref_slice %arg6[%dma_start3A_63] : memref<400xi32, #tpu.memory_space<vmem>> -> memref<40xi32, #tpu.memory_space<vmem>>
      %dma_start3A_65 = arith.constant 0 : i32
      %dma_start3A_66 = arith.constant 0 : i32
      %dma_start3A_67 = tpu.memref_slice %arg3[%dma_start3A_65, %dma_start3A_66] : memref<40001x128xf32, #tpu.memory_space<hbm>> -> memref<40001x128xf32, #tpu.memory_space<hbm>>
      tpu.enqueue_indirect_dma source(%dma_start3A_67 : memref<40001x128xf32, #tpu.memory_space<hbm>>) target(%dma_start3A_62 : memref<40x128xf32, #tpu.memory_space<vmem>>) offsets(%dma_start3A_64 : memref<40xi32, #tpu.memory_space<vmem>>) semaphore(%arg9 : memref<!tpu.dma_semaphore, #tpu.memory_space<semaphore_mem>>)
      %dma_start3A_68 = arith.constant 240 : i32
      %dma_start3A_69 = arith.constant 0 : i32
      %dma_start3A_70 = tpu.memref_slice %arg7[%dma_start3A_68, %dma_start3A_69] : memref<400x128xf32, #tpu.memory_space<vmem>> -> memref<40x128xf32, #tpu.memory_space<vmem>>
      %dma_start3A_71 = arith.constant 240 : i32
      %dma_start3A_72 = tpu.memref_slice %arg6[%dma_start3A_71] : memref<400xi32, #tpu.memory_space<vmem>> -> memref<40xi32, #tpu.memory_space<vmem>>
      %dma_start3A_73 = arith.constant 0 : i32
      %dma_start3A_74 = arith.constant 0 : i32
      %dma_start3A_75 = tpu.memref_slice %arg3[%dma_start3A_73, %dma_start3A_74] : memref<40001x128xf32, #tpu.memory_space<hbm>> -> memref<40001x128xf32, #tpu.memory_space<hbm>>
      tpu.enqueue_indirect_dma source(%dma_start3A_75 : memref<40001x128xf32, #tpu.memory_space<hbm>>) target(%dma_start3A_70 : memref<40x128xf32, #tpu.memory_space<vmem>>) offsets(%dma_start3A_72 : memref<40xi32, #tpu.memory_space<vmem>>) semaphore(%arg9 : memref<!tpu.dma_semaphore, #tpu.memory_space<semaphore_mem>>)
      %dma_start3A_76 = arith.constant 280 : i32
      %dma_start3A_77 = arith.constant 0 : i32
      %dma_start3A_78 = tpu.memref_slice %arg7[%dma_start3A_76, %dma_start3A_77] : memref<400x128xf32, #tpu.memory_space<vmem>> -> memref<40x128xf32, #tpu.memory_space<vmem>>
      %dma_start3A_79 = arith.constant 280 : i32
      %dma_start3A_80 = tpu.memref_slice %arg6[%dma_start3A_79] : memref<400xi32, #tpu.memory_space<vmem>> -> memref<40xi32, #tpu.memory_space<vmem>>
      %dma_start3A_81 = arith.constant 0 : i32
      %dma_start3A_82 = arith.constant 0 : i32
      %dma_start3A_83 = tpu.memref_slice %arg3[%dma_start3A_81, %dma_start3A_82] : memref<40001x128xf32, #tpu.memory_space<hbm>> -> memref<40001x128xf32, #tpu.memory_space<hbm>>
      tpu.enqueue_indirect_dma source(%dma_start3A_83 : memref<40001x128xf32, #tpu.memory_space<hbm>>) target(%dma_start3A_78 : memref<40x128xf32, #tpu.memory_space<vmem>>) offsets(%dma_start3A_80 : memref<40xi32, #tpu.memory_space<vmem>>) semaphore(%arg9 : memref<!tpu.dma_semaphore, #tpu.memory_space<semaphore_mem>>)
      %dma_start3A_84 = arith.constant 320 : i32
      %dma_start3A_85 = arith.constant 0 : i32
      %dma_start3A_86 = tpu.memref_slice %arg7[%dma_start3A_84, %dma_start3A_85] : memref<400x128xf32, #tpu.memory_space<vmem>> -> memref<40x128xf32, #tpu.memory_space<vmem>>
      %dma_start3A_87 = arith.constant 320 : i32
      %dma_start3A_88 = tpu.memref_slice %arg6[%dma_start3A_87] : memref<400xi32, #tpu.memory_space<vmem>> -> memref<40xi32, #tpu.memory_space<vmem>>
      %dma_start3A_89 = arith.constant 0 : i32
      %dma_start3A_90 = arith.constant 0 : i32
      %dma_start3A_91 = tpu.memref_slice %arg3[%dma_start3A_89, %dma_start3A_90] : memref<40001x128xf32, #tpu.memory_space<hbm>> -> memref<40001x128xf32, #tpu.memory_space<hbm>>
      tpu.enqueue_indirect_dma source(%dma_start3A_91 : memref<40001x128xf32, #tpu.memory_space<hbm>>) target(%dma_start3A_86 : memref<40x128xf32, #tpu.memory_space<vmem>>) offsets(%dma_start3A_88 : memref<40xi32, #tpu.memory_space<vmem>>) semaphore(%arg9 : memref<!tpu.dma_semaphore, #tpu.memory_space<semaphore_mem>>)
      %dma_start3A_92 = arith.constant 360 : i32
      %dma_start3A_93 = arith.constant 0 : i32
      %dma_start3A_94 = tpu.memref_slice %arg7[%dma_start3A_92, %dma_start3A_93] : memref<400x128xf32, #tpu.memory_space<vmem>> -> memref<40x128xf32, #tpu.memory_space<vmem>>
      %dma_start3A_95 = arith.constant 360 : i32
      %dma_start3A_96 = tpu.memref_slice %arg6[%dma_start3A_95] : memref<400xi32, #tpu.memory_space<vmem>> -> memref<40xi32, #tpu.memory_space<vmem>>
      %dma_start3A_97 = arith.constant 0 : i32
      %dma_start3A_98 = arith.constant 0 : i32
      %dma_start3A_99 = tpu.memref_slice %arg3[%dma_start3A_97, %dma_start3A_98] : memref<40001x128xf32, #tpu.memory_space<hbm>> -> memref<40001x128xf32, #tpu.memory_space<hbm>>
      tpu.enqueue_indirect_dma source(%dma_start3A_99 : memref<40001x128xf32, #tpu.memory_space<hbm>>) target(%dma_start3A_94 : memref<40x128xf32, #tpu.memory_space<vmem>>) offsets(%dma_start3A_96 : memref<40xi32, #tpu.memory_space<vmem>>) semaphore(%arg9 : memref<!tpu.dma_semaphore, #tpu.memory_space<semaphore_mem>>)
      %dma_wait3A = arith.constant 0 : i32
      %dma_wait3A_100 = arith.constant 0 : i32
      %dma_wait3A_101 = tpu.memref_slice %arg7[%dma_wait3A, %dma_wait3A_100] : memref<400x128xf32, #tpu.memory_space<vmem>> -> memref<40x128xf32, #tpu.memory_space<vmem>>
      %dma_wait3A_102 = arith.constant 0 : i32
      %dma_wait3A_103 = tpu.memref_slice %arg6[%dma_wait3A_102] : memref<400xi32, #tpu.memory_space<vmem>> -> memref<40xi32, #tpu.memory_space<vmem>>
      %dma_wait3A_104 = arith.constant 0 : i32
      %dma_wait3A_105 = arith.constant 0 : i32
      %dma_wait3A_106 = tpu.memref_slice %arg3[%dma_wait3A_104, %dma_wait3A_105] : memref<40001x128xf32, #tpu.memory_space<hbm>> -> memref<40001x128xf32, #tpu.memory_space<hbm>>
      tpu.wait_indirect_dma semaphore(%arg9 : memref<!tpu.dma_semaphore, #tpu.memory_space<semaphore_mem>>) src(%dma_wait3A_106 : memref<40001x128xf32, #tpu.memory_space<hbm>>) dst(%dma_wait3A_101 : memref<40x128xf32, #tpu.memory_space<vmem>>)
      %dma_wait3A_107 = arith.constant 40 : i32
      %dma_wait3A_108 = arith.constant 0 : i32
      %dma_wait3A_109 = tpu.memref_slice %arg7[%dma_wait3A_107, %dma_wait3A_108] : memref<400x128xf32, #tpu.memory_space<vmem>> -> memref<40x128xf32, #tpu.memory_space<vmem>>
      %dma_wait3A_110 = arith.constant 40 : i32
      %dma_wait3A_111 = tpu.memref_slice %arg6[%dma_wait3A_110] : memref<400xi32, #tpu.memory_space<vmem>> -> memref<40xi32, #tpu.memory_space<vmem>>
      %dma_wait3A_112 = arith.constant 0 : i32
      %dma_wait3A_113 = arith.constant 0 : i32
      %dma_wait3A_114 = tpu.memref_slice %arg3[%dma_wait3A_112, %dma_wait3A_113] : memref<40001x128xf32, #tpu.memory_space<hbm>> -> memref<40001x128xf32, #tpu.memory_space<hbm>>
      tpu.wait_indirect_dma semaphore(%arg9 : memref<!tpu.dma_semaphore, #tpu.memory_space<semaphore_mem>>) src(%dma_wait3A_114 : memref<40001x128xf32, #tpu.memory_space<hbm>>) dst(%dma_wait3A_109 : memref<40x128xf32, #tpu.memory_space<vmem>>)
      %dma_wait3A_115 = arith.constant 80 : i32
      %dma_wait3A_116 = arith.constant 0 : i32
      %dma_wait3A_117 = tpu.memref_slice %arg7[%dma_wait3A_115, %dma_wait3A_116] : memref<400x128xf32, #tpu.memory_space<vmem>> -> memref<40x128xf32, #tpu.memory_space<vmem>>
      %dma_wait3A_118 = arith.constant 80 : i32
      %dma_wait3A_119 = tpu.memref_slice %arg6[%dma_wait3A_118] : memref<400xi32, #tpu.memory_space<vmem>> -> memref<40xi32, #tpu.memory_space<vmem>>
      %dma_wait3A_120 = arith.constant 0 : i32
      %dma_wait3A_121 = arith.constant 0 : i32
      %dma_wait3A_122 = tpu.memref_slice %arg3[%dma_wait3A_120, %dma_wait3A_121] : memref<40001x128xf32, #tpu.memory_space<hbm>> -> memref<40001x128xf32, #tpu.memory_space<hbm>>
      tpu.wait_indirect_dma semaphore(%arg9 : memref<!tpu.dma_semaphore, #tpu.memory_space<semaphore_mem>>) src(%dma_wait3A_122 : memref<40001x128xf32, #tpu.memory_space<hbm>>) dst(%dma_wait3A_117 : memref<40x128xf32, #tpu.memory_space<vmem>>)
      %dma_wait3A_123 = arith.constant 120 : i32
      %dma_wait3A_124 = arith.constant 0 : i32
      %dma_wait3A_125 = tpu.memref_slice %arg7[%dma_wait3A_123, %dma_wait3A_124] : memref<400x128xf32, #tpu.memory_space<vmem>> -> memref<40x128xf32, #tpu.memory_space<vmem>>
      %dma_wait3A_126 = arith.constant 120 : i32
      %dma_wait3A_127 = tpu.memref_slice %arg6[%dma_wait3A_126] : memref<400xi32, #tpu.memory_space<vmem>> -> memref<40xi32, #tpu.memory_space<vmem>>
      %dma_wait3A_128 = arith.constant 0 : i32
      %dma_wait3A_129 = arith.constant 0 : i32
      %dma_wait3A_130 = tpu.memref_slice %arg3[%dma_wait3A_128, %dma_wait3A_129] : memref<40001x128xf32, #tpu.memory_space<hbm>> -> memref<40001x128xf32, #tpu.memory_space<hbm>>
      tpu.wait_indirect_dma semaphore(%arg9 : memref<!tpu.dma_semaphore, #tpu.memory_space<semaphore_mem>>) src(%dma_wait3A_130 : memref<40001x128xf32, #tpu.memory_space<hbm>>) dst(%dma_wait3A_125 : memref<40x128xf32, #tpu.memory_space<vmem>>)
      %dma_wait3A_131 = arith.constant 160 : i32
      %dma_wait3A_132 = arith.constant 0 : i32
      %dma_wait3A_133 = tpu.memref_slice %arg7[%dma_wait3A_131, %dma_wait3A_132] : memref<400x128xf32, #tpu.memory_space<vmem>> -> memref<40x128xf32, #tpu.memory_space<vmem>>
      %dma_wait3A_134 = arith.constant 160 : i32
      %dma_wait3A_135 = tpu.memref_slice %arg6[%dma_wait3A_134] : memref<400xi32, #tpu.memory_space<vmem>> -> memref<40xi32, #tpu.memory_space<vmem>>
      %dma_wait3A_136 = arith.constant 0 : i32
      %dma_wait3A_137 = arith.constant 0 : i32
      %dma_wait3A_138 = tpu.memref_slice %arg3[%dma_wait3A_136, %dma_wait3A_137] : memref<40001x128xf32, #tpu.memory_space<hbm>> -> memref<40001x128xf32, #tpu.memory_space<hbm>>
      tpu.wait_indirect_dma semaphore(%arg9 : memref<!tpu.dma_semaphore, #tpu.memory_space<semaphore_mem>>) src(%dma_wait3A_138 : memref<40001x128xf32, #tpu.memory_space<hbm>>) dst(%dma_wait3A_133 : memref<40x128xf32, #tpu.memory_space<vmem>>)
      %dma_wait3A_139 = arith.constant 200 : i32
      %dma_wait3A_140 = arith.constant 0 : i32
      %dma_wait3A_141 = tpu.memref_slice %arg7[%dma_wait3A_139, %dma_wait3A_140] : memref<400x128xf32, #tpu.memory_space<vmem>> -> memref<40x128xf32, #tpu.memory_space<vmem>>
      %dma_wait3A_142 = arith.constant 200 : i32
      %dma_wait3A_143 = tpu.memref_slice %arg6[%dma_wait3A_142] : memref<400xi32, #tpu.memory_space<vmem>> -> memref<40xi32, #tpu.memory_space<vmem>>
      %dma_wait3A_144 = arith.constant 0 : i32
      %dma_wait3A_145 = arith.constant 0 : i32
      %dma_wait3A_146 = tpu.memref_slice %arg3[%dma_wait3A_144, %dma_wait3A_145] : memref<40001x128xf32, #tpu.memory_space<hbm>> -> memref<40001x128xf32, #tpu.memory_space<hbm>>
      tpu.wait_indirect_dma semaphore(%arg9 : memref<!tpu.dma_semaphore, #tpu.memory_space<semaphore_mem>>) src(%dma_wait3A_146 : memref<40001x128xf32, #tpu.memory_space<hbm>>) dst(%dma_wait3A_141 : memref<40x128xf32, #tpu.memory_space<vmem>>)
      %dma_wait3A_147 = arith.constant 240 : i32
      %dma_wait3A_148 = arith.constant 0 : i32
      %dma_wait3A_149 = tpu.memref_slice %arg7[%dma_wait3A_147, %dma_wait3A_148] : memref<400x128xf32, #tpu.memory_space<vmem>> -> memref<40x128xf32, #tpu.memory_space<vmem>>
      %dma_wait3A_150 = arith.constant 240 : i32
      %dma_wait3A_151 = tpu.memref_slice %arg6[%dma_wait3A_150] : memref<400xi32, #tpu.memory_space<vmem>> -> memref<40xi32, #tpu.memory_space<vmem>>
      %dma_wait3A_152 = arith.constant 0 : i32
      %dma_wait3A_153 = arith.constant 0 : i32
      %dma_wait3A_154 = tpu.memref_slice %arg3[%dma_wait3A_152, %dma_wait3A_153] : memref<40001x128xf32, #tpu.memory_space<hbm>> -> memref<40001x128xf32, #tpu.memory_space<hbm>>
      tpu.wait_indirect_dma semaphore(%arg9 : memref<!tpu.dma_semaphore, #tpu.memory_space<semaphore_mem>>) src(%dma_wait3A_154 : memref<40001x128xf32, #tpu.memory_space<hbm>>) dst(%dma_wait3A_149 : memref<40x128xf32, #tpu.memory_space<vmem>>)
      %dma_wait3A_155 = arith.constant 280 : i32
      %dma_wait3A_156 = arith.constant 0 : i32
      %dma_wait3A_157 = tpu.memref_slice %arg7[%dma_wait3A_155, %dma_wait3A_156] : memref<400x128xf32, #tpu.memory_space<vmem>> -> memref<40x128xf32, #tpu.memory_space<vmem>>
      %dma_wait3A_158 = arith.constant 280 : i32
      %dma_wait3A_159 = tpu.memref_slice %arg6[%dma_wait3A_158] : memref<400xi32, #tpu.memory_space<vmem>> -> memref<40xi32, #tpu.memory_space<vmem>>
      %dma_wait3A_160 = arith.constant 0 : i32
      %dma_wait3A_161 = arith.constant 0 : i32
      %dma_wait3A_162 = tpu.memref_slice %arg3[%dma_wait3A_160, %dma_wait3A_161] : memref<40001x128xf32, #tpu.memory_space<hbm>> -> memref<40001x128xf32, #tpu.memory_space<hbm>>
      tpu.wait_indirect_dma semaphore(%arg9 : memref<!tpu.dma_semaphore, #tpu.memory_space<semaphore_mem>>) src(%dma_wait3A_162 : memref<40001x128xf32, #tpu.memory_space<hbm>>) dst(%dma_wait3A_157 : memref<40x128xf32, #tpu.memory_space<vmem>>)
      %dma_wait3A_163 = arith.constant 320 : i32
      %dma_wait3A_164 = arith.constant 0 : i32
      %dma_wait3A_165 = tpu.memref_slice %arg7[%dma_wait3A_163, %dma_wait3A_164] : memref<400x128xf32, #tpu.memory_space<vmem>> -> memref<40x128xf32, #tpu.memory_space<vmem>>
      %dma_wait3A_166 = arith.constant 320 : i32
      %dma_wait3A_167 = tpu.memref_slice %arg6[%dma_wait3A_166] : memref<400xi32, #tpu.memory_space<vmem>> -> memref<40xi32, #tpu.memory_space<vmem>>
      %dma_wait3A_168 = arith.constant 0 : i32
      %dma_wait3A_169 = arith.constant 0 : i32
      %dma_wait3A_170 = tpu.memref_slice %arg3[%dma_wait3A_168, %dma_wait3A_169] : memref<40001x128xf32, #tpu.memory_space<hbm>> -> memref<40001x128xf32, #tpu.memory_space<hbm>>
      tpu.wait_indirect_dma semaphore(%arg9 : memref<!tpu.dma_semaphore, #tpu.memory_space<semaphore_mem>>) src(%dma_wait3A_170 : memref<40001x128xf32, #tpu.memory_space<hbm>>) dst(%dma_wait3A_165 : memref<40x128xf32, #tpu.memory_space<vmem>>)
      %dma_wait3A_171 = arith.constant 360 : i32
      %dma_wait3A_172 = arith.constant 0 : i32
      %dma_wait3A_173 = tpu.memref_slice %arg7[%dma_wait3A_171, %dma_wait3A_172] : memref<400x128xf32, #tpu.memory_space<vmem>> -> memref<40x128xf32, #tpu.memory_space<vmem>>
      %dma_wait3A_174 = arith.constant 360 : i32
      %dma_wait3A_175 = tpu.memref_slice %arg6[%dma_wait3A_174] : memref<400xi32, #tpu.memory_space<vmem>> -> memref<40xi32, #tpu.memory_space<vmem>>
      %dma_wait3A_176 = arith.constant 0 : i32
      %dma_wait3A_177 = arith.constant 0 : i32
      %dma_wait3A_178 = tpu.memref_slice %arg3[%dma_wait3A_176, %dma_wait3A_177] : memref<40001x128xf32, #tpu.memory_space<hbm>> -> memref<40001x128xf32, #tpu.memory_space<hbm>>
      tpu.wait_indirect_dma semaphore(%arg9 : memref<!tpu.dma_semaphore, #tpu.memory_space<semaphore_mem>>) src(%dma_wait3A_178 : memref<40001x128xf32, #tpu.memory_space<hbm>>) dst(%dma_wait3A_173 : memref<40x128xf32, #tpu.memory_space<vmem>>)
      %scan3A_179 = arith.constant 0 : i32
      %scan3A_180 = arith.constant 0 : i32
      %scan3A_181 = arith.constant 25 : i32
      %scan3A_182 = arith.addi %scan3A_180, %scan3A_181 : i32
      %scan3A_183 = arith.constant 1 : i32
      %scan3A_184 = scf.for %scan3A_187 = %scan3A_180 to %scan3A_182 step %scan3A_183 iter_args(%scan3A_188 = %scan3A_179) -> (i32)  : i32 {
        %mul3A_189 = arith.constant 16 : i32
        %mul3A_190 = arith.muli %scan3A_187, %mul3A_189 : i32
        %add3A_191 = vector.broadcast %mul3A_190 : i32 to vector<16xi32>
        %add3A_192 = arith.addi %add3A_191, %iota3A : vector<16xi32>
        %mul3A_193 = arith.constant 16 : i32
        %mul3A_194 = arith.muli %scan3A_187, %mul3A_193 : i32
        %get3A = arith.index_cast %mul3A_194 : i32 to index
        %get3A_195 = tpu.vector_load %arg5[%get3A] {strides = array<i32>} : memref<400xi32, #tpu.memory_space<vmem>>, vector<16xi32>,
        %and3A = arith.constant 7 : i32
        %and3A_196 = vector.broadcast %and3A : i32 to vector<16xi32>
        %and3A_197 = arith.andi %get3A_195, %and3A_196 : vector<16xi32>
        %mul3A_198 = arith.constant 16 : i32
        %mul3A_199 = vector.broadcast %mul3A_198 : i32 to vector<16xi32>
        %mul3A_200 = arith.muli %and3A_197, %mul3A_199 : vector<16xi32>
        %add3A_201 = arith.constant 0 : i32
        %add3A_202 = vector.broadcast %add3A_201 : i32 to vector<16xi32>
        %add3A_203 = arith.addi %mul3A_200, %add3A_202 : vector<16xi32>
        %gather3A = tpu.vector_load_idx %arg7[%add3A_192, %add3A_203] : memref<400x128xf32, #tpu.memory_space<vmem>>[vector<16xi32>, vector<16xi32>], vector<16xf32>,
        %broadcast_in_dim3A = arith.constant 0 : i32
        %broadcast_in_dim3A_204 = vector.broadcast %broadcast_in_dim3A : i32 to vector<16xi32>
        tpu.vector_store_idx %arg8[%add3A_192, %broadcast_in_dim3A_204], %gather3A : memref<400x16xf32, #tpu.memory_space<vmem>>[vector<16xi32>, vector<16xi32>], vector<16xf32>,
        %add3A_205 = arith.constant 1 : i32
        %add3A_206 = vector.broadcast %add3A_205 : i32 to vector<16xi32>
        %add3A_207 = arith.addi %mul3A_200, %add3A_206 : vector<16xi32>
        %gather3A_208 = tpu.vector_load_idx %arg7[%add3A_192, %add3A_207] : memref<400x128xf32, #tpu.memory_space<vmem>>[vector<16xi32>, vector<16xi32>], vector<16xf32>,
        %broadcast_in_dim3A_209 = arith.constant 1 : i32
        %broadcast_in_dim3A_210 = vector.broadcast %broadcast_in_dim3A_209 : i32 to vector<16xi32>
        tpu.vector_store_idx %arg8[%add3A_192, %broadcast_in_dim3A_210], %gather3A_208 : memref<400x16xf32, #tpu.memory_space<vmem>>[vector<16xi32>, vector<16xi32>], vector<16xf32>,
        %add3A_211 = arith.constant 2 : i32
        %add3A_212 = vector.broadcast %add3A_211 : i32 to vector<16xi32>
        %add3A_213 = arith.addi %mul3A_200, %add3A_212 : vector<16xi32>
        %gather3A_214 = tpu.vector_load_idx %arg7[%add3A_192, %add3A_213] : memref<400x128xf32, #tpu.memory_space<vmem>>[vector<16xi32>, vector<16xi32>], vector<16xf32>,
        %broadcast_in_dim3A_215 = arith.constant 2 : i32
        %broadcast_in_dim3A_216 = vector.broadcast %broadcast_in_dim3A_215 : i32 to vector<16xi32>
        tpu.vector_store_idx %arg8[%add3A_192, %broadcast_in_dim3A_216], %gather3A_214 : memref<400x16xf32, #tpu.memory_space<vmem>>[vector<16xi32>, vector<16xi32>], vector<16xf32>,
        %add3A_217 = arith.constant 3 : i32
        %add3A_218 = vector.broadcast %add3A_217 : i32 to vector<16xi32>
        %add3A_219 = arith.addi %mul3A_200, %add3A_218 : vector<16xi32>
        %gather3A_220 = tpu.vector_load_idx %arg7[%add3A_192, %add3A_219] : memref<400x128xf32, #tpu.memory_space<vmem>>[vector<16xi32>, vector<16xi32>], vector<16xf32>,
        %broadcast_in_dim3A_221 = arith.constant 3 : i32
        %broadcast_in_dim3A_222 = vector.broadcast %broadcast_in_dim3A_221 : i32 to vector<16xi32>
        tpu.vector_store_idx %arg8[%add3A_192, %broadcast_in_dim3A_222], %gather3A_220 : memref<400x16xf32, #tpu.memory_space<vmem>>[vector<16xi32>, vector<16xi32>], vector<16xf32>,
        %add3A_223 = arith.constant 4 : i32
        %add3A_224 = vector.broadcast %add3A_223 : i32 to vector<16xi32>
        %add3A_225 = arith.addi %mul3A_200, %add3A_224 : vector<16xi32>
        %gather3A_226 = tpu.vector_load_idx %arg7[%add3A_192, %add3A_225] : memref<400x128xf32, #tpu.memory_space<vmem>>[vector<16xi32>, vector<16xi32>], vector<16xf32>,
        %broadcast_in_dim3A_227 = arith.constant 4 : i32
        %broadcast_in_dim3A_228 = vector.broadcast %broadcast_in_dim3A_227 : i32 to vector<16xi32>
        tpu.vector_store_idx %arg8[%add3A_192, %broadcast_in_dim3A_228], %gather3A_226 : memref<400x16xf32, #tpu.memory_space<vmem>>[vector<16xi32>, vector<16xi32>], vector<16xf32>,
        %add3A_229 = arith.constant 5 : i32
        %add3A_230 = vector.broadcast %add3A_229 : i32 to vector<16xi32>
        %add3A_231 = arith.addi %mul3A_200, %add3A_230 : vector<16xi32>
        %gather3A_232 = tpu.vector_load_idx %arg7[%add3A_192, %add3A_231] : memref<400x128xf32, #tpu.memory_space<vmem>>[vector<16xi32>, vector<16xi32>], vector<16xf32>,
        %broadcast_in_dim3A_233 = arith.constant 5 : i32
        %broadcast_in_dim3A_234 = vector.broadcast %broadcast_in_dim3A_233 : i32 to vector<16xi32>
        tpu.vector_store_idx %arg8[%add3A_192, %broadcast_in_dim3A_234], %gather3A_232 : memref<400x16xf32, #tpu.memory_space<vmem>>[vector<16xi32>, vector<16xi32>], vector<16xf32>,
        %add3A_235 = arith.constant 6 : i32
        %add3A_236 = vector.broadcast %add3A_235 : i32 to vector<16xi32>
        %add3A_237 = arith.addi %mul3A_200, %add3A_236 : vector<16xi32>
        %gather3A_238 = tpu.vector_load_idx %arg7[%add3A_192, %add3A_237] : memref<400x128xf32, #tpu.memory_space<vmem>>[vector<16xi32>, vector<16xi32>], vector<16xf32>,
        %broadcast_in_dim3A_239 = arith.constant 6 : i32
        %broadcast_in_dim3A_240 = vector.broadcast %broadcast_in_dim3A_239 : i32 to vector<16xi32>
        tpu.vector_store_idx %arg8[%add3A_192, %broadcast_in_dim3A_240], %gather3A_238 : memref<400x16xf32, #tpu.memory_space<vmem>>[vector<16xi32>, vector<16xi32>], vector<16xf32>,
        %add3A_241 = arith.constant 7 : i32
        %add3A_242 = vector.broadcast %add3A_241 : i32 to vector<16xi32>
        %add3A_243 = arith.addi %mul3A_200, %add3A_242 : vector<16xi32>
        %gather3A_244 = tpu.vector_load_idx %arg7[%add3A_192, %add3A_243] : memref<400x128xf32, #tpu.memory_space<vmem>>[vector<16xi32>, vector<16xi32>], vector<16xf32>,
        %broadcast_in_dim3A_245 = arith.constant 7 : i32
        %broadcast_in_dim3A_246 = vector.broadcast %broadcast_in_dim3A_245 : i32 to vector<16xi32>
        tpu.vector_store_idx %arg8[%add3A_192, %broadcast_in_dim3A_246], %gather3A_244 : memref<400x16xf32, #tpu.memory_space<vmem>>[vector<16xi32>, vector<16xi32>], vector<16xf32>,
        %add3A_247 = arith.constant 8 : i32
        %add3A_248 = vector.broadcast %add3A_247 : i32 to vector<16xi32>
        %add3A_249 = arith.addi %mul3A_200, %add3A_248 : vector<16xi32>
        %gather3A_250 = tpu.vector_load_idx %arg7[%add3A_192, %add3A_249] : memref<400x128xf32, #tpu.memory_space<vmem>>[vector<16xi32>, vector<16xi32>], vector<16xf32>,
        %broadcast_in_dim3A_251 = arith.constant 8 : i32
        %broadcast_in_dim3A_252 = vector.broadcast %broadcast_in_dim3A_251 : i32 to vector<16xi32>
        tpu.vector_store_idx %arg8[%add3A_192, %broadcast_in_dim3A_252], %gather3A_250 : memref<400x16xf32, #tpu.memory_space<vmem>>[vector<16xi32>, vector<16xi32>], vector<16xf32>,
        %add3A_253 = arith.constant 9 : i32
        %add3A_254 = vector.broadcast %add3A_253 : i32 to vector<16xi32>
        %add3A_255 = arith.addi %mul3A_200, %add3A_254 : vector<16xi32>
        %gather3A_256 = tpu.vector_load_idx %arg7[%add3A_192, %add3A_255] : memref<400x128xf32, #tpu.memory_space<vmem>>[vector<16xi32>, vector<16xi32>], vector<16xf32>,
        %broadcast_in_dim3A_257 = arith.constant 9 : i32
        %broadcast_in_dim3A_258 = vector.broadcast %broadcast_in_dim3A_257 : i32 to vector<16xi32>
        tpu.vector_store_idx %arg8[%add3A_192, %broadcast_in_dim3A_258], %gather3A_256 : memref<400x16xf32, #tpu.memory_space<vmem>>[vector<16xi32>, vector<16xi32>], vector<16xf32>,
        %add3A_259 = arith.constant 10 : i32
        %add3A_260 = vector.broadcast %add3A_259 : i32 to vector<16xi32>
        %add3A_261 = arith.addi %mul3A_200, %add3A_260 : vector<16xi32>
        %gather3A_262 = tpu.vector_load_idx %arg7[%add3A_192, %add3A_261] : memref<400x128xf32, #tpu.memory_space<vmem>>[vector<16xi32>, vector<16xi32>], vector<16xf32>,
        %broadcast_in_dim3A_263 = arith.constant 10 : i32
        %broadcast_in_dim3A_264 = vector.broadcast %broadcast_in_dim3A_263 : i32 to vector<16xi32>
        tpu.vector_store_idx %arg8[%add3A_192, %broadcast_in_dim3A_264], %gather3A_262 : memref<400x16xf32, #tpu.memory_space<vmem>>[vector<16xi32>, vector<16xi32>], vector<16xf32>,
        %add3A_265 = arith.constant 11 : i32
        %add3A_266 = vector.broadcast %add3A_265 : i32 to vector<16xi32>
        %add3A_267 = arith.addi %mul3A_200, %add3A_266 : vector<16xi32>
        %gather3A_268 = tpu.vector_load_idx %arg7[%add3A_192, %add3A_267] : memref<400x128xf32, #tpu.memory_space<vmem>>[vector<16xi32>, vector<16xi32>], vector<16xf32>,
        %broadcast_in_dim3A_269 = arith.constant 11 : i32
        %broadcast_in_dim3A_270 = vector.broadcast %broadcast_in_dim3A_269 : i32 to vector<16xi32>
        tpu.vector_store_idx %arg8[%add3A_192, %broadcast_in_dim3A_270], %gather3A_268 : memref<400x16xf32, #tpu.memory_space<vmem>>[vector<16xi32>, vector<16xi32>], vector<16xf32>,
        %add3A_271 = arith.constant 12 : i32
        %add3A_272 = vector.broadcast %add3A_271 : i32 to vector<16xi32>
        %add3A_273 = arith.addi %mul3A_200, %add3A_272 : vector<16xi32>
        %gather3A_274 = tpu.vector_load_idx %arg7[%add3A_192, %add3A_273] : memref<400x128xf32, #tpu.memory_space<vmem>>[vector<16xi32>, vector<16xi32>], vector<16xf32>,
        %broadcast_in_dim3A_275 = arith.constant 12 : i32
        %broadcast_in_dim3A_276 = vector.broadcast %broadcast_in_dim3A_275 : i32 to vector<16xi32>
        tpu.vector_store_idx %arg8[%add3A_192, %broadcast_in_dim3A_276], %gather3A_274 : memref<400x16xf32, #tpu.memory_space<vmem>>[vector<16xi32>, vector<16xi32>], vector<16xf32>,
        %add3A_277 = arith.constant 13 : i32
        %add3A_278 = vector.broadcast %add3A_277 : i32 to vector<16xi32>
        %add3A_279 = arith.addi %mul3A_200, %add3A_278 : vector<16xi32>
        %gather3A_280 = tpu.vector_load_idx %arg7[%add3A_192, %add3A_279] : memref<400x128xf32, #tpu.memory_space<vmem>>[vector<16xi32>, vector<16xi32>], vector<16xf32>,
        %broadcast_in_dim3A_281 = arith.constant 13 : i32
        %broadcast_in_dim3A_282 = vector.broadcast %broadcast_in_dim3A_281 : i32 to vector<16xi32>
        tpu.vector_store_idx %arg8[%add3A_192, %broadcast_in_dim3A_282], %gather3A_280 : memref<400x16xf32, #tpu.memory_space<vmem>>[vector<16xi32>, vector<16xi32>], vector<16xf32>,
        %add3A_283 = arith.constant 14 : i32
        %add3A_284 = vector.broadcast %add3A_283 : i32 to vector<16xi32>
        %add3A_285 = arith.addi %mul3A_200, %add3A_284 : vector<16xi32>
        %gather3A_286 = tpu.vector_load_idx %arg7[%add3A_192, %add3A_285] : memref<400x128xf32, #tpu.memory_space<vmem>>[vector<16xi32>, vector<16xi32>], vector<16xf32>,
        %broadcast_in_dim3A_287 = arith.constant 14 : i32
        %broadcast_in_dim3A_288 = vector.broadcast %broadcast_in_dim3A_287 : i32 to vector<16xi32>
        tpu.vector_store_idx %arg8[%add3A_192, %broadcast_in_dim3A_288], %gather3A_286 : memref<400x16xf32, #tpu.memory_space<vmem>>[vector<16xi32>, vector<16xi32>], vector<16xf32>,
        %add3A_289 = arith.constant 15 : i32
        %add3A_290 = vector.broadcast %add3A_289 : i32 to vector<16xi32>
        %add3A_291 = arith.addi %mul3A_200, %add3A_290 : vector<16xi32>
        %gather3A_292 = tpu.vector_load_idx %arg7[%add3A_192, %add3A_291] : memref<400x128xf32, #tpu.memory_space<vmem>>[vector<16xi32>, vector<16xi32>], vector<16xf32>,
        %broadcast_in_dim3A_293 = arith.constant 15 : i32
        %broadcast_in_dim3A_294 = vector.broadcast %broadcast_in_dim3A_293 : i32 to vector<16xi32>
        tpu.vector_store_idx %arg8[%add3A_192, %broadcast_in_dim3A_294], %gather3A_292 : memref<400x16xf32, #tpu.memory_space<vmem>>[vector<16xi32>, vector<16xi32>], vector<16xf32>,
        %scan3A_295 = arith.constant 0 : i32
        scf.yield %scan3A_295 : i32
      }
      %scan3A_185 = arith.constant 25 : i32
      "tpu.region"() ({
        %run_scoped3A = tpu.sem_alloc : memref<!tpu.dma_semaphore, #tpu.memory_space<semaphore_mem>>
        %dma_start3A_187 = arith.constant 0 : i32
        %dma_start3A_188 = tpu.memref_slice %arg4[%add3A_13, %dma_start3A_187] : memref<320000x16xf32, #tpu.memory_space<hbm>> -> memref<400x16xf32, #tpu.memory_space<hbm>>
        %dma_start3A_189 = arith.constant 0 : i32
        %dma_start3A_190 = tpu.memref_slice %arg4[%add3A_13, %dma_start3A_189] : memref<320000x16xf32, #tpu.memory_space<hbm>> -> memref<400x16xf32, #tpu.memory_space<hbm>>
        tpu.enqueue_dma source(%arg8 : memref<400x16xf32, #tpu.memory_space<vmem>>) target(%dma_start3A_190 : memref<400x16xf32, #tpu.memory_space<hbm>>) target_semaphore(%run_scoped3A : memref<!tpu.dma_semaphore, #tpu.memory_space<semaphore_mem>>)
        %dma_wait3A_191 = arith.constant 0 : i32
        %dma_wait3A_192 = tpu.memref_slice %arg4[%add3A_13, %dma_wait3A_191] : memref<320000x16xf32, #tpu.memory_space<hbm>> -> memref<400x16xf32, #tpu.memory_space<hbm>>
        %dma_wait3A_193 = arith.constant 0 : i32
        %dma_wait3A_194 = tpu.memref_slice %arg4[%add3A_13, %dma_wait3A_193] : memref<320000x16xf32, #tpu.memory_space<hbm>> -> memref<400x16xf32, #tpu.memory_space<hbm>>
        tpu.wait_dma2 semaphore(%run_scoped3A : memref<!tpu.dma_semaphore, #tpu.memory_space<semaphore_mem>>) src(%arg8 : memref<400x16xf32, #tpu.memory_space<vmem>>) dst(%dma_wait3A_194 : memref<400x16xf32, #tpu.memory_space<hbm>>)
        tpu.yield
      }) : () -> ()
      %scan3A_186 = arith.constant 0 : i32
      scf.yield %scan3A_186 : i32
    }
    %scan3A_8 = arith.constant 25 : i32
    return
  }
}

module attributes {stable_mosaic.version = 14 : i64} {
  func.func @_k1_body(%arg0: i32, %arg1: memref<2048x128xf32, #tpu.memory_space<vmem>>, %arg2: memref<2048x128xf32, #tpu.memory_space<vmem>>, %arg3: memref<256x1xf32, #tpu.memory_space<vmem>>, %arg4: memref<8x128xf32, #tpu.memory_space<vmem>>, %arg5: memref<2048x1xf32, #tpu.memory_space<vmem>>, %arg6: memref<2048x1xf32, #tpu.memory_space<vmem>>, %arg7: memref<2048x1xf32, #tpu.memory_space<vmem>>) attributes {dimension_semantics = [#tpu.dimension_semantics<arbitrary>], iteration_bounds = array<i64: 157>, scalar_prefetch = 0 : i64, scratch_operands = 0 : i64, tpu.core_type = #tpu.core_type<tc>, window_params = [{transform_indices = @transform_0, window_bounds = array<i64: 2048, 128>}, {transform_indices = @transform_1, window_bounds = array<i64: 2048, 128>}, {pipeline_mode = #tpu.pipeline_mode<synchronous>, transform_indices = @transform_2, window_bounds = array<i64: 256, 1>}, {pipeline_mode = #tpu.pipeline_mode<synchronous>, transform_indices = @transform_3, window_bounds = array<i64: 8, 128>}, {transform_indices = @transform_4, window_bounds = array<i64: 2048, 1>}, {transform_indices = @transform_5, window_bounds = array<i64: 2048, 1>}, {transform_indices = @transform_6, window_bounds = array<i64: 2048, 1>}]} {
    %get3A = arith.constant 0 : index
    %get3A_0 = arith.constant 0 : index
    %get3A_1 = vector.load %arg1[%get3A, %get3A_0] : memref<2048x128xf32, #tpu.memory_space<vmem>>, vector<2048x128xf32>
    %get3A_2 = arith.constant 0 : index
    %get3A_3 = arith.constant 0 : index
    %get3A_4 = vector.load %arg2[%get3A_2, %get3A_3] : memref<2048x128xf32, #tpu.memory_space<vmem>>, vector<2048x128xf32>
    %concatenate3A = tpu.concatenate %get3A_1, %get3A_4 in 1 : vector<2048x128xf32>, vector<2048x128xf32> -> vector<2048x256xf32>
    %get3A_5 = arith.constant 0 : index
    %get3A_6 = arith.constant 0 : index
    %get3A_7 = vector.load %arg3[%get3A_5, %get3A_6] : memref<256x1xf32, #tpu.memory_space<vmem>>, vector<256x1xf32>
    %dot_general3A = arith.constant dense<0.000000e+00> : vector<2048x1xf32>
    %dot_general3A_8 = tpu.matmul %concatenate3A, %get3A_7, %dot_general3A {dimension_numbers = #tpu.dot_dimension_numbers<[1], [0], [0], [1], [0, 0, 1, 1], [], []>, transpose_lhs_hint = false} : vector<2048x256xf32>, vector<256x1xf32>, vector<2048x1xf32> -> vector<2048x1xf32>
    %get3A_9 = arith.constant 0 : index
    %get3A_10 = arith.constant 0 : index
    %get3A_11 = vector.load %arg4[%get3A_9, %get3A_10] : memref<8x128xf32, #tpu.memory_space<vmem>>, vector<1x1xf32>
    %get3A_12 = vector.extract %get3A_11[0, 0] : f32 from vector<1x1xf32>
    %add3A = vector.broadcast %get3A_12 : f32 to vector<2048x1xf32>
    %add3A_13 = arith.addf %dot_general3A_8, %add3A : vector<2048x1xf32>
    %logistic3A = arith.negf %add3A_13 : vector<2048x1xf32>
    %logistic3A_14 = math.exp %logistic3A : vector<2048x1xf32>
    %logistic3A_15 = arith.constant 1.000000e+00 : f32
    %logistic3A_16 = vector.broadcast %logistic3A_15 : f32 to vector<2048x1xf32>
    %logistic3A_17 = arith.addf %logistic3A_16, %logistic3A_14 : vector<2048x1xf32>
    %logistic3A_18 = arith.divf %logistic3A_16, %logistic3A_17 : vector<2048x1xf32>
    %get3A_19 = arith.constant 0 : index
    %get3A_20 = arith.constant 0 : index
    %get3A_21 = vector.load %arg6[%get3A_19, %get3A_20] : memref<2048x1xf32, #tpu.memory_space<vmem>>, vector<2048x1xf32>
    %mul3A = arith.mulf %logistic3A_18, %get3A_21 : vector<2048x1xf32>
    %get3A_22 = arith.constant 0 : index
    %get3A_23 = arith.constant 0 : index
    %get3A_24 = vector.load %arg5[%get3A_22, %get3A_23] : memref<2048x1xf32, #tpu.memory_space<vmem>>, vector<2048x1xf32>
    %lt3A = arith.cmpf olt, %get3A_24, %mul3A : vector<2048x1xf32>
    %convert_element_type3A = arith.extui %lt3A : vector<2048x1xi1> to vector<2048x1xi32>
    %convert_element_type3A_25 = arith.sitofp %convert_element_type3A : vector<2048x1xi32> to vector<2048x1xf32>
    %get3A_26 = arith.constant 0 : index
    %get3A_27 = arith.constant 0 : index
    %get3A_28 = vector.load %arg6[%get3A_26, %get3A_27] : memref<2048x1xf32, #tpu.memory_space<vmem>>, vector<2048x1xf32>
    %sub3A = arith.constant 1.000000e+00 : f32
    %sub3A_29 = vector.broadcast %sub3A : f32 to vector<2048x1xf32>
    %sub3A_30 = arith.subf %sub3A_29, %convert_element_type3A_25 : vector<2048x1xf32>
    %mul3A_31 = arith.mulf %get3A_28, %sub3A_30 : vector<2048x1xf32>
    %swap3A = arith.constant 0 : index
    %swap3A_32 = arith.constant 0 : index
    %swap3A_33 = vector.load %arg7[%swap3A, %swap3A_32] : memref<2048x1xf32, #tpu.memory_space<vmem>>, vector<2048x1xf32>
    tpu.vector_store %arg7[%swap3A, %swap3A_32], %mul3A_31 {strides = array<i32>} : memref<2048x1xf32, #tpu.memory_space<vmem>>, vector<2048x1xf32>,
    return
  }
  func.func @transform_0(%arg0: i32) -> (i32, i32) {
    %c0_i32 = arith.constant 0 : i32
    %c0_i32_0 = arith.constant 0 : i32
    return %arg0, %c0_i32 : i32, i32
  }
  func.func @transform_1(%arg0: i32) -> (i32, i32) {
    %c0_i32 = arith.constant 0 : i32
    %c0_i32_0 = arith.constant 0 : i32
    return %arg0, %c0_i32 : i32, i32
  }
  func.func @transform_2(%arg0: i32) -> (i32, i32) {
    %c0_i32 = arith.constant 0 : i32
    %c0_i32_0 = arith.constant 0 : i32
    %c0_i32_1 = arith.constant 0 : i32
    return %c0_i32, %c0_i32_0 : i32, i32
  }
  func.func @transform_3(%arg0: i32) -> (i32, i32) {
    %c0_i32 = arith.constant 0 : i32
    %c0_i32_0 = arith.constant 0 : i32
    %c0_i32_1 = arith.constant 0 : i32
    return %c0_i32, %c0_i32_0 : i32, i32
  }
  func.func @transform_4(%arg0: i32) -> (i32, i32) {
    %c0_i32 = arith.constant 0 : i32
    %c0_i32_0 = arith.constant 0 : i32
    return %arg0, %c0_i32 : i32, i32
  }
  func.func @transform_5(%arg0: i32) -> (i32, i32) {
    %c0_i32 = arith.constant 0 : i32
    %c0_i32_0 = arith.constant 0 : i32
    return %arg0, %c0_i32 : i32, i32
  }
  func.func @transform_6(%arg0: i32) -> (i32, i32) {
    %c0_i32 = arith.constant 0 : i32
    %c0_i32_0 = arith.constant 0 : i32
    return %arg0, %c0_i32 : i32, i32
  }
}

</mosaic_0001>

<sc_bundles>
// kernel: kernel.10.cloned.1.call-start
scs
__scs_entry_jumppad:
0x0: {  	(pc) =	sbr.rel $0x88, $3  }
0x1: {  	(tag) =	ssettag $0x0;
	lr =	simm.s32 $0x1  }
0x2: {  	[smem:$0x3F99] =	sst lr;
	_ =	strace $0xD0000000  }
0x3: {  	_ = 	snop  }
0x4: {  	_ = 	snop  }
0x5: {  	_ = 	snop  }
0x6: {  	_ = 	snop  }
0x7: {  	_ = 	snop  }
__scs_overlays_trampoline_lowered:
0x8: {  	[smem:$0x3FA8] =	sst s0  }
0x9: {  	[smem:$0x3FA9] =	sst s1  }
0xa: {  	[smem:$0x3FAA] =	sst s2  }
0xb: {  	[smem:$0x3FAB] =	sst s3  }
0xc: {  	[smem:$0x3FAC] =	sst s4  }
0xd: {  	[smem:$0x3FAD] =	sst s5  }
0xe: {  	[smem:$0x3FAE] =	sst s6  }
0xf: {  	[smem:$0x3FAF] =	sst s7  }
0x10: {  	[smem:$0x3FB0] =	sst s8  }
0x11: {  	[smem:$0x3FB1] =	sst s9;
	s0 =	simm.s32 @!p0 $0x0  }
0x12: {  	s1 =	sld [smem:$0x3F97];
	s0 =	simm.s32 @p0 $0x1  }
0x13: {  	[smem:$0x3FB2] =	sst s0;
	s0 =	simm.s32 @!p1 $0x0  }
0x14: {  	s2 =	sld [smem:$0x3F96];
	s0 =	simm.s32 @p1 $0x1  }
0x15: {  	[smem:$0x3FB3] =	sst s0;
	s0 =	simm.s32 @!p2 $0x0  }
0x16: {  	s3 =	sld [smem:$0x3FDB];
	s0 =	simm.s32 @p2 $0x1  }
0x17: {  	s4 =	simm.s32 $0x1BF5;
	[smem:$0x3FB5] =	sst s0  }
0x18: {  	s0 =	sld [smem:$0x3F98];
	_ =	swait.ge [sflag:s4], $0x0  }
0x19: {  	s7 =	sld [smem:$0x3F99]  }
0x1a: {  	s8 =	sadd.s32 $0xFFFFE003, lr  }
0x1b: {  	s9 =	sadd.s32 $0xFFFFFEF7, lr;
	s5 =	simm.s32 $0xFFFFFFFF;
	p2 =	slt.u32 s8, $0xFFFFF086  }
0x1c: {  	p1 =	slt.u32 s9, $0xF7A;
	s5 =	simm.s32 @!p2 $0x0  }
0x1d: {  	s5 =	simm.s32 @p1 $0x1;
	p0 =	seq.s32 s7, s2  }
0x1e: {  	s7 =	smul.u32 @!p0 $0xF7A, s2;
	p2 =	seq.s32 @!p0 s5, $0x0  }
0x1f: {  	s9 =	smul.u32 $0xF7A, s1;
	s8 =	simm.s32 @!p0 $0x1BF5;
	p2 =	por !p2, p0  }
0x20: {  	[sflag:s8] =	ssyncset.s32 @!p0 $0xFFFFF086;
	s6 =	sadd.s32 @!p0 s3, s7;
	s7 =	simm.s32 @!p0 $0x108  }
0x21: {  	s3 =	sadd.s32 s3, s9;
	s6 =	sadd.s32 @!p0 $0x88, s6;
	s7 =	simm.s32 @p2 $0x1082  }
0x22: {  	[simem:s7], [sflag:s8] =	dma.local @!p0 [hbm:s6], $0xF7A  }
0x23: {  	s9 =	sor.u32 $0xD0000000, s2;
	s6 =	simm.s32 $0x108;
	_ =	swait.ge @!p0 [sflag:s8], $0x0  }
0x24: {  	s3 =	sadd.s32 $0x88, s3;
	s6 =	simm.s32 @!p1 $0x1082;
	[sflag:s4] =	ssyncset.s32 $0xFFFFF086  }
0x25: {  	[simem:s6], [sflag:s4] =	dma.local [hbm:s3], $0xF7A  }
0x26: {  	[smem:$0x3F99] =	sst s1;
	(tag) =	ssettag s2;
	_ =	strace s9  }
0x27: {  	s1 =	sld [smem:$0x3FA9]  }
0x28: {  	s2 =	sld [smem:$0x3FAA]  }
0x29: {  	s4 =	sld [smem:$0x3FAC]  }
0x2a: {  	p0 =	seq.s32 s5, $0x0;
	s5 =	sld [smem:$0x3FAD]  }
0x2b: {  	s6 =	sld [smem:$0x3FAE]  }
0x2c: {  	s7 =	sld [smem:$0x3FAF]  }
0x2d: {  	s3 =	simm.s32 $0x108;
	s8 =	sld [smem:$0x3FB0]  }
0x2e: {  	s3 =	simm.s32 @!p0 $0x1082;
	s9 =	sld [smem:$0x3FB1]  }
0x2f: {  	lr =	sadd.s32 s0, s3;
	s0 =	sld [smem:$0x3FA8]  }
0x30: {  	s3 =	sld [smem:$0x3FAB]  }
0x31: {  	[smem:$0x3FB4] =	sst s10  }
0x32: {  	s10 =	sld [smem:$0x3FB2];
	_ =	sdelay $0x3  }
0x33: {  	p0 =	seq.s32 s10, $0x1;
	s10 =	sld [smem:$0x3FB4];
	_ =	sdelay $0x3  }
0x34: {  	[smem:$0x3FB4] =	sst s10  }
0x35: {  	s10 =	sld [smem:$0x3FB3];
	_ =	sdelay $0x3  }
0x36: {  	p1 =	seq.s32 s10, $0x1;
	s10 =	sld [smem:$0x3FB4];
	_ =	sdelay $0x3  }
0x37: {  	[smem:$0x3FB4] =	sst s10  }
0x38: {  	s10 =	sld [smem:$0x3FB5]  }
0x39: {  	_ = 	snop;
	(pc) =	sbr.ind lr, $3  }
0x3a: {  	_ = 	snop  }
0x3b: {  	_ = 	snop  }
0x3c: {  	p2 =	seq.s32 s10, $0x1;
	s10 =	sld [smem:$0x3FB4]  }
0x3d: {  	_ =	shalt  }
0x3e: {  	_ =	shalt  }
0x3f: {  	_ =	shalt  }
0x40: {  	_ =	shalt  }
0x41: {  	_ =	shalt  }
0x42: {  	_ =	shalt  }
0x43: {  	_ =	shalt  }
0x44: {  	_ =	shalt  }
0x45: {  	_ =	shalt  }
0x46: {  	_ =	shalt  }
0x47: {  	_ =	shalt  }
0x48: {  	_ =	shalt  }
0x49: {  	_ =	shalt  }
0x4a: {  	_ =	shalt  }
0x4b: {  	_ =	shalt  }
0x4c: {  	_ =	shalt  }
0x4d: {  	_ =	shalt  }
0x4e: {  	_ =	shalt  }
0x4f: {  	_ =	shalt  }
0x50: {  	_ =	shalt  }
0x51: {  	_ =	shalt  }
0x52: {  	_ =	shalt  }
0x53: {  	_ =	shalt  }
0x54: {  	_ =	shalt  }
0x55: {  	_ =	shalt  }
0x56: {  	_ =	shalt  }
0x57: {  	_ =	shalt  }
0x58: {  	_ =	shalt  }
0x59: {  	_ =	shalt  }
0x5a: {  	_ =	shalt  }
0x5b: {  	_ =	shalt  }
0x5c: {  	_ =	shalt  }
0x5d: {  	_ =	shalt  }
0x5e: {  	_ =	shalt  }
0x5f: {  	_ =	shalt  }
0x60: {  	_ =	shalt  }
0x61: {  	_ =	shalt  }
0x62: {  	_ =	shalt  }
0x63: {  	_ =	shalt  }
0x64: {  	_ =	shalt  }
0x65: {  	_ =	shalt  }
0x66: {  	_ =	shalt  }
0x67: {  	_ =	shalt  }
0x68: {  	_ =	shalt  }
0x69: {  	_ =	shalt  }
0x6a: {  	_ =	shalt  }
0x6b: {  	_ =	shalt  }
0x6c: {  	_ =	shalt  }
0x6d: {  	_ =	shalt  }
0x6e: {  	_ =	shalt  }
0x6f: {  	_ =	shalt  }
0x70: {  	_ =	shalt  }
0x71: {  	_ =	shalt  }
0x72: {  	_ =	shalt  }
0x73: {  	_ =	shalt  }
0x74: {  	_ =	shalt  }
0x75: {  	_ =	shalt  }
0x76: {  	_ =	shalt  }
0x77: {  	_ =	shalt  }
0x78: {  	_ =	shalt  }
0x79: {  	_ =	shalt  }
0x7a: {  	_ =	shalt  }
0x7b: {  	_ =	shalt  }
0x7c: {  	_ =	shalt  }
0x7d: {  	_ =	shalt  }
0x7e: {  	_ =	shalt  }
0x7f: {  	_ =	shalt  }
0x80: {  	_ =	shalt  }
0x81: {  	_ =	shalt  }
0x82: {  	_ =	shalt  }
0x83: {  	_ =	shalt  }
0x84: {  	_ =	shalt  }
0x85: {  	_ =	shalt  }
0x86: {  	_ =	shalt  }
0x87: {  	_ =	shalt  }
.Lfunc_end0:
.L_simem_size_0:
called_computation.1_lowered:
.L_overlay_start_0:
0x88: {  	s2 =	sld [smem:$0x3FD9]  }
0x89: {  	s3 =	sld [smem:$0x3FFE];
	_ =	sdelay $0x1  }
0x8a: {  	s1 =	srdreg.scid  }
0x8b: {  	s0 =	sand.u32 $0x1, s1  }
0x8c: {  	s14 =	sshll.u32 s0, $0xA;
	s2 =	sadd.s32 s3, s2  }
0x8d: {  	s2 =	sadd.s32 s2, s14  }
0x8e: {  	[smem:$0x3FC0] =	sst s2  }
0x8f: {  	_ = 	snop  }
0x90: {  	s2 =	sld [smem:$0x3FD0];
	_ =	sdelay $0x1  }
0x91: {  	s15 =	sld [smem:$0x3FC7]  }
0x92: {  	s5 =	simm.s32 $0xA;
	s6 =	simm.s32 $0x10;
	s4 =	sld [smem:$0x3FC6]  }
0x93: {  	[smem:s6], [sflag:s5] =	dma.local [hbm:s2], $0x1  }
0x94: {  	_ =	swait.eq [sflag:s5], $0x1  }
0x95: {  	s16 =	sld [smem:$0x11];
	[sflag:s5] =	ssyncset.done $0x0  }
0x96: {  	s17 =	sld [smem:$0x12];
	[sflag:s5] =	ssyncadd.s32 $0xFFFFFFFF  }
0x97: {  	s18 =	sld [smem:$0x13];
	(tm) =	ssettm $0x1  }
0x98: {  	s7 =	sld [smem:$0x3FFB];
	_ =	sdelay $0x3  }
0x99: {  	_ =	strace s7  }
0x9a: {  	s7 =	sld [smem:$0x3FFC];
	_ =	sdelay $0x3  }
0x9b: {  	_ =	strace s7  }
0x9c: {  	s7 =	sld [smem:$0x3FFD];
	_ =	sdelay $0x3  }
0x9d: {  	_ =	strace s7  }
0x9e: {  	_ =	strace $0x8FFFFFFF  }
0x9f: {  	s19 =	sld [smem:$0x3FDB];
	_ =	sdelay $0x1  }
0xa0: {  	s8 =	simm.s32 $_scs_section_size  }
0xa1: {  	s9 =	simm.s32 $_size__tile_overlayer_lowered;
	s10 =	simm.s32 $_tile_overlayer_lowered  }
0xa2: {  	s22 =	simm.s32 $0x1BFF;
	s21 =	sshll.u32 s10, $0x1;
	s7 =	sadd.s32 s8, s19  }
0xa3: {  	s11 =	simm.s32 $0x0;
	s20 =	sshll.u32 s9, $0x1;
	s9 =	sadd.s32 s21, s7  }
0xa4: {  	[timem:s11], [sflag:s22] =	dma.local [hbm:s9], s20  }
0xa5: {  	_ =	swait.ge [sflag:s22], s20  }
0xa6: {  	s8 =	ssub.s32 $0x0, s20;
	[sflag:s22] =	ssyncset.done $0x0  }
0xa7: {  	[sflag:s22] =	ssyncadd.s32 s8;
	_ =	sdelay $0x1  }
0xa8: {  	s23 =	simm.s32 $0x1B8B  }
0xa9: {  	_ =	swait.ge [sflag:s23], $0x1  }
0xaa: {  	[sflag:s23] =	ssyncset.done $0x0  }
0xab: {  	s25 =	simm.s32 $0x1B8E;
	s24 =	sld [smem:$0x3FFE];
	[sflag:s23] =	ssyncadd.s32 $0xFFFFFFFF  }
0xac: {  	s26 =	simm.s32 $execute0_lowered;
	[smem:$0x3FD2] =	sst s25  }
0xad: {  	s9 =	sshll.u32 s26, $0x1;
	_ =	strace $0x80000049;
	[dreg:$0x1] =	wrdreg $0xFFFFFFFF  }
0xae: {  	s28 =	simm.s32 $_size_execute0_lowered;
	s7 =	sadd.s32 s7, s9;
	[dreg:$0x0] =	wrdreg $0x0  }
0xaf: {  	s9 =	sshll.u32 s28, $0x1;
	[dreg:$0x2] =	wrdreg s7  }
0xb0: {  	[dreg:$0x3] =	wrdreg s9  }
0xb1: {  	[dreg:$0x4] =	wrdreg $0xC0  }
0xb2: {  	_ =	task [dreg:s11], $0x5FFFF  }
0xb3: {  	[dreg:$0x1] =	wrdreg $0xFFFFFFFF  }
0xb4: {  	[dreg:$0x0] =	wrdreg $0x60  }
0xb5: {  	[dreg:$0x2] =	wrdreg s17  }
0xb6: {  	[dreg:$0x3] =	wrdreg s15  }
0xb7: {  	[dreg:$0x4] =	wrdreg s4  }
0xb8: {  	[dreg:$0x5] =	wrdreg s18  }
0xb9: {  	[dreg:$0x6] =	wrdreg s24  }
0xba: {  	[dreg:$0x7] =	wrdreg s16  }
0xbb: {  	[dreg:$0x8] =	wrdreg $0x9  }
0xbc: {  	_ =	task.clear_ibuf [dreg:s11], $0x9FFFF;
	_ =	strace $0x90000049  }
0xbd: {  	s29 =	simm.s32 $0x9;
	_ =	strace $0x8000004B  }
0xbe: {  	_ =	swait.ge [sflag:s29], $0x1  }
0xbf: {  	[sflag:s29] =	ssyncadd.s32 $0xFFFFFFFF  }
0xc0: {  	_ =	strace $0x9000004B  }
0xc1: {  	_ =	sfence  }
0xc2: {  	s30 =	sld [smem:$0x0];
	_ =	sdelay $0x2  }
0xc3: {  	s31 =	sshll.u32 s1, $0xD;
	s1 =	sshrl.u32 s1, $0x2  }
0xc4: {  	s3 =	sand.u32 $0x4000, s31;
	s1 =	sadd.s32 s1, s30  }
0xc5: {  	s0 =	sor.u32 s3, s0;
	s1 =	sshll.u32 s1, $0x11  }
0xc6: {  	s0 =	sor.u32 s1, s0  }
0xc7: {  	s0 =	sadd.s32 $0x8F2B, s0  }
0xc8: {  	[sflag:s0] =	ssyncadd.remote.s32 $0x1  }
0xc9: {  	_ =	sfence.sel $0xFFFF  }
0xca: {  	[dreg:$0x0] =	wrdreg $0xFFFFFFFF;
	(pc) =	sbr.abs _section_cstart, $3  }
0xcb: {  	[dreg:$0x1] =	wrdreg $0xFFFFFFFF  }
0xcc: {  	_ =	task.clear_ibuf [dreg:s11], $0x2FFFF;
	_ =	strace $0x9FFFFFFF  }
0xcd: {  	(tm) =	ssettm $0x7FFFFFFF  }
tec
execute0_lowered:
.L_overlay_start_1:
0x0: {  	(tag) =	ssettag $0x1  }
0x1: {  	s3 =	rddreg [dreg:$0x0]  }
0x2: {  	s4 =	rddreg [dreg:$0x1]  }
0x3: {  	s5 =	rddreg [dreg:$0x2]  }
0x4: {  	s6 =	rddreg [dreg:$0x3];
	s1 =	srdreg.scid  }
0x5: {  	s0 =	stileid.u32;
	s7 =	rddreg [dreg:$0x4]  }
0x6: {  	s10 =	rddreg [dreg:$0x5];
	s2 =	simm.s32 $0x0;
	s16 =	simm.s32 $0x7680  }
0x7: {  	s17 =	simm.s32 $0x9E00;
	s18 =	simm.s32 $0xC580;
	s19 =	simm.s32 $0xED00  }
0x8: {  	s20 =	simm.s32 $0x11480;
	s8 =	sand.u32 $0x1, s1;
	s1 =	rddreg [dreg:$0x6]  }
0x9: {  	s21 =	simm.s32 $0x0;
	s30 =	sshll.u32 s0, $0x1;
	[smem:$0x7FF] =	sst s2  }
0xa: {  	s31 =	smul.u32 $0x4E20, s0;
	s11 =	sor.u32 s8, s30;
	s12 =	ssub.s32 $0x2, s8  }
0xb: {  	_ =	strace $0x8000004A;
	s9 =	smul.u32 $0x2710, s11;
	s13 =	sshrl.u32 s12, $0x1  }
0xc: {  	s15 =	smul.u32 $0x2710, s8;
	s11 =	sshll.u32 s11, $0x4;
	s12 =	ssub.s32 s12, s13  }
0xd: {  	s10 =	sadd.s32 s10, s11;
	s13 =	simm.s32 $0x1;
	s9 =	sshrl.u32 s9, $0x3  }
0xe: {  	s11 =	smax.u32 s12, $0x1;
	s12 =	sadd.s32 s15, s31;
	s15 =	simm.s32 $0x4F00  }
0xf: {  	s14 =	sadd.s32 s9, s7;
	s3 =	sadd.s32 s3, s9;
	s4 =	sadd.s32 s4, s9  }
0x10: {  	s5 =	sadd.s32 s5, s9;
	s6 =	sadd.s32 s6, s9;
	s7 =	sadd.s32 $0x2200, s14  }
0x11: {  	v0 =	vimm.s32 $0x0;
	v1 =	vlaneseq.u32;
	vm0 =	vmmov $0x1;
	s8 =	sadd.s32 $0xC400, s14;
	s9 =	sadd.s32 $0x16600, s14;
	s14 =	simm.s32 $0x2780  }
.LBB2_1:
0x12: {  	[tilespmem:s2], [sflag:$0x1] =	stream.linear.gather [hbm4b:s3+s2], $0x2710, $0x38;
	[tilespmem:$0x11500] =	vst v63  }
0x13: {  	_ =	swait.ge [sflag:s13], $0x2710  }
0x14: {  	[sflag:s13] =	ssyncset.done $0x0  }
0x15: {  	[sflag:s13] =	ssyncadd.s32 $0xFFFFD8F0  }
0x16: {  	[tilespmem:s14], [sflag:$0x1] =	stream.linear.gather [hbm4b:s4+s2], $0x2710, $0x38;
	[tilespmem:$0x11500] =	vst v63  }
0x17: {  	_ =	swait.ge [sflag:s13], $0x2710  }
0x18: {  	[sflag:s13] =	ssyncset.done $0x0  }
0x19: {  	[sflag:s13] =	ssyncadd.s32 $0xFFFFD8F0  }
0x1a: {  	[tilespmem:s15], [sflag:$0x1] =	stream.linear.gather [hbm4b:s5+s2], $0x2710, $0x38;
	[tilespmem:$0x11500] =	vst v63  }
0x1b: {  	_ =	swait.ge [sflag:s13], $0x2710  }
0x1c: {  	[sflag:s13] =	ssyncset.done $0x0  }
0x1d: {  	s22 =	simm.s32 $0x0;
	[sflag:s13] =	ssyncadd.s32 $0xFFFFD8F0  }
0x1e: {  	v3 =	vld [tilespmem:s22+$0x0];
	_ =	sdelay $0x4  }
0x1f: {  	vm1 =	vgt.f32 v3, $0.0e+00  }
0x20: {  	v2 =	vsel vm1, $0x1, v0  }
0x21: {  	(xrf0) =	vadd.scan.msk.s32 $0xffff, v2;
	_ =	sdelay $0x5  }
0x22: {  	v4, _, _ =	vpop (xrf0)  }
0x23: {  	v2 =	vsub.s32 v4, v2  }
0x24: {  	v4 =	vadd.s32 v0, v2;
	_ =	sdelay $0x3  }
0x25: {  	v2 =	vor.u32 s12, v1  }
0x26: {  	[tilespmem:v4+s16+$0x0] =	vst.idx.msk vm1, v2  }
0x27: {  	v2 =	vld [tilespmem:s22+$0x2780];
	_ =	sdelay $0x4  }
0x28: {  	[tilespmem:v4+s17+$0x0] =	vst.idx.msk vm1, v2  }
0x29: {  	v2 =	vld [tilespmem:s22+$0x4F00];
	_ =	sdelay $0x3  }
0x2a: {  	v5 =	vmpcnt.ones.xlane vm1  }
0x2b: {  	[tilespmem:v4+s18+$0x0] =	vst.idx.msk vm1, v2  }
0x2c: {  	s22 =	simm.s32 $0x10;
	v2 =	vadd.s32 v0, v5;
	[tilespmem:v4+s19+$0x0] =	vst.idx.msk vm1, v3  }
0x2d: {  	s24 =	simm.s32 $0x80;
	s23 =	smov.u32 s12;
	v4 =	vmov v2;
	v3 =	vld [tilespmem:s22+$0x0]  }
.LBB2_2:
0x2e: {  	p0 =	sne.s32 s24, $0x9C00;
	_ =	sdelay $0x3  }
0x2f: {  	vm1 =	vgt.f32 v3, $0.0e+00  }
0x30: {  	v5 =	vsel vm1, $0x1, v0;
	v6 =	vmpcnt.ones.xlane vm1  }
0x31: {  	(xrf0) =	vadd.scan.msk.s32 $0xffff, v5  }
0x32: {  	v2 =	vadd.s32 v2, v6;
	_ =	sdelay $0x4  }
0x33: {  	v6, _, _ =	vpop (xrf0)  }
0x34: {  	v5 =	vsub.s32 v6, v5  }
0x35: {  	v5 =	vadd.s32 v4, v5;
	v4 =	vmov v2;
	_ =	sdelay $0x2  }
0x36: {  	s23 =	sadd.s32 $0x10, s23  }
0x37: {  	v6 =	vor.u32 s23, v1  }
0x38: {  	[tilespmem:v5+s16+$0x0] =	vst.idx.msk vm1, v6  }
0x39: {  	v6 =	vld [tilespmem:s22+$0x2780];
	_ =	sdelay $0x4  }
0x3a: {  	[tilespmem:v5+s17+$0x0] =	vst.idx.msk vm1, v6  }
0x3b: {  	v6 =	vld [tilespmem:s22+$0x4F00];
	_ =	sdelay $0x2  }
.Ltmp0:
0x3c: {  	(pc) =	sbr.rel @p0 .LBB2_2-.Ltmp0, $4  }
0x3d: {  	_ = 	snop  }
0x3e: {  	[tilespmem:v5+s18+$0x0] =	vst.idx.msk vm1, v6  }
0x3f: {  	s22 =	sshra.s32 s24, $0x2;
	[tilespmem:v5+s19+$0x0] =	vst.idx.msk vm1, v3  }
0x40: {  	s24 =	sadd.s32 $0x40, s24;
	v3 =	vld [tilespmem:s22+$0x0]  }
0x41: {  	_ =	sdelay $0x3  }
0x42: {  	vm1 =	vgt.f32 v3, $0.0e+00  }
0x43: {  	v5 =	vsel vm1, $0x1, v0  }
0x44: {  	(xrf0) =	vadd.scan.msk.s32 $0xffff, v5;
	_ =	sdelay $0x5  }
0x45: {  	v6, _, _ =	vpop (xrf0)  }
0x46: {  	v5 =	vsub.s32 v6, v5  }
0x47: {  	v4 =	vadd.s32 v4, v5;
	_ =	sdelay $0x2  }
0x48: {  	s23 =	sadd.s32 $0x10, s23  }
0x49: {  	v63 =	vor.u32 s23, v1  }
0x4a: {  	[tilespmem:v4+s16+$0x0] =	vst.idx.msk vm1, v63  }
0x4b: {  	v5 =	vld [tilespmem:s22+$0x2780];
	_ =	sdelay $0x4  }
0x4c: {  	[tilespmem:v4+s17+$0x0] =	vst.idx.msk vm1, v5  }
0x4d: {  	v5 =	vld [tilespmem:s22+$0x4F00];
	_ =	sdelay $0x4  }
0x4e: {  	[tilespmem:v4+s18+$0x0] =	vst.idx.msk vm1, v5  }
0x4f: {  	[tilespmem:v4+s19+$0x0] =	vst.idx.msk vm1, v3  }
0x50: {  	[hbm4b:s6+s2] =	stream.linear.scatter [tilespmem:s16], [sflag:$0x1], $0x2710, $0x38;
	[tilespmem:$0x11500] =	vst v63  }
0x51: {  	_ =	swait.ge [sflag:s13], $0x2710  }
0x52: {  	[sflag:s13] =	ssyncset.done $0x0  }
0x53: {  	[sflag:s13] =	ssyncadd.s32 $0xFFFFD8F0  }
0x54: {  	[hbm4b:s7+s2] =	stream.linear.scatter [tilespmem:s17], [sflag:$0x1], $0x2710, $0x38;
	[tilespmem:$0x11500] =	vst v63  }
0x55: {  	_ =	swait.ge [sflag:s13], $0x2710  }
0x56: {  	[sflag:s13] =	ssyncset.done $0x0  }
0x57: {  	[sflag:s13] =	ssyncadd.s32 $0xFFFFD8F0  }
0x58: {  	[hbm4b:s8+s2] =	stream.linear.scatter [tilespmem:s18], [sflag:$0x1], $0x2710, $0x38;
	[tilespmem:$0x11500] =	vst v63  }
0x59: {  	_ =	swait.ge [sflag:s13], $0x2710  }
0x5a: {  	[sflag:s13] =	ssyncset.done $0x0  }
0x5b: {  	[sflag:s13] =	ssyncadd.s32 $0xFFFFD8F0  }
0x5c: {  	v3 =	vmpcnt.ones.xlane vm1;
	[hbm4b:s9+s2] =	stream.linear.scatter [tilespmem:s19], [sflag:$0x1], $0x2710, $0x38;
	[tilespmem:$0x11500] =	vst v63  }
0x5d: {  	_ =	swait.ge [sflag:s13], $0x2710  }
0x5e: {  	s21 =	sadd.s32 $0x1, s21;
	v2 =	vadd.s32 v2, v3;
	[sflag:s13] =	ssyncset.done $0x0  }
0x5f: {  	p0 =	sne.s32 s21, s11;
	v2 =	vnsel vm0, $0x0, v2;
	[sflag:s13] =	ssyncadd.s32 $0xFFFFD8F0  }
.Ltmp1:
0x60: {  	[tilespmem:$0x11480] =	vst v2;
	(pc) =	sbr.rel @p0 .LBB2_1-.Ltmp1, $4  }
0x61: {  	[hbm4b:s10+s2] =	stream.linear.scatter [tilespmem:s20], [sflag:$0x1], $0x80, $0x38;
	[tilespmem:$0x11500] =	vst v63  }
0x62: {  	_ =	swait.ge [sflag:s13], $0x80  }
0x63: {  	[sflag:s13] =	ssyncset.done $0x0  }
0x64: {  	[sflag:s13] =	ssyncadd.s32 $0xFFFFFF80  }
0x65: {  	_ =	sfence.sel $0x180000  }
0x66: {  	[bflag:$0x0] =	sbarrier.arrive $0xFFFF  }
0x67: {  	p0 =	sne.s32 s0, $0x0;
	_ =	strace $0x9000004A  }
0x68: {  	s0 =	sadd.s32 @!p0 $0x100000, s1;
	[bflag:$0x2] =	sbarrier.arrive $0xFFFF  }
0x69: {  	[sflag:s0] =	ssyncadd.tile.s32 @!p0 $0x1;
	_ =	shalt  }
.Lfunc_end2:
_tile_overlayer_lowered:
.L_overlay_start_2:
0x6a: {  	(tag) =	ssettag $0x2  }
0x6b: {  	s0 =	rddreg [dreg:$0x0];
	s2 =	stileid.u32  }
0x6c: {  	s1 =	rddreg [dreg:$0x1];
	p0 =	sne.s32 s2, $0x0  }
0x6d: {  	s3 =	rddreg [dreg:$0x2];
	[bflag:$0x3] =	sbarrier.arrive $0xFFFF;
	s2 =	simm.s32 @!p0 $0x1C01  }
0x6e: {  	[timem:s3], [sflag:s2] =	dma.local @!p0 [hbm:s0], s1  }
0x6f: {  	s0 =	simm.s32 @!p0 $0x1  }
0x70: {  	_ =	swait.ge @!p0 [sflag:s0], s1  }
0x71: {  	s1 =	ssub.s32 @!p0 $0x0, s1;
	[sflag:s0] =	ssyncset.done @!p0 $0x0  }
0x72: {  	[sflag:s0] =	ssyncadd.s32 @!p0 s1  }
0x73: {  	[bflag:$0x3] =	sbarrier.arrive $0xFFFF  }
0x74: {  	_ =	shalt  }

// kernel: kernel.13.cloned.1.call-start
scs
__scs_entry_jumppad:
0x0: {  	(pc) =	sbr.rel $0x88, $3  }
0x1: {  	(tag) =	ssettag $0x0;
	lr =	simm.s32 $0x1  }
0x2: {  	[smem:$0x3F99] =	sst lr;
	_ =	strace $0xD0000000  }
0x3: {  	_ = 	snop  }
0x4: {  	_ = 	snop  }
0x5: {  	_ = 	snop  }
0x6: {  	_ = 	snop  }
0x7: {  	_ = 	snop  }
__scs_overlays_trampoline_lowered:
0x8: {  	[smem:$0x3FA8] =	sst s0  }
0x9: {  	[smem:$0x3FA9] =	sst s1  }
0xa: {  	[smem:$0x3FAA] =	sst s2  }
0xb: {  	[smem:$0x3FAB] =	sst s3  }
0xc: {  	[smem:$0x3FAC] =	sst s4  }
0xd: {  	[smem:$0x3FAD] =	sst s5  }
0xe: {  	[smem:$0x3FAE] =	sst s6  }
0xf: {  	[smem:$0x3FAF] =	sst s7  }
0x10: {  	[smem:$0x3FB0] =	sst s8  }
0x11: {  	[smem:$0x3FB1] =	sst s9;
	s0 =	simm.s32 @!p0 $0x0  }
0x12: {  	s1 =	sld [smem:$0x3F97];
	s0 =	simm.s32 @p0 $0x1  }
0x13: {  	[smem:$0x3FB2] =	sst s0;
	s0 =	simm.s32 @!p1 $0x0  }
0x14: {  	s2 =	sld [smem:$0x3F96];
	s0 =	simm.s32 @p1 $0x1  }
0x15: {  	[smem:$0x3FB3] =	sst s0;
	s0 =	simm.s32 @!p2 $0x0  }
0x16: {  	s3 =	sld [smem:$0x3FDB];
	s0 =	simm.s32 @p2 $0x1  }
0x17: {  	s4 =	simm.s32 $0x1BF5;
	[smem:$0x3FB5] =	sst s0  }
0x18: {  	s0 =	sld [smem:$0x3F98];
	_ =	swait.ge [sflag:s4], $0x0  }
0x19: {  	s7 =	sld [smem:$0x3F99]  }
0x1a: {  	s8 =	sadd.s32 $0xFFFFE003, lr  }
0x1b: {  	s9 =	sadd.s32 $0xFFFFFEF7, lr;
	s5 =	simm.s32 $0xFFFFFFFF;
	p2 =	slt.u32 s8, $0xFFFFF086  }
0x1c: {  	p1 =	slt.u32 s9, $0xF7A;
	s5 =	simm.s32 @!p2 $0x0  }
0x1d: {  	s5 =	simm.s32 @p1 $0x1;
	p0 =	seq.s32 s7, s2  }
0x1e: {  	s7 =	smul.u32 @!p0 $0xF7A, s2;
	p2 =	seq.s32 @!p0 s5, $0x0  }
0x1f: {  	s9 =	smul.u32 $0xF7A, s1;
	s8 =	simm.s32 @!p0 $0x1BF5;
	p2 =	por !p2, p0  }
0x20: {  	[sflag:s8] =	ssyncset.s32 @!p0 $0xFFFFF086;
	s6 =	sadd.s32 @!p0 s3, s7;
	s7 =	simm.s32 @!p0 $0x108  }
0x21: {  	s3 =	sadd.s32 s3, s9;
	s6 =	sadd.s32 @!p0 $0x88, s6;
	s7 =	simm.s32 @p2 $0x1082  }
0x22: {  	[simem:s7], [sflag:s8] =	dma.local @!p0 [hbm:s6], $0xF7A  }
0x23: {  	s9 =	sor.u32 $0xD0000000, s2;
	s6 =	simm.s32 $0x108;
	_ =	swait.ge @!p0 [sflag:s8], $0x0  }
0x24: {  	s3 =	sadd.s32 $0x88, s3;
	s6 =	simm.s32 @!p1 $0x1082;
	[sflag:s4] =	ssyncset.s32 $0xFFFFF086  }
0x25: {  	[simem:s6], [sflag:s4] =	dma.local [hbm:s3], $0xF7A  }
0x26: {  	[smem:$0x3F99] =	sst s1;
	(tag) =	ssettag s2;
	_ =	strace s9  }
0x27: {  	s1 =	sld [smem:$0x3FA9]  }
0x28: {  	s2 =	sld [smem:$0x3FAA]  }
0x29: {  	s4 =	sld [smem:$0x3FAC]  }
0x2a: {  	p0 =	seq.s32 s5, $0x0;
	s5 =	sld [smem:$0x3FAD]  }
0x2b: {  	s6 =	sld [smem:$0x3FAE]  }
0x2c: {  	s7 =	sld [smem:$0x3FAF]  }
0x2d: {  	s3 =	simm.s32 $0x108;
	s8 =	sld [smem:$0x3FB0]  }
0x2e: {  	s3 =	simm.s32 @!p0 $0x1082;
	s9 =	sld [smem:$0x3FB1]  }
0x2f: {  	lr =	sadd.s32 s0, s3;
	s0 =	sld [smem:$0x3FA8]  }
0x30: {  	s3 =	sld [smem:$0x3FAB]  }
0x31: {  	[smem:$0x3FB4] =	sst s10  }
0x32: {  	s10 =	sld [smem:$0x3FB2];
	_ =	sdelay $0x3  }
0x33: {  	p0 =	seq.s32 s10, $0x1;
	s10 =	sld [smem:$0x3FB4];
	_ =	sdelay $0x3  }
0x34: {  	[smem:$0x3FB4] =	sst s10  }
0x35: {  	s10 =	sld [smem:$0x3FB3];
	_ =	sdelay $0x3  }
0x36: {  	p1 =	seq.s32 s10, $0x1;
	s10 =	sld [smem:$0x3FB4];
	_ =	sdelay $0x3  }
0x37: {  	[smem:$0x3FB4] =	sst s10  }
0x38: {  	s10 =	sld [smem:$0x3FB5]  }
0x39: {  	_ = 	snop;
	(pc) =	sbr.ind lr, $3  }
0x3a: {  	_ = 	snop  }
0x3b: {  	_ = 	snop  }
0x3c: {  	p2 =	seq.s32 s10, $0x1;
	s10 =	sld [smem:$0x3FB4]  }
0x3d: {  	_ =	shalt  }
0x3e: {  	_ =	shalt  }
0x3f: {  	_ =	shalt  }
0x40: {  	_ =	shalt  }
0x41: {  	_ =	shalt  }
0x42: {  	_ =	shalt  }
0x43: {  	_ =	shalt  }
0x44: {  	_ =	shalt  }
0x45: {  	_ =	shalt  }
0x46: {  	_ =	shalt  }
0x47: {  	_ =	shalt  }
0x48: {  	_ =	shalt  }
0x49: {  	_ =	shalt  }
0x4a: {  	_ =	shalt  }
0x4b: {  	_ =	shalt  }
0x4c: {  	_ =	shalt  }
0x4d: {  	_ =	shalt  }
0x4e: {  	_ =	shalt  }
0x4f: {  	_ =	shalt  }
0x50: {  	_ =	shalt  }
0x51: {  	_ =	shalt  }
0x52: {  	_ =	shalt  }
0x53: {  	_ =	shalt  }
0x54: {  	_ =	shalt  }
0x55: {  	_ =	shalt  }
0x56: {  	_ =	shalt  }
0x57: {  	_ =	shalt  }
0x58: {  	_ =	shalt  }
0x59: {  	_ =	shalt  }
0x5a: {  	_ =	shalt  }
0x5b: {  	_ =	shalt  }
0x5c: {  	_ =	shalt  }
0x5d: {  	_ =	shalt  }
0x5e: {  	_ =	shalt  }
0x5f: {  	_ =	shalt  }
0x60: {  	_ =	shalt  }
0x61: {  	_ =	shalt  }
0x62: {  	_ =	shalt  }
0x63: {  	_ =	shalt  }
0x64: {  	_ =	shalt  }
0x65: {  	_ =	shalt  }
0x66: {  	_ =	shalt  }
0x67: {  	_ =	shalt  }
0x68: {  	_ =	shalt  }
0x69: {  	_ =	shalt  }
0x6a: {  	_ =	shalt  }
0x6b: {  	_ =	shalt  }
0x6c: {  	_ =	shalt  }
0x6d: {  	_ =	shalt  }
0x6e: {  	_ =	shalt  }
0x6f: {  	_ =	shalt  }
0x70: {  	_ =	shalt  }
0x71: {  	_ =	shalt  }
0x72: {  	_ =	shalt  }
0x73: {  	_ =	shalt  }
0x74: {  	_ =	shalt  }
0x75: {  	_ =	shalt  }
0x76: {  	_ =	shalt  }
0x77: {  	_ =	shalt  }
0x78: {  	_ =	shalt  }
0x79: {  	_ =	shalt  }
0x7a: {  	_ =	shalt  }
0x7b: {  	_ =	shalt  }
0x7c: {  	_ =	shalt  }
0x7d: {  	_ =	shalt  }
0x7e: {  	_ =	shalt  }
0x7f: {  	_ =	shalt  }
0x80: {  	_ =	shalt  }
0x81: {  	_ =	shalt  }
0x82: {  	_ =	shalt  }
0x83: {  	_ =	shalt  }
0x84: {  	_ =	shalt  }
0x85: {  	_ =	shalt  }
0x86: {  	_ =	shalt  }
0x87: {  	_ =	shalt  }
.Lfunc_end0:
.L_simem_size_0:
called_computation.2_lowered:
.L_overlay_start_0:
0x88: {  	s2 =	sld [smem:$0x3FD9]  }
0x89: {  	s3 =	sld [smem:$0x3FFE];
	_ =	sdelay $0x1  }
0x8a: {  	s1 =	srdreg.scid  }
0x8b: {  	s0 =	sand.u32 $0x1, s1  }
0x8c: {  	s14 =	sshll.u32 s0, $0xA;
	s2 =	sadd.s32 s3, s2  }
0x8d: {  	s2 =	sadd.s32 s2, s14  }
0x8e: {  	[smem:$0x3FC0] =	sst s2  }
0x8f: {  	_ = 	snop  }
0x90: {  	s2 =	sld [smem:$0x3FD0];
	_ =	sdelay $0x2  }
0x91: {  	s15 =	simm.s32 $0xA;
	s4 =	simm.s32 $0x10  }
0x92: {  	[smem:s4], [sflag:s15] =	dma.local [hbm:s2], $0x1  }
0x93: {  	_ =	swait.eq [sflag:s15], $0x1  }
0x94: {  	s16 =	sld [smem:$0x10]  }
0x95: {  	s17 =	sld [smem:$0x11];
	[sflag:s15] =	ssyncset.done $0x0  }
0x96: {  	s5 =	sld [smem:$0x12];
	[sflag:s15] =	ssyncadd.s32 $0xFFFFFFFF  }
0x97: {  	s18 =	sld [smem:$0x13];
	(tm) =	ssettm $0x1  }
0x98: {  	s6 =	sld [smem:$0x3FFB];
	_ =	sdelay $0x3  }
0x99: {  	_ =	strace s6  }
0x9a: {  	s6 =	sld [smem:$0x3FFC];
	_ =	sdelay $0x3  }
0x9b: {  	_ =	strace s6  }
0x9c: {  	s6 =	sld [smem:$0x3FFD];
	_ =	sdelay $0x3  }
0x9d: {  	_ =	strace s6  }
0x9e: {  	_ =	strace $0x8FFFFFFF  }
0x9f: {  	s19 =	sld [smem:$0x3FDB];
	_ =	sdelay $0x1  }
0xa0: {  	s7 =	simm.s32 $_scs_section_size  }
0xa1: {  	s8 =	simm.s32 $_size__tile_overlayer_lowered;
	s9 =	simm.s32 $_tile_overlayer_lowered  }
0xa2: {  	s22 =	simm.s32 $0x1BFF;
	s21 =	sshll.u32 s9, $0x1;
	s6 =	sadd.s32 s7, s19  }
0xa3: {  	s10 =	simm.s32 $0x0;
	s20 =	sshll.u32 s8, $0x1;
	s8 =	sadd.s32 s21, s6  }
0xa4: {  	[timem:s10], [sflag:s22] =	dma.local [hbm:s8], s20  }
0xa5: {  	_ =	swait.ge [sflag:s22], s20  }
0xa6: {  	s7 =	ssub.s32 $0x0, s20;
	[sflag:s22] =	ssyncset.done $0x0  }
0xa7: {  	[sflag:s22] =	ssyncadd.s32 s7;
	_ =	sdelay $0x1  }
0xa8: {  	s23 =	simm.s32 $0x1B8B  }
0xa9: {  	_ =	swait.ge [sflag:s23], $0x1  }
0xaa: {  	[sflag:s23] =	ssyncset.done $0x0  }
0xab: {  	s25 =	simm.s32 $0x1B8E;
	s24 =	sld [smem:$0x3FFE];
	[sflag:s23] =	ssyncadd.s32 $0xFFFFFFFF  }
0xac: {  	s26 =	simm.s32 $execute0_lowered;
	[smem:$0x3FD2] =	sst s25  }
0xad: {  	s8 =	sshll.u32 s26, $0x1;
	_ =	strace $0x8000004C;
	[dreg:$0x1] =	wrdreg $0xFFFFFFFF  }
0xae: {  	s28 =	simm.s32 $_size_execute0_lowered;
	s6 =	sadd.s32 s6, s8;
	[dreg:$0x0] =	wrdreg $0x0  }
0xaf: {  	s8 =	sshll.u32 s28, $0x1;
	[dreg:$0x2] =	wrdreg s6  }
0xb0: {  	[dreg:$0x3] =	wrdreg s8  }
0xb1: {  	[dreg:$0x4] =	wrdreg $0xC0  }
0xb2: {  	_ =	task [dreg:s10], $0x5FFFF  }
0xb3: {  	[dreg:$0x1] =	wrdreg $0xFFFFFFFF  }
0xb4: {  	[dreg:$0x0] =	wrdreg $0x60  }
0xb5: {  	[dreg:$0x2] =	wrdreg s24  }
0xb6: {  	[dreg:$0x3] =	wrdreg s18  }
0xb7: {  	[dreg:$0x4] =	wrdreg s16  }
0xb8: {  	[dreg:$0x5] =	wrdreg s17  }
0xb9: {  	[dreg:$0x6] =	wrdreg s5  }
0xba: {  	[dreg:$0x7] =	wrdreg $0x9  }
0xbb: {  	_ =	task.clear_ibuf [dreg:s10], $0x8FFFF;
	_ =	strace $0x9000004C  }
0xbc: {  	s29 =	simm.s32 $0x9;
	_ =	strace $0x8000004E  }
0xbd: {  	_ =	swait.ge [sflag:s29], $0x1  }
0xbe: {  	[sflag:s29] =	ssyncadd.s32 $0xFFFFFFFF  }
0xbf: {  	_ =	strace $0x9000004E  }
0xc0: {  	_ =	sfence  }
0xc1: {  	s30 =	sld [smem:$0x0];
	_ =	sdelay $0x2  }
0xc2: {  	s31 =	sshll.u32 s1, $0xD;
	s1 =	sshrl.u32 s1, $0x2  }
0xc3: {  	s3 =	sand.u32 $0x4000, s31;
	s1 =	sadd.s32 s1, s30  }
0xc4: {  	s0 =	sor.u32 s3, s0;
	s1 =	sshll.u32 s1, $0x11  }
0xc5: {  	s0 =	sor.u32 s1, s0  }
0xc6: {  	s0 =	sadd.s32 $0x8F2B, s0  }
0xc7: {  	[sflag:s0] =	ssyncadd.remote.s32 $0x1  }
0xc8: {  	_ =	sfence.sel $0xFFFF  }
0xc9: {  	[dreg:$0x0] =	wrdreg $0xFFFFFFFF;
	(pc) =	sbr.abs _section_cstart, $3  }
0xca: {  	[dreg:$0x1] =	wrdreg $0xFFFFFFFF  }
0xcb: {  	_ =	task.clear_ibuf [dreg:s10], $0x2FFFF;
	_ =	strace $0x9FFFFFFF  }
0xcc: {  	(tm) =	ssettm $0x7FFFFFFF  }
0xcd: {  	_ =	shalt  }
tec
execute0_lowered:
.L_overlay_start_1:
0x0: {  	(tag) =	ssettag $0x1  }
0x1: {  	s0 =	rddreg [dreg:$0x0]  }
0x2: {  	s1 =	rddreg [dreg:$0x1]  }
0x3: {  	s2 =	rddreg [dreg:$0x2]  }
0x4: {  	s4 =	rddreg [dreg:$0x3]  }
0x5: {  	s5 =	rddreg [dreg:$0x4]  }
0x6: {  	s6 =	srdreg.scid;
	s13 =	stileid.u32  }
0x7: {  	s3 =	simm.s32 $0x0;
	s16 =	simm.s32 $0x1;
	s17 =	simm.s32 $0xA000  }
0x8: {  	s18 =	simm.s32 $0xA400;
	s19 =	simm.s32 $0xA800;
	s20 =	simm.s32 $0xAC00  }
0x9: {  	s21 =	simm.s32 $0x7880;
	s22 =	simm.s32 $0x2980;
	s9 =	sand.u32 $0x1, s6  }
0xa: {  	s25 =	sshll.u32 s13, $0x1;
	[smem:$0x7FF] =	sst s3;
	s28 =	smul.u32 $0x4E20, s13  }
0xb: {  	s6 =	sor.u32 s9, s25;
	s10 =	ssub.s32 $0x2, s9;
	s9 =	smul.u32 $0xFFFFD8F0, s9  }
0xc: {  	s7 =	sadd.s32 $0x20800, s0;
	s8 =	sadd.s32 $0x16600, s0;
	_ =	strace $0x8000004D  }
0xd: {  	[dreg:$0x6] =	wrdreg s7;
	s15 =	smul.u32 $0x2710, s6;
	s31 =	ssub.s32 s9, s28  }
0xe: {  	s7 =	sadd.s32 $0xC400, s0;
	s12 =	sshrl.u32 s10, $0x1;
	[dreg:$0xe] =	wrdreg s31  }
0xf: {  	s10 =	ssub.s32 s10, s12;
	s26 =	sadd.s32 $0x2710, s15;
	[dreg:$0x7] =	wrdreg s15  }
0x10: {  	s11 =	sshrl.u32 s15, $0x3;
	s30 =	smax.u32 s10, $0x1;
	[dreg:$0x8] =	wrdreg s26  }
.Ltmp0:
0x11: {  	s2 =	sadd.s32 s2, s11;
	[dreg:$0xd] =	wrdreg s30;
	(pc) =	sbr.rel .LBB2_1-.Ltmp0, $4  }
0x12: {  	s6 =	sadd.s32 $0x2200, s0;
	s4 =	sadd.s32 s4, s11;
	[dreg:$0x9] =	wrdreg s2  }
0x13: {  	s0 =	sadd.s32 s11, s0;
	s29 =	sadd.s32 s5, s11;
	[dreg:$0xa] =	wrdreg s4  }
0x14: {  	v0 =	vimm.s32 $0x0;
	s23 =	simm.s32 $0x5100;
	[dreg:$0xb] =	wrdreg s29;
	s0 =	sadd.s32 $0x20A00, s0  }
0x15: {  	v1 =	vimm.s32 $0x270F;
	v2 =	vimm.s32 $0x4E200;
	v3 =	vlaneseq.u32;
	s24 =	simm.s32 $0x200;
	s2 =	simm.s32 $0x0;
	[dreg:$0xc] =	wrdreg s0  }
.LBB2_41:
0x16: {  	s0 =	rddreg [dreg:$0x9]  }
0x17: {  	[hbm4b:s0+s3] =	stream.linear.scatter [tilespmem:s24], [sflag:$0x1], $0x2710, $0x38;
	[tilespmem:$0xB000] =	vst v63  }
0x18: {  	_ =	swait.ge [sflag:s16], $0x2710  }
0x19: {  	[sflag:s16] =	ssyncset.done $0x0  }
0x1a: {  	s28 =	rddreg [dreg:$0xa];
	[sflag:s16] =	ssyncadd.s32 $0xFFFFD8F0  }
0x1b: {  	[hbm4b:s28+s3] =	stream.linear.scatter [tilespmem:s23], [sflag:$0x1], $0x2710, $0x38;
	[tilespmem:$0xB000] =	vst v63  }
0x1c: {  	_ =	swait.ge [sflag:s16], $0x2710  }
0x1d: {  	[sflag:s16] =	ssyncset.done $0x0  }
0x1e: {  	s29 =	rddreg [dreg:$0xb];
	[sflag:s16] =	ssyncadd.s32 $0xFFFFD8F0  }
0x1f: {  	[hbm4b:s29+s3] =	stream.linear.scatter [tilespmem:s22], [sflag:$0x1], $0x2710, $0x38;
	[tilespmem:$0xB000] =	vst v63  }
0x20: {  	_ =	swait.ge [sflag:s16], $0x2710  }
0x21: {  	[sflag:s16] =	ssyncset.done $0x0  }
0x22: {  	s30 =	rddreg [dreg:$0xc];
	[sflag:s16] =	ssyncadd.s32 $0xFFFFD8F0  }
0x23: {  	[hbm4b:s30+s3] =	stream.linear.scatter [tilespmem:s21], [sflag:$0x1], $0x2710, $0x38;
	[tilespmem:$0xB000] =	vst v63  }
0x24: {  	_ =	swait.ge [sflag:s16], $0x2710  }
0x25: {  	s2 =	rddreg [dreg:$0xf]  }
0x26: {  	s31 =	rddreg [dreg:$0xd];
	s2 =	sadd.s32 $0x1, s2  }
0x27: {  	p0 =	sne.s32 s2, s31  }
.Ltmp1:
0x28: {  	_ = 	snop;
	(pc) =	sbr.rel @!p0 .LBB2_42-.Ltmp1, $3  }
0x29: {  	_ =	sdelay $0x1  }
0x2a: {  	[sflag:s16] =	ssyncset.done $0x0  }
0x2b: {  	[sflag:s16] =	ssyncadd.s32 $0xFFFFD8F0  }
.LBB2_1:
0x2c: {  	[dreg:$0xf] =	wrdreg s2  }
0x2d: {  	s0 =	rddreg [dreg:$0x6]  }
0x2e: {  	[tilespmem:s3], [sflag:$0x1] =	stream.linear.gather [hbm4b:s0+s3], $0x200, $0x38;
	[tilespmem:$0xB000] =	vst v63  }
0x2f: {  	_ =	swait.ge [sflag:s16], $0x200  }
0x30: {  	[sflag:s16] =	ssyncset.done $0x0  }
0x31: {  	s29 =	simm.s32 $0x0;
	[sflag:s16] =	ssyncadd.s32 $0xFFFFFE00  }
0x32: {  	s30 =	simm.s32 $0x10;
	v4 =	vld [tilespmem:s29+$0x0]  }
0x33: {  	v5 =	vld [tilespmem:s30+$0x0];
	_ =	sdelay $0x3  }
0x34: {  	(v2sf) =	vpush v4, $0x0  }
0x35: {  	(v2sf) =	vpush v5, $0x0;
	_ =	sdelay $0x4  }
0x36: {  	s31 =	simm.s32 $0x20  }
0x37: {  	v4 =	vld [tilespmem:s31+$0x0];
	_ =	sdelay $0x2  }
0x38: {  	s2 =	simm.s32 $0xC0;
	s0 =	simm.s32 $0x0  }
.LBB2_2:
0x39: {  	p0 =	sne.s32 s2, $0x7C0  }
.Ltmp2:
0x3a: {  	s4 =	sshra.s32 s2, $0x2;
	s2 =	sadd.s32 $0x40, s2;
	(v2sf) =	vpush v4, $0x0;
	(pc) =	sbr.rel @p0 .LBB2_2-.Ltmp2, $3  }
0x3b: {  	v4 =	vld [tilespmem:s4+$0x0];
	_ =	sdelay $0x1  }
0x3c: {  	s4 =	spop (v2sf)  }
0x3d: {  	s0 =	sadd.s32 s0, s4  }
0x3e: {  	_ = 	snop  }
0x3f: {  	(v2sf) =	vpush v4, $0x0;
	_ =	sdelay $0xc  }
0x40: {  	s2 =	spop (v2sf)  }
0x41: {  	s0 =	sadd.s32 s0, s2;
	s30 =	spop (v2sf)  }
0x42: {  	s0 =	sadd.s32 s0, s30;
	s31 =	spop (v2sf)  }
0x43: {  	s2 =	simm.s32 $0x40;
	s5 =	sadd.s32 s0, s31;
	s0 =	simm.s32 $0x0  }
.LBB2_4:
0x44: {  	p0 =	sne.s32 s2, $0x9C40;
	[tilespmem:s0+$0x7880] =	vst v2;
	s4 =	smov.u32 s2;
	s2 =	sadd.s32 $0x40, s2  }
.Ltmp3:
0x45: {  	[tilespmem:s0+$0x5100] =	vst v1;
	(pc) =	sbr.rel @p0 .LBB2_4-.Ltmp3, $3  }
0x46: {  	[tilespmem:s0+$0x200] =	vst v0  }
0x47: {  	[tilespmem:s0+$0x2980] =	vst v1;
	_ =	sdelay $0x1  }
0x48: {  	s0 =	sshra.s32 s4, $0x2  }
.Ltmp4:
0x49: {  	(pc) =	sbr.rel .LBB2_6-.Ltmp4, $4  }
0x4a: {  	[tilespmem:s0+$0x7880] =	vst v2;
	s2 =	rddreg [dreg:$0x8]  }
0x4b: {  	[tilespmem:s0+$0x5100] =	vst v1;
	p0 =	slt.s32 s2, s5  }
0x4c: {  	[tilespmem:s0+$0x200] =	vst v0;
	s14 =	simm.s32 $0x0;
	s5 =	smov.u32 @p0 s2  }
0x4d: {  	[tilespmem:s0+$0x2980] =	vst v1;
	s28 =	simm.s32 $0x0;
	s30 =	simm.s32 $0x0;
	[dreg:$0x10] =	wrdreg s5  }
.LBB2_40:
0x4e: {  	s30 =	sadd.s32 $0x1, s30  }
0x4f: {  	p0 =	sne.s32 s30, $0x20  }
.Ltmp5:
0x50: {  	_ = 	snop;
	(pc) =	sbr.rel @!p0 .LBB2_41-.Ltmp5, $2  }
0x51: {  	_ =	sdelay $0x2  }
0x52: {  	s28 =	sadd.s32 $0x2710, s28  }
.LBB2_6:
0x53: {  	s0 =	sshll.u32 s30, $0x4  }
0x54: {  	s0 =	sand.u32 $0x3FFFFFF0, s0  }
0x55: {  	v4 =	vld [tilespmem:s0+$0x0];
	_ =	sdelay $0x4  }
0x56: {  	(v2sf) =	vpush v4, $0x0;
	_ =	sdelay $0xe  }
0x57: {  	s31 =	spop (v2sf)  }
0x58: {  	s29 =	smov.u32 s14;
	s26 =	rddreg [dreg:$0x10];
	s14 =	sadd.s32 s14, s31  }
0x59: {  	s5 =	smov.u32 s15;
	p0 =	sgt.s32 s29, s15;
	p1 =	slt.s32 s14, s26  }
0x5a: {  	s5 =	smov.u32 @p0 s29;
	s26 =	smov.u32 @p1 s14  }
0x5b: {  	p0 =	sle.s32 s26, s5  }
.Ltmp6:
0x5c: {  	_ = 	snop;
	(pc) =	sbr.rel @p0 .LBB2_40-.Ltmp6, $1  }
0x5d: {  	_ =	sdelay $0x3  }
0x5e: {  	[dreg:$0x11] =	wrdreg s14  }
0x5f: {  	s31 =	ssub.s32 s26, s5;
	s0 =	smul.u32 $0x2710, s30;
	s4 =	ssub.s32 s5, s29  }
.Ltmp7:
0x60: {  	s9 =	rddreg [dreg:$0xe];
	s2 =	sadd.s32 $0xFEF, s31;
	(pc) =	sbr.rel .LBB2_8-.Ltmp7, $4  }
0x61: {  	s10 =	sadd.s32 s28, s5;
	s25 =	sadd.s32 s5, s9;
	s2 =	smulhi.u32 $0x80808081, s2  }
0x62: {  	[dreg:$0x12] =	wrdreg s10;
	s14 =	ssub.s32 s10, s29;
	s9 =	simm.s32 $0x0  }
0x63: {  	s0 =	sadd.s32 s0, s4;
	s4 =	sand.u32 $0x7, s4;
	s2 =	sshrl.u32 s2, $0xB  }
0x64: {  	p0 =	sne.s32 s4, $0x0;
	s4 =	smov.u32 s25;
	s2 =	smax.u32 s2, $0x1  }
.LBB2_10:
0x65: {  	_ = 	snop  }
.LBB2_18:
0x66: {  	_ = 	snop  }
0x67: {  	v7 =	vadd.s32 s13, v3;
	_ =	sdelay $0x2  }
0x68: {  	v8 =	vor.u32 s15, v3  }
0x69: {  	[tilespmem:v6+s21+$0x0] =	vst.idx.msk @p1 vm0, v5;
	s10 =	sadd.s32 s15, s4;
	vm15 =	vlt.s32 v8, v4  }
0x6a: {  	v5 =	vadd.s32 s10, v3;
	v4 =	vld.idx.msk [tilespmem:v7+s17+$0x0], $0xffff;
	_ =	sdelay $0x4  }
0x6b: {  	[tilespmem:v5+s21+$0x0] =	vst.idx.msk vm15, v4  }
.LBB2_19:
0x6c: {  	s9 =	sadd.s32 $0x1, s9  }
0x6d: {  	p1 =	seq.s32 s9, s2  }
.Ltmp8:
0x6e: {  	_ = 	snop;
	(pc) =	sbr.rel @p1 .LBB2_11-.Ltmp8, $2  }
0x6f: {  	_ =	sdelay $0x2  }
0x70: {  	s14 =	sadd.s32 $0xFF0, s14;
	s4 =	sadd.s32 $0xFF0, s4  }
.LBB2_8:
0x71: {  	s11 =	smul.u32 $0xFF0, s9;
	_ =	sdelay $0x1  }
0x72: {  	s12 =	sadd.s32 s0, s11  }
0x73: {  	s13 =	sshra.s32 s12, $0x1F;
	p1 =	slt.s32 s12, $0x1  }
0x74: {  	s13 =	sshrl.u32 s13, $0x1D;
	p1 =	por !p0, !p1  }
0x75: {  	s12 =	sadd.s32 s13, s12;
	p1 =	por !p1, !p1;
	s13 =	simm.s32 $0x1  }
0x76: {  	s15 =	sshra.s32 s12, $0x3;
	s13 =	simm.s32 @!p1 $0x0  }
0x77: {  	s12 =	ssub.s32 s15, s13  }
0x78: {  	s13 =	sand.u32 $0x1FFFFFFF, s12  }
0x79: {  	s12 =	sshll.u32 s12, $0x3;
	s13 =	sadd.s32 s1, s13  }
0x7a: {  	[tilespmem:s17], [sflag:$0x1] =	stream.linear.gather [hbm4b:s13+s3], $0x400, $0x38;
	[tilespmem:$0xB000] =	vst v63  }
0x7b: {  	s10 =	sadd.s32 $0x400, s12;
	_ =	swait.ge [sflag:s16], $0x400  }
0x7c: {  	s13 =	sshrl.u32 s10, $0x3;
	[sflag:s16] =	ssyncset.done $0x0  }
0x7d: {  	s13 =	sadd.s32 s1, s13;
	[sflag:s16] =	ssyncadd.s32 $0xFFFFFC00  }
0x7e: {  	[tilespmem:s18], [sflag:$0x1] =	stream.linear.gather [hbm4b:s13+s3], $0x400, $0x38;
	[tilespmem:$0xB000] =	vst v63  }
0x7f: {  	s10 =	sadd.s32 $0x800, s12;
	_ =	swait.ge [sflag:s16], $0x400  }
0x80: {  	s13 =	sshrl.u32 s10, $0x3;
	[sflag:s16] =	ssyncset.done $0x0  }
0x81: {  	s13 =	sadd.s32 s1, s13;
	[sflag:s16] =	ssyncadd.s32 $0xFFFFFC00  }
0x82: {  	[tilespmem:s19], [sflag:$0x1] =	stream.linear.gather [hbm4b:s13+s3], $0x400, $0x38;
	[tilespmem:$0xB000] =	vst v63  }
0x83: {  	s12 =	sadd.s32 $0xC00, s12;
	s13 =	ssub.s32 s31, s11  }
0x84: {  	s12 =	sshrl.u32 s12, $0x3;
	_ =	swait.ge [sflag:s16], $0x400;
	p2 =	slt.s32 s13, $0xFF0  }
0x85: {  	p3 =	slt.s32 s13, $0xFFFFFFF2;
	[sflag:s16] =	ssyncset.done $0x0;
	s13 =	simm.s32 @!p2 $0xFF0  }
0x86: {  	s12 =	sadd.s32 s1, s12;
	[sflag:s16] =	ssyncadd.s32 $0xFFFFFC00;
	s11 =	sadd.s32 $0xF, s13  }
0x87: {  	[tilespmem:s20], [sflag:$0x1] =	stream.linear.gather [hbm4b:s12+s3], $0x400, $0x38;
	[tilespmem:$0xB000] =	vst v63  }
0x88: {  	s10 =	sand.u32 $0xF, s11  }
0x89: {  	p6 =	sne.s32 s10, $0x0;
	s10 =	sshra.s32 s11, $0x1F  }
0x8a: {  	s12 =	sshrl.u32 s10, $0x1C;
	p2 =	por !p3, !p6  }
0x8b: {  	s11 =	sadd.s32 s12, s11;
	p2 =	por !p2, !p2;
	s12 =	simm.s32 $0x1  }
0x8c: {  	s11 =	sshra.s32 s11, $0x4;
	s12 =	simm.s32 @!p2 $0x0  }
0x8d: {  	s11 =	ssub.s32 s11, s12  }
0x8e: {  	p2 =	slt.s32 s11, $0x1  }
.Ltmp9:
0x8f: {  	_ = 	snop;
	(pc) =	sbr.rel @p2 .LBB2_19-.Ltmp9, $4  }
0x90: {  	_ = 	snop  }
0x91: {  	_ =	swait.ge [sflag:s16], $0x400  }
0x92: {  	[sflag:s16] =	ssyncset.done $0x0  }
0x93: {  	[sflag:s16] =	ssyncadd.s32 $0xFFFFFC00  }
0x94: {  	p2 =	sne.s32 s11, $0x1  }
.Ltmp10:
0x95: {  	s12 =	simm.s32 $0xFFFFFFFF;
	(pc) =	sbr.rel @!p2 .LBB2_10-.Ltmp10, $4  }
0x96: {  	s15 =	sshll.u32 s15, $0x3;
	s12 =	simm.s32 @!p1 $0x0  }
0x97: {  	s15 =	ssub.s32 s14, s15;
	s12 =	sshll.u32 s12, $0x3  }
0x98: {  	s11 =	sadd.s32 $0xFFFFFFFF, s11;
	s12 =	ssub.s32 s15, s12  }
0x99: {  	v4 =	vmov s13;
	p1 =	por $0x0, $0x0;
	s15 =	simm.s32 $0x0;
	s13 =	sadd.s32 $0x0, s12  }
0x9a: {  	v5 =	vadd.s32 s13, v3;
	p2 =	sne.s32 s11, $0x1  }
.Ltmp11:
0x9b: {  	_ = 	snop;
	(pc) =	sbr.rel @!p2 .LBB2_18-.Ltmp11, $4  }
0x9c: {  	_ = 	snop  }
0x9d: {  	v6 =	vor.u32 s15, v3  }
0x9e: {  	s10 =	sadd.s32 $0x0, s4;
	s15 =	simm.s32 $0x10;
	vm0 =	vlt.s32 v6, v4  }
0x9f: {  	s13 =	sadd.s32 $0x10, s12;
	s11 =	sadd.s32 $0xFFFFFFFF, s11;
	p1 =	por $0x1, $0x1;
	v6 =	vadd.s32 s10, v3;
	v5 =	vld.idx.msk [tilespmem:v5+s17+$0x0], $0xffff  }
.LBB2_17:
0xa0: {  	p2 =	sne.s32 s11, $0x1;
	v7 =	vadd.s32 s13, v3;
	_ =	sdelay $0x1  }
.Ltmp12:
0xa1: {  	(pc) =	sbr.rel @p2 .LBB2_17-.Ltmp12, $4  }
0xa2: {  	_ = 	snop  }
0xa3: {  	v8 =	vor.u32 s15, v3;
	[tilespmem:v6+s21+$0x0] =	vst.idx.msk vm0, v5  }
0xa4: {  	s10 =	sadd.s32 s15, s4;
	s15 =	sadd.s32 $0x10, s15;
	vm0 =	vlt.s32 v8, v4;
	v5 =	vld.idx.msk [tilespmem:v7+s17+$0x0], $0xffff  }
0xa5: {  	s11 =	sadd.s32 $0xFFFFFFFF, s11;
	s13 =	sadd.s32 s15, s12;
	v6 =	vadd.s32 s10, v3  }
.Ltmp13:
0xa6: {  	_ = 	snop;
	(pc) =	sbr.rel .LBB2_18-.Ltmp13, $1  }
0xa7: {  	_ =	sdelay $0x3  }
.LBB2_11:
0xa8: {  	p1 =	seq.s32 s26, s5  }
.Ltmp14:
0xa9: {  	_ = 	snop;
	(pc) =	sbr.rel @p1 .LBB2_40-.Ltmp14, $3  }
0xaa: {  	_ =	sdelay $0x1  }
0xab: {  	s15 =	rddreg [dreg:$0x7]  }
0xac: {  	s14 =	rddreg [dreg:$0x11]  }
.Ltmp15:
0xad: {  	(pc) =	sbr.rel .LBB2_13-.Ltmp15, $3  }
0xae: {  	_ =	sdelay $0x1  }
0xaf: {  	s26 =	rddreg [dreg:$0x12]  }
0xb0: {  	s9 =	simm.s32 $0x0;
	s4 =	smov.u32 s25;
	s5 =	ssub.s32 s26, s29  }
.LBB2_15:
0xb1: {  	_ = 	snop  }
.LBB2_22:
0xb2: {  	_ = 	snop  }
0xb3: {  	v7 =	vadd.s32 s13, v3;
	_ =	sdelay $0x2  }
0xb4: {  	v8 =	vor.u32 s14, v3  }
0xb5: {  	[tilespmem:v6+s22+$0x0] =	vst.idx.msk @p1 vm0, v5;
	s10 =	sadd.s32 s14, s4;
	vm15 =	vlt.s32 v8, v4  }
0xb6: {  	v5 =	vadd.s32 s10, v3;
	v4 =	vld.idx.msk [tilespmem:v7+s17+$0x0], $0xffff;
	_ =	sdelay $0x4  }
0xb7: {  	[tilespmem:v5+s22+$0x0] =	vst.idx.msk vm15, v4  }
.LBB2_23:
0xb8: {  	s9 =	sadd.s32 $0x1, s9  }
0xb9: {  	p1 =	seq.s32 s9, s2  }
.Ltmp16:
0xba: {  	_ = 	snop;
	(pc) =	sbr.rel @p1 .LBB2_24-.Ltmp16, $2  }
0xbb: {  	_ =	sdelay $0x2  }
0xbc: {  	s5 =	sadd.s32 $0xFF0, s5;
	s4 =	sadd.s32 $0xFF0, s4  }
.LBB2_13:
0xbd: {  	s10 =	smul.u32 $0xFF0, s9;
	_ =	sdelay $0x1  }
0xbe: {  	s11 =	sadd.s32 s0, s10  }
0xbf: {  	s12 =	sshra.s32 s11, $0x1F;
	p1 =	slt.s32 s11, $0x1  }
0xc0: {  	s12 =	sshrl.u32 s12, $0x1D;
	p1 =	por !p0, !p1  }
0xc1: {  	s11 =	sadd.s32 s12, s11;
	p1 =	por !p1, !p1;
	s12 =	simm.s32 $0x1  }
0xc2: {  	s14 =	sshra.s32 s11, $0x3;
	s12 =	simm.s32 @!p1 $0x0  }
0xc3: {  	s11 =	ssub.s32 s14, s12  }
0xc4: {  	s12 =	sand.u32 $0x1FFFFFFF, s11  }
0xc5: {  	s11 =	sshll.u32 s11, $0x3;
	s12 =	sadd.s32 s6, s12  }
0xc6: {  	[tilespmem:s17], [sflag:$0x1] =	stream.linear.gather [hbm4b:s12+s3], $0x400, $0x38;
	[tilespmem:$0xB000] =	vst v63  }
0xc7: {  	s13 =	sadd.s32 $0x400, s11;
	_ =	swait.ge [sflag:s16], $0x400  }
0xc8: {  	s12 =	sshrl.u32 s13, $0x3;
	s13 =	sadd.s32 $0x800, s11;
	[sflag:s16] =	ssyncset.done $0x0  }
0xc9: {  	s11 =	sadd.s32 $0xC00, s11;
	s12 =	sadd.s32 s6, s12;
	[sflag:s16] =	ssyncadd.s32 $0xFFFFFC00  }
0xca: {  	[tilespmem:s18], [sflag:$0x1] =	stream.linear.gather [hbm4b:s12+s3], $0x400, $0x38;
	[tilespmem:$0xB000] =	vst v63  }
0xcb: {  	s12 =	sshrl.u32 s13, $0x3;
	s13 =	ssub.s32 s31, s10;
	_ =	swait.ge [sflag:s16], $0x400  }
0xcc: {  	s12 =	sadd.s32 s6, s12;
	p2 =	slt.s32 s13, $0xFF0;
	[sflag:s16] =	ssyncset.done $0x0  }
0xcd: {  	p3 =	slt.s32 s13, $0xFFFFFFF2;
	s13 =	simm.s32 @!p2 $0xFF0;
	[sflag:s16] =	ssyncadd.s32 $0xFFFFFC00  }
0xce: {  	[tilespmem:s19], [sflag:$0x1] =	stream.linear.gather [hbm4b:s12+s3], $0x400, $0x38;
	[tilespmem:$0xB000] =	vst v63  }
0xcf: {  	s11 =	sshrl.u32 s11, $0x3;
	s10 =	sadd.s32 $0xF, s13;
	_ =	swait.ge [sflag:s16], $0x400  }
0xd0: {  	s11 =	sadd.s32 s6, s11;
	s12 =	sand.u32 $0xF, s10;
	[sflag:s16] =	ssyncset.done $0x0  }
0xd1: {  	p6 =	sne.s32 s12, $0x0;
	s12 =	sshra.s32 s10, $0x1F;
	[sflag:s16] =	ssyncadd.s32 $0xFFFFFC00  }
0xd2: {  	[tilespmem:s20], [sflag:$0x1] =	stream.linear.gather [hbm4b:s11+s3], $0x400, $0x38;
	[tilespmem:$0xB000] =	vst v63  }
0xd3: {  	p2 =	por !p3, !p6;
	s11 =	sshrl.u32 s12, $0x1C  }
0xd4: {  	p2 =	por !p2, !p2;
	s10 =	sadd.s32 s11, s10;
	s11 =	simm.s32 $0x1  }
0xd5: {  	s10 =	sshra.s32 s10, $0x4;
	s11 =	simm.s32 @!p2 $0x0  }
0xd6: {  	s11 =	ssub.s32 s10, s11  }
0xd7: {  	p2 =	slt.s32 s11, $0x1  }
.Ltmp17:
0xd8: {  	_ = 	snop;
	(pc) =	sbr.rel @p2 .LBB2_23-.Ltmp17, $4  }
0xd9: {  	_ = 	snop  }
0xda: {  	_ =	swait.ge [sflag:s16], $0x400  }
0xdb: {  	[sflag:s16] =	ssyncset.done $0x0  }
0xdc: {  	[sflag:s16] =	ssyncadd.s32 $0xFFFFFC00  }
0xdd: {  	p2 =	sne.s32 s11, $0x1  }
.Ltmp18:
0xde: {  	s10 =	simm.s32 $0xFFFFFFFF;
	(pc) =	sbr.rel @!p2 .LBB2_15-.Ltmp18, $4  }
0xdf: {  	s12 =	sshll.u32 s14, $0x3;
	s10 =	simm.s32 @!p1 $0x0  }
0xe0: {  	s12 =	ssub.s32 s5, s12;
	s10 =	sshll.u32 s10, $0x3  }
0xe1: {  	s14 =	simm.s32 $0x0;
	s12 =	ssub.s32 s12, s10  }
0xe2: {  	v4 =	vmov s13;
	s11 =	sadd.s32 $0xFFFFFFFF, s11;
	p1 =	por $0x0, $0x0;
	s13 =	sadd.s32 $0x0, s12  }
0xe3: {  	v5 =	vadd.s32 s13, v3;
	p2 =	sne.s32 s11, $0x1  }
.Ltmp19:
0xe4: {  	_ = 	snop;
	(pc) =	sbr.rel @!p2 .LBB2_22-.Ltmp19, $4  }
0xe5: {  	_ = 	snop  }
0xe6: {  	v6 =	vor.u32 s14, v3  }
0xe7: {  	s10 =	sadd.s32 $0x0, s4;
	s14 =	simm.s32 $0x10;
	vm0 =	vlt.s32 v6, v4  }
0xe8: {  	s13 =	sadd.s32 $0x10, s12;
	s11 =	sadd.s32 $0xFFFFFFFF, s11;
	p1 =	por $0x1, $0x1;
	v6 =	vadd.s32 s10, v3;
	v5 =	vld.idx.msk [tilespmem:v5+s17+$0x0], $0xffff  }
.LBB2_21:
0xe9: {  	p2 =	sne.s32 s11, $0x1;
	v7 =	vadd.s32 s13, v3;
	_ =	sdelay $0x1  }
.Ltmp20:
0xea: {  	(pc) =	sbr.rel @p2 .LBB2_21-.Ltmp20, $4  }
0xeb: {  	_ = 	snop  }
0xec: {  	v8 =	vor.u32 s14, v3;
	[tilespmem:v6+s22+$0x0] =	vst.idx.msk vm0, v5  }
0xed: {  	s10 =	sadd.s32 s14, s4;
	s14 =	sadd.s32 $0x10, s14;
	vm0 =	vlt.s32 v8, v4;
	v5 =	vld.idx.msk [tilespmem:v7+s17+$0x0], $0xffff  }
0xee: {  	s11 =	sadd.s32 $0xFFFFFFFF, s11;
	s13 =	sadd.s32 s14, s12;
	v6 =	vadd.s32 s10, v3  }
.Ltmp21:
0xef: {  	_ = 	snop;
	(pc) =	sbr.rel .LBB2_22-.Ltmp21, $1  }
0xf0: {  	_ =	sdelay $0x3  }
.LBB2_24:
.Ltmp22:
0xf1: {  	(pc) =	sbr.rel .LBB2_25-.Ltmp22, $2  }
0xf2: {  	_ =	sdelay $0x2  }
0xf3: {  	s5 =	ssub.s32 s26, s29;
	s9 =	simm.s32 $0x0;
	s4 =	smov.u32 s25  }
.LBB2_27:
0xf4: {  	_ = 	snop  }
.LBB2_30:
0xf5: {  	_ = 	snop  }
0xf6: {  	v7 =	vadd.s32 s13, v3;
	_ =	sdelay $0x2  }
0xf7: {  	v8 =	vor.u32 s14, v3  }
0xf8: {  	[tilespmem:v6+s23+$0x0] =	vst.idx.msk @p1 vm0, v5;
	s10 =	sadd.s32 s14, s4;
	vm15 =	vlt.s32 v8, v4  }
0xf9: {  	v5 =	vadd.s32 s10, v3;
	v4 =	vld.idx.msk [tilespmem:v7+s17+$0x0], $0xffff;
	_ =	sdelay $0x4  }
0xfa: {  	[tilespmem:v5+s23+$0x0] =	vst.idx.msk vm15, v4  }
.LBB2_31:
0xfb: {  	s9 =	sadd.s32 $0x1, s9  }
0xfc: {  	p1 =	seq.s32 s9, s2  }
.Ltmp23:
0xfd: {  	_ = 	snop;
	(pc) =	sbr.rel @p1 .LBB2_32-.Ltmp23, $2  }
0xfe: {  	_ =	sdelay $0x2  }
0xff: {  	s5 =	sadd.s32 $0xFF0, s5;
	s4 =	sadd.s32 $0xFF0, s4  }
.LBB2_25:
0x100: {  	s10 =	smul.u32 $0xFF0, s9;
	_ =	sdelay $0x1  }
0x101: {  	s11 =	sadd.s32 s0, s10  }
0x102: {  	s12 =	sshra.s32 s11, $0x1F;
	p1 =	slt.s32 s11, $0x1  }
0x103: {  	s12 =	sshrl.u32 s12, $0x1D;
	p1 =	por !p0, !p1  }
0x104: {  	s11 =	sadd.s32 s12, s11;
	p1 =	por !p1, !p1;
	s12 =	simm.s32 $0x1  }
0x105: {  	s14 =	sshra.s32 s11, $0x3;
	s12 =	simm.s32 @!p1 $0x0  }
0x106: {  	s11 =	ssub.s32 s14, s12  }
0x107: {  	s12 =	sand.u32 $0x1FFFFFFF, s11  }
0x108: {  	s11 =	sshll.u32 s11, $0x3;
	s12 =	sadd.s32 s7, s12  }
0x109: {  	[tilespmem:s17], [sflag:$0x1] =	stream.linear.gather [hbm4b:s12+s3], $0x400, $0x38;
	[tilespmem:$0xB000] =	vst v63  }
0x10a: {  	s13 =	sadd.s32 $0x400, s11;
	_ =	swait.ge [sflag:s16], $0x400  }
0x10b: {  	s12 =	sshrl.u32 s13, $0x3;
	s13 =	sadd.s32 $0x800, s11;
	[sflag:s16] =	ssyncset.done $0x0  }
0x10c: {  	s11 =	sadd.s32 $0xC00, s11;
	s12 =	sadd.s32 s7, s12;
	[sflag:s16] =	ssyncadd.s32 $0xFFFFFC00  }
0x10d: {  	[tilespmem:s18], [sflag:$0x1] =	stream.linear.gather [hbm4b:s12+s3], $0x400, $0x38;
	[tilespmem:$0xB000] =	vst v63  }
0x10e: {  	s12 =	sshrl.u32 s13, $0x3;
	s13 =	ssub.s32 s31, s10;
	_ =	swait.ge [sflag:s16], $0x400  }
0x10f: {  	s12 =	sadd.s32 s7, s12;
	p2 =	slt.s32 s13, $0xFF0;
	[sflag:s16] =	ssyncset.done $0x0  }
0x110: {  	p3 =	slt.s32 s13, $0xFFFFFFF2;
	s13 =	simm.s32 @!p2 $0xFF0;
	[sflag:s16] =	ssyncadd.s32 $0xFFFFFC00  }
0x111: {  	[tilespmem:s19], [sflag:$0x1] =	stream.linear.gather [hbm4b:s12+s3], $0x400, $0x38;
	[tilespmem:$0xB000] =	vst v63  }
0x112: {  	s11 =	sshrl.u32 s11, $0x3;
	s10 =	sadd.s32 $0xF, s13;
	_ =	swait.ge [sflag:s16], $0x400  }
0x113: {  	s11 =	sadd.s32 s7, s11;
	s12 =	sand.u32 $0xF, s10;
	[sflag:s16] =	ssyncset.done $0x0  }
0x114: {  	p6 =	sne.s32 s12, $0x0;
	s12 =	sshra.s32 s10, $0x1F;
	[sflag:s16] =	ssyncadd.s32 $0xFFFFFC00  }
0x115: {  	[tilespmem:s20], [sflag:$0x1] =	stream.linear.gather [hbm4b:s11+s3], $0x400, $0x38;
	[tilespmem:$0xB000] =	vst v63  }
0x116: {  	p2 =	por !p3, !p6;
	s11 =	sshrl.u32 s12, $0x1C  }
0x117: {  	p2 =	por !p2, !p2;
	s10 =	sadd.s32 s11, s10;
	s11 =	simm.s32 $0x1  }
0x118: {  	s10 =	sshra.s32 s10, $0x4;
	s11 =	simm.s32 @!p2 $0x0  }
0x119: {  	s11 =	ssub.s32 s10, s11  }
0x11a: {  	p2 =	slt.s32 s11, $0x1  }
.Ltmp24:
0x11b: {  	_ = 	snop;
	(pc) =	sbr.rel @p2 .LBB2_31-.Ltmp24, $4  }
0x11c: {  	_ = 	snop  }
0x11d: {  	_ =	swait.ge [sflag:s16], $0x400  }
0x11e: {  	[sflag:s16] =	ssyncset.done $0x0  }
0x11f: {  	[sflag:s16] =	ssyncadd.s32 $0xFFFFFC00  }
0x120: {  	p2 =	sne.s32 s11, $0x1  }
.Ltmp25:
0x121: {  	s10 =	simm.s32 $0xFFFFFFFF;
	(pc) =	sbr.rel @!p2 .LBB2_27-.Ltmp25, $4  }
0x122: {  	s12 =	sshll.u32 s14, $0x3;
	s10 =	simm.s32 @!p1 $0x0  }
0x123: {  	s12 =	ssub.s32 s5, s12;
	s10 =	sshll.u32 s10, $0x3  }
0x124: {  	s14 =	simm.s32 $0x0;
	s12 =	ssub.s32 s12, s10  }
0x125: {  	v4 =	vmov s13;
	s11 =	sadd.s32 $0xFFFFFFFF, s11;
	p1 =	por $0x0, $0x0;
	s13 =	sadd.s32 $0x0, s12  }
0x126: {  	v5 =	vadd.s32 s13, v3;
	p2 =	sne.s32 s11, $0x1  }
.Ltmp26:
0x127: {  	_ = 	snop;
	(pc) =	sbr.rel @!p2 .LBB2_30-.Ltmp26, $4  }
0x128: {  	_ = 	snop  }
0x129: {  	v6 =	vor.u32 s14, v3  }
0x12a: {  	s10 =	sadd.s32 $0x0, s4;
	s14 =	simm.s32 $0x10;
	vm0 =	vlt.s32 v6, v4  }
0x12b: {  	s13 =	sadd.s32 $0x10, s12;
	s11 =	sadd.s32 $0xFFFFFFFF, s11;
	p1 =	por $0x1, $0x1;
	v6 =	vadd.s32 s10, v3;
	v5 =	vld.idx.msk [tilespmem:v5+s17+$0x0], $0xffff  }
.LBB2_29:
0x12c: {  	p2 =	sne.s32 s11, $0x1;
	v7 =	vadd.s32 s13, v3;
	_ =	sdelay $0x1  }
.Ltmp27:
0x12d: {  	(pc) =	sbr.rel @p2 .LBB2_29-.Ltmp27, $4  }
0x12e: {  	_ = 	snop  }
0x12f: {  	v8 =	vor.u32 s14, v3;
	[tilespmem:v6+s23+$0x0] =	vst.idx.msk vm0, v5  }
0x130: {  	s10 =	sadd.s32 s14, s4;
	s14 =	sadd.s32 $0x10, s14;
	vm0 =	vlt.s32 v8, v4;
	v5 =	vld.idx.msk [tilespmem:v7+s17+$0x0], $0xffff  }
0x131: {  	s11 =	sadd.s32 $0xFFFFFFFF, s11;
	s13 =	sadd.s32 s14, s12;
	v6 =	vadd.s32 s10, v3  }
.Ltmp28:
0x132: {  	_ = 	snop;
	(pc) =	sbr.rel .LBB2_30-.Ltmp28, $1  }
0x133: {  	_ =	sdelay $0x3  }
.LBB2_32:
.Ltmp29:
0x134: {  	(pc) =	sbr.rel .LBB2_33-.Ltmp29, $2  }
0x135: {  	_ =	sdelay $0x2  }
0x136: {  	s5 =	ssub.s32 s26, s29;
	s4 =	simm.s32 $0x0;
	s14 =	rddreg [dreg:$0x11]  }
.LBB2_35:
0x137: {  	_ = 	snop  }
.LBB2_38:
0x138: {  	_ = 	snop  }
0x139: {  	v7 =	vadd.s32 s12, v3;
	_ =	sdelay $0x2  }
0x13a: {  	v8 =	vor.u32 s9, v3  }
0x13b: {  	[tilespmem:v6+s24+$0x0] =	vst.idx.msk @p1 vm0, v5;
	s29 =	sadd.s32 s9, s25;
	vm15 =	vlt.s32 v8, v4  }
0x13c: {  	v5 =	vadd.s32 s29, v3;
	v4 =	vld.idx.msk [tilespmem:v7+s17+$0x0], $0xffff;
	_ =	sdelay $0x4  }
0x13d: {  	[tilespmem:v5+s24+$0x0] =	vst.idx.msk vm15, v4  }
.LBB2_39:
0x13e: {  	s4 =	sadd.s32 $0x1, s4  }
0x13f: {  	p1 =	sne.s32 s4, s2  }
.Ltmp30:
0x140: {  	_ = 	snop;
	(pc) =	sbr.rel @!p1 .LBB2_40-.Ltmp30, $2  }
0x141: {  	_ =	sdelay $0x2  }
0x142: {  	s5 =	sadd.s32 $0xFF0, s5;
	s25 =	sadd.s32 $0xFF0, s25  }
.LBB2_33:
0x143: {  	s10 =	smul.u32 $0xFF0, s4;
	_ =	sdelay $0x1  }
0x144: {  	s9 =	sadd.s32 s0, s10  }
0x145: {  	s11 =	sshra.s32 s9, $0x1F;
	p1 =	slt.s32 s9, $0x1  }
0x146: {  	s11 =	sshrl.u32 s11, $0x1D;
	p1 =	por !p0, !p1  }
0x147: {  	s9 =	sadd.s32 s11, s9;
	p1 =	por !p1, !p1;
	s11 =	simm.s32 $0x1  }
0x148: {  	s9 =	sshra.s32 s9, $0x3;
	s11 =	simm.s32 @!p1 $0x0  }
0x149: {  	s11 =	ssub.s32 s9, s11  }
0x14a: {  	s12 =	sand.u32 $0x1FFFFFFF, s11  }
0x14b: {  	s11 =	sshll.u32 s11, $0x3;
	s12 =	sadd.s32 s8, s12  }
0x14c: {  	[tilespmem:s17], [sflag:$0x1] =	stream.linear.gather [hbm4b:s12+s3], $0x400, $0x38;
	[tilespmem:$0xB000] =	vst v63  }
0x14d: {  	s26 =	sadd.s32 $0x400, s11;
	_ =	swait.ge [sflag:s16], $0x400  }
0x14e: {  	s12 =	sshrl.u32 s26, $0x3;
	[sflag:s16] =	ssyncset.done $0x0  }
0x14f: {  	s12 =	sadd.s32 s8, s12;
	[sflag:s16] =	ssyncadd.s32 $0xFFFFFC00  }
0x150: {  	[tilespmem:s18], [sflag:$0x1] =	stream.linear.gather [hbm4b:s12+s3], $0x400, $0x38;
	[tilespmem:$0xB000] =	vst v63  }
0x151: {  	s29 =	sadd.s32 $0x800, s11;
	_ =	swait.ge [sflag:s16], $0x400  }
0x152: {  	s12 =	sshrl.u32 s29, $0x3;
	[sflag:s16] =	ssyncset.done $0x0  }
0x153: {  	s12 =	sadd.s32 s8, s12;
	[sflag:s16] =	ssyncadd.s32 $0xFFFFFC00  }
0x154: {  	[tilespmem:s19], [sflag:$0x1] =	stream.linear.gather [hbm4b:s12+s3], $0x400, $0x38;
	[tilespmem:$0xB000] =	vst v63  }
0x155: {  	s11 =	sadd.s32 $0xC00, s11;
	s12 =	ssub.s32 s31, s10  }
0x156: {  	s11 =	sshrl.u32 s11, $0x3;
	_ =	swait.ge [sflag:s16], $0x400;
	p2 =	slt.s32 s12, $0xFF0  }
0x157: {  	p3 =	slt.s32 s12, $0xFFFFFFF2;
	[sflag:s16] =	ssyncset.done $0x0;
	s12 =	simm.s32 @!p2 $0xFF0  }
0x158: {  	s11 =	sadd.s32 s8, s11;
	[sflag:s16] =	ssyncadd.s32 $0xFFFFFC00;
	s13 =	sadd.s32 $0xF, s12  }
0x159: {  	[tilespmem:s20], [sflag:$0x1] =	stream.linear.gather [hbm4b:s11+s3], $0x400, $0x38;
	[tilespmem:$0xB000] =	vst v63  }
0x15a: {  	s26 =	sand.u32 $0xF, s13  }
0x15b: {  	s29 =	sshra.s32 s13, $0x1F;
	p6 =	sne.s32 s26, $0x0  }
0x15c: {  	s11 =	sshrl.u32 s29, $0x1C;
	p2 =	por !p3, !p6  }
0x15d: {  	s10 =	sadd.s32 s11, s13;
	s11 =	simm.s32 $0x1;
	p2 =	por !p2, !p2  }
0x15e: {  	s10 =	sshra.s32 s10, $0x4;
	s11 =	simm.s32 @!p2 $0x0  }
0x15f: {  	s13 =	ssub.s32 s10, s11  }
0x160: {  	p2 =	slt.s32 s13, $0x1  }
.Ltmp31:
0x161: {  	_ = 	snop;
	(pc) =	sbr.rel @p2 .LBB2_39-.Ltmp31, $4  }
0x162: {  	_ = 	snop  }
0x163: {  	_ =	swait.ge [sflag:s16], $0x400  }
0x164: {  	[sflag:s16] =	ssyncset.done $0x0  }
0x165: {  	[sflag:s16] =	ssyncadd.s32 $0xFFFFFC00  }
0x166: {  	p2 =	sne.s32 s13, $0x1  }
.Ltmp32:
0x167: {  	s10 =	simm.s32 $0xFFFFFFFF;
	(pc) =	sbr.rel @!p2 .LBB2_35-.Ltmp32, $4  }
0x168: {  	s9 =	sshll.u32 s9, $0x3;
	s10 =	simm.s32 @!p1 $0x0  }
0x169: {  	s9 =	ssub.s32 s5, s9;
	s10 =	sshll.u32 s10, $0x3  }
0x16a: {  	s13 =	sadd.s32 $0xFFFFFFFF, s13;
	s11 =	ssub.s32 s9, s10  }
0x16b: {  	v4 =	vmov s12;
	p1 =	por $0x0, $0x0;
	s9 =	simm.s32 $0x0;
	s12 =	sadd.s32 $0x0, s11  }
0x16c: {  	v5 =	vadd.s32 s12, v3;
	p2 =	sne.s32 s13, $0x1  }
.Ltmp33:
0x16d: {  	_ = 	snop;
	(pc) =	sbr.rel @!p2 .LBB2_38-.Ltmp33, $4  }
0x16e: {  	_ = 	snop  }
0x16f: {  	v6 =	vor.u32 s9, v3  }
0x170: {  	s10 =	sadd.s32 $0x0, s25;
	s9 =	simm.s32 $0x10;
	vm0 =	vlt.s32 v6, v4  }
0x171: {  	s12 =	sadd.s32 $0x10, s11;
	s13 =	sadd.s32 $0xFFFFFFFF, s13;
	p1 =	por $0x1, $0x1;
	v6 =	vadd.s32 s10, v3;
	v5 =	vld.idx.msk [tilespmem:v5+s17+$0x0], $0xffff  }
.LBB2_37:
0x172: {  	p2 =	sne.s32 s13, $0x1;
	v7 =	vadd.s32 s12, v3;
	_ =	sdelay $0x1  }
.Ltmp34:
0x173: {  	(pc) =	sbr.rel @p2 .LBB2_37-.Ltmp34, $4  }
0x174: {  	_ = 	snop  }
0x175: {  	v8 =	vor.u32 s9, v3;
	[tilespmem:v6+s24+$0x0] =	vst.idx.msk vm0, v5  }
0x176: {  	s10 =	sadd.s32 s9, s25;
	s9 =	sadd.s32 $0x10, s9;
	vm0 =	vlt.s32 v8, v4;
	v5 =	vld.idx.msk [tilespmem:v7+s17+$0x0], $0xffff  }
0x177: {  	s13 =	sadd.s32 $0xFFFFFFFF, s13;
	s12 =	sadd.s32 s9, s11;
	v6 =	vadd.s32 s10, v3  }
.Ltmp35:
0x178: {  	_ = 	snop;
	(pc) =	sbr.rel .LBB2_38-.Ltmp35, $1  }
0x179: {  	_ =	sdelay $0x3  }
.LBB2_42:
0x17a: {  	_ =	sfence.sel $0x180000  }
0x17b: {  	[bflag:$0x0] =	sbarrier.arrive $0xFFFF  }
0x17c: {  	_ =	strace $0x9000004D  }
0x17d: {  	s0 =	stileid.u32;
	[bflag:$0x2] =	sbarrier.arrive $0xFFFF  }
0x17e: {  	p0 =	sne.s32 s0, $0x0;
	s0 =	rddreg [dreg:$0x5]  }
0x17f: {  	s0 =	sadd.s32 @!p0 $0x100000, s0  }
0x180: {  	[sflag:s0] =	ssyncadd.tile.s32 @!p0 $0x1;
	_ =	shalt  }
.Lfunc_end2:
_tile_overlayer_lowered:
.L_overlay_start_2:
0x181: {  	(tag) =	ssettag $0x2  }
0x182: {  	s0 =	rddreg [dreg:$0x0];
	s2 =	stileid.u32  }
0x183: {  	s1 =	rddreg [dreg:$0x1];
	p0 =	sne.s32 s2, $0x0  }
0x184: {  	s3 =	rddreg [dreg:$0x2];
	[bflag:$0x3] =	sbarrier.arrive $0xFFFF;
	s2 =	simm.s32 @!p0 $0x1C01  }
0x185: {  	[timem:s3], [sflag:s2] =	dma.local @!p0 [hbm:s0], s1  }
0x186: {  	s0 =	simm.s32 @!p0 $0x1  }
0x187: {  	_ =	swait.ge @!p0 [sflag:s0], s1  }
0x188: {  	s1 =	ssub.s32 @!p0 $0x0, s1;
	[sflag:s0] =	ssyncset.done @!p0 $0x0  }
0x189: {  	[sflag:s0] =	ssyncadd.s32 @!p0 s1  }
0x18a: {  	[bflag:$0x3] =	sbarrier.arrive $0xFFFF  }
0x18b: {  	_ =	shalt  }

// kernel: kernel.16.cloned.1.call-start
scs
__scs_entry_jumppad:
0x0: {  	(pc) =	sbr.rel $0x88, $3  }
0x1: {  	(tag) =	ssettag $0x0;
	lr =	simm.s32 $0x1  }
0x2: {  	[smem:$0x3F99] =	sst lr;
	_ =	strace $0xD0000000  }
0x3: {  	_ = 	snop  }
0x4: {  	_ = 	snop  }
0x5: {  	_ = 	snop  }
0x6: {  	_ = 	snop  }
0x7: {  	_ = 	snop  }
__scs_overlays_trampoline_lowered:
0x8: {  	[smem:$0x3FA8] =	sst s0  }
0x9: {  	[smem:$0x3FA9] =	sst s1  }
0xa: {  	[smem:$0x3FAA] =	sst s2  }
0xb: {  	[smem:$0x3FAB] =	sst s3  }
0xc: {  	[smem:$0x3FAC] =	sst s4  }
0xd: {  	[smem:$0x3FAD] =	sst s5  }
0xe: {  	[smem:$0x3FAE] =	sst s6  }
0xf: {  	[smem:$0x3FAF] =	sst s7  }
0x10: {  	[smem:$0x3FB0] =	sst s8  }
0x11: {  	[smem:$0x3FB1] =	sst s9;
	s0 =	simm.s32 @!p0 $0x0  }
0x12: {  	s1 =	sld [smem:$0x3F97];
	s0 =	simm.s32 @p0 $0x1  }
0x13: {  	[smem:$0x3FB2] =	sst s0;
	s0 =	simm.s32 @!p1 $0x0  }
0x14: {  	s2 =	sld [smem:$0x3F96];
	s0 =	simm.s32 @p1 $0x1  }
0x15: {  	[smem:$0x3FB3] =	sst s0;
	s0 =	simm.s32 @!p2 $0x0  }
0x16: {  	s3 =	sld [smem:$0x3FDB];
	s0 =	simm.s32 @p2 $0x1  }
0x17: {  	s4 =	simm.s32 $0x1BF5;
	[smem:$0x3FB5] =	sst s0  }
0x18: {  	s0 =	sld [smem:$0x3F98];
	_ =	swait.ge [sflag:s4], $0x0  }
0x19: {  	s7 =	sld [smem:$0x3F99]  }
0x1a: {  	s8 =	sadd.s32 $0xFFFFE003, lr  }
0x1b: {  	s9 =	sadd.s32 $0xFFFFFEF7, lr;
	s5 =	simm.s32 $0xFFFFFFFF;
	p2 =	slt.u32 s8, $0xFFFFF086  }
0x1c: {  	p1 =	slt.u32 s9, $0xF7A;
	s5 =	simm.s32 @!p2 $0x0  }
0x1d: {  	s5 =	simm.s32 @p1 $0x1;
	p0 =	seq.s32 s7, s2  }
0x1e: {  	s7 =	smul.u32 @!p0 $0xF7A, s2;
	p2 =	seq.s32 @!p0 s5, $0x0  }
0x1f: {  	s9 =	smul.u32 $0xF7A, s1;
	s8 =	simm.s32 @!p0 $0x1BF5;
	p2 =	por !p2, p0  }
0x20: {  	[sflag:s8] =	ssyncset.s32 @!p0 $0xFFFFF086;
	s6 =	sadd.s32 @!p0 s3, s7;
	s7 =	simm.s32 @!p0 $0x108  }
0x21: {  	s3 =	sadd.s32 s3, s9;
	s6 =	sadd.s32 @!p0 $0x88, s6;
	s7 =	simm.s32 @p2 $0x1082  }
0x22: {  	[simem:s7], [sflag:s8] =	dma.local @!p0 [hbm:s6], $0xF7A  }
0x23: {  	s9 =	sor.u32 $0xD0000000, s2;
	s6 =	simm.s32 $0x108;
	_ =	swait.ge @!p0 [sflag:s8], $0x0  }
0x24: {  	s3 =	sadd.s32 $0x88, s3;
	s6 =	simm.s32 @!p1 $0x1082;
	[sflag:s4] =	ssyncset.s32 $0xFFFFF086  }
0x25: {  	[simem:s6], [sflag:s4] =	dma.local [hbm:s3], $0xF7A  }
0x26: {  	[smem:$0x3F99] =	sst s1;
	(tag) =	ssettag s2;
	_ =	strace s9  }
0x27: {  	s1 =	sld [smem:$0x3FA9]  }
0x28: {  	s2 =	sld [smem:$0x3FAA]  }
0x29: {  	s4 =	sld [smem:$0x3FAC]  }
0x2a: {  	p0 =	seq.s32 s5, $0x0;
	s5 =	sld [smem:$0x3FAD]  }
0x2b: {  	s6 =	sld [smem:$0x3FAE]  }
0x2c: {  	s7 =	sld [smem:$0x3FAF]  }
0x2d: {  	s3 =	simm.s32 $0x108;
	s8 =	sld [smem:$0x3FB0]  }
0x2e: {  	s3 =	simm.s32 @!p0 $0x1082;
	s9 =	sld [smem:$0x3FB1]  }
0x2f: {  	lr =	sadd.s32 s0, s3;
	s0 =	sld [smem:$0x3FA8]  }
0x30: {  	s3 =	sld [smem:$0x3FAB]  }
0x31: {  	[smem:$0x3FB4] =	sst s10  }
0x32: {  	s10 =	sld [smem:$0x3FB2];
	_ =	sdelay $0x3  }
0x33: {  	p0 =	seq.s32 s10, $0x1;
	s10 =	sld [smem:$0x3FB4];
	_ =	sdelay $0x3  }
0x34: {  	[smem:$0x3FB4] =	sst s10  }
0x35: {  	s10 =	sld [smem:$0x3FB3];
	_ =	sdelay $0x3  }
0x36: {  	p1 =	seq.s32 s10, $0x1;
	s10 =	sld [smem:$0x3FB4];
	_ =	sdelay $0x3  }
0x37: {  	[smem:$0x3FB4] =	sst s10  }
0x38: {  	s10 =	sld [smem:$0x3FB5]  }
0x39: {  	_ = 	snop;
	(pc) =	sbr.ind lr, $3  }
0x3a: {  	_ = 	snop  }
0x3b: {  	_ = 	snop  }
0x3c: {  	p2 =	seq.s32 s10, $0x1;
	s10 =	sld [smem:$0x3FB4]  }
0x3d: {  	_ =	shalt  }
0x3e: {  	_ =	shalt  }
0x3f: {  	_ =	shalt  }
0x40: {  	_ =	shalt  }
0x41: {  	_ =	shalt  }
0x42: {  	_ =	shalt  }
0x43: {  	_ =	shalt  }
0x44: {  	_ =	shalt  }
0x45: {  	_ =	shalt  }
0x46: {  	_ =	shalt  }
0x47: {  	_ =	shalt  }
0x48: {  	_ =	shalt  }
0x49: {  	_ =	shalt  }
0x4a: {  	_ =	shalt  }
0x4b: {  	_ =	shalt  }
0x4c: {  	_ =	shalt  }
0x4d: {  	_ =	shalt  }
0x4e: {  	_ =	shalt  }
0x4f: {  	_ =	shalt  }
0x50: {  	_ =	shalt  }
0x51: {  	_ =	shalt  }
0x52: {  	_ =	shalt  }
0x53: {  	_ =	shalt  }
0x54: {  	_ =	shalt  }
0x55: {  	_ =	shalt  }
0x56: {  	_ =	shalt  }
0x57: {  	_ =	shalt  }
0x58: {  	_ =	shalt  }
0x59: {  	_ =	shalt  }
0x5a: {  	_ =	shalt  }
0x5b: {  	_ =	shalt  }
0x5c: {  	_ =	shalt  }
0x5d: {  	_ =	shalt  }
0x5e: {  	_ =	shalt  }
0x5f: {  	_ =	shalt  }
0x60: {  	_ =	shalt  }
0x61: {  	_ =	shalt  }
0x62: {  	_ =	shalt  }
0x63: {  	_ =	shalt  }
0x64: {  	_ =	shalt  }
0x65: {  	_ =	shalt  }
0x66: {  	_ =	shalt  }
0x67: {  	_ =	shalt  }
0x68: {  	_ =	shalt  }
0x69: {  	_ =	shalt  }
0x6a: {  	_ =	shalt  }
0x6b: {  	_ =	shalt  }
0x6c: {  	_ =	shalt  }
0x6d: {  	_ =	shalt  }
0x6e: {  	_ =	shalt  }
0x6f: {  	_ =	shalt  }
0x70: {  	_ =	shalt  }
0x71: {  	_ =	shalt  }
0x72: {  	_ =	shalt  }
0x73: {  	_ =	shalt  }
0x74: {  	_ =	shalt  }
0x75: {  	_ =	shalt  }
0x76: {  	_ =	shalt  }
0x77: {  	_ =	shalt  }
0x78: {  	_ =	shalt  }
0x79: {  	_ =	shalt  }
0x7a: {  	_ =	shalt  }
0x7b: {  	_ =	shalt  }
0x7c: {  	_ =	shalt  }
0x7d: {  	_ =	shalt  }
0x7e: {  	_ =	shalt  }
0x7f: {  	_ =	shalt  }
0x80: {  	_ =	shalt  }
0x81: {  	_ =	shalt  }
0x82: {  	_ =	shalt  }
0x83: {  	_ =	shalt  }
0x84: {  	_ =	shalt  }
0x85: {  	_ =	shalt  }
0x86: {  	_ =	shalt  }
0x87: {  	_ =	shalt  }
.Lfunc_end0:
.L_simem_size_0:
called_computation.3_lowered:
.L_overlay_start_0:
0x88: {  	s2 =	sld [smem:$0x3FD9]  }
0x89: {  	s3 =	sld [smem:$0x3FFE];
	_ =	sdelay $0x1  }
0x8a: {  	s1 =	srdreg.scid  }
0x8b: {  	s0 =	sand.u32 $0x1, s1  }
0x8c: {  	s16 =	sshll.u32 s0, $0xA;
	s2 =	sadd.s32 s3, s2  }
0x8d: {  	s2 =	sadd.s32 s2, s16  }
0x8e: {  	[smem:$0x3FC0] =	sst s2  }
0x8f: {  	_ = 	snop  }
0x90: {  	(tm) =	ssettm $0x1  }
0x91: {  	s17 =	sld [smem:$0x3FFB];
	_ =	sdelay $0x3  }
0x92: {  	_ =	strace s17  }
0x93: {  	s2 =	sld [smem:$0x3FFC];
	_ =	sdelay $0x3  }
0x94: {  	_ =	strace s2  }
0x95: {  	s2 =	sld [smem:$0x3FFD];
	_ =	sdelay $0x3  }
0x96: {  	_ =	strace s2  }
0x97: {  	_ =	strace $0x8FFFFFFF  }
0x98: {  	s18 =	sld [smem:$0x3FDB];
	_ =	sdelay $0x1  }
0x99: {  	s19 =	simm.s32 $_scs_section_size  }
0x9a: {  	s4 =	simm.s32 $_size__tile_overlayer_lowered;
	s5 =	simm.s32 $_tile_overlayer_lowered  }
0x9b: {  	s22 =	simm.s32 $0x1BFF;
	s21 =	sshll.u32 s5, $0x1;
	s2 =	sadd.s32 s19, s18  }
0x9c: {  	s6 =	simm.s32 $0x0;
	s20 =	sshll.u32 s4, $0x1;
	s4 =	sadd.s32 s21, s2  }
0x9d: {  	[timem:s6], [sflag:s22] =	dma.local [hbm:s4], s20  }
0x9e: {  	_ =	swait.ge [sflag:s22], s20  }
0x9f: {  	s3 =	ssub.s32 $0x0, s20;
	[sflag:s22] =	ssyncset.done $0x0  }
0xa0: {  	[sflag:s22] =	ssyncadd.s32 s3;
	_ =	sdelay $0x1  }
0xa1: {  	s23 =	simm.s32 $0x1B8B  }
0xa2: {  	_ =	swait.ge [sflag:s23], $0x1  }
0xa3: {  	[sflag:s23] =	ssyncset.done $0x0  }
0xa4: {  	s25 =	simm.s32 $0x1B8E;
	s24 =	sld [smem:$0x3FFE];
	[sflag:s23] =	ssyncadd.s32 $0xFFFFFFFF  }
0xa5: {  	s26 =	simm.s32 $execute0_lowered;
	[smem:$0x3FD2] =	sst s25  }
0xa6: {  	s4 =	sshll.u32 s26, $0x1;
	_ =	strace $0x8000004F;
	[dreg:$0x1] =	wrdreg $0xFFFFFFFF  }
0xa7: {  	s28 =	simm.s32 $_size_execute0_lowered;
	s2 =	sadd.s32 s2, s4;
	[dreg:$0x0] =	wrdreg $0x0  }
0xa8: {  	s4 =	sshll.u32 s28, $0x1;
	[dreg:$0x2] =	wrdreg s2  }
0xa9: {  	[dreg:$0x3] =	wrdreg s4  }
0xaa: {  	[dreg:$0x4] =	wrdreg $0xC0  }
0xab: {  	_ =	task [dreg:s6], $0x5FFFF  }
0xac: {  	[dreg:$0x1] =	wrdreg $0xFFFFFFFF  }
0xad: {  	[dreg:$0x0] =	wrdreg $0x60  }
0xae: {  	[dreg:$0x2] =	wrdreg s24  }
0xaf: {  	[dreg:$0x3] =	wrdreg $0x9  }
0xb0: {  	_ =	task.clear_ibuf [dreg:s6], $0x4FFFF;
	_ =	strace $0x9000004F  }
0xb1: {  	s29 =	simm.s32 $0x9;
	_ =	strace $0x80000051  }
0xb2: {  	_ =	swait.ge [sflag:s29], $0x1  }
0xb3: {  	[sflag:s29] =	ssyncadd.s32 $0xFFFFFFFF  }
0xb4: {  	_ =	strace $0x90000051  }
0xb5: {  	_ =	sfence  }
0xb6: {  	s30 =	sld [smem:$0x0];
	_ =	sdelay $0x2  }
0xb7: {  	s31 =	sshll.u32 s1, $0xD;
	s1 =	sshrl.u32 s1, $0x2  }
0xb8: {  	s3 =	sand.u32 $0x4000, s31;
	s1 =	sadd.s32 s1, s30  }
0xb9: {  	s0 =	sor.u32 s3, s0;
	s1 =	sshll.u32 s1, $0x11  }
0xba: {  	s0 =	sor.u32 s1, s0  }
0xbb: {  	s0 =	sadd.s32 $0x8F2B, s0  }
0xbc: {  	[sflag:s0] =	ssyncadd.remote.s32 $0x1  }
0xbd: {  	_ =	sfence.sel $0xFFFF  }
0xbe: {  	[dreg:$0x0] =	wrdreg $0xFFFFFFFF;
	(pc) =	sbr.abs _section_cstart, $3  }
0xbf: {  	[dreg:$0x1] =	wrdreg $0xFFFFFFFF  }
0xc0: {  	_ =	task.clear_ibuf [dreg:s6], $0x2FFFF;
	_ =	strace $0x9FFFFFFF  }
0xc1: {  	(tm) =	ssettm $0x7FFFFFFF  }
tec
execute0_lowered:
.L_overlay_start_1:
0x0: {  	(tag) =	ssettag $0x1  }
0x1: {  	s0 =	rddreg [dreg:$0x0];
	s1 =	simm.s32 $0x0  }
0x2: {  	s25 =	srdreg.scid;
	s5 =	stileid.u32;
	s8 =	simm.s32 $0x2  }
0x3: {  	s9 =	simm.s32 $0x28;
	s11 =	simm.s32 $0x400;
	s13 =	simm.s32 $0x1800  }
0x4: {  	s14 =	simm.s32 $0x250;
	s15 =	simm.s32 $0x2C00;
	s16 =	simm.s32 $0x278  }
0x5: {  	s17 =	simm.s32 $0x4000;
	s18 =	simm.s32 $0x2A0;
	s19 =	simm.s32 $0x5400  }
0x6: {  	s20 =	simm.s32 $0x2C8;
	s21 =	simm.s32 $0x6800;
	s22 =	simm.s32 $0x2F0  }
0x7: {  	s23 =	simm.s32 $0x7C00;
	s24 =	simm.s32 $0x318;
	s28 =	simm.s32 $0xA400  }
0x8: {  	s29 =	simm.s32 $0x368;
	s30 =	simm.s32 $0xB800;
	s31 =	simm.s32 $0x1  }
0x9: {  	[smem:$0x7FF] =	sst s1;
	s1 =	sand.u32 $0x1, s25;
	s3 =	sadd.s32 $0x20A00, s0  }
0xa: {  	s4 =	sadd.s32 $0x2A800, s0;
	s7 =	sshll.u32 s5, $0x1;
	s2 =	ssub.s32 $0x2, s1  }
0xb: {  	s5 =	sadd.s32 $0xC6E00, s0;
	s25 =	simm.s32 $0x9000;
	s6 =	sshrl.u32 s2, $0x1  }
0xc: {  	_ =	strace $0x80000050;
	s1 =	sor.u32 s1, s7;
	s26 =	ssub.s32 s2, s6  }
0xd: {  	v0 =	vlaneseq.u32;
	s6 =	smul.u32 $0x2710, s1;
	s2 =	simm.s32 $0x0;
	s0 =	smax.u32 s26, $0x1  }
0xe: {  	v0 =	vmul.u32 $0x80, v0;
	s26 =	simm.s32 $0x340;
	[dreg:$0x2] =	wrdreg s0;
	s0 =	simm.s32 $0xCC00  }
.LBB2_1:
0xf: {  	[dreg:$0x3] =	wrdreg s2;
	s7 =	simm.s32 $0x0  }
.LBB2_2:
0x10: {  	s1 =	smul.u32 $0x190, s7;
	_ =	sdelay $0x1  }
0x11: {  	s2 =	sadd.s32 s6, s1  }
0x12: {  	s1 =	sshrl.u32 s2, $0x3  }
0x13: {  	s10 =	simm.s32 $0x0;
	s1 =	sadd.s32 s3, s1  }
0x14: {  	[tilespmem:s10], [sflag:$0x2] =	stream.linear.gather [hbm4b:s1+s10], $0x190, $0x38;
	[tilespmem:$0x19400] =	vst v63  }
0x15: {  	_ =	swait.ge [sflag:s8], $0x190  }
0x16: {  	[sflag:s8] =	ssyncset.done $0x0  }
0x17: {  	s1 =	simm.s32 $0x0;
	[sflag:s8] =	ssyncadd.s32 $0xFFFFFE70  }
0x18: {  	s10 =	simm.s32 $0x40;
	v1 =	vld [tilespmem:s1+$0x0]  }
.LBB2_3:
0x19: {  	p0 =	sne.s32 s10, $0x600  }
.Ltmp0:
0x1a: {  	_ = 	snop;
	(pc) =	sbr.rel @p0 .LBB2_3-.Ltmp0, $3  }
0x1b: {  	_ =	sdelay $0x1  }
0x1c: {  	s12 =	sshra.s32 s10, $0x2;
	s10 =	sadd.s32 $0x40, s10;
	v2 =	vshrl.u32 v1, $0x3  }
0x1d: {  	v1 =	vld [tilespmem:s12+$0x0];
	[tilespmem:s1+$0x200] =	vst v2;
	s1 =	smov.u32 s12  }
0x1e: {  	_ =	sdelay $0x3  }
0x1f: {  	v1 =	vshrl.u32 v1, $0x3  }
0x20: {  	s10 =	simm.s32 $0x200;
	[tilespmem:s1+$0x200] =	vst v1  }
0x21: {  	[tilespmem:s11], [sflag:$0x1] =	stream.indirect.gather [hbm4b:s4+s9], $0x80, s10, s9, $0xb8;
	[tilespmem:$0x19400] =	vst v63  }
0x22: {  	s12 =	simm.s32 $0x228  }
0x23: {  	[tilespmem:s13], [sflag:$0x1] =	stream.indirect.gather [hbm4b:s4+s9], $0x80, s12, s9, $0xb8;
	[tilespmem:$0x19400] =	vst v63  }
0x24: {  	_ = 	snop  }
0x25: {  	[tilespmem:s15], [sflag:$0x1] =	stream.indirect.gather [hbm4b:s4+s9], $0x80, s14, s9, $0xb8;
	[tilespmem:$0x19400] =	vst v63  }
0x26: {  	_ = 	snop  }
0x27: {  	[tilespmem:s17], [sflag:$0x1] =	stream.indirect.gather [hbm4b:s4+s9], $0x80, s16, s9, $0xb8;
	[tilespmem:$0x19400] =	vst v63  }
0x28: {  	_ = 	snop  }
0x29: {  	[tilespmem:s19], [sflag:$0x1] =	stream.indirect.gather [hbm4b:s4+s9], $0x80, s18, s9, $0xb8;
	[tilespmem:$0x19400] =	vst v63  }
0x2a: {  	_ = 	snop  }
0x2b: {  	[tilespmem:s21], [sflag:$0x1] =	stream.indirect.gather [hbm4b:s4+s9], $0x80, s20, s9, $0xb8;
	[tilespmem:$0x19400] =	vst v63  }
0x2c: {  	_ = 	snop  }
0x2d: {  	[tilespmem:s23], [sflag:$0x1] =	stream.indirect.gather [hbm4b:s4+s9], $0x80, s22, s9, $0xb8;
	[tilespmem:$0x19400] =	vst v63  }
0x2e: {  	_ = 	snop  }
0x2f: {  	[tilespmem:s25], [sflag:$0x1] =	stream.indirect.gather [hbm4b:s4+s9], $0x80, s24, s9, $0xb8;
	[tilespmem:$0x19400] =	vst v63  }
0x30: {  	_ = 	snop  }
0x31: {  	[tilespmem:s28], [sflag:$0x1] =	stream.indirect.gather [hbm4b:s4+s9], $0x80, s26, s9, $0xb8;
	[tilespmem:$0x19400] =	vst v63  }
0x32: {  	_ = 	snop  }
0x33: {  	[tilespmem:s30], [sflag:$0x1] =	stream.indirect.gather [hbm4b:s4+s9], $0x80, s29, s9, $0xb8;
	[tilespmem:$0x19400] =	vst v63  }
0x34: {  	_ =	swait.ge [sflag:s31], $0x1400  }
0x35: {  	[sflag:s31] =	ssyncset.done $0x0  }
0x36: {  	[sflag:s31] =	ssyncadd.s32 $0xFFFFEC00  }
0x37: {  	_ =	swait.ge [sflag:s31], $0x1400  }
0x38: {  	[sflag:s31] =	ssyncset.done $0x0  }
0x39: {  	[sflag:s31] =	ssyncadd.s32 $0xFFFFEC00  }
0x3a: {  	_ =	swait.ge [sflag:s31], $0x1400  }
0x3b: {  	[sflag:s31] =	ssyncset.done $0x0  }
0x3c: {  	[sflag:s31] =	ssyncadd.s32 $0xFFFFEC00  }
0x3d: {  	_ =	swait.ge [sflag:s31], $0x1400  }
0x3e: {  	[sflag:s31] =	ssyncset.done $0x0  }
0x3f: {  	[sflag:s31] =	ssyncadd.s32 $0xFFFFEC00  }
0x40: {  	_ =	swait.ge [sflag:s31], $0x1400  }
0x41: {  	[sflag:s31] =	ssyncset.done $0x0  }
0x42: {  	[sflag:s31] =	ssyncadd.s32 $0xFFFFEC00  }
0x43: {  	_ =	swait.ge [sflag:s31], $0x1400  }
0x44: {  	[sflag:s31] =	ssyncset.done $0x0  }
0x45: {  	[sflag:s31] =	ssyncadd.s32 $0xFFFFEC00  }
0x46: {  	_ =	swait.ge [sflag:s31], $0x1400  }
0x47: {  	[sflag:s31] =	ssyncset.done $0x0  }
0x48: {  	[sflag:s31] =	ssyncadd.s32 $0xFFFFEC00  }
0x49: {  	_ =	swait.ge [sflag:s31], $0x1400  }
0x4a: {  	[sflag:s31] =	ssyncset.done $0x0  }
0x4b: {  	[sflag:s31] =	ssyncadd.s32 $0xFFFFEC00  }
0x4c: {  	_ =	swait.ge [sflag:s31], $0x1400  }
0x4d: {  	[sflag:s31] =	ssyncset.done $0x0  }
0x4e: {  	[sflag:s31] =	ssyncadd.s32 $0xFFFFEC00  }
0x4f: {  	_ =	swait.ge [sflag:s31], $0x1400  }
0x50: {  	[sflag:s31] =	ssyncset.done $0x0  }
0x51: {  	s1 =	simm.s32 $0x0;
	[sflag:s31] =	ssyncadd.s32 $0xFFFFEC00  }
0x52: {  	v1 =	vld [tilespmem:s1+$0x0];
	_ =	sdelay $0x3  }
0x53: {  	v2 =	vmov s1  }
0x54: {  	v2 =	vshll.u32 v2, $0x7;
	v1 =	vshll.u32 v1, $0x4  }
0x55: {  	v3 =	vor.u32 v0, v2;
	v1 =	vand.u32 $0x70, v1  }
0x56: {  	v1 =	vor.u32 v3, v1;
	_ =	sdelay $0x4  }
0x57: {  	v2 =	vld.idx.msk [tilespmem:v1+s11+$0x0], $0xffff  }
0x58: {  	v4 =	vor.u32 $0x1, v1;
	_ =	sdelay $0x3  }
0x59: {  	[tilespmem:v3+s0+$0x0] =	vst.idx.msk $0xffff, v2  }
0x5a: {  	v38 =	vor.u32 $0x1, v3;
	v2 =	vld.idx.msk [tilespmem:v4+s11+$0x0], $0xffff  }
0x5b: {  	v5 =	vor.u32 $0x2, v1;
	_ =	sdelay $0x3  }
0x5c: {  	[tilespmem:v38+s0+$0x0] =	vst.idx.msk $0xffff, v2  }
0x5d: {  	v39 =	vor.u32 $0x2, v3;
	v2 =	vld.idx.msk [tilespmem:v5+s11+$0x0], $0xffff  }
0x5e: {  	v40 =	vor.u32 $0x3, v1;
	_ =	sdelay $0x3  }
0x5f: {  	[tilespmem:v39+s0+$0x0] =	vst.idx.msk $0xffff, v2  }
0x60: {  	v41 =	vor.u32 $0x3, v3;
	v2 =	vld.idx.msk [tilespmem:v40+s11+$0x0], $0xffff  }
0x61: {  	v42 =	vor.u32 $0x4, v1;
	_ =	sdelay $0x3  }
0x62: {  	[tilespmem:v41+s0+$0x0] =	vst.idx.msk $0xffff, v2  }
0x63: {  	v43 =	vor.u32 $0x4, v3;
	v2 =	vld.idx.msk [tilespmem:v42+s11+$0x0], $0xffff  }
0x64: {  	v44 =	vor.u32 $0x5, v1;
	_ =	sdelay $0x3  }
0x65: {  	[tilespmem:v43+s0+$0x0] =	vst.idx.msk $0xffff, v2  }
0x66: {  	v45 =	vor.u32 $0x5, v3;
	v2 =	vld.idx.msk [tilespmem:v44+s11+$0x0], $0xffff  }
0x67: {  	v46 =	vor.u32 $0x6, v1;
	_ =	sdelay $0x3  }
0x68: {  	[tilespmem:v45+s0+$0x0] =	vst.idx.msk $0xffff, v2  }
0x69: {  	v47 =	vor.u32 $0x6, v3;
	v2 =	vld.idx.msk [tilespmem:v46+s11+$0x0], $0xffff  }
0x6a: {  	v48 =	vor.u32 $0x7, v1;
	_ =	sdelay $0x3  }
0x6b: {  	[tilespmem:v47+s0+$0x0] =	vst.idx.msk $0xffff, v2  }
0x6c: {  	v49 =	vor.u32 $0x7, v3;
	v2 =	vld.idx.msk [tilespmem:v48+s11+$0x0], $0xffff  }
0x6d: {  	v50 =	vor.u32 $0x8, v1;
	_ =	sdelay $0x3  }
0x6e: {  	[tilespmem:v49+s0+$0x0] =	vst.idx.msk $0xffff, v2  }
0x6f: {  	v51 =	vor.u32 $0x8, v3;
	v2 =	vld.idx.msk [tilespmem:v50+s11+$0x0], $0xffff  }
0x70: {  	v52 =	vor.u32 $0x9, v1;
	_ =	sdelay $0x3  }
0x71: {  	[tilespmem:v51+s0+$0x0] =	vst.idx.msk $0xffff, v2  }
0x72: {  	v53 =	vor.u32 $0x9, v3;
	v2 =	vld.idx.msk [tilespmem:v52+s11+$0x0], $0xffff  }
0x73: {  	v54 =	vor.u32 $0xA, v1;
	_ =	sdelay $0x3  }
0x74: {  	[tilespmem:v53+s0+$0x0] =	vst.idx.msk $0xffff, v2  }
0x75: {  	v55 =	vor.u32 $0xA, v3;
	v2 =	vld.idx.msk [tilespmem:v54+s11+$0x0], $0xffff  }
0x76: {  	v56 =	vor.u32 $0xB, v1;
	_ =	sdelay $0x3  }
0x77: {  	[tilespmem:v55+s0+$0x0] =	vst.idx.msk $0xffff, v2  }
0x78: {  	v57 =	vor.u32 $0xB, v3;
	v2 =	vld.idx.msk [tilespmem:v56+s11+$0x0], $0xffff  }
0x79: {  	v58 =	vor.u32 $0xC, v1;
	_ =	sdelay $0x3  }
0x7a: {  	[tilespmem:v57+s0+$0x0] =	vst.idx.msk $0xffff, v2  }
0x7b: {  	v59 =	vor.u32 $0xC, v3;
	v2 =	vld.idx.msk [tilespmem:v58+s11+$0x0], $0xffff  }
0x7c: {  	v60 =	vor.u32 $0xD, v1;
	_ =	sdelay $0x3  }
0x7d: {  	[tilespmem:v59+s0+$0x0] =	vst.idx.msk $0xffff, v2  }
0x7e: {  	v61 =	vor.u32 $0xD, v3;
	v2 =	vld.idx.msk [tilespmem:v60+s11+$0x0], $0xffff  }
0x7f: {  	v62 =	vor.u32 $0xE, v1;
	_ =	sdelay $0x3  }
0x80: {  	[tilespmem:v61+s0+$0x0] =	vst.idx.msk $0xffff, v2  }
0x81: {  	v63 =	vor.u32 $0xE, v3;
	v2 =	vld.idx.msk [tilespmem:v62+s11+$0x0], $0xffff  }
0x82: {  	v1 =	vor.u32 $0xF, v1;
	_ =	sdelay $0x3  }
0x83: {  	[tilespmem:v63+s0+$0x0] =	vst.idx.msk $0xffff, v2  }
0x84: {  	s10 =	simm.s32 $0x10;
	v2 =	vld.idx.msk [tilespmem:v1+s11+$0x0], $0xffff;
	v1 =	vor.u32 $0xF, v3  }
.LBB2_5:
0x85: {  	_ =	sdelay $0x2  }
0x86: {  	p0 =	sne.s32 s10, $0x180  }
0x87: {  	s1 =	sadd.s32 $0x10, s1;
	s12 =	smov.u32 s10;
	s10 =	sadd.s32 $0x10, s10;
	[tilespmem:v1+s0+$0x0] =	vst.idx.msk $0xffff, v2  }
0x88: {  	v1 =	vld [tilespmem:s1+$0x0];
	_ =	sdelay $0x3  }
0x89: {  	v2 =	vmov s12  }
0x8a: {  	v2 =	vshll.u32 v2, $0x7;
	v1 =	vshll.u32 v1, $0x4  }
0x8b: {  	v3 =	vand.u32 $0x70, v1;
	v1 =	vor.u32 v0, v2  }
0x8c: {  	v2 =	vor.u32 v1, v3;
	_ =	sdelay $0x4  }
0x8d: {  	v3 =	vld.idx.msk [tilespmem:v2+s11+$0x0], $0xffff;
	_ =	sdelay $0x1  }
0x8e: {  	v4 =	vor.u32 $0x1, v2;
	_ =	sdelay $0x3  }
0x8f: {  	[tilespmem:v1+s0+$0x0] =	vst.idx.msk $0xffff, v3  }
0x90: {  	v3 =	vld.idx.msk [tilespmem:v4+s11+$0x0], $0xffff  }
0x91: {  	v4 =	vor.u32 $0x1, v1  }
0x92: {  	v5 =	vor.u32 $0x2, v2;
	_ =	sdelay $0x3  }
0x93: {  	[tilespmem:v4+s0+$0x0] =	vst.idx.msk $0xffff, v3  }
0x94: {  	v3 =	vld.idx.msk [tilespmem:v5+s11+$0x0], $0xffff  }
0x95: {  	v4 =	vor.u32 $0x2, v1  }
0x96: {  	v5 =	vor.u32 $0x3, v2;
	_ =	sdelay $0x3  }
0x97: {  	[tilespmem:v4+s0+$0x0] =	vst.idx.msk $0xffff, v3  }
0x98: {  	v3 =	vld.idx.msk [tilespmem:v5+s11+$0x0], $0xffff  }
0x99: {  	v4 =	vor.u32 $0x3, v1  }
0x9a: {  	v5 =	vor.u32 $0x4, v2;
	_ =	sdelay $0x3  }
0x9b: {  	[tilespmem:v4+s0+$0x0] =	vst.idx.msk $0xffff, v3  }
0x9c: {  	v3 =	vld.idx.msk [tilespmem:v5+s11+$0x0], $0xffff  }
0x9d: {  	v4 =	vor.u32 $0x4, v1  }
0x9e: {  	v5 =	vor.u32 $0x5, v2;
	_ =	sdelay $0x3  }
0x9f: {  	[tilespmem:v4+s0+$0x0] =	vst.idx.msk $0xffff, v3  }
0xa0: {  	v3 =	vld.idx.msk [tilespmem:v5+s11+$0x0], $0xffff  }
0xa1: {  	v4 =	vor.u32 $0x5, v1  }
0xa2: {  	v5 =	vor.u32 $0x6, v2;
	_ =	sdelay $0x3  }
0xa3: {  	[tilespmem:v4+s0+$0x0] =	vst.idx.msk $0xffff, v3  }
0xa4: {  	v3 =	vld.idx.msk [tilespmem:v5+s11+$0x0], $0xffff  }
0xa5: {  	v4 =	vor.u32 $0x6, v1  }
0xa6: {  	v5 =	vor.u32 $0x7, v2;
	_ =	sdelay $0x3  }
0xa7: {  	[tilespmem:v4+s0+$0x0] =	vst.idx.msk $0xffff, v3  }
0xa8: {  	v3 =	vld.idx.msk [tilespmem:v5+s11+$0x0], $0xffff  }
0xa9: {  	v4 =	vor.u32 $0x7, v1  }
0xaa: {  	v5 =	vor.u32 $0x8, v2;
	_ =	sdelay $0x3  }
0xab: {  	[tilespmem:v4+s0+$0x0] =	vst.idx.msk $0xffff, v3  }
0xac: {  	v3 =	vld.idx.msk [tilespmem:v5+s11+$0x0], $0xffff  }
0xad: {  	v4 =	vor.u32 $0x8, v1  }
0xae: {  	v5 =	vor.u32 $0x9, v2;
	_ =	sdelay $0x3  }
0xaf: {  	[tilespmem:v4+s0+$0x0] =	vst.idx.msk $0xffff, v3  }
0xb0: {  	v3 =	vld.idx.msk [tilespmem:v5+s11+$0x0], $0xffff  }
0xb1: {  	v4 =	vor.u32 $0x9, v1  }
0xb2: {  	v5 =	vor.u32 $0xA, v2;
	_ =	sdelay $0x3  }
0xb3: {  	[tilespmem:v4+s0+$0x0] =	vst.idx.msk $0xffff, v3  }
0xb4: {  	v3 =	vld.idx.msk [tilespmem:v5+s11+$0x0], $0xffff  }
0xb5: {  	v4 =	vor.u32 $0xA, v1  }
0xb6: {  	v5 =	vor.u32 $0xB, v2;
	_ =	sdelay $0x3  }
0xb7: {  	[tilespmem:v4+s0+$0x0] =	vst.idx.msk $0xffff, v3  }
0xb8: {  	v3 =	vld.idx.msk [tilespmem:v5+s11+$0x0], $0xffff  }
0xb9: {  	v4 =	vor.u32 $0xB, v1  }
0xba: {  	v5 =	vor.u32 $0xC, v2;
	_ =	sdelay $0x3  }
0xbb: {  	[tilespmem:v4+s0+$0x0] =	vst.idx.msk $0xffff, v3  }
0xbc: {  	v3 =	vld.idx.msk [tilespmem:v5+s11+$0x0], $0xffff  }
0xbd: {  	v4 =	vor.u32 $0xC, v1  }
0xbe: {  	v5 =	vor.u32 $0xD, v2;
	_ =	sdelay $0x3  }
0xbf: {  	[tilespmem:v4+s0+$0x0] =	vst.idx.msk $0xffff, v3  }
0xc0: {  	v3 =	vld.idx.msk [tilespmem:v5+s11+$0x0], $0xffff  }
0xc1: {  	v4 =	vor.u32 $0xD, v1  }
0xc2: {  	v5 =	vor.u32 $0xE, v2;
	_ =	sdelay $0x3  }
0xc3: {  	[tilespmem:v4+s0+$0x0] =	vst.idx.msk $0xffff, v3  }
0xc4: {  	v3 =	vld.idx.msk [tilespmem:v5+s11+$0x0], $0xffff  }
0xc5: {  	v4 =	vor.u32 $0xE, v1  }
0xc6: {  	v2 =	vor.u32 $0xF, v2;
	_ =	sdelay $0x1  }
.Ltmp1:
0xc7: {  	(pc) =	sbr.rel @p0 .LBB2_5-.Ltmp1, $4  }
0xc8: {  	_ = 	snop  }
0xc9: {  	[tilespmem:v4+s0+$0x0] =	vst.idx.msk $0xffff, v3  }
0xca: {  	v2 =	vld.idx.msk [tilespmem:v2+s11+$0x0], $0xffff  }
0xcb: {  	v1 =	vor.u32 $0xF, v1  }
0xcc: {  	_ =	sdelay $0x1  }
0xcd: {  	s7 =	sadd.s32 $0x1, s7  }
0xce: {  	s1 =	sshll.u32 s2, $0x4;
	p0 =	sne.s32 s7, $0x19  }
.Ltmp2:
0xcf: {  	s12 =	simm.s32 $0x0;
	s1 =	sadd.s32 s5, s1;
	[tilespmem:v1+s0+$0x0] =	vst.idx.msk $0xffff, v2;
	(pc) =	sbr.rel @p0 .LBB2_2-.Ltmp2, $4  }
0xd0: {  	[hbm4b:s1+s12] =	stream.linear.scatter [tilespmem:s0], [sflag:$0x2], $0xC800, $0x38;
	[tilespmem:$0x19400] =	vst v63  }
0xd1: {  	_ =	swait.ge [sflag:s8], $0xC800  }
0xd2: {  	[sflag:s8] =	ssyncset.done $0x0  }
0xd3: {  	[sflag:s8] =	ssyncadd.s32 $0xFFFF3800  }
0xd4: {  	s2 =	rddreg [dreg:$0x3]  }
0xd5: {  	s1 =	rddreg [dreg:$0x2];
	s2 =	sadd.s32 $0x1, s2  }
0xd6: {  	p0 =	sne.s32 s2, s1  }
.Ltmp3:
0xd7: {  	_ = 	snop;
	(pc) =	sbr.rel @p0 .LBB2_1-.Ltmp3, $1  }
0xd8: {  	_ =	sdelay $0x3  }
0xd9: {  	_ =	sfence.sel $0x180000  }
0xda: {  	[bflag:$0x0] =	sbarrier.arrive $0xFFFF  }
0xdb: {  	_ =	strace $0x90000050  }
0xdc: {  	s0 =	stileid.u32;
	[bflag:$0x2] =	sbarrier.arrive $0xFFFF  }
0xdd: {  	p0 =	sne.s32 s0, $0x0;
	s0 =	rddreg [dreg:$0x1]  }
0xde: {  	s0 =	sadd.s32 @!p0 $0x100000, s0  }
0xdf: {  	[sflag:s0] =	ssyncadd.tile.s32 @!p0 $0x1;
	_ =	shalt  }
.Lfunc_end2:
_tile_overlayer_lowered:
.L_overlay_start_2:
0xe0: {  	(tag) =	ssettag $0x2  }
0xe1: {  	s0 =	rddreg [dreg:$0x0];
	s2 =	stileid.u32  }
0xe2: {  	s1 =	rddreg [dreg:$0x1];
	p0 =	sne.s32 s2, $0x0  }
0xe3: {  	s3 =	rddreg [dreg:$0x2];
	[bflag:$0x3] =	sbarrier.arrive $0xFFFF;
	s2 =	simm.s32 @!p0 $0x1C02  }
0xe4: {  	[timem:s3], [sflag:s2] =	dma.local @!p0 [hbm:s0], s1  }
0xe5: {  	s0 =	simm.s32 @!p0 $0x2  }
0xe6: {  	_ =	swait.ge @!p0 [sflag:s0], s1  }
0xe7: {  	s1 =	ssub.s32 @!p0 $0x0, s1;
	[sflag:s0] =	ssyncset.done @!p0 $0x0  }
0xe8: {  	[sflag:s0] =	ssyncadd.s32 @!p0 s1  }
0xe9: {  	[bflag:$0x3] =	sbarrier.arrive $0xFFFF  }
0xea: {  	_ =	shalt  }

// kernel: kernel.7.cloned.1.call-start
scs
__scs_entry_jumppad:
0x0: {  	(pc) =	sbr.rel $0x88, $3  }
0x1: {  	(tag) =	ssettag $0x0;
	lr =	simm.s32 $0x1  }
0x2: {  	[smem:$0x3F99] =	sst lr;
	_ =	strace $0xD0000000  }
0x3: {  	_ = 	snop  }
0x4: {  	_ = 	snop  }
0x5: {  	_ = 	snop  }
0x6: {  	_ = 	snop  }
0x7: {  	_ = 	snop  }
__scs_overlays_trampoline_lowered:
0x8: {  	[smem:$0x3FA8] =	sst s0  }
0x9: {  	[smem:$0x3FA9] =	sst s1  }
0xa: {  	[smem:$0x3FAA] =	sst s2  }
0xb: {  	[smem:$0x3FAB] =	sst s3  }
0xc: {  	[smem:$0x3FAC] =	sst s4  }
0xd: {  	[smem:$0x3FAD] =	sst s5  }
0xe: {  	[smem:$0x3FAE] =	sst s6  }
0xf: {  	[smem:$0x3FAF] =	sst s7  }
0x10: {  	[smem:$0x3FB0] =	sst s8  }
0x11: {  	[smem:$0x3FB1] =	sst s9;
	s0 =	simm.s32 @!p0 $0x0  }
0x12: {  	s1 =	sld [smem:$0x3F97];
	s0 =	simm.s32 @p0 $0x1  }
0x13: {  	[smem:$0x3FB2] =	sst s0;
	s0 =	simm.s32 @!p1 $0x0  }
0x14: {  	s2 =	sld [smem:$0x3F96];
	s0 =	simm.s32 @p1 $0x1  }
0x15: {  	[smem:$0x3FB3] =	sst s0;
	s0 =	simm.s32 @!p2 $0x0  }
0x16: {  	s3 =	sld [smem:$0x3FDB];
	s0 =	simm.s32 @p2 $0x1  }
0x17: {  	s4 =	simm.s32 $0x1BF5;
	[smem:$0x3FB5] =	sst s0  }
0x18: {  	s0 =	sld [smem:$0x3F98];
	_ =	swait.ge [sflag:s4], $0x0  }
0x19: {  	s7 =	sld [smem:$0x3F99]  }
0x1a: {  	s8 =	sadd.s32 $0xFFFFE003, lr  }
0x1b: {  	s9 =	sadd.s32 $0xFFFFFEF7, lr;
	s5 =	simm.s32 $0xFFFFFFFF;
	p2 =	slt.u32 s8, $0xFFFFF086  }
0x1c: {  	p1 =	slt.u32 s9, $0xF7A;
	s5 =	simm.s32 @!p2 $0x0  }
0x1d: {  	s5 =	simm.s32 @p1 $0x1;
	p0 =	seq.s32 s7, s2  }
0x1e: {  	s7 =	smul.u32 @!p0 $0xF7A, s2;
	p2 =	seq.s32 @!p0 s5, $0x0  }
0x1f: {  	s9 =	smul.u32 $0xF7A, s1;
	s8 =	simm.s32 @!p0 $0x1BF5;
	p2 =	por !p2, p0  }
0x20: {  	[sflag:s8] =	ssyncset.s32 @!p0 $0xFFFFF086;
	s6 =	sadd.s32 @!p0 s3, s7;
	s7 =	simm.s32 @!p0 $0x108  }
0x21: {  	s3 =	sadd.s32 s3, s9;
	s6 =	sadd.s32 @!p0 $0x88, s6;
	s7 =	simm.s32 @p2 $0x1082  }
0x22: {  	[simem:s7], [sflag:s8] =	dma.local @!p0 [hbm:s6], $0xF7A  }
0x23: {  	s9 =	sor.u32 $0xD0000000, s2;
	s6 =	simm.s32 $0x108;
	_ =	swait.ge @!p0 [sflag:s8], $0x0  }
0x24: {  	s3 =	sadd.s32 $0x88, s3;
	s6 =	simm.s32 @!p1 $0x1082;
	[sflag:s4] =	ssyncset.s32 $0xFFFFF086  }
0x25: {  	[simem:s6], [sflag:s4] =	dma.local [hbm:s3], $0xF7A  }
0x26: {  	[smem:$0x3F99] =	sst s1;
	(tag) =	ssettag s2;
	_ =	strace s9  }
0x27: {  	s1 =	sld [smem:$0x3FA9]  }
0x28: {  	s2 =	sld [smem:$0x3FAA]  }
0x29: {  	s4 =	sld [smem:$0x3FAC]  }
0x2a: {  	p0 =	seq.s32 s5, $0x0;
	s5 =	sld [smem:$0x3FAD]  }
0x2b: {  	s6 =	sld [smem:$0x3FAE]  }
0x2c: {  	s7 =	sld [smem:$0x3FAF]  }
0x2d: {  	s3 =	simm.s32 $0x108;
	s8 =	sld [smem:$0x3FB0]  }
0x2e: {  	s3 =	simm.s32 @!p0 $0x1082;
	s9 =	sld [smem:$0x3FB1]  }
0x2f: {  	lr =	sadd.s32 s0, s3;
	s0 =	sld [smem:$0x3FA8]  }
0x30: {  	s3 =	sld [smem:$0x3FAB]  }
0x31: {  	[smem:$0x3FB4] =	sst s10  }
0x32: {  	s10 =	sld [smem:$0x3FB2];
	_ =	sdelay $0x3  }
0x33: {  	p0 =	seq.s32 s10, $0x1;
	s10 =	sld [smem:$0x3FB4];
	_ =	sdelay $0x3  }
0x34: {  	[smem:$0x3FB4] =	sst s10  }
0x35: {  	s10 =	sld [smem:$0x3FB3];
	_ =	sdelay $0x3  }
0x36: {  	p1 =	seq.s32 s10, $0x1;
	s10 =	sld [smem:$0x3FB4];
	_ =	sdelay $0x3  }
0x37: {  	[smem:$0x3FB4] =	sst s10  }
0x38: {  	s10 =	sld [smem:$0x3FB5]  }
0x39: {  	_ = 	snop;
	(pc) =	sbr.ind lr, $3  }
0x3a: {  	_ = 	snop  }
0x3b: {  	_ = 	snop  }
0x3c: {  	p2 =	seq.s32 s10, $0x1;
	s10 =	sld [smem:$0x3FB4]  }
0x3d: {  	_ =	shalt  }
0x3e: {  	_ =	shalt  }
0x3f: {  	_ =	shalt  }
0x40: {  	_ =	shalt  }
0x41: {  	_ =	shalt  }
0x42: {  	_ =	shalt  }
0x43: {  	_ =	shalt  }
0x44: {  	_ =	shalt  }
0x45: {  	_ =	shalt  }
0x46: {  	_ =	shalt  }
0x47: {  	_ =	shalt  }
0x48: {  	_ =	shalt  }
0x49: {  	_ =	shalt  }
0x4a: {  	_ =	shalt  }
0x4b: {  	_ =	shalt  }
0x4c: {  	_ =	shalt  }
0x4d: {  	_ =	shalt  }
0x4e: {  	_ =	shalt  }
0x4f: {  	_ =	shalt  }
0x50: {  	_ =	shalt  }
0x51: {  	_ =	shalt  }
0x52: {  	_ =	shalt  }
0x53: {  	_ =	shalt  }
0x54: {  	_ =	shalt  }
0x55: {  	_ =	shalt  }
0x56: {  	_ =	shalt  }
0x57: {  	_ =	shalt  }
0x58: {  	_ =	shalt  }
0x59: {  	_ =	shalt  }
0x5a: {  	_ =	shalt  }
0x5b: {  	_ =	shalt  }
0x5c: {  	_ =	shalt  }
0x5d: {  	_ =	shalt  }
0x5e: {  	_ =	shalt  }
0x5f: {  	_ =	shalt  }
0x60: {  	_ =	shalt  }
0x61: {  	_ =	shalt  }
0x62: {  	_ =	shalt  }
0x63: {  	_ =	shalt  }
0x64: {  	_ =	shalt  }
0x65: {  	_ =	shalt  }
0x66: {  	_ =	shalt  }
0x67: {  	_ =	shalt  }
0x68: {  	_ =	shalt  }
0x69: {  	_ =	shalt  }
0x6a: {  	_ =	shalt  }
0x6b: {  	_ =	shalt  }
0x6c: {  	_ =	shalt  }
0x6d: {  	_ =	shalt  }
0x6e: {  	_ =	shalt  }
0x6f: {  	_ =	shalt  }
0x70: {  	_ =	shalt  }
0x71: {  	_ =	shalt  }
0x72: {  	_ =	shalt  }
0x73: {  	_ =	shalt  }
0x74: {  	_ =	shalt  }
0x75: {  	_ =	shalt  }
0x76: {  	_ =	shalt  }
0x77: {  	_ =	shalt  }
0x78: {  	_ =	shalt  }
0x79: {  	_ =	shalt  }
0x7a: {  	_ =	shalt  }
0x7b: {  	_ =	shalt  }
0x7c: {  	_ =	shalt  }
0x7d: {  	_ =	shalt  }
0x7e: {  	_ =	shalt  }
0x7f: {  	_ =	shalt  }
0x80: {  	_ =	shalt  }
0x81: {  	_ =	shalt  }
0x82: {  	_ =	shalt  }
0x83: {  	_ =	shalt  }
0x84: {  	_ =	shalt  }
0x85: {  	_ =	shalt  }
0x86: {  	_ =	shalt  }
0x87: {  	_ =	shalt  }
.Lfunc_end0:
.L_simem_size_0:
called_computation_lowered:
.L_overlay_start_0:
0x88: {  	s2 =	sld [smem:$0x3FD9]  }
0x89: {  	s3 =	sld [smem:$0x3FFE];
	_ =	sdelay $0x1  }
0x8a: {  	s1 =	srdreg.scid  }
0x8b: {  	s0 =	sand.u32 $0x1, s1  }
0x8c: {  	s17 =	sshll.u32 s0, $0xA;
	s2 =	sadd.s32 s3, s2  }
0x8d: {  	s2 =	sadd.s32 s2, s17  }
0x8e: {  	[smem:$0x3FC0] =	sst s2  }
0x8f: {  	_ = 	snop  }
0x90: {  	s2 =	sld [smem:$0x3FC9]  }
0x91: {  	s18 =	sld [smem:$0x3FC7]  }
0x92: {  	s4 =	sld [smem:$0x3FC6];
	(tm) =	ssettm $0x1  }
0x93: {  	s5 =	sld [smem:$0x3FFB];
	_ =	sdelay $0x3  }
0x94: {  	_ =	strace s5  }
0x95: {  	s5 =	sld [smem:$0x3FFC];
	_ =	sdelay $0x3  }
0x96: {  	_ =	strace s5  }
0x97: {  	s5 =	sld [smem:$0x3FFD];
	_ =	sdelay $0x3  }
0x98: {  	_ =	strace s5  }
0x99: {  	_ =	strace $0x8FFFFFFF  }
0x9a: {  	s19 =	sld [smem:$0x3FDB];
	_ =	sdelay $0x1  }
0x9b: {  	s6 =	simm.s32 $_scs_section_size  }
0x9c: {  	s7 =	simm.s32 $_size__tile_overlayer_lowered;
	s8 =	simm.s32 $_tile_overlayer_lowered  }
0x9d: {  	s22 =	simm.s32 $0x1BFF;
	s21 =	sshll.u32 s8, $0x1;
	s5 =	sadd.s32 s6, s19  }
0x9e: {  	s9 =	simm.s32 $0x0;
	s20 =	sshll.u32 s7, $0x1;
	s7 =	sadd.s32 s21, s5  }
0x9f: {  	[timem:s9], [sflag:s22] =	dma.local [hbm:s7], s20  }
0xa0: {  	_ =	swait.ge [sflag:s22], s20  }
0xa1: {  	s6 =	ssub.s32 $0x0, s20;
	[sflag:s22] =	ssyncset.done $0x0  }
0xa2: {  	[sflag:s22] =	ssyncadd.s32 s6;
	_ =	sdelay $0x1  }
0xa3: {  	s23 =	simm.s32 $0x1B8B  }
0xa4: {  	_ =	swait.ge [sflag:s23], $0x1  }
0xa5: {  	[sflag:s23] =	ssyncset.done $0x0  }
0xa6: {  	s25 =	simm.s32 $0x1B8E;
	s24 =	sld [smem:$0x3FFE];
	[sflag:s23] =	ssyncadd.s32 $0xFFFFFFFF  }
0xa7: {  	s26 =	simm.s32 $execute0_lowered;
	[smem:$0x3FD2] =	sst s25  }
0xa8: {  	s7 =	sshll.u32 s26, $0x1;
	_ =	strace $0x80000046;
	[dreg:$0x1] =	wrdreg $0xFFFFFFFF  }
0xa9: {  	s28 =	simm.s32 $_size_execute0_lowered;
	s5 =	sadd.s32 s5, s7;
	[dreg:$0x0] =	wrdreg $0x0  }
0xaa: {  	s7 =	sshll.u32 s28, $0x1;
	[dreg:$0x2] =	wrdreg s5  }
0xab: {  	[dreg:$0x3] =	wrdreg s7  }
0xac: {  	[dreg:$0x4] =	wrdreg $0xC0  }
0xad: {  	_ =	task [dreg:s9], $0x5FFFF  }
0xae: {  	[dreg:$0x1] =	wrdreg $0xFFFFFFFF  }
0xaf: {  	[dreg:$0x0] =	wrdreg $0x60  }
0xb0: {  	[dreg:$0x2] =	wrdreg s2  }
0xb1: {  	[dreg:$0x3] =	wrdreg s18  }
0xb2: {  	[dreg:$0x4] =	wrdreg s4  }
0xb3: {  	[dreg:$0x5] =	wrdreg s24  }
0xb4: {  	[dreg:$0x6] =	wrdreg $0x9  }
0xb5: {  	_ =	task.clear_ibuf [dreg:s9], $0x7FFFF;
	_ =	strace $0x90000046  }
0xb6: {  	s29 =	simm.s32 $0x9;
	_ =	strace $0x80000048  }
0xb7: {  	_ =	swait.ge [sflag:s29], $0x1  }
0xb8: {  	[sflag:s29] =	ssyncadd.s32 $0xFFFFFFFF  }
0xb9: {  	_ =	strace $0x90000048  }
0xba: {  	_ =	sfence  }
0xbb: {  	s30 =	sld [smem:$0x0];
	_ =	sdelay $0x2  }
0xbc: {  	s31 =	sshll.u32 s1, $0xD;
	s1 =	sshrl.u32 s1, $0x2  }
0xbd: {  	s3 =	sand.u32 $0x4000, s31;
	s1 =	sadd.s32 s1, s30  }
0xbe: {  	s0 =	sor.u32 s3, s0;
	s1 =	sshll.u32 s1, $0x11  }
0xbf: {  	s0 =	sor.u32 s1, s0  }
0xc0: {  	s0 =	sadd.s32 $0x8F2B, s0  }
0xc1: {  	[sflag:s0] =	ssyncadd.remote.s32 $0x1  }
0xc2: {  	_ =	sfence.sel $0xFFFF  }
0xc3: {  	[dreg:$0x0] =	wrdreg $0xFFFFFFFF;
	(pc) =	sbr.abs _section_cstart, $3  }
0xc4: {  	[dreg:$0x1] =	wrdreg $0xFFFFFFFF  }
0xc5: {  	_ =	task.clear_ibuf [dreg:s9], $0x2FFFF;
	_ =	strace $0x9FFFFFFF  }
0xc6: {  	(tm) =	ssettm $0x7FFFFFFF  }
0xc7: {  	_ =	shalt  }
tec
execute0_lowered:
.L_overlay_start_1:
0x0: {  	(tag) =	ssettag $0x1  }
0x1: {  	s1 =	rddreg [dreg:$0x0]  }
0x2: {  	s0 =	rddreg [dreg:$0x1]  }
0x3: {  	s2 =	rddreg [dreg:$0x2]  }
0x4: {  	s4 =	rddreg [dreg:$0x3]  }
0x5: {  	s8 =	stileid.u32;
	s5 =	srdreg.scid;
	s3 =	simm.s32 $0x0  }
0x6: {  	s15 =	simm.s32 $0x400;
	s17 =	simm.s32 $0x13000;
	s18 =	simm.s32 $0x280  }
0x7: {  	s19 =	simm.s32 $0x14400;
	s20 =	simm.s32 $0x2A8;
	s21 =	simm.s32 $0x15800  }
0x8: {  	s22 =	simm.s32 $0x2D0;
	s23 =	simm.s32 $0x16C00;
	s24 =	simm.s32 $0x2F8  }
0x9: {  	s16 =	simm.s32 $0x320;
	s28 =	simm.s32 $0x348;
	s29 =	simm.s32 $0x1A800  }
0xa: {  	s30 =	simm.s32 $0x370;
	s31 =	simm.s32 $0x1BC00;
	s13 =	simm.s32 $0x398  }
0xb: {  	s12 =	simm.s32 $0x1D000;
	s14 =	simm.s32 $0x3C0;
	s6 =	smul.u32 $0x4E20, s8  }
0xc: {  	s11 =	simm.s32 $0x0;
	s5 =	sand.u32 $0x1, s5;
	s8 =	smul.u32 $0x4E200, s8  }
0xd: {  	[smem:$0x7FF] =	sst s3;
	s7 =	smul.u32 $0x2710, s5;
	s9 =	ssub.s32 $0x2, s5  }
0xe: {  	_ =	strace $0x80000047;
	s5 =	smul.u32 $0x27100, s5;
	s10 =	sshrl.u32 s9, $0x1  }
0xf: {  	s4 =	sadd.s32 s8, s4;
	s8 =	simm.s32 $0x28;
	s6 =	sadd.s32 s7, s6  }
0x10: {  	s25 =	ssub.s32 s9, s10;
	s4 =	sadd.s32 s5, s4;
	s10 =	simm.s32 $0x1800  }
0x11: {  	s9 =	simm.s32 $0x1E400;
	s6 =	sshrl.u32 s6, $0x3;
	s7 =	smax.u32 s25, $0x1  }
0x12: {  	s5 =	sadd.s32 $0x2200, s4;
	s25 =	simm.s32 $0x18000;
	[dreg:$0x7] =	wrdreg s7  }
0x13: {  	s0 =	sadd.s32 s6, s0;
	[dreg:$0x8] =	wrdreg s5;
	s26 =	sadd.s32 s6, s2  }
0x14: {  	s2 =	sadd.s32 $0x4EA200, s4;
	s7 =	simm.s32 $0x2;
	[dreg:$0x5] =	wrdreg s0  }
0x15: {  	s5 =	simm.s32 $0xF400;
	s4 =	simm.s32 $0x11C00;
	[dreg:$0x6] =	wrdreg s26  }
0x16: {  	s26 =	simm.s32 $0x19400;
	s0 =	simm.s32 $0x1;
	[dreg:$0x9] =	wrdreg s2  }
.LBB2_1:
0x17: {  	s2 =	rddreg [dreg:$0x5]  }
0x18: {  	[dreg:$0xa] =	wrdreg s11;
	s2 =	sadd.s32 $0x0, s2  }
0x19: {  	[tilespmem:s3], [sflag:$0x2] =	stream.linear.gather [hbm4b:s2+s3], $0x3E8, $0x38;
	[tilespmem:$0x1F800] =	vst v63  }
0x1a: {  	_ =	swait.ge [sflag:s7], $0x3E8  }
0x1b: {  	[sflag:s7] =	ssyncset.done $0x0  }
0x1c: {  	[sflag:s7] =	ssyncadd.s32 $0xFFFFFC18  }
0x1d: {  	[tilespmem:s15], [sflag:$0x1] =	stream.indirect.gather [hbm4b:s1+s8], $0x80, s3, s8, $0xb8;
	[tilespmem:$0x1F800] =	vst v63  }
0x1e: {  	_ = 	snop  }
0x1f: {  	[tilespmem:s10], [sflag:$0x1] =	stream.indirect.gather [hbm4b:s1+s8], $0x80, s8, s8, $0xb8;
	[tilespmem:$0x1F800] =	vst v63  }
0x20: {  	s11 =	simm.s32 $0x50;
	s6 =	simm.s32 $0x2C00  }
0x21: {  	[tilespmem:s6], [sflag:$0x1] =	stream.indirect.gather [hbm4b:s1+s8], $0x80, s11, s8, $0xb8;
	[tilespmem:$0x1F800] =	vst v63  }
0x22: {  	s10 =	simm.s32 $0x78;
	s11 =	simm.s32 $0x4000  }
0x23: {  	[tilespmem:s11], [sflag:$0x1] =	stream.indirect.gather [hbm4b:s1+s8], $0x80, s10, s8, $0xb8;
	[tilespmem:$0x1F800] =	vst v63  }
0x24: {  	s10 =	simm.s32 $0xA0;
	s11 =	simm.s32 $0x5400  }
0x25: {  	[tilespmem:s11], [sflag:$0x1] =	stream.indirect.gather [hbm4b:s1+s8], $0x80, s10, s8, $0xb8;
	[tilespmem:$0x1F800] =	vst v63  }
0x26: {  	s10 =	simm.s32 $0xC8;
	s11 =	simm.s32 $0x6800  }
0x27: {  	[tilespmem:s11], [sflag:$0x1] =	stream.indirect.gather [hbm4b:s1+s8], $0x80, s10, s8, $0xb8;
	[tilespmem:$0x1F800] =	vst v63  }
0x28: {  	s10 =	simm.s32 $0xF0;
	s11 =	simm.s32 $0x7C00  }
0x29: {  	[tilespmem:s11], [sflag:$0x1] =	stream.indirect.gather [hbm4b:s1+s8], $0x80, s10, s8, $0xb8;
	[tilespmem:$0x1F800] =	vst v63  }
0x2a: {  	s10 =	simm.s32 $0x118;
	s11 =	simm.s32 $0x9000  }
0x2b: {  	[tilespmem:s11], [sflag:$0x1] =	stream.indirect.gather [hbm4b:s1+s8], $0x80, s10, s8, $0xb8;
	[tilespmem:$0x1F800] =	vst v63  }
0x2c: {  	s10 =	simm.s32 $0x140;
	s11 =	simm.s32 $0xA400  }
0x2d: {  	[tilespmem:s11], [sflag:$0x1] =	stream.indirect.gather [hbm4b:s1+s8], $0x80, s10, s8, $0xb8;
	[tilespmem:$0x1F800] =	vst v63  }
0x2e: {  	s10 =	simm.s32 $0x168;
	s11 =	simm.s32 $0xB800  }
0x2f: {  	[tilespmem:s11], [sflag:$0x1] =	stream.indirect.gather [hbm4b:s1+s8], $0x80, s10, s8, $0xb8;
	[tilespmem:$0x1F800] =	vst v63  }
0x30: {  	s10 =	simm.s32 $0x190;
	s11 =	simm.s32 $0xCC00  }
0x31: {  	[tilespmem:s11], [sflag:$0x1] =	stream.indirect.gather [hbm4b:s1+s8], $0x80, s10, s8, $0xb8;
	[tilespmem:$0x1F800] =	vst v63  }
0x32: {  	s6 =	simm.s32 $0xE000;
	s10 =	simm.s32 $0x1B8  }
0x33: {  	[tilespmem:s6], [sflag:$0x1] =	stream.indirect.gather [hbm4b:s1+s8], $0x80, s10, s8, $0xb8;
	[tilespmem:$0x1F800] =	vst v63  }
0x34: {  	s11 =	simm.s32 $0x1E0  }
0x35: {  	[tilespmem:s5], [sflag:$0x1] =	stream.indirect.gather [hbm4b:s1+s8], $0x80, s11, s8, $0xb8;
	[tilespmem:$0x1F800] =	vst v63  }
0x36: {  	s6 =	simm.s32 $0x10800;
	s5 =	simm.s32 $0x208  }
0x37: {  	[tilespmem:s6], [sflag:$0x1] =	stream.indirect.gather [hbm4b:s1+s8], $0x80, s5, s8, $0xb8;
	[tilespmem:$0x1F800] =	vst v63  }
0x38: {  	s10 =	simm.s32 $0x230  }
0x39: {  	[tilespmem:s4], [sflag:$0x1] =	stream.indirect.gather [hbm4b:s1+s8], $0x80, s10, s8, $0xb8;
	[tilespmem:$0x1F800] =	vst v63  }
0x3a: {  	s11 =	simm.s32 $0x258  }
0x3b: {  	[tilespmem:s17], [sflag:$0x1] =	stream.indirect.gather [hbm4b:s1+s8], $0x80, s11, s8, $0xb8;
	[tilespmem:$0x1F800] =	vst v63  }
0x3c: {  	_ = 	snop  }
0x3d: {  	[tilespmem:s19], [sflag:$0x1] =	stream.indirect.gather [hbm4b:s1+s8], $0x80, s18, s8, $0xb8;
	[tilespmem:$0x1F800] =	vst v63  }
0x3e: {  	_ = 	snop  }
0x3f: {  	[tilespmem:s21], [sflag:$0x1] =	stream.indirect.gather [hbm4b:s1+s8], $0x80, s20, s8, $0xb8;
	[tilespmem:$0x1F800] =	vst v63  }
0x40: {  	_ = 	snop  }
0x41: {  	[tilespmem:s23], [sflag:$0x1] =	stream.indirect.gather [hbm4b:s1+s8], $0x80, s22, s8, $0xb8;
	[tilespmem:$0x1F800] =	vst v63  }
0x42: {  	_ = 	snop  }
0x43: {  	[tilespmem:s25], [sflag:$0x1] =	stream.indirect.gather [hbm4b:s1+s8], $0x80, s24, s8, $0xb8;
	[tilespmem:$0x1F800] =	vst v63  }
0x44: {  	_ = 	snop  }
0x45: {  	[tilespmem:s26], [sflag:$0x1] =	stream.indirect.gather [hbm4b:s1+s8], $0x80, s16, s8, $0xb8;
	[tilespmem:$0x1F800] =	vst v63  }
0x46: {  	_ = 	snop  }
0x47: {  	[tilespmem:s29], [sflag:$0x1] =	stream.indirect.gather [hbm4b:s1+s8], $0x80, s28, s8, $0xb8;
	[tilespmem:$0x1F800] =	vst v63  }
0x48: {  	_ = 	snop  }
0x49: {  	[tilespmem:s31], [sflag:$0x1] =	stream.indirect.gather [hbm4b:s1+s8], $0x80, s30, s8, $0xb8;
	[tilespmem:$0x1F800] =	vst v63  }
0x4a: {  	_ = 	snop  }
0x4b: {  	[tilespmem:s12], [sflag:$0x1] =	stream.indirect.gather [hbm4b:s1+s8], $0x80, s13, s8, $0xb8;
	[tilespmem:$0x1F800] =	vst v63  }
0x4c: {  	_ = 	snop  }
0x4d: {  	[tilespmem:s9], [sflag:$0x1] =	stream.indirect.gather [hbm4b:s1+s8], $0x80, s14, s8, $0xb8;
	[tilespmem:$0x1F800] =	vst v63  }
0x4e: {  	_ =	swait.ge [sflag:s0], $0x1400  }
0x4f: {  	[sflag:s0] =	ssyncset.done $0x0  }
0x50: {  	[sflag:s0] =	ssyncadd.s32 $0xFFFFEC00  }
0x51: {  	_ =	swait.ge [sflag:s0], $0x1400  }
0x52: {  	[sflag:s0] =	ssyncset.done $0x0  }
0x53: {  	[sflag:s0] =	ssyncadd.s32 $0xFFFFEC00  }
0x54: {  	_ =	swait.ge [sflag:s0], $0x1400  }
0x55: {  	[sflag:s0] =	ssyncset.done $0x0  }
0x56: {  	[sflag:s0] =	ssyncadd.s32 $0xFFFFEC00  }
0x57: {  	_ =	swait.ge [sflag:s0], $0x1400  }
0x58: {  	[sflag:s0] =	ssyncset.done $0x0  }
0x59: {  	[sflag:s0] =	ssyncadd.s32 $0xFFFFEC00  }
0x5a: {  	_ =	swait.ge [sflag:s0], $0x1400  }
0x5b: {  	[sflag:s0] =	ssyncset.done $0x0  }
0x5c: {  	[sflag:s0] =	ssyncadd.s32 $0xFFFFEC00  }
0x5d: {  	_ =	swait.ge [sflag:s0], $0x1400  }
0x5e: {  	[sflag:s0] =	ssyncset.done $0x0  }
0x5f: {  	[sflag:s0] =	ssyncadd.s32 $0xFFFFEC00  }
0x60: {  	_ =	swait.ge [sflag:s0], $0x1400  }
0x61: {  	[sflag:s0] =	ssyncset.done $0x0  }
0x62: {  	[sflag:s0] =	ssyncadd.s32 $0xFFFFEC00  }
0x63: {  	_ =	swait.ge [sflag:s0], $0x1400  }
0x64: {  	[sflag:s0] =	ssyncset.done $0x0  }
0x65: {  	[sflag:s0] =	ssyncadd.s32 $0xFFFFEC00  }
0x66: {  	_ =	swait.ge [sflag:s0], $0x1400  }
0x67: {  	[sflag:s0] =	ssyncset.done $0x0  }
0x68: {  	[sflag:s0] =	ssyncadd.s32 $0xFFFFEC00  }
0x69: {  	_ =	swait.ge [sflag:s0], $0x1400  }
0x6a: {  	[sflag:s0] =	ssyncset.done $0x0  }
0x6b: {  	[sflag:s0] =	ssyncadd.s32 $0xFFFFEC00  }
0x6c: {  	_ =	swait.ge [sflag:s0], $0x1400  }
0x6d: {  	[sflag:s0] =	ssyncset.done $0x0  }
0x6e: {  	[sflag:s0] =	ssyncadd.s32 $0xFFFFEC00  }
0x6f: {  	_ =	swait.ge [sflag:s0], $0x1400  }
0x70: {  	[sflag:s0] =	ssyncset.done $0x0  }
0x71: {  	[sflag:s0] =	ssyncadd.s32 $0xFFFFEC00  }
0x72: {  	_ =	swait.ge [sflag:s0], $0x1400  }
0x73: {  	[sflag:s0] =	ssyncset.done $0x0  }
0x74: {  	[sflag:s0] =	ssyncadd.s32 $0xFFFFEC00  }
0x75: {  	_ =	swait.ge [sflag:s0], $0x1400  }
0x76: {  	[sflag:s0] =	ssyncset.done $0x0  }
0x77: {  	[sflag:s0] =	ssyncadd.s32 $0xFFFFEC00  }
0x78: {  	_ =	swait.ge [sflag:s0], $0x1400  }
0x79: {  	[sflag:s0] =	ssyncset.done $0x0  }
0x7a: {  	[sflag:s0] =	ssyncadd.s32 $0xFFFFEC00  }
0x7b: {  	_ =	swait.ge [sflag:s0], $0x1400  }
0x7c: {  	[sflag:s0] =	ssyncset.done $0x0  }
0x7d: {  	[sflag:s0] =	ssyncadd.s32 $0xFFFFEC00  }
0x7e: {  	_ =	swait.ge [sflag:s0], $0x1400  }
0x7f: {  	[sflag:s0] =	ssyncset.done $0x0  }
0x80: {  	[sflag:s0] =	ssyncadd.s32 $0xFFFFEC00  }
0x81: {  	_ =	swait.ge [sflag:s0], $0x1400  }
0x82: {  	[sflag:s0] =	ssyncset.done $0x0  }
0x83: {  	[sflag:s0] =	ssyncadd.s32 $0xFFFFEC00  }
0x84: {  	_ =	swait.ge [sflag:s0], $0x1400  }
0x85: {  	[sflag:s0] =	ssyncset.done $0x0  }
0x86: {  	[sflag:s0] =	ssyncadd.s32 $0xFFFFEC00  }
0x87: {  	_ =	swait.ge [sflag:s0], $0x1400  }
0x88: {  	[sflag:s0] =	ssyncset.done $0x0  }
0x89: {  	[sflag:s0] =	ssyncadd.s32 $0xFFFFEC00  }
0x8a: {  	_ =	swait.ge [sflag:s0], $0x1400  }
0x8b: {  	[sflag:s0] =	ssyncset.done $0x0  }
0x8c: {  	[sflag:s0] =	ssyncadd.s32 $0xFFFFEC00  }
0x8d: {  	_ =	swait.ge [sflag:s0], $0x1400  }
0x8e: {  	[sflag:s0] =	ssyncset.done $0x0  }
0x8f: {  	[sflag:s0] =	ssyncadd.s32 $0xFFFFEC00  }
0x90: {  	_ =	swait.ge [sflag:s0], $0x1400  }
0x91: {  	[sflag:s0] =	ssyncset.done $0x0  }
0x92: {  	[sflag:s0] =	ssyncadd.s32 $0xFFFFEC00  }
0x93: {  	_ =	swait.ge [sflag:s0], $0x1400  }
0x94: {  	[sflag:s0] =	ssyncset.done $0x0  }
0x95: {  	[sflag:s0] =	ssyncadd.s32 $0xFFFFEC00  }
0x96: {  	_ =	swait.ge [sflag:s0], $0x1400  }
0x97: {  	[sflag:s0] =	ssyncset.done $0x0  }
0x98: {  	s4 =	rddreg [dreg:$0x8];
	[sflag:s0] =	ssyncadd.s32 $0xFFFFEC00  }
0x99: {  	[hbm4b:s4+s3] =	stream.linear.scatter [tilespmem:s15], [sflag:$0x2], $0x1F400, $0x38;
	[tilespmem:$0x1F800] =	vst v63  }
0x9a: {  	s5 =	simm.s32 $0x7D;
	_ =	swait.ge [sflag:s7], $0x1F400  }
0x9b: {  	s6 =	simm.s32 $0xFA;
	s10 =	rddreg [dreg:$0x5];
	[sflag:s7] =	ssyncset.done $0x0  }
.LBB2_2:
0x9c: {  	[sflag:s7] =	ssyncadd.s32 $0xFFFE0C00;
	s10 =	sadd.s32 s5, s10;
	s2 =	simm.s32 $0x0  }
0x9d: {  	[tilespmem:s2], [sflag:$0x2] =	stream.linear.gather [hbm4b:s10+s2], $0x3E8, $0x38;
	[tilespmem:$0x1F800] =	vst v63  }
0x9e: {  	_ =	swait.ge [sflag:s7], $0x3E8  }
0x9f: {  	[sflag:s7] =	ssyncset.done $0x0  }
0xa0: {  	[sflag:s7] =	ssyncadd.s32 $0xFFFFFC18  }
0xa1: {  	[tilespmem:s15], [sflag:$0x1] =	stream.indirect.gather [hbm4b:s1+s8], $0x80, s2, s8, $0xb8;
	[tilespmem:$0x1F800] =	vst v63  }
0xa2: {  	s3 =	simm.s32 $0x1800  }
0xa3: {  	[tilespmem:s3], [sflag:$0x1] =	stream.indirect.gather [hbm4b:s1+s8], $0x80, s8, s8, $0xb8;
	[tilespmem:$0x1F800] =	vst v63  }
0xa4: {  	s10 =	simm.s32 $0x50;
	s3 =	simm.s32 $0x2C00  }
0xa5: {  	[tilespmem:s3], [sflag:$0x1] =	stream.indirect.gather [hbm4b:s1+s8], $0x80, s10, s8, $0xb8;
	[tilespmem:$0x1F800] =	vst v63  }
0xa6: {  	s3 =	simm.s32 $0x4000;
	s10 =	simm.s32 $0x78  }
0xa7: {  	[tilespmem:s3], [sflag:$0x1] =	stream.indirect.gather [hbm4b:s1+s8], $0x80, s10, s8, $0xb8;
	[tilespmem:$0x1F800] =	vst v63  }
0xa8: {  	s3 =	simm.s32 $0x5400;
	s10 =	simm.s32 $0xA0  }
0xa9: {  	[tilespmem:s3], [sflag:$0x1] =	stream.indirect.gather [hbm4b:s1+s8], $0x80, s10, s8, $0xb8;
	[tilespmem:$0x1F800] =	vst v63  }
0xaa: {  	s3 =	simm.s32 $0x6800;
	s10 =	simm.s32 $0xC8  }
0xab: {  	[tilespmem:s3], [sflag:$0x1] =	stream.indirect.gather [hbm4b:s1+s8], $0x80, s10, s8, $0xb8;
	[tilespmem:$0x1F800] =	vst v63  }
0xac: {  	s3 =	simm.s32 $0x7C00;
	s10 =	simm.s32 $0xF0  }
0xad: {  	[tilespmem:s3], [sflag:$0x1] =	stream.indirect.gather [hbm4b:s1+s8], $0x80, s10, s8, $0xb8;
	[tilespmem:$0x1F800] =	vst v63  }
0xae: {  	s3 =	simm.s32 $0x9000;
	s10 =	simm.s32 $0x118  }
0xaf: {  	[tilespmem:s3], [sflag:$0x1] =	stream.indirect.gather [hbm4b:s1+s8], $0x80, s10, s8, $0xb8;
	[tilespmem:$0x1F800] =	vst v63  }
0xb0: {  	s3 =	simm.s32 $0xA400;
	s10 =	simm.s32 $0x140  }
0xb1: {  	[tilespmem:s3], [sflag:$0x1] =	stream.indirect.gather [hbm4b:s1+s8], $0x80, s10, s8, $0xb8;
	[tilespmem:$0x1F800] =	vst v63  }
0xb2: {  	s3 =	simm.s32 $0xB800;
	s10 =	simm.s32 $0x168  }
0xb3: {  	[tilespmem:s3], [sflag:$0x1] =	stream.indirect.gather [hbm4b:s1+s8], $0x80, s10, s8, $0xb8;
	[tilespmem:$0x1F800] =	vst v63  }
0xb4: {  	s11 =	smov.u32 s6;
	s3 =	simm.s32 $0xCC00;
	s10 =	simm.s32 $0x190  }
0xb5: {  	[tilespmem:s3], [sflag:$0x1] =	stream.indirect.gather [hbm4b:s1+s8], $0x80, s10, s8, $0xb8;
	[tilespmem:$0x1F800] =	vst v63  }
0xb6: {  	s5 =	smov.u32 s11;
	s11 =	simm.s32 $0xE000;
	s10 =	simm.s32 $0x1B8  }
0xb7: {  	[tilespmem:s11], [sflag:$0x1] =	stream.indirect.gather [hbm4b:s1+s8], $0x80, s10, s8, $0xb8;
	[tilespmem:$0x1F800] =	vst v63  }
0xb8: {  	s3 =	simm.s32 $0xF400;
	s10 =	simm.s32 $0x1E0  }
0xb9: {  	[tilespmem:s3], [sflag:$0x1] =	stream.indirect.gather [hbm4b:s1+s8], $0x80, s10, s8, $0xb8;
	[tilespmem:$0x1F800] =	vst v63  }
0xba: {  	s3 =	simm.s32 $0x10800;
	s10 =	simm.s32 $0x208  }
0xbb: {  	[tilespmem:s3], [sflag:$0x1] =	stream.indirect.gather [hbm4b:s1+s8], $0x80, s10, s8, $0xb8;
	[tilespmem:$0x1F800] =	vst v63  }
0xbc: {  	s10 =	simm.s32 $0x11C00;
	s3 =	simm.s32 $0x230  }
0xbd: {  	[tilespmem:s10], [sflag:$0x1] =	stream.indirect.gather [hbm4b:s1+s8], $0x80, s3, s8, $0xb8;
	[tilespmem:$0x1F800] =	vst v63  }
0xbe: {  	s3 =	simm.s32 $0x258  }
0xbf: {  	[tilespmem:s17], [sflag:$0x1] =	stream.indirect.gather [hbm4b:s1+s8], $0x80, s3, s8, $0xb8;
	[tilespmem:$0x1F800] =	vst v63  }
0xc0: {  	_ = 	snop  }
0xc1: {  	[tilespmem:s19], [sflag:$0x1] =	stream.indirect.gather [hbm4b:s1+s8], $0x80, s18, s8, $0xb8;
	[tilespmem:$0x1F800] =	vst v63  }
0xc2: {  	_ = 	snop  }
0xc3: {  	[tilespmem:s21], [sflag:$0x1] =	stream.indirect.gather [hbm4b:s1+s8], $0x80, s20, s8, $0xb8;
	[tilespmem:$0x1F800] =	vst v63  }
0xc4: {  	_ = 	snop  }
0xc5: {  	[tilespmem:s23], [sflag:$0x1] =	stream.indirect.gather [hbm4b:s1+s8], $0x80, s22, s8, $0xb8;
	[tilespmem:$0x1F800] =	vst v63  }
0xc6: {  	_ = 	snop  }
0xc7: {  	[tilespmem:s25], [sflag:$0x1] =	stream.indirect.gather [hbm4b:s1+s8], $0x80, s24, s8, $0xb8;
	[tilespmem:$0x1F800] =	vst v63  }
0xc8: {  	_ = 	snop  }
0xc9: {  	[tilespmem:s26], [sflag:$0x1] =	stream.indirect.gather [hbm4b:s1+s8], $0x80, s16, s8, $0xb8;
	[tilespmem:$0x1F800] =	vst v63  }
0xca: {  	_ = 	snop  }
0xcb: {  	[tilespmem:s29], [sflag:$0x1] =	stream.indirect.gather [hbm4b:s1+s8], $0x80, s28, s8, $0xb8;
	[tilespmem:$0x1F800] =	vst v63  }
0xcc: {  	_ = 	snop  }
0xcd: {  	[tilespmem:s31], [sflag:$0x1] =	stream.indirect.gather [hbm4b:s1+s8], $0x80, s30, s8, $0xb8;
	[tilespmem:$0x1F800] =	vst v63  }
0xce: {  	_ = 	snop  }
0xcf: {  	[tilespmem:s12], [sflag:$0x1] =	stream.indirect.gather [hbm4b:s1+s8], $0x80, s13, s8, $0xb8;
	[tilespmem:$0x1F800] =	vst v63  }
0xd0: {  	_ = 	snop  }
0xd1: {  	[tilespmem:s9], [sflag:$0x1] =	stream.indirect.gather [hbm4b:s1+s8], $0x80, s14, s8, $0xb8;
	[tilespmem:$0x1F800] =	vst v63  }
0xd2: {  	_ =	swait.ge [sflag:s0], $0x1400  }
0xd3: {  	[sflag:s0] =	ssyncset.done $0x0  }
0xd4: {  	[sflag:s0] =	ssyncadd.s32 $0xFFFFEC00  }
0xd5: {  	_ =	swait.ge [sflag:s0], $0x1400  }
0xd6: {  	[sflag:s0] =	ssyncset.done $0x0  }
0xd7: {  	[sflag:s0] =	ssyncadd.s32 $0xFFFFEC00  }
0xd8: {  	_ =	swait.ge [sflag:s0], $0x1400  }
0xd9: {  	[sflag:s0] =	ssyncset.done $0x0  }
0xda: {  	[sflag:s0] =	ssyncadd.s32 $0xFFFFEC00  }
0xdb: {  	_ =	swait.ge [sflag:s0], $0x1400  }
0xdc: {  	[sflag:s0] =	ssyncset.done $0x0  }
0xdd: {  	[sflag:s0] =	ssyncadd.s32 $0xFFFFEC00  }
0xde: {  	_ =	swait.ge [sflag:s0], $0x1400  }
0xdf: {  	[sflag:s0] =	ssyncset.done $0x0  }
0xe0: {  	[sflag:s0] =	ssyncadd.s32 $0xFFFFEC00  }
0xe1: {  	_ =	swait.ge [sflag:s0], $0x1400  }
0xe2: {  	[sflag:s0] =	ssyncset.done $0x0  }
0xe3: {  	[sflag:s0] =	ssyncadd.s32 $0xFFFFEC00  }
0xe4: {  	_ =	swait.ge [sflag:s0], $0x1400  }
0xe5: {  	[sflag:s0] =	ssyncset.done $0x0  }
0xe6: {  	[sflag:s0] =	ssyncadd.s32 $0xFFFFEC00  }
0xe7: {  	_ =	swait.ge [sflag:s0], $0x1400  }
0xe8: {  	[sflag:s0] =	ssyncset.done $0x0  }
0xe9: {  	[sflag:s0] =	ssyncadd.s32 $0xFFFFEC00  }
0xea: {  	_ =	swait.ge [sflag:s0], $0x1400  }
0xeb: {  	[sflag:s0] =	ssyncset.done $0x0  }
0xec: {  	[sflag:s0] =	ssyncadd.s32 $0xFFFFEC00  }
0xed: {  	_ =	swait.ge [sflag:s0], $0x1400  }
0xee: {  	[sflag:s0] =	ssyncset.done $0x0  }
0xef: {  	[sflag:s0] =	ssyncadd.s32 $0xFFFFEC00  }
0xf0: {  	_ =	swait.ge [sflag:s0], $0x1400  }
0xf1: {  	[sflag:s0] =	ssyncset.done $0x0  }
0xf2: {  	[sflag:s0] =	ssyncadd.s32 $0xFFFFEC00  }
0xf3: {  	_ =	swait.ge [sflag:s0], $0x1400  }
0xf4: {  	[sflag:s0] =	ssyncset.done $0x0  }
0xf5: {  	[sflag:s0] =	ssyncadd.s32 $0xFFFFEC00  }
0xf6: {  	_ =	swait.ge [sflag:s0], $0x1400  }
0xf7: {  	[sflag:s0] =	ssyncset.done $0x0  }
0xf8: {  	[sflag:s0] =	ssyncadd.s32 $0xFFFFEC00  }
0xf9: {  	_ =	swait.ge [sflag:s0], $0x1400  }
0xfa: {  	[sflag:s0] =	ssyncset.done $0x0  }
0xfb: {  	[sflag:s0] =	ssyncadd.s32 $0xFFFFEC00  }
0xfc: {  	_ =	swait.ge [sflag:s0], $0x1400  }
0xfd: {  	[sflag:s0] =	ssyncset.done $0x0  }
0xfe: {  	[sflag:s0] =	ssyncadd.s32 $0xFFFFEC00  }
0xff: {  	_ =	swait.ge [sflag:s0], $0x1400  }
0x100: {  	[sflag:s0] =	ssyncset.done $0x0  }
0x101: {  	[sflag:s0] =	ssyncadd.s32 $0xFFFFEC00  }
0x102: {  	_ =	swait.ge [sflag:s0], $0x1400  }
0x103: {  	[sflag:s0] =	ssyncset.done $0x0  }
0x104: {  	[sflag:s0] =	ssyncadd.s32 $0xFFFFEC00  }
0x105: {  	_ =	swait.ge [sflag:s0], $0x1400  }
0x106: {  	[sflag:s0] =	ssyncset.done $0x0  }
0x107: {  	[sflag:s0] =	ssyncadd.s32 $0xFFFFEC00  }
0x108: {  	_ =	swait.ge [sflag:s0], $0x1400  }
0x109: {  	[sflag:s0] =	ssyncset.done $0x0  }
0x10a: {  	[sflag:s0] =	ssyncadd.s32 $0xFFFFEC00  }
0x10b: {  	_ =	swait.ge [sflag:s0], $0x1400  }
0x10c: {  	[sflag:s0] =	ssyncset.done $0x0  }
0x10d: {  	[sflag:s0] =	ssyncadd.s32 $0xFFFFEC00  }
0x10e: {  	_ =	swait.ge [sflag:s0], $0x1400  }
0x10f: {  	[sflag:s0] =	ssyncset.done $0x0  }
0x110: {  	[sflag:s0] =	ssyncadd.s32 $0xFFFFEC00  }
0x111: {  	_ =	swait.ge [sflag:s0], $0x1400  }
0x112: {  	[sflag:s0] =	ssyncset.done $0x0  }
0x113: {  	[sflag:s0] =	ssyncadd.s32 $0xFFFFEC00  }
0x114: {  	_ =	swait.ge [sflag:s0], $0x1400  }
0x115: {  	[sflag:s0] =	ssyncset.done $0x0  }
0x116: {  	[sflag:s0] =	ssyncadd.s32 $0xFFFFEC00  }
0x117: {  	_ =	swait.ge [sflag:s0], $0x1400  }
0x118: {  	[sflag:s0] =	ssyncset.done $0x0  }
0x119: {  	[sflag:s0] =	ssyncadd.s32 $0xFFFFEC00  }
0x11a: {  	p0 =	sne.s32 s6, $0x465;
	_ =	swait.ge [sflag:s0], $0x1400  }
.Ltmp0:
0x11b: {  	[sflag:s0] =	ssyncset.done $0x0;
	(pc) =	sbr.rel @p0 .LBB2_2-.Ltmp0, $4  }
0x11c: {  	s4 =	sadd.s32 $0x3E80, s4;
	[sflag:s0] =	ssyncadd.s32 $0xFFFFEC00  }
0x11d: {  	[hbm4b:s4+s2] =	stream.linear.scatter [tilespmem:s15], [sflag:$0x2], $0x1F400, $0x38;
	[tilespmem:$0x1F800] =	vst v63  }
0x11e: {  	_ =	swait.ge [sflag:s7], $0x1F400  }
0x11f: {  	s6 =	sadd.s32 $0x7D, s6;
	s10 =	rddreg [dreg:$0x5];
	[sflag:s7] =	ssyncset.done $0x0  }
0x120: {  	s5 =	sadd.s32 s5, s10;
	[sflag:s7] =	ssyncadd.s32 $0xFFFE0C00  }
0x121: {  	[tilespmem:s2], [sflag:$0x2] =	stream.linear.gather [hbm4b:s5+s2], $0x3E8, $0x38;
	[tilespmem:$0x1F800] =	vst v63  }
0x122: {  	_ =	swait.ge [sflag:s7], $0x3E8  }
0x123: {  	[sflag:s7] =	ssyncset.done $0x0  }
0x124: {  	[sflag:s7] =	ssyncadd.s32 $0xFFFFFC18  }
0x125: {  	[tilespmem:s15], [sflag:$0x1] =	stream.indirect.gather [hbm4b:s1+s8], $0x80, s2, s8, $0xb8;
	[tilespmem:$0x1F800] =	vst v63  }
0x126: {  	s3 =	simm.s32 $0x1800  }
0x127: {  	[tilespmem:s3], [sflag:$0x1] =	stream.indirect.gather [hbm4b:s1+s8], $0x80, s8, s8, $0xb8;
	[tilespmem:$0x1F800] =	vst v63  }
0x128: {  	s6 =	simm.s32 $0x2C00;
	s10 =	simm.s32 $0x50  }
0x129: {  	[tilespmem:s6], [sflag:$0x1] =	stream.indirect.gather [hbm4b:s1+s8], $0x80, s10, s8, $0xb8;
	[tilespmem:$0x1F800] =	vst v63  }
0x12a: {  	s6 =	simm.s32 $0x4000;
	s10 =	simm.s32 $0x78  }
0x12b: {  	[tilespmem:s6], [sflag:$0x1] =	stream.indirect.gather [hbm4b:s1+s8], $0x80, s10, s8, $0xb8;
	[tilespmem:$0x1F800] =	vst v63  }
0x12c: {  	s6 =	simm.s32 $0x5400;
	s10 =	simm.s32 $0xA0  }
0x12d: {  	[tilespmem:s6], [sflag:$0x1] =	stream.indirect.gather [hbm4b:s1+s8], $0x80, s10, s8, $0xb8;
	[tilespmem:$0x1F800] =	vst v63  }
0x12e: {  	s6 =	simm.s32 $0x6800;
	s10 =	simm.s32 $0xC8  }
0x12f: {  	[tilespmem:s6], [sflag:$0x1] =	stream.indirect.gather [hbm4b:s1+s8], $0x80, s10, s8, $0xb8;
	[tilespmem:$0x1F800] =	vst v63  }
0x130: {  	s6 =	simm.s32 $0x7C00;
	s10 =	simm.s32 $0xF0  }
0x131: {  	[tilespmem:s6], [sflag:$0x1] =	stream.indirect.gather [hbm4b:s1+s8], $0x80, s10, s8, $0xb8;
	[tilespmem:$0x1F800] =	vst v63  }
0x132: {  	s6 =	simm.s32 $0x9000;
	s10 =	simm.s32 $0x118  }
0x133: {  	[tilespmem:s6], [sflag:$0x1] =	stream.indirect.gather [hbm4b:s1+s8], $0x80, s10, s8, $0xb8;
	[tilespmem:$0x1F800] =	vst v63  }
0x134: {  	s6 =	simm.s32 $0xA400;
	s10 =	simm.s32 $0x140  }
0x135: {  	[tilespmem:s6], [sflag:$0x1] =	stream.indirect.gather [hbm4b:s1+s8], $0x80, s10, s8, $0xb8;
	[tilespmem:$0x1F800] =	vst v63  }
0x136: {  	s6 =	simm.s32 $0xB800;
	s10 =	simm.s32 $0x168  }
0x137: {  	[tilespmem:s6], [sflag:$0x1] =	stream.indirect.gather [hbm4b:s1+s8], $0x80, s10, s8, $0xb8;
	[tilespmem:$0x1F800] =	vst v63  }
0x138: {  	s6 =	simm.s32 $0xCC00;
	s10 =	simm.s32 $0x190  }
0x139: {  	[tilespmem:s6], [sflag:$0x1] =	stream.indirect.gather [hbm4b:s1+s8], $0x80, s10, s8, $0xb8;
	[tilespmem:$0x1F800] =	vst v63  }
0x13a: {  	s5 =	simm.s32 $0x1B8  }
0x13b: {  	[tilespmem:s11], [sflag:$0x1] =	stream.indirect.gather [hbm4b:s1+s8], $0x80, s5, s8, $0xb8;
	[tilespmem:$0x1F800] =	vst v63  }
0x13c: {  	s6 =	simm.s32 $0x1E0;
	s10 =	simm.s32 $0xF400  }
0x13d: {  	[tilespmem:s10], [sflag:$0x1] =	stream.indirect.gather [hbm4b:s1+s8], $0x80, s6, s8, $0xb8;
	[tilespmem:$0x1F800] =	vst v63  }
0x13e: {  	s6 =	simm.s32 $0x10800;
	s10 =	simm.s32 $0x208  }
0x13f: {  	[tilespmem:s6], [sflag:$0x1] =	stream.indirect.gather [hbm4b:s1+s8], $0x80, s10, s8, $0xb8;
	[tilespmem:$0x1F800] =	vst v63  }
0x140: {  	s5 =	simm.s32 $0x11C00;
	s6 =	simm.s32 $0x230  }
0x141: {  	[tilespmem:s5], [sflag:$0x1] =	stream.indirect.gather [hbm4b:s1+s8], $0x80, s6, s8, $0xb8;
	[tilespmem:$0x1F800] =	vst v63  }
0x142: {  	s10 =	simm.s32 $0x258  }
0x143: {  	[tilespmem:s17], [sflag:$0x1] =	stream.indirect.gather [hbm4b:s1+s8], $0x80, s10, s8, $0xb8;
	[tilespmem:$0x1F800] =	vst v63  }
0x144: {  	_ = 	snop  }
0x145: {  	[tilespmem:s19], [sflag:$0x1] =	stream.indirect.gather [hbm4b:s1+s8], $0x80, s18, s8, $0xb8;
	[tilespmem:$0x1F800] =	vst v63  }
0x146: {  	_ = 	snop  }
0x147: {  	[tilespmem:s21], [sflag:$0x1] =	stream.indirect.gather [hbm4b:s1+s8], $0x80, s20, s8, $0xb8;
	[tilespmem:$0x1F800] =	vst v63  }
0x148: {  	_ = 	snop  }
0x149: {  	[tilespmem:s23], [sflag:$0x1] =	stream.indirect.gather [hbm4b:s1+s8], $0x80, s22, s8, $0xb8;
	[tilespmem:$0x1F800] =	vst v63  }
0x14a: {  	_ = 	snop  }
0x14b: {  	[tilespmem:s25], [sflag:$0x1] =	stream.indirect.gather [hbm4b:s1+s8], $0x80, s24, s8, $0xb8;
	[tilespmem:$0x1F800] =	vst v63  }
0x14c: {  	_ = 	snop  }
0x14d: {  	[tilespmem:s26], [sflag:$0x1] =	stream.indirect.gather [hbm4b:s1+s8], $0x80, s16, s8, $0xb8;
	[tilespmem:$0x1F800] =	vst v63  }
0x14e: {  	_ = 	snop  }
0x14f: {  	[tilespmem:s29], [sflag:$0x1] =	stream.indirect.gather [hbm4b:s1+s8], $0x80, s28, s8, $0xb8;
	[tilespmem:$0x1F800] =	vst v63  }
0x150: {  	_ = 	snop  }
0x151: {  	[tilespmem:s31], [sflag:$0x1] =	stream.indirect.gather [hbm4b:s1+s8], $0x80, s30, s8, $0xb8;
	[tilespmem:$0x1F800] =	vst v63  }
0x152: {  	_ = 	snop  }
0x153: {  	[tilespmem:s12], [sflag:$0x1] =	stream.indirect.gather [hbm4b:s1+s8], $0x80, s13, s8, $0xb8;
	[tilespmem:$0x1F800] =	vst v63  }
0x154: {  	_ = 	snop  }
0x155: {  	[tilespmem:s9], [sflag:$0x1] =	stream.indirect.gather [hbm4b:s1+s8], $0x80, s14, s8, $0xb8;
	[tilespmem:$0x1F800] =	vst v63  }
0x156: {  	_ =	swait.ge [sflag:s0], $0x1400  }
0x157: {  	[sflag:s0] =	ssyncset.done $0x0  }
0x158: {  	[sflag:s0] =	ssyncadd.s32 $0xFFFFEC00  }
0x159: {  	_ =	swait.ge [sflag:s0], $0x1400  }
0x15a: {  	[sflag:s0] =	ssyncset.done $0x0  }
0x15b: {  	[sflag:s0] =	ssyncadd.s32 $0xFFFFEC00  }
0x15c: {  	_ =	swait.ge [sflag:s0], $0x1400  }
0x15d: {  	[sflag:s0] =	ssyncset.done $0x0  }
0x15e: {  	[sflag:s0] =	ssyncadd.s32 $0xFFFFEC00  }
0x15f: {  	_ =	swait.ge [sflag:s0], $0x1400  }
0x160: {  	[sflag:s0] =	ssyncset.done $0x0  }
0x161: {  	[sflag:s0] =	ssyncadd.s32 $0xFFFFEC00  }
0x162: {  	_ =	swait.ge [sflag:s0], $0x1400  }
0x163: {  	[sflag:s0] =	ssyncset.done $0x0  }
0x164: {  	[sflag:s0] =	ssyncadd.s32 $0xFFFFEC00  }
0x165: {  	_ =	swait.ge [sflag:s0], $0x1400  }
0x166: {  	[sflag:s0] =	ssyncset.done $0x0  }
0x167: {  	[sflag:s0] =	ssyncadd.s32 $0xFFFFEC00  }
0x168: {  	_ =	swait.ge [sflag:s0], $0x1400  }
0x169: {  	[sflag:s0] =	ssyncset.done $0x0  }
0x16a: {  	[sflag:s0] =	ssyncadd.s32 $0xFFFFEC00  }
0x16b: {  	_ =	swait.ge [sflag:s0], $0x1400  }
0x16c: {  	[sflag:s0] =	ssyncset.done $0x0  }
0x16d: {  	[sflag:s0] =	ssyncadd.s32 $0xFFFFEC00  }
0x16e: {  	_ =	swait.ge [sflag:s0], $0x1400  }
0x16f: {  	[sflag:s0] =	ssyncset.done $0x0  }
0x170: {  	[sflag:s0] =	ssyncadd.s32 $0xFFFFEC00  }
0x171: {  	_ =	swait.ge [sflag:s0], $0x1400  }
0x172: {  	[sflag:s0] =	ssyncset.done $0x0  }
0x173: {  	[sflag:s0] =	ssyncadd.s32 $0xFFFFEC00  }
0x174: {  	_ =	swait.ge [sflag:s0], $0x1400  }
0x175: {  	[sflag:s0] =	ssyncset.done $0x0  }
0x176: {  	[sflag:s0] =	ssyncadd.s32 $0xFFFFEC00  }
0x177: {  	_ =	swait.ge [sflag:s0], $0x1400  }
0x178: {  	[sflag:s0] =	ssyncset.done $0x0  }
0x179: {  	[sflag:s0] =	ssyncadd.s32 $0xFFFFEC00  }
0x17a: {  	_ =	swait.ge [sflag:s0], $0x1400  }
0x17b: {  	[sflag:s0] =	ssyncset.done $0x0  }
0x17c: {  	[sflag:s0] =	ssyncadd.s32 $0xFFFFEC00  }
0x17d: {  	_ =	swait.ge [sflag:s0], $0x1400  }
0x17e: {  	[sflag:s0] =	ssyncset.done $0x0  }
0x17f: {  	[sflag:s0] =	ssyncadd.s32 $0xFFFFEC00  }
0x180: {  	_ =	swait.ge [sflag:s0], $0x1400  }
0x181: {  	[sflag:s0] =	ssyncset.done $0x0  }
0x182: {  	[sflag:s0] =	ssyncadd.s32 $0xFFFFEC00  }
0x183: {  	_ =	swait.ge [sflag:s0], $0x1400  }
0x184: {  	[sflag:s0] =	ssyncset.done $0x0  }
0x185: {  	[sflag:s0] =	ssyncadd.s32 $0xFFFFEC00  }
0x186: {  	_ =	swait.ge [sflag:s0], $0x1400  }
0x187: {  	[sflag:s0] =	ssyncset.done $0x0  }
0x188: {  	[sflag:s0] =	ssyncadd.s32 $0xFFFFEC00  }
0x189: {  	_ =	swait.ge [sflag:s0], $0x1400  }
0x18a: {  	[sflag:s0] =	ssyncset.done $0x0  }
0x18b: {  	[sflag:s0] =	ssyncadd.s32 $0xFFFFEC00  }
0x18c: {  	_ =	swait.ge [sflag:s0], $0x1400  }
0x18d: {  	[sflag:s0] =	ssyncset.done $0x0  }
0x18e: {  	[sflag:s0] =	ssyncadd.s32 $0xFFFFEC00  }
0x18f: {  	_ =	swait.ge [sflag:s0], $0x1400  }
0x190: {  	[sflag:s0] =	ssyncset.done $0x0  }
0x191: {  	[sflag:s0] =	ssyncadd.s32 $0xFFFFEC00  }
0x192: {  	_ =	swait.ge [sflag:s0], $0x1400  }
0x193: {  	[sflag:s0] =	ssyncset.done $0x0  }
0x194: {  	[sflag:s0] =	ssyncadd.s32 $0xFFFFEC00  }
0x195: {  	_ =	swait.ge [sflag:s0], $0x1400  }
0x196: {  	[sflag:s0] =	ssyncset.done $0x0  }
0x197: {  	[sflag:s0] =	ssyncadd.s32 $0xFFFFEC00  }
0x198: {  	_ =	swait.ge [sflag:s0], $0x1400  }
0x199: {  	[sflag:s0] =	ssyncset.done $0x0  }
0x19a: {  	[sflag:s0] =	ssyncadd.s32 $0xFFFFEC00  }
0x19b: {  	_ =	swait.ge [sflag:s0], $0x1400  }
0x19c: {  	[sflag:s0] =	ssyncset.done $0x0  }
0x19d: {  	[sflag:s0] =	ssyncadd.s32 $0xFFFFEC00  }
0x19e: {  	_ =	swait.ge [sflag:s0], $0x1400  }
0x19f: {  	p1 =	por $0x1, $0x1;
	[sflag:s0] =	ssyncset.done $0x0  }
.Ltmp1:
0x1a0: {  	s4 =	sadd.s32 $0x3E80, s4;
	[sflag:s0] =	ssyncadd.s32 $0xFFFFEC00;
	(pc) =	sbr.rel @!p1 .LBB2_4-.Ltmp1, $4  }
0x1a1: {  	[hbm4b:s4+s2] =	stream.linear.scatter [tilespmem:s15], [sflag:$0x2], $0x1F400, $0x38;
	[tilespmem:$0x1F800] =	vst v63  }
0x1a2: {  	p0 =	por $0x0, $0x0;
	_ =	swait.ge [sflag:s7], $0x1F400  }
0x1a3: {  	s5 =	simm.s32 $0xF400;
	s10 =	simm.s32 $0x1800;
	[sflag:s7] =	ssyncset.done $0x0  }
0x1a4: {  	s4 =	simm.s32 $0x7D;
	s6 =	rddreg [dreg:$0x6];
	[sflag:s7] =	ssyncadd.s32 $0xFFFE0C00  }
0x1a5: {  	s2 =	sadd.s32 $0x0, s6;
	s3 =	simm.s32 $0x0  }
0x1a6: {  	[tilespmem:s3], [sflag:$0x2] =	stream.linear.gather [hbm4b:s2+s3], $0x3E8, $0x38;
	[tilespmem:$0x1F800] =	vst v63  }
0x1a7: {  	_ =	swait.ge [sflag:s7], $0x3E8  }
0x1a8: {  	[sflag:s7] =	ssyncset.done $0x0  }
0x1a9: {  	[sflag:s7] =	ssyncadd.s32 $0xFFFFFC18  }
0x1aa: {  	[tilespmem:s15], [sflag:$0x1] =	stream.indirect.gather [hbm4b:s1+s8], $0x80, s3, s8, $0xb8;
	[tilespmem:$0x1F800] =	vst v63  }
0x1ab: {  	_ = 	snop  }
0x1ac: {  	[tilespmem:s10], [sflag:$0x1] =	stream.indirect.gather [hbm4b:s1+s8], $0x80, s8, s8, $0xb8;
	[tilespmem:$0x1F800] =	vst v63  }
0x1ad: {  	s6 =	simm.s32 $0x2C00;
	s2 =	simm.s32 $0x50  }
0x1ae: {  	[tilespmem:s6], [sflag:$0x1] =	stream.indirect.gather [hbm4b:s1+s8], $0x80, s2, s8, $0xb8;
	[tilespmem:$0x1F800] =	vst v63  }
0x1af: {  	s2 =	simm.s32 $0x78;
	s6 =	simm.s32 $0x4000  }
0x1b0: {  	[tilespmem:s6], [sflag:$0x1] =	stream.indirect.gather [hbm4b:s1+s8], $0x80, s2, s8, $0xb8;
	[tilespmem:$0x1F800] =	vst v63  }
0x1b1: {  	s2 =	simm.s32 $0xA0;
	s6 =	simm.s32 $0x5400  }
0x1b2: {  	[tilespmem:s6], [sflag:$0x1] =	stream.indirect.gather [hbm4b:s1+s8], $0x80, s2, s8, $0xb8;
	[tilespmem:$0x1F800] =	vst v63  }
0x1b3: {  	s2 =	simm.s32 $0xC8;
	s6 =	simm.s32 $0x6800  }
0x1b4: {  	[tilespmem:s6], [sflag:$0x1] =	stream.indirect.gather [hbm4b:s1+s8], $0x80, s2, s8, $0xb8;
	[tilespmem:$0x1F800] =	vst v63  }
0x1b5: {  	s2 =	simm.s32 $0xF0;
	s6 =	simm.s32 $0x7C00  }
0x1b6: {  	[tilespmem:s6], [sflag:$0x1] =	stream.indirect.gather [hbm4b:s1+s8], $0x80, s2, s8, $0xb8;
	[tilespmem:$0x1F800] =	vst v63  }
0x1b7: {  	s2 =	simm.s32 $0x118;
	s6 =	simm.s32 $0x9000  }
0x1b8: {  	[tilespmem:s6], [sflag:$0x1] =	stream.indirect.gather [hbm4b:s1+s8], $0x80, s2, s8, $0xb8;
	[tilespmem:$0x1F800] =	vst v63  }
0x1b9: {  	s2 =	simm.s32 $0x140;
	s6 =	simm.s32 $0xA400  }
0x1ba: {  	[tilespmem:s6], [sflag:$0x1] =	stream.indirect.gather [hbm4b:s1+s8], $0x80, s2, s8, $0xb8;
	[tilespmem:$0x1F800] =	vst v63  }
0x1bb: {  	s2 =	simm.s32 $0x168;
	s6 =	simm.s32 $0xB800  }
0x1bc: {  	[tilespmem:s6], [sflag:$0x1] =	stream.indirect.gather [hbm4b:s1+s8], $0x80, s2, s8, $0xb8;
	[tilespmem:$0x1F800] =	vst v63  }
0x1bd: {  	s2 =	simm.s32 $0x190;
	s6 =	simm.s32 $0xCC00  }
0x1be: {  	[tilespmem:s6], [sflag:$0x1] =	stream.indirect.gather [hbm4b:s1+s8], $0x80, s2, s8, $0xb8;
	[tilespmem:$0x1F800] =	vst v63  }
0x1bf: {  	s6 =	simm.s32 $0x1B8  }
0x1c0: {  	[tilespmem:s11], [sflag:$0x1] =	stream.indirect.gather [hbm4b:s1+s8], $0x80, s6, s8, $0xb8;
	[tilespmem:$0x1F800] =	vst v63  }
0x1c1: {  	s11 =	simm.s32 $0x1E0  }
0x1c2: {  	[tilespmem:s5], [sflag:$0x1] =	stream.indirect.gather [hbm4b:s1+s8], $0x80, s11, s8, $0xb8;
	[tilespmem:$0x1F800] =	vst v63  }
0x1c3: {  	s6 =	simm.s32 $0x10800;
	s11 =	simm.s32 $0x208  }
0x1c4: {  	[tilespmem:s6], [sflag:$0x1] =	stream.indirect.gather [hbm4b:s1+s8], $0x80, s11, s8, $0xb8;
	[tilespmem:$0x1F800] =	vst v63  }
0x1c5: {  	s5 =	simm.s32 $0x11C00;
	s6 =	simm.s32 $0x230  }
0x1c6: {  	[tilespmem:s5], [sflag:$0x1] =	stream.indirect.gather [hbm4b:s1+s8], $0x80, s6, s8, $0xb8;
	[tilespmem:$0x1F800] =	vst v63  }
0x1c7: {  	s11 =	simm.s32 $0x258  }
0x1c8: {  	[tilespmem:s17], [sflag:$0x1] =	stream.indirect.gather [hbm4b:s1+s8], $0x80, s11, s8, $0xb8;
	[tilespmem:$0x1F800] =	vst v63  }
0x1c9: {  	_ = 	snop  }
0x1ca: {  	[tilespmem:s19], [sflag:$0x1] =	stream.indirect.gather [hbm4b:s1+s8], $0x80, s18, s8, $0xb8;
	[tilespmem:$0x1F800] =	vst v63  }
0x1cb: {  	_ = 	snop  }
0x1cc: {  	[tilespmem:s21], [sflag:$0x1] =	stream.indirect.gather [hbm4b:s1+s8], $0x80, s20, s8, $0xb8;
	[tilespmem:$0x1F800] =	vst v63  }
0x1cd: {  	_ = 	snop  }
0x1ce: {  	[tilespmem:s23], [sflag:$0x1] =	stream.indirect.gather [hbm4b:s1+s8], $0x80, s22, s8, $0xb8;
	[tilespmem:$0x1F800] =	vst v63  }
0x1cf: {  	_ = 	snop  }
0x1d0: {  	[tilespmem:s25], [sflag:$0x1] =	stream.indirect.gather [hbm4b:s1+s8], $0x80, s24, s8, $0xb8;
	[tilespmem:$0x1F800] =	vst v63  }
0x1d1: {  	_ = 	snop  }
0x1d2: {  	[tilespmem:s26], [sflag:$0x1] =	stream.indirect.gather [hbm4b:s1+s8], $0x80, s16, s8, $0xb8;
	[tilespmem:$0x1F800] =	vst v63  }
0x1d3: {  	_ = 	snop  }
0x1d4: {  	[tilespmem:s29], [sflag:$0x1] =	stream.indirect.gather [hbm4b:s1+s8], $0x80, s28, s8, $0xb8;
	[tilespmem:$0x1F800] =	vst v63  }
0x1d5: {  	_ = 	snop  }
0x1d6: {  	[tilespmem:s31], [sflag:$0x1] =	stream.indirect.gather [hbm4b:s1+s8], $0x80, s30, s8, $0xb8;
	[tilespmem:$0x1F800] =	vst v63  }
0x1d7: {  	_ = 	snop  }
0x1d8: {  	[tilespmem:s12], [sflag:$0x1] =	stream.indirect.gather [hbm4b:s1+s8], $0x80, s13, s8, $0xb8;
	[tilespmem:$0x1F800] =	vst v63  }
0x1d9: {  	_ = 	snop  }
0x1da: {  	[tilespmem:s9], [sflag:$0x1] =	stream.indirect.gather [hbm4b:s1+s8], $0x80, s14, s8, $0xb8;
	[tilespmem:$0x1F800] =	vst v63  }
0x1db: {  	_ =	swait.ge [sflag:s0], $0x1400  }
0x1dc: {  	[sflag:s0] =	ssyncset.done $0x0  }
0x1dd: {  	[sflag:s0] =	ssyncadd.s32 $0xFFFFEC00  }
0x1de: {  	_ =	swait.ge [sflag:s0], $0x1400  }
0x1df: {  	[sflag:s0] =	ssyncset.done $0x0  }
0x1e0: {  	[sflag:s0] =	ssyncadd.s32 $0xFFFFEC00  }
0x1e1: {  	_ =	swait.ge [sflag:s0], $0x1400  }
0x1e2: {  	[sflag:s0] =	ssyncset.done $0x0  }
0x1e3: {  	[sflag:s0] =	ssyncadd.s32 $0xFFFFEC00  }
0x1e4: {  	_ =	swait.ge [sflag:s0], $0x1400  }
0x1e5: {  	[sflag:s0] =	ssyncset.done $0x0  }
0x1e6: {  	[sflag:s0] =	ssyncadd.s32 $0xFFFFEC00  }
0x1e7: {  	_ =	swait.ge [sflag:s0], $0x1400  }
0x1e8: {  	[sflag:s0] =	ssyncset.done $0x0  }
0x1e9: {  	[sflag:s0] =	ssyncadd.s32 $0xFFFFEC00  }
0x1ea: {  	_ =	swait.ge [sflag:s0], $0x1400  }
0x1eb: {  	[sflag:s0] =	ssyncset.done $0x0  }
0x1ec: {  	[sflag:s0] =	ssyncadd.s32 $0xFFFFEC00  }
0x1ed: {  	_ =	swait.ge [sflag:s0], $0x1400  }
0x1ee: {  	[sflag:s0] =	ssyncset.done $0x0  }
0x1ef: {  	[sflag:s0] =	ssyncadd.s32 $0xFFFFEC00  }
0x1f0: {  	_ =	swait.ge [sflag:s0], $0x1400  }
0x1f1: {  	[sflag:s0] =	ssyncset.done $0x0  }
0x1f2: {  	[sflag:s0] =	ssyncadd.s32 $0xFFFFEC00  }
0x1f3: {  	_ =	swait.ge [sflag:s0], $0x1400  }
0x1f4: {  	[sflag:s0] =	ssyncset.done $0x0  }
0x1f5: {  	[sflag:s0] =	ssyncadd.s32 $0xFFFFEC00  }
0x1f6: {  	_ =	swait.ge [sflag:s0], $0x1400  }
0x1f7: {  	[sflag:s0] =	ssyncset.done $0x0  }
0x1f8: {  	[sflag:s0] =	ssyncadd.s32 $0xFFFFEC00  }
0x1f9: {  	_ =	swait.ge [sflag:s0], $0x1400  }
0x1fa: {  	[sflag:s0] =	ssyncset.done $0x0  }
0x1fb: {  	[sflag:s0] =	ssyncadd.s32 $0xFFFFEC00  }
0x1fc: {  	_ =	swait.ge [sflag:s0], $0x1400  }
0x1fd: {  	[sflag:s0] =	ssyncset.done $0x0  }
0x1fe: {  	[sflag:s0] =	ssyncadd.s32 $0xFFFFEC00  }
0x1ff: {  	_ =	swait.ge [sflag:s0], $0x1400  }
0x200: {  	[sflag:s0] =	ssyncset.done $0x0  }
0x201: {  	[sflag:s0] =	ssyncadd.s32 $0xFFFFEC00  }
0x202: {  	_ =	swait.ge [sflag:s0], $0x1400  }
0x203: {  	[sflag:s0] =	ssyncset.done $0x0  }
0x204: {  	[sflag:s0] =	ssyncadd.s32 $0xFFFFEC00  }
0x205: {  	_ =	swait.ge [sflag:s0], $0x1400  }
0x206: {  	[sflag:s0] =	ssyncset.done $0x0  }
0x207: {  	[sflag:s0] =	ssyncadd.s32 $0xFFFFEC00  }
0x208: {  	_ =	swait.ge [sflag:s0], $0x1400  }
0x209: {  	[sflag:s0] =	ssyncset.done $0x0  }
0x20a: {  	[sflag:s0] =	ssyncadd.s32 $0xFFFFEC00  }
0x20b: {  	_ =	swait.ge [sflag:s0], $0x1400  }
0x20c: {  	[sflag:s0] =	ssyncset.done $0x0  }
0x20d: {  	[sflag:s0] =	ssyncadd.s32 $0xFFFFEC00  }
0x20e: {  	_ =	swait.ge [sflag:s0], $0x1400  }
0x20f: {  	[sflag:s0] =	ssyncset.done $0x0  }
0x210: {  	[sflag:s0] =	ssyncadd.s32 $0xFFFFEC00  }
0x211: {  	_ =	swait.ge [sflag:s0], $0x1400  }
0x212: {  	[sflag:s0] =	ssyncset.done $0x0  }
0x213: {  	[sflag:s0] =	ssyncadd.s32 $0xFFFFEC00  }
0x214: {  	_ =	swait.ge [sflag:s0], $0x1400  }
0x215: {  	[sflag:s0] =	ssyncset.done $0x0  }
0x216: {  	[sflag:s0] =	ssyncadd.s32 $0xFFFFEC00  }
0x217: {  	_ =	swait.ge [sflag:s0], $0x1400  }
0x218: {  	[sflag:s0] =	ssyncset.done $0x0  }
0x219: {  	[sflag:s0] =	ssyncadd.s32 $0xFFFFEC00  }
0x21a: {  	_ =	swait.ge [sflag:s0], $0x1400  }
0x21b: {  	[sflag:s0] =	ssyncset.done $0x0  }
0x21c: {  	[sflag:s0] =	ssyncadd.s32 $0xFFFFEC00  }
0x21d: {  	_ =	swait.ge [sflag:s0], $0x1400  }
0x21e: {  	[sflag:s0] =	ssyncset.done $0x0  }
0x21f: {  	[sflag:s0] =	ssyncadd.s32 $0xFFFFEC00  }
0x220: {  	_ =	swait.ge [sflag:s0], $0x1400  }
0x221: {  	[sflag:s0] =	ssyncset.done $0x0  }
0x222: {  	[sflag:s0] =	ssyncadd.s32 $0xFFFFEC00  }
0x223: {  	p1 =	por $0x1, $0x1;
	_ =	swait.ge [sflag:s0], $0x1400  }
.Ltmp2:
0x224: {  	[sflag:s0] =	ssyncset.done $0x0;
	(pc) =	sbr.rel @!p1 .LBB2_6-.Ltmp2, $4  }
0x225: {  	s5 =	rddreg [dreg:$0x9];
	[sflag:s0] =	ssyncadd.s32 $0xFFFFEC00  }
0x226: {  	[hbm4b:s5+s3] =	stream.linear.scatter [tilespmem:s15], [sflag:$0x2], $0x1F400, $0x38;
	[tilespmem:$0x1F800] =	vst v63  }
0x227: {  	p0 =	por $0x1, $0x1;
	_ =	swait.ge [sflag:s7], $0x1F400  }
0x228: {  	s2 =	simm.s32 $0xFA;
	s6 =	rddreg [dreg:$0x6];
	[sflag:s7] =	ssyncset.done $0x0  }
.LBB2_7:
0x229: {  	[sflag:s7] =	ssyncadd.s32 $0xFFFE0C00;
	s6 =	sadd.s32 s4, s6  }
0x22a: {  	[tilespmem:s3], [sflag:$0x2] =	stream.linear.gather [hbm4b:s6+s3], $0x3E8, $0x38;
	[tilespmem:$0x1F800] =	vst v63  }
0x22b: {  	_ =	swait.ge [sflag:s7], $0x3E8  }
0x22c: {  	[sflag:s7] =	ssyncset.done $0x0  }
0x22d: {  	s10 =	smov.u32 s2;
	[sflag:s7] =	ssyncadd.s32 $0xFFFFFC18  }
0x22e: {  	[tilespmem:s15], [sflag:$0x1] =	stream.indirect.gather [hbm4b:s1+s8], $0x80, s3, s8, $0xb8;
	[tilespmem:$0x1F800] =	vst v63  }
0x22f: {  	s4 =	smov.u32 s10;
	s10 =	simm.s32 $0x1800  }
0x230: {  	[tilespmem:s10], [sflag:$0x1] =	stream.indirect.gather [hbm4b:s1+s8], $0x80, s8, s8, $0xb8;
	[tilespmem:$0x1F800] =	vst v63  }
0x231: {  	s11 =	simm.s32 $0x2C00;
	s6 =	simm.s32 $0x50  }
0x232: {  	[tilespmem:s11], [sflag:$0x1] =	stream.indirect.gather [hbm4b:s1+s8], $0x80, s6, s8, $0xb8;
	[tilespmem:$0x1F800] =	vst v63  }
0x233: {  	s6 =	simm.s32 $0x78;
	s11 =	simm.s32 $0x4000  }
0x234: {  	[tilespmem:s11], [sflag:$0x1] =	stream.indirect.gather [hbm4b:s1+s8], $0x80, s6, s8, $0xb8;
	[tilespmem:$0x1F800] =	vst v63  }
0x235: {  	s6 =	simm.s32 $0xA0;
	s11 =	simm.s32 $0x5400  }
0x236: {  	[tilespmem:s11], [sflag:$0x1] =	stream.indirect.gather [hbm4b:s1+s8], $0x80, s6, s8, $0xb8;
	[tilespmem:$0x1F800] =	vst v63  }
0x237: {  	s6 =	simm.s32 $0xC8;
	s11 =	simm.s32 $0x6800  }
0x238: {  	[tilespmem:s11], [sflag:$0x1] =	stream.indirect.gather [hbm4b:s1+s8], $0x80, s6, s8, $0xb8;
	[tilespmem:$0x1F800] =	vst v63  }
0x239: {  	s6 =	simm.s32 $0xF0;
	s11 =	simm.s32 $0x7C00  }
0x23a: {  	[tilespmem:s11], [sflag:$0x1] =	stream.indirect.gather [hbm4b:s1+s8], $0x80, s6, s8, $0xb8;
	[tilespmem:$0x1F800] =	vst v63  }
0x23b: {  	s6 =	simm.s32 $0x118;
	s11 =	simm.s32 $0x9000  }
0x23c: {  	[tilespmem:s11], [sflag:$0x1] =	stream.indirect.gather [hbm4b:s1+s8], $0x80, s6, s8, $0xb8;
	[tilespmem:$0x1F800] =	vst v63  }
0x23d: {  	s6 =	simm.s32 $0x140;
	s11 =	simm.s32 $0xA400  }
0x23e: {  	[tilespmem:s11], [sflag:$0x1] =	stream.indirect.gather [hbm4b:s1+s8], $0x80, s6, s8, $0xb8;
	[tilespmem:$0x1F800] =	vst v63  }
0x23f: {  	s6 =	simm.s32 $0x168;
	s11 =	simm.s32 $0xB800  }
0x240: {  	[tilespmem:s11], [sflag:$0x1] =	stream.indirect.gather [hbm4b:s1+s8], $0x80, s6, s8, $0xb8;
	[tilespmem:$0x1F800] =	vst v63  }
0x241: {  	s6 =	simm.s32 $0x190;
	s11 =	simm.s32 $0xCC00  }
0x242: {  	[tilespmem:s11], [sflag:$0x1] =	stream.indirect.gather [hbm4b:s1+s8], $0x80, s6, s8, $0xb8;
	[tilespmem:$0x1F800] =	vst v63  }
0x243: {  	s6 =	simm.s32 $0x1B8;
	s11 =	simm.s32 $0xE000  }
0x244: {  	[tilespmem:s11], [sflag:$0x1] =	stream.indirect.gather [hbm4b:s1+s8], $0x80, s6, s8, $0xb8;
	[tilespmem:$0x1F800] =	vst v63  }
0x245: {  	s6 =	simm.s32 $0x1E0;
	s11 =	simm.s32 $0xF400  }
0x246: {  	[tilespmem:s11], [sflag:$0x1] =	stream.indirect.gather [hbm4b:s1+s8], $0x80, s6, s8, $0xb8;
	[tilespmem:$0x1F800] =	vst v63  }
0x247: {  	s6 =	simm.s32 $0x208;
	s11 =	simm.s32 $0x10800  }
0x248: {  	[tilespmem:s11], [sflag:$0x1] =	stream.indirect.gather [hbm4b:s1+s8], $0x80, s6, s8, $0xb8;
	[tilespmem:$0x1F800] =	vst v63  }
0x249: {  	s6 =	simm.s32 $0x11C00;
	s11 =	simm.s32 $0x230  }
0x24a: {  	[tilespmem:s6], [sflag:$0x1] =	stream.indirect.gather [hbm4b:s1+s8], $0x80, s11, s8, $0xb8;
	[tilespmem:$0x1F800] =	vst v63  }
0x24b: {  	s11 =	simm.s32 $0x258  }
0x24c: {  	[tilespmem:s17], [sflag:$0x1] =	stream.indirect.gather [hbm4b:s1+s8], $0x80, s11, s8, $0xb8;
	[tilespmem:$0x1F800] =	vst v63  }
0x24d: {  	_ = 	snop  }
0x24e: {  	[tilespmem:s19], [sflag:$0x1] =	stream.indirect.gather [hbm4b:s1+s8], $0x80, s18, s8, $0xb8;
	[tilespmem:$0x1F800] =	vst v63  }
0x24f: {  	_ = 	snop  }
0x250: {  	[tilespmem:s21], [sflag:$0x1] =	stream.indirect.gather [hbm4b:s1+s8], $0x80, s20, s8, $0xb8;
	[tilespmem:$0x1F800] =	vst v63  }
0x251: {  	_ = 	snop  }
0x252: {  	[tilespmem:s23], [sflag:$0x1] =	stream.indirect.gather [hbm4b:s1+s8], $0x80, s22, s8, $0xb8;
	[tilespmem:$0x1F800] =	vst v63  }
0x253: {  	_ = 	snop  }
0x254: {  	[tilespmem:s25], [sflag:$0x1] =	stream.indirect.gather [hbm4b:s1+s8], $0x80, s24, s8, $0xb8;
	[tilespmem:$0x1F800] =	vst v63  }
0x255: {  	_ = 	snop  }
0x256: {  	[tilespmem:s26], [sflag:$0x1] =	stream.indirect.gather [hbm4b:s1+s8], $0x80, s16, s8, $0xb8;
	[tilespmem:$0x1F800] =	vst v63  }
0x257: {  	_ = 	snop  }
0x258: {  	[tilespmem:s29], [sflag:$0x1] =	stream.indirect.gather [hbm4b:s1+s8], $0x80, s28, s8, $0xb8;
	[tilespmem:$0x1F800] =	vst v63  }
0x259: {  	_ = 	snop  }
0x25a: {  	[tilespmem:s31], [sflag:$0x1] =	stream.indirect.gather [hbm4b:s1+s8], $0x80, s30, s8, $0xb8;
	[tilespmem:$0x1F800] =	vst v63  }
0x25b: {  	_ = 	snop  }
0x25c: {  	[tilespmem:s12], [sflag:$0x1] =	stream.indirect.gather [hbm4b:s1+s8], $0x80, s13, s8, $0xb8;
	[tilespmem:$0x1F800] =	vst v63  }
0x25d: {  	_ = 	snop  }
0x25e: {  	[tilespmem:s9], [sflag:$0x1] =	stream.indirect.gather [hbm4b:s1+s8], $0x80, s14, s8, $0xb8;
	[tilespmem:$0x1F800] =	vst v63  }
0x25f: {  	_ =	swait.ge [sflag:s0], $0x1400  }
0x260: {  	[sflag:s0] =	ssyncset.done $0x0  }
0x261: {  	[sflag:s0] =	ssyncadd.s32 $0xFFFFEC00  }
0x262: {  	_ =	swait.ge [sflag:s0], $0x1400  }
0x263: {  	[sflag:s0] =	ssyncset.done $0x0  }
0x264: {  	[sflag:s0] =	ssyncadd.s32 $0xFFFFEC00  }
0x265: {  	_ =	swait.ge [sflag:s0], $0x1400  }
0x266: {  	[sflag:s0] =	ssyncset.done $0x0  }
0x267: {  	[sflag:s0] =	ssyncadd.s32 $0xFFFFEC00  }
0x268: {  	_ =	swait.ge [sflag:s0], $0x1400  }
0x269: {  	[sflag:s0] =	ssyncset.done $0x0  }
0x26a: {  	[sflag:s0] =	ssyncadd.s32 $0xFFFFEC00  }
0x26b: {  	_ =	swait.ge [sflag:s0], $0x1400  }
0x26c: {  	[sflag:s0] =	ssyncset.done $0x0  }
0x26d: {  	[sflag:s0] =	ssyncadd.s32 $0xFFFFEC00  }
0x26e: {  	_ =	swait.ge [sflag:s0], $0x1400  }
0x26f: {  	[sflag:s0] =	ssyncset.done $0x0  }
0x270: {  	[sflag:s0] =	ssyncadd.s32 $0xFFFFEC00  }
0x271: {  	_ =	swait.ge [sflag:s0], $0x1400  }
0x272: {  	[sflag:s0] =	ssyncset.done $0x0  }
0x273: {  	[sflag:s0] =	ssyncadd.s32 $0xFFFFEC00  }
0x274: {  	_ =	swait.ge [sflag:s0], $0x1400  }
0x275: {  	[sflag:s0] =	ssyncset.done $0x0  }
0x276: {  	[sflag:s0] =	ssyncadd.s32 $0xFFFFEC00  }
0x277: {  	_ =	swait.ge [sflag:s0], $0x1400  }
0x278: {  	[sflag:s0] =	ssyncset.done $0x0  }
0x279: {  	[sflag:s0] =	ssyncadd.s32 $0xFFFFEC00  }
0x27a: {  	_ =	swait.ge [sflag:s0], $0x1400  }
0x27b: {  	[sflag:s0] =	ssyncset.done $0x0  }
0x27c: {  	[sflag:s0] =	ssyncadd.s32 $0xFFFFEC00  }
0x27d: {  	_ =	swait.ge [sflag:s0], $0x1400  }
0x27e: {  	[sflag:s0] =	ssyncset.done $0x0  }
0x27f: {  	[sflag:s0] =	ssyncadd.s32 $0xFFFFEC00  }
0x280: {  	_ =	swait.ge [sflag:s0], $0x1400  }
0x281: {  	[sflag:s0] =	ssyncset.done $0x0  }
0x282: {  	[sflag:s0] =	ssyncadd.s32 $0xFFFFEC00  }
0x283: {  	_ =	swait.ge [sflag:s0], $0x1400  }
0x284: {  	[sflag:s0] =	ssyncset.done $0x0  }
0x285: {  	[sflag:s0] =	ssyncadd.s32 $0xFFFFEC00  }
0x286: {  	_ =	swait.ge [sflag:s0], $0x1400  }
0x287: {  	[sflag:s0] =	ssyncset.done $0x0  }
0x288: {  	[sflag:s0] =	ssyncadd.s32 $0xFFFFEC00  }
0x289: {  	_ =	swait.ge [sflag:s0], $0x1400  }
0x28a: {  	[sflag:s0] =	ssyncset.done $0x0  }
0x28b: {  	[sflag:s0] =	ssyncadd.s32 $0xFFFFEC00  }
0x28c: {  	_ =	swait.ge [sflag:s0], $0x1400  }
0x28d: {  	[sflag:s0] =	ssyncset.done $0x0  }
0x28e: {  	[sflag:s0] =	ssyncadd.s32 $0xFFFFEC00  }
0x28f: {  	_ =	swait.ge [sflag:s0], $0x1400  }
0x290: {  	[sflag:s0] =	ssyncset.done $0x0  }
0x291: {  	[sflag:s0] =	ssyncadd.s32 $0xFFFFEC00  }
0x292: {  	_ =	swait.ge [sflag:s0], $0x1400  }
0x293: {  	[sflag:s0] =	ssyncset.done $0x0  }
0x294: {  	[sflag:s0] =	ssyncadd.s32 $0xFFFFEC00  }
0x295: {  	_ =	swait.ge [sflag:s0], $0x1400  }
0x296: {  	[sflag:s0] =	ssyncset.done $0x0  }
0x297: {  	[sflag:s0] =	ssyncadd.s32 $0xFFFFEC00  }
0x298: {  	_ =	swait.ge [sflag:s0], $0x1400  }
0x299: {  	[sflag:s0] =	ssyncset.done $0x0  }
0x29a: {  	[sflag:s0] =	ssyncadd.s32 $0xFFFFEC00  }
0x29b: {  	_ =	swait.ge [sflag:s0], $0x1400  }
0x29c: {  	[sflag:s0] =	ssyncset.done $0x0  }
0x29d: {  	[sflag:s0] =	ssyncadd.s32 $0xFFFFEC00  }
0x29e: {  	_ =	swait.ge [sflag:s0], $0x1400  }
0x29f: {  	[sflag:s0] =	ssyncset.done $0x0  }
0x2a0: {  	[sflag:s0] =	ssyncadd.s32 $0xFFFFEC00  }
0x2a1: {  	_ =	swait.ge [sflag:s0], $0x1400  }
0x2a2: {  	[sflag:s0] =	ssyncset.done $0x0  }
0x2a3: {  	[sflag:s0] =	ssyncadd.s32 $0xFFFFEC00  }
0x2a4: {  	_ =	swait.ge [sflag:s0], $0x1400  }
0x2a5: {  	[sflag:s0] =	ssyncset.done $0x0  }
0x2a6: {  	[sflag:s0] =	ssyncadd.s32 $0xFFFFEC00  }
0x2a7: {  	p1 =	sne.s32 s2, $0x465;
	_ =	swait.ge [sflag:s0], $0x1400  }
.Ltmp3:
0x2a8: {  	[sflag:s0] =	ssyncset.done $0x0;
	(pc) =	sbr.rel @p1 .LBB2_7-.Ltmp3, $4  }
0x2a9: {  	s5 =	sadd.s32 $0x3E80, s5;
	[sflag:s0] =	ssyncadd.s32 $0xFFFFEC00  }
0x2aa: {  	[hbm4b:s5+s3] =	stream.linear.scatter [tilespmem:s15], [sflag:$0x2], $0x1F400, $0x38;
	[tilespmem:$0x1F800] =	vst v63  }
0x2ab: {  	_ =	swait.ge [sflag:s7], $0x1F400  }
0x2ac: {  	s2 =	sadd.s32 $0x7D, s2;
	s6 =	rddreg [dreg:$0x6];
	[sflag:s7] =	ssyncset.done $0x0  }
0x2ad: {  	s2 =	smov.u32 s4;
	s4 =	simm.s32 $0x208  }
0x2ae: {  	s9 =	simm.s32 $0x10800;
	s12 =	simm.s32 $0x230;
	s11 =	rddreg [dreg:$0xa]  }
.LBB2_9:
0x2af: {  	s2 =	sadd.s32 s2, s6;
	[sflag:s7] =	ssyncadd.s32 @p0 $0xFFFE0C00  }
0x2b0: {  	[tilespmem:s3], [sflag:$0x2] =	stream.linear.gather [hbm4b:s2+s3], $0x3E8, $0x38;
	[tilespmem:$0x1F800] =	vst v63  }
0x2b1: {  	_ =	swait.ge [sflag:s7], $0x3E8  }
0x2b2: {  	[sflag:s7] =	ssyncset.done $0x0  }
0x2b3: {  	s15 =	simm.s32 $0x400;
	[sflag:s7] =	ssyncadd.s32 $0xFFFFFC18  }
0x2b4: {  	[tilespmem:s15], [sflag:$0x1] =	stream.indirect.gather [hbm4b:s1+s8], $0x80, s3, s8, $0xb8;
	[tilespmem:$0x1F800] =	vst v63  }
0x2b5: {  	_ = 	snop  }
0x2b6: {  	[tilespmem:s10], [sflag:$0x1] =	stream.indirect.gather [hbm4b:s1+s8], $0x80, s8, s8, $0xb8;
	[tilespmem:$0x1F800] =	vst v63  }
0x2b7: {  	s25 =	simm.s32 $0x50;
	s26 =	simm.s32 $0x2C00  }
0x2b8: {  	[tilespmem:s26], [sflag:$0x1] =	stream.indirect.gather [hbm4b:s1+s8], $0x80, s25, s8, $0xb8;
	[tilespmem:$0x1F800] =	vst v63  }
0x2b9: {  	s6 =	simm.s32 $0x78;
	s13 =	simm.s32 $0x4000  }
0x2ba: {  	[tilespmem:s13], [sflag:$0x1] =	stream.indirect.gather [hbm4b:s1+s8], $0x80, s6, s8, $0xb8;
	[tilespmem:$0x1F800] =	vst v63  }
0x2bb: {  	s14 =	simm.s32 $0xA0;
	s16 =	simm.s32 $0x5400  }
0x2bc: {  	[tilespmem:s16], [sflag:$0x1] =	stream.indirect.gather [hbm4b:s1+s8], $0x80, s14, s8, $0xb8;
	[tilespmem:$0x1F800] =	vst v63  }
0x2bd: {  	s17 =	simm.s32 $0xC8;
	s18 =	simm.s32 $0x6800  }
0x2be: {  	[tilespmem:s18], [sflag:$0x1] =	stream.indirect.gather [hbm4b:s1+s8], $0x80, s17, s8, $0xb8;
	[tilespmem:$0x1F800] =	vst v63  }
0x2bf: {  	s19 =	simm.s32 $0xF0;
	s20 =	simm.s32 $0x7C00  }
0x2c0: {  	[tilespmem:s20], [sflag:$0x1] =	stream.indirect.gather [hbm4b:s1+s8], $0x80, s19, s8, $0xb8;
	[tilespmem:$0x1F800] =	vst v63  }
0x2c1: {  	s21 =	simm.s32 $0x118;
	s22 =	simm.s32 $0x9000  }
0x2c2: {  	[tilespmem:s22], [sflag:$0x1] =	stream.indirect.gather [hbm4b:s1+s8], $0x80, s21, s8, $0xb8;
	[tilespmem:$0x1F800] =	vst v63  }
0x2c3: {  	s23 =	simm.s32 $0x140;
	s24 =	simm.s32 $0xA400  }
0x2c4: {  	[tilespmem:s24], [sflag:$0x1] =	stream.indirect.gather [hbm4b:s1+s8], $0x80, s23, s8, $0xb8;
	[tilespmem:$0x1F800] =	vst v63  }
0x2c5: {  	s25 =	simm.s32 $0x168;
	s26 =	simm.s32 $0xB800  }
0x2c6: {  	[tilespmem:s26], [sflag:$0x1] =	stream.indirect.gather [hbm4b:s1+s8], $0x80, s25, s8, $0xb8;
	[tilespmem:$0x1F800] =	vst v63  }
0x2c7: {  	s13 =	simm.s32 $0x190;
	s14 =	simm.s32 $0xCC00  }
0x2c8: {  	[tilespmem:s14], [sflag:$0x1] =	stream.indirect.gather [hbm4b:s1+s8], $0x80, s13, s8, $0xb8;
	[tilespmem:$0x1F800] =	vst v63  }
0x2c9: {  	s16 =	simm.s32 $0xE000;
	s17 =	simm.s32 $0x1B8  }
0x2ca: {  	[tilespmem:s16], [sflag:$0x1] =	stream.indirect.gather [hbm4b:s1+s8], $0x80, s17, s8, $0xb8;
	[tilespmem:$0x1F800] =	vst v63  }
0x2cb: {  	s18 =	simm.s32 $0x1E0;
	s19 =	simm.s32 $0xF400  }
0x2cc: {  	[tilespmem:s19], [sflag:$0x1] =	stream.indirect.gather [hbm4b:s1+s8], $0x80, s18, s8, $0xb8;
	[tilespmem:$0x1F800] =	vst v63  }
0x2cd: {  	_ = 	snop  }
0x2ce: {  	[tilespmem:s9], [sflag:$0x1] =	stream.indirect.gather [hbm4b:s1+s8], $0x80, s4, s8, $0xb8;
	[tilespmem:$0x1F800] =	vst v63  }
0x2cf: {  	s20 =	simm.s32 $0x11C00  }
0x2d0: {  	[tilespmem:s20], [sflag:$0x1] =	stream.indirect.gather [hbm4b:s1+s8], $0x80, s12, s8, $0xb8;
	[tilespmem:$0x1F800] =	vst v63  }
0x2d1: {  	s21 =	simm.s32 $0x258;
	s22 =	simm.s32 $0x13000  }
0x2d2: {  	[tilespmem:s22], [sflag:$0x1] =	stream.indirect.gather [hbm4b:s1+s8], $0x80, s21, s8, $0xb8;
	[tilespmem:$0x1F800] =	vst v63  }
0x2d3: {  	s23 =	simm.s32 $0x280;
	s24 =	simm.s32 $0x14400  }
0x2d4: {  	[tilespmem:s24], [sflag:$0x1] =	stream.indirect.gather [hbm4b:s1+s8], $0x80, s23, s8, $0xb8;
	[tilespmem:$0x1F800] =	vst v63  }
0x2d5: {  	s25 =	simm.s32 $0x2A8;
	s26 =	simm.s32 $0x15800  }
0x2d6: {  	[tilespmem:s26], [sflag:$0x1] =	stream.indirect.gather [hbm4b:s1+s8], $0x80, s25, s8, $0xb8;
	[tilespmem:$0x1F800] =	vst v63  }
0x2d7: {  	s6 =	simm.s32 $0x2D0;
	s9 =	simm.s32 $0x16C00  }
0x2d8: {  	[tilespmem:s9], [sflag:$0x1] =	stream.indirect.gather [hbm4b:s1+s8], $0x80, s6, s8, $0xb8;
	[tilespmem:$0x1F800] =	vst v63  }
0x2d9: {  	s13 =	simm.s32 $0x18000;
	s12 =	simm.s32 $0x2F8  }
0x2da: {  	[tilespmem:s13], [sflag:$0x1] =	stream.indirect.gather [hbm4b:s1+s8], $0x80, s12, s8, $0xb8;
	[tilespmem:$0x1F800] =	vst v63  }
0x2db: {  	s14 =	simm.s32 $0x320;
	s26 =	simm.s32 $0x19400  }
0x2dc: {  	[tilespmem:s26], [sflag:$0x1] =	stream.indirect.gather [hbm4b:s1+s8], $0x80, s14, s8, $0xb8;
	[tilespmem:$0x1F800] =	vst v63  }
0x2dd: {  	s28 =	simm.s32 $0x348;
	s29 =	simm.s32 $0x1A800  }
0x2de: {  	[tilespmem:s29], [sflag:$0x1] =	stream.indirect.gather [hbm4b:s1+s8], $0x80, s28, s8, $0xb8;
	[tilespmem:$0x1F800] =	vst v63  }
0x2df: {  	s30 =	simm.s32 $0x370;
	s31 =	simm.s32 $0x1BC00  }
0x2e0: {  	[tilespmem:s31], [sflag:$0x1] =	stream.indirect.gather [hbm4b:s1+s8], $0x80, s30, s8, $0xb8;
	[tilespmem:$0x1F800] =	vst v63  }
0x2e1: {  	s13 =	simm.s32 $0x398;
	s12 =	simm.s32 $0x1D000  }
0x2e2: {  	[tilespmem:s12], [sflag:$0x1] =	stream.indirect.gather [hbm4b:s1+s8], $0x80, s13, s8, $0xb8;
	[tilespmem:$0x1F800] =	vst v63  }
0x2e3: {  	s9 =	simm.s32 $0x1E400;
	s14 =	simm.s32 $0x3C0  }
0x2e4: {  	[tilespmem:s9], [sflag:$0x1] =	stream.indirect.gather [hbm4b:s1+s8], $0x80, s14, s8, $0xb8;
	[tilespmem:$0x1F800] =	vst v63  }
0x2e5: {  	_ =	swait.ge [sflag:s0], $0x1400  }
0x2e6: {  	[sflag:s0] =	ssyncset.done $0x0  }
0x2e7: {  	[sflag:s0] =	ssyncadd.s32 $0xFFFFEC00  }
0x2e8: {  	_ =	swait.ge [sflag:s0], $0x1400  }
0x2e9: {  	[sflag:s0] =	ssyncset.done $0x0  }
0x2ea: {  	[sflag:s0] =	ssyncadd.s32 $0xFFFFEC00  }
0x2eb: {  	_ =	swait.ge [sflag:s0], $0x1400  }
0x2ec: {  	[sflag:s0] =	ssyncset.done $0x0  }
0x2ed: {  	[sflag:s0] =	ssyncadd.s32 $0xFFFFEC00  }
0x2ee: {  	_ =	swait.ge [sflag:s0], $0x1400  }
0x2ef: {  	[sflag:s0] =	ssyncset.done $0x0  }
0x2f0: {  	[sflag:s0] =	ssyncadd.s32 $0xFFFFEC00  }
0x2f1: {  	_ =	swait.ge [sflag:s0], $0x1400  }
0x2f2: {  	[sflag:s0] =	ssyncset.done $0x0  }
0x2f3: {  	[sflag:s0] =	ssyncadd.s32 $0xFFFFEC00  }
0x2f4: {  	_ =	swait.ge [sflag:s0], $0x1400  }
0x2f5: {  	[sflag:s0] =	ssyncset.done $0x0  }
0x2f6: {  	[sflag:s0] =	ssyncadd.s32 $0xFFFFEC00  }
0x2f7: {  	_ =	swait.ge [sflag:s0], $0x1400  }
0x2f8: {  	[sflag:s0] =	ssyncset.done $0x0  }
0x2f9: {  	[sflag:s0] =	ssyncadd.s32 $0xFFFFEC00  }
0x2fa: {  	_ =	swait.ge [sflag:s0], $0x1400  }
0x2fb: {  	[sflag:s0] =	ssyncset.done $0x0  }
0x2fc: {  	[sflag:s0] =	ssyncadd.s32 $0xFFFFEC00  }
0x2fd: {  	_ =	swait.ge [sflag:s0], $0x1400  }
0x2fe: {  	[sflag:s0] =	ssyncset.done $0x0  }
0x2ff: {  	[sflag:s0] =	ssyncadd.s32 $0xFFFFEC00  }
0x300: {  	_ =	swait.ge [sflag:s0], $0x1400  }
0x301: {  	[sflag:s0] =	ssyncset.done $0x0  }
0x302: {  	[sflag:s0] =	ssyncadd.s32 $0xFFFFEC00  }
0x303: {  	_ =	swait.ge [sflag:s0], $0x1400  }
0x304: {  	[sflag:s0] =	ssyncset.done $0x0  }
0x305: {  	[sflag:s0] =	ssyncadd.s32 $0xFFFFEC00  }
0x306: {  	_ =	swait.ge [sflag:s0], $0x1400  }
0x307: {  	[sflag:s0] =	ssyncset.done $0x0  }
0x308: {  	[sflag:s0] =	ssyncadd.s32 $0xFFFFEC00  }
0x309: {  	_ =	swait.ge [sflag:s0], $0x1400  }
0x30a: {  	[sflag:s0] =	ssyncset.done $0x0  }
0x30b: {  	[sflag:s0] =	ssyncadd.s32 $0xFFFFEC00  }
0x30c: {  	_ =	swait.ge [sflag:s0], $0x1400  }
0x30d: {  	[sflag:s0] =	ssyncset.done $0x0  }
0x30e: {  	[sflag:s0] =	ssyncadd.s32 $0xFFFFEC00  }
0x30f: {  	_ =	swait.ge [sflag:s0], $0x1400  }
0x310: {  	[sflag:s0] =	ssyncset.done $0x0  }
0x311: {  	[sflag:s0] =	ssyncadd.s32 $0xFFFFEC00  }
0x312: {  	_ =	swait.ge [sflag:s0], $0x1400  }
0x313: {  	[sflag:s0] =	ssyncset.done $0x0  }
0x314: {  	[sflag:s0] =	ssyncadd.s32 $0xFFFFEC00  }
0x315: {  	_ =	swait.ge [sflag:s0], $0x1400  }
0x316: {  	[sflag:s0] =	ssyncset.done $0x0  }
0x317: {  	[sflag:s0] =	ssyncadd.s32 $0xFFFFEC00  }
0x318: {  	_ =	swait.ge [sflag:s0], $0x1400  }
0x319: {  	[sflag:s0] =	ssyncset.done $0x0  }
0x31a: {  	[sflag:s0] =	ssyncadd.s32 $0xFFFFEC00  }
0x31b: {  	_ =	swait.ge [sflag:s0], $0x1400  }
0x31c: {  	[sflag:s0] =	ssyncset.done $0x0  }
0x31d: {  	[sflag:s0] =	ssyncadd.s32 $0xFFFFEC00  }
0x31e: {  	_ =	swait.ge [sflag:s0], $0x1400  }
0x31f: {  	[sflag:s0] =	ssyncset.done $0x0  }
0x320: {  	[sflag:s0] =	ssyncadd.s32 $0xFFFFEC00  }
0x321: {  	_ =	swait.ge [sflag:s0], $0x1400  }
0x322: {  	[sflag:s0] =	ssyncset.done $0x0  }
0x323: {  	[sflag:s0] =	ssyncadd.s32 $0xFFFFEC00  }
0x324: {  	_ =	swait.ge [sflag:s0], $0x1400  }
0x325: {  	[sflag:s0] =	ssyncset.done $0x0  }
0x326: {  	[sflag:s0] =	ssyncadd.s32 $0xFFFFEC00  }
0x327: {  	_ =	swait.ge [sflag:s0], $0x1400  }
0x328: {  	[sflag:s0] =	ssyncset.done $0x0  }
0x329: {  	[sflag:s0] =	ssyncadd.s32 $0xFFFFEC00  }
0x32a: {  	_ =	swait.ge [sflag:s0], $0x1400  }
0x32b: {  	[sflag:s0] =	ssyncset.done $0x0  }
0x32c: {  	[sflag:s0] =	ssyncadd.s32 $0xFFFFEC00  }
0x32d: {  	_ =	swait.ge [sflag:s0], $0x1400  }
0x32e: {  	s4 =	rddreg [dreg:$0x9]  }
0x32f: {  	s2 =	sadd.s32 @p0 $0x3E80, s5;
	[sflag:s0] =	ssyncset.done $0x0;
	s4 =	smov.u32 s4  }
0x330: {  	[sflag:s0] =	ssyncadd.s32 $0xFFFFEC00;
	s4 =	smov.u32 @p0 s2  }
0x331: {  	[hbm4b:s4+s3] =	stream.linear.scatter [tilespmem:s15], [sflag:$0x2], $0x1F400, $0x38;
	[tilespmem:$0x1F800] =	vst v63  }
0x332: {  	_ =	swait.ge [sflag:s7], $0x1F400  }
0x333: {  	s11 =	sadd.s32 $0x1, s11;
	s6 =	rddreg [dreg:$0x7]  }
0x334: {  	s5 =	simm.s32 $0xF400;
	p0 =	sne.s32 s11, s6  }
.Ltmp4:
0x335: {  	s17 =	simm.s32 $0x13000;
	s16 =	simm.s32 $0x320;
	(pc) =	sbr.rel @p0 .LBB2_1-.Ltmp4, $4  }
.Ltmp5:
0x336: {  	s18 =	simm.s32 $0x280;
	s19 =	simm.s32 $0x14400;
	(pc) =	sbr.rel @!p0 .LBB2_10-.Ltmp5, $4  }
0x337: {  	s20 =	simm.s32 $0x2A8;
	s21 =	simm.s32 $0x15800;
	s22 =	simm.s32 $0x2D0  }
0x338: {  	s23 =	simm.s32 $0x16C00;
	s24 =	simm.s32 $0x2F8;
	[sflag:s7] =	ssyncset.done $0x0  }
0x339: {  	s25 =	simm.s32 $0x18000;
	s4 =	simm.s32 $0x11C00;
	[sflag:s7] =	ssyncadd.s32 $0xFFFE0C00  }
0x33a: {  	_ = 	snop  }
.LBB2_4:
.Ltmp6:
0x33b: {  	(pc) =	sbr.rel .LBB2_9-.Ltmp6, $4  }
0x33c: {  	_ = 	snop  }
0x33d: {  	s5 =	rddreg [dreg:$0x9]  }
0x33e: {  	s3 =	simm.s32 $0x0;
	s11 =	rddreg [dreg:$0xa]  }
0x33f: {  	s4 =	simm.s32 $0x208;
	s9 =	simm.s32 $0x10800;
	s12 =	simm.s32 $0x230  }
.LBB2_6:
.Ltmp7:
0x340: {  	(pc) =	sbr.rel .LBB2_9-.Ltmp7, $3  }
0x341: {  	_ =	sdelay $0x1  }
0x342: {  	s5 =	rddreg [dreg:$0x9];
	s2 =	simm.s32 $0x7D;
	s4 =	simm.s32 $0x208  }
0x343: {  	s9 =	simm.s32 $0x10800;
	s12 =	simm.s32 $0x230;
	s11 =	rddreg [dreg:$0xa]  }
.LBB2_10:
0x344: {  	_ =	sfence.sel $0x180000  }
0x345: {  	[bflag:$0x0] =	sbarrier.arrive $0xFFFF  }
0x346: {  	_ =	strace $0x90000047  }
0x347: {  	s0 =	stileid.u32;
	[bflag:$0x2] =	sbarrier.arrive $0xFFFF  }
0x348: {  	p0 =	sne.s32 s0, $0x0;
	s0 =	rddreg [dreg:$0x4]  }
0x349: {  	s0 =	sadd.s32 @!p0 $0x100000, s0  }
0x34a: {  	[sflag:s0] =	ssyncadd.tile.s32 @!p0 $0x1;
	_ =	shalt  }
.Lfunc_end2:
_tile_overlayer_lowered:
.L_overlay_start_2:
0x34b: {  	(tag) =	ssettag $0x2  }
0x34c: {  	s0 =	rddreg [dreg:$0x0];
	s2 =	stileid.u32  }
0x34d: {  	s1 =	rddreg [dreg:$0x1];
	p0 =	sne.s32 s2, $0x0  }
0x34e: {  	s3 =	rddreg [dreg:$0x2];
	[bflag:$0x3] =	sbarrier.arrive $0xFFFF;
	s2 =	simm.s32 @!p0 $0x1C02  }
0x34f: {  	[timem:s3], [sflag:s2] =	dma.local @!p0 [hbm:s0], s1  }
0x350: {  	s0 =	simm.s32 @!p0 $0x2  }
0x351: {  	_ =	swait.ge @!p0 [sflag:s0], s1  }
0x352: {  	s1 =	ssub.s32 @!p0 $0x0, s1;
	[sflag:s0] =	ssyncset.done @!p0 $0x0  }
0x353: {  	[sflag:s0] =	ssyncadd.s32 @!p0 s1  }
0x354: {  	[bflag:$0x3] =	sbarrier.arrive $0xFFFF  }
0x355: {  	_ =	shalt  }

</sc_bundles>
